<compile_context>
chip_gen: v7x
topology: tpu7x:2x2x1
jax: 0.10.2.dev20260603
libtpu: 0.0.44.dev20260713+nightly
codegen_flags: <defaults>
</compile_context>

<pallas_src>
import functools

import jax
import jax.numpy as jnp
from jax import lax
from jax.experimental import pallas as pl
from jax.experimental.pallas import tpu as pltpu
from jax.experimental.pallas import tpu_sc as plsc

_TOTAL = 128 * 128
_ROWS = 128
_D = 4096
_NC, _NS = 2, 16
_NW = _NC * _NS
_B_PER_W = _TOTAL // _NW

_G = 16
_NSLOT = 5
_A_ROWS = 320
_NA = _A_ROWS // _G

_CHUNK = 8
_NBUF = 2
_B_ROWS = _B_PER_W - _A_ROWS
_NB = _B_ROWS // _CHUNK

_N_OUTER = 4
_A_PER_O = _NA // _N_OUTER
_B_PER_O = _NB // _N_OUTER

_mesh = plsc.VectorSubcoreMesh(core_axis_name="c", subcore_axis_name="s")


@functools.partial(
    pl.kernel,
    out_type=jax.ShapeDtypeStruct((_TOTAL, _D), jnp.float32),
    mesh=_mesh,
    scratch_types=[
        pltpu.VMEM((_B_PER_W,), jnp.int32),
        pltpu.VMEM((_B_ROWS,), jnp.int32),
        pltpu.VMEM((_NBUF, _CHUNK, _D), jnp.float32),
        pltpu.VMEM_SHARED((_ROWS, _D), jnp.float32),
        pltpu.SemaphoreType.DMA((_NSLOT,)),
        pltpu.SemaphoreType.DMA((_NBUF,)),
        pltpu.SemaphoreType.DMA((_NBUF,)),
    ],
)
def _gather_kernel(
    idx_hbm,
    idxb_hbm,
    table_hbm,
    out_hbm,
    idx_v,
    idx_bv,
    bufs,
    table_sp,
    asems,
    gsems,
    wsems,
):
    sid = lax.axis_index("s")
    wid = sid * _NC + lax.axis_index("c")
    base = wid * _B_PER_W

    pltpu.sync_copy(idx_hbm.at[pl.ds(base, _B_PER_W)], idx_v)
    pltpu.sync_copy(idxb_hbm.at[pl.ds(wid * _B_ROWS, _B_ROWS)], idx_bv)

    rows_per_sub = _ROWS // _NS
    pltpu.sync_copy(
        table_hbm.at[pl.ds(sid * rows_per_sub, rows_per_sub)],
        table_sp.at[pl.ds(sid * rows_per_sub, rows_per_sub)],
    )
    plsc.subcore_barrier()

    def start_group(g, s):
        voff = pl.multiple_of(g * _G, 16)
        vec = idx_v[pl.ds(voff, 16)]
        for j in range(_G):
            r = vec[j]
            pltpu.async_copy(
                table_sp.at[pl.ds(r, 1)],
                out_hbm.at[pl.ds(base + g * _G + j, 1)],
                asems.at[s],
            )

    def wait_group(s):
        pltpu.make_async_copy(
            table_sp.at[pl.ds(0, _G)],
            out_hbm.at[pl.ds(base, _G)],
            asems.at[s],
        ).wait()

    def start_gather(c, b):
        pltpu.async_copy(
            table_hbm.at[idx_bv.at[pl.ds(c * _CHUNK, _CHUNK)]],
            bufs.at[b],
            gsems.at[b],
        )

    def wait_gather(b):
        pltpu.make_async_copy(
            table_hbm.at[pl.ds(0, _CHUNK)], bufs.at[b], gsems.at[b]
        ).wait()

    def start_write(c, b):
        pltpu.async_copy(
            bufs.at[b],
            out_hbm.at[pl.ds(base + _A_ROWS + c * _CHUNK, _CHUNK)],
            wsems.at[b],
        )

    def wait_write(b):
        pltpu.make_async_copy(
            bufs.at[b], out_hbm.at[pl.ds(base, _CHUNK)], wsems.at[b]
        ).wait()

    for b in range(_NBUF):
        start_gather(b, b)
    for s in range(_NSLOT):
        start_group(s, s)

    def outer(o, _):
        for k in range(_A_PER_O):
            g = o * _A_PER_O + k
            s = k % _NSLOT
            wait_group(s)

            @pl.when(g + _NSLOT < _NA)
            def _():
                start_group(g + _NSLOT, s)

        for k in range(_B_PER_O):
            c = o * _B_PER_O + k
            b = k % _NBUF
            wait_gather(b)
            start_write(c, b)

            @pl.when(c + _NBUF < _NB)
            def _():
                wait_write(b)
                start_gather(c + _NBUF, b)

        return ()

    lax.fori_loop(0, _N_OUTER, outer, (), unroll=False)

    for b in range(_NBUF):
        wait_write(b)


_REP = 1


def kernel(indices, embedding_weight):
    flat_idx = indices.reshape(-1).astype(jnp.int32)
    table_rep = jnp.broadcast_to(
        embedding_weight[None], (_REP,) + embedding_weight.shape
    ).reshape(_REP * _ROWS, _D)
    idx_b = flat_idx.reshape(_NW, _B_PER_W)[:, _A_ROWS:]
    idx_b = idx_b + (jnp.arange(_NW, dtype=jnp.int32) % _REP)[:, None] * _ROWS
    out = _gather_kernel(flat_idx, idx_b.reshape(-1), table_rep)
    return out.reshape(indices.shape[0], indices.shape[1], _D)

# --- scband reference (transcript-rebuilt; emitter-appended) ---
"""Pipeline reference for scband-prompt-embedding-89807766159791 (READ-ONLY COPY).

The authoritative reference and input builder live on the scoring server;
editing this copy changes nothing except your own understanding.
"""

import jax, jax.numpy as jnp
import numpy as np

TOTAL_VIRTUAL_TOKENS = 128  # num_virtual_tokens * num_transformer_submodules
TOKEN_DIM = 4096
BATCH = 128


def setup_inputs(seed: int = 0) -> dict:
    key = jax.random.key(seed)
    k_idx, k_emb = jax.random.split(key)
    indices = jax.random.randint(k_idx, (BATCH, TOTAL_VIRTUAL_TOKENS), 0, TOTAL_VIRTUAL_TOKENS, dtype=jnp.int64 if jax.config.jax_enable_x64 else jnp.int32)
    embedding_weight = jax.random.normal(k_emb, (TOTAL_VIRTUAL_TOKENS, TOKEN_DIM), dtype=jnp.float32)
    return {"indices": indices, "embedding_weight": embedding_weight}


def reference(indices, embedding_weight):
    # PromptEmbedding.forward (RANDOM init path, spt_layer_num=0, docspec=False):
    #   prompt_embeddings = self.embedding(indices)
    # i.e. a plain embedding lookup: gather rows of the learned prompt table.
    prompt_embeddings = jnp.take(embedding_weight, indices, axis=0)
    return prompt_embeddings

if __name__ == "__main__":
    import jax
    _d = setup_inputs()
    print(jax.jit(kernel)(*tuple(_d.values())))

</pallas_src>

<mosaic_0001>
#map = affine_map<(d0, d1) -> (0)>
#map1 = affine_map<(d0, d1) -> (0, 0)>
module attributes {stable_mosaic.version = 14 : i64} {
  func.func @_gather_kernel(%arg0: i32, %arg1: i32, %arg2: memref<16384xi32, #tpu.memory_space<hbm>>, %arg3: memref<6144xi32, #tpu.memory_space<hbm>>, %arg4: memref<128x4096xf32, #tpu.memory_space<hbm>>, %arg5: memref<16384x4096xf32, #tpu.memory_space<hbm>>, %arg6: memref<512xi32, #tpu.memory_space<vmem>>, %arg7: memref<192xi32, #tpu.memory_space<vmem>>, %arg8: memref<2x8x4096xf32, #tpu.memory_space<vmem>>, %arg9: memref<128x4096xf32, #tpu.memory_space<vmem_shared>>, %arg10: memref<5x!tpu.dma_semaphore, #tpu.memory_space<semaphore_mem>>, %arg11: memref<2x!tpu.dma_semaphore, #tpu.memory_space<semaphore_mem>>, %arg12: memref<2x!tpu.dma_semaphore, #tpu.memory_space<semaphore_mem>>) attributes {dimension_semantics = [#tpu.dimension_semantics<core_parallel>, #tpu.dimension_semantics<subcore_parallel>], iteration_bounds = array<i64: 2, 16>, scalar_prefetch = 0 : i64, scratch_operands = 7 : i64, tpu.core_type = #tpu.core_type<sc_vector_subcore>, window_params = [{transform_indices = #map}, {transform_indices = #map}, {transform_indices = #map1}, {transform_indices = #map1}]} {
    %mul3A = arith.constant 2 : i32
    %mul3A_0 = arith.muli %arg1, %mul3A : i32
    %add3A = arith.addi %mul3A_0, %arg0 : i32
    %mul3A_1 = arith.constant 512 : i32
    %mul3A_2 = arith.muli %add3A, %mul3A_1 : i32
    "tpu.region"() ({
      %run_scoped3A = tpu.sem_alloc : memref<!tpu.dma_semaphore, #tpu.memory_space<semaphore_mem>>
      %dma_start3A_1130 = tpu.memref_slice %arg2[%mul3A_2] : memref<16384xi32, #tpu.memory_space<hbm>> -> memref<512xi32, #tpu.memory_space<hbm>>
      %dma_start3A_1131 = tpu.memref_slice %arg2[%mul3A_2] : memref<16384xi32, #tpu.memory_space<hbm>> -> memref<512xi32, #tpu.memory_space<hbm>>
      tpu.enqueue_dma source(%dma_start3A_1131 : memref<512xi32, #tpu.memory_space<hbm>>) target(%arg6 : memref<512xi32, #tpu.memory_space<vmem>>) target_semaphore(%run_scoped3A : memref<!tpu.dma_semaphore, #tpu.memory_space<semaphore_mem>>)
      %dma_wait3A_1132 = tpu.memref_slice %arg2[%mul3A_2] : memref<16384xi32, #tpu.memory_space<hbm>> -> memref<512xi32, #tpu.memory_space<hbm>>
      %dma_wait3A_1133 = tpu.memref_slice %arg2[%mul3A_2] : memref<16384xi32, #tpu.memory_space<hbm>> -> memref<512xi32, #tpu.memory_space<hbm>>
      tpu.wait_dma2 semaphore(%run_scoped3A : memref<!tpu.dma_semaphore, #tpu.memory_space<semaphore_mem>>) src(%dma_wait3A_1133 : memref<512xi32, #tpu.memory_space<hbm>>) dst(%arg6 : memref<512xi32, #tpu.memory_space<vmem>>)
      tpu.yield
    }) : () -> ()
    %mul3A_3 = arith.constant 192 : i32
    %mul3A_4 = arith.muli %add3A, %mul3A_3 : i32
    "tpu.region"() ({
      %run_scoped3A = tpu.sem_alloc : memref<!tpu.dma_semaphore, #tpu.memory_space<semaphore_mem>>
      %dma_start3A_1130 = tpu.memref_slice %arg3[%mul3A_4] : memref<6144xi32, #tpu.memory_space<hbm>> -> memref<192xi32, #tpu.memory_space<hbm>>
      %dma_start3A_1131 = tpu.memref_slice %arg3[%mul3A_4] : memref<6144xi32, #tpu.memory_space<hbm>> -> memref<192xi32, #tpu.memory_space<hbm>>
      tpu.enqueue_dma source(%dma_start3A_1131 : memref<192xi32, #tpu.memory_space<hbm>>) target(%arg7 : memref<192xi32, #tpu.memory_space<vmem>>) target_semaphore(%run_scoped3A : memref<!tpu.dma_semaphore, #tpu.memory_space<semaphore_mem>>)
      %dma_wait3A_1132 = tpu.memref_slice %arg3[%mul3A_4] : memref<6144xi32, #tpu.memory_space<hbm>> -> memref<192xi32, #tpu.memory_space<hbm>>
      %dma_wait3A_1133 = tpu.memref_slice %arg3[%mul3A_4] : memref<6144xi32, #tpu.memory_space<hbm>> -> memref<192xi32, #tpu.memory_space<hbm>>
      tpu.wait_dma2 semaphore(%run_scoped3A : memref<!tpu.dma_semaphore, #tpu.memory_space<semaphore_mem>>) src(%dma_wait3A_1133 : memref<192xi32, #tpu.memory_space<hbm>>) dst(%arg7 : memref<192xi32, #tpu.memory_space<vmem>>)
      tpu.yield
    }) : () -> ()
    %mul3A_5 = arith.constant 8 : i32
    %mul3A_6 = arith.muli %arg1, %mul3A_5 : i32
    %mul3A_7 = arith.constant 8 : i32
    %mul3A_8 = arith.muli %arg1, %mul3A_7 : i32
    "tpu.region"() ({
      %run_scoped3A = tpu.sem_alloc : memref<!tpu.dma_semaphore, #tpu.memory_space<semaphore_mem>>
      %dma_start3A_1130 = arith.constant 0 : i32
      %dma_start3A_1131 = tpu.memref_slice %arg9[%mul3A_8, %dma_start3A_1130] : memref<128x4096xf32, #tpu.memory_space<vmem_shared>> -> memref<8x4096xf32, #tpu.memory_space<vmem_shared>>
      %dma_start3A_1132 = arith.constant 0 : i32
      %dma_start3A_1133 = tpu.memref_slice %arg4[%mul3A_6, %dma_start3A_1132] : memref<128x4096xf32, #tpu.memory_space<hbm>> -> memref<8x4096xf32, #tpu.memory_space<hbm>>
      tpu.enqueue_dma source(%dma_start3A_1133 : memref<8x4096xf32, #tpu.memory_space<hbm>>) target(%dma_start3A_1131 : memref<8x4096xf32, #tpu.memory_space<vmem_shared>>) target_semaphore(%run_scoped3A : memref<!tpu.dma_semaphore, #tpu.memory_space<semaphore_mem>>)
      %dma_wait3A_1134 = arith.constant 0 : i32
      %dma_wait3A_1135 = tpu.memref_slice %arg9[%mul3A_8, %dma_wait3A_1134] : memref<128x4096xf32, #tpu.memory_space<vmem_shared>> -> memref<8x4096xf32, #tpu.memory_space<vmem_shared>>
      %dma_wait3A_1136 = arith.constant 0 : i32
      %dma_wait3A_1137 = tpu.memref_slice %arg4[%mul3A_6, %dma_wait3A_1136] : memref<128x4096xf32, #tpu.memory_space<hbm>> -> memref<8x4096xf32, #tpu.memory_space<hbm>>
      tpu.wait_dma2 semaphore(%run_scoped3A : memref<!tpu.dma_semaphore, #tpu.memory_space<semaphore_mem>>) src(%dma_wait3A_1137 : memref<8x4096xf32, #tpu.memory_space<hbm>>) dst(%dma_wait3A_1135 : memref<8x4096xf32, #tpu.memory_space<vmem_shared>>)
      tpu.yield
    }) : () -> ()
    %barrier3A = arith.constant 0 : index
    tpu.barrier barrier_id(%barrier3A)
    %dma_start3A = arith.constant 0 : i32
    %dma_start3A_9 = arith.constant 0 : i32
    %dma_start3A_10 = arith.constant 0 : i32
    %dma_start3A_11 = arith.constant 0 : i32
    %dma_start3A_12 = tpu.memref_slice %arg8[%dma_start3A, %dma_start3A_10, %dma_start3A_11] : memref<2x8x4096xf32, #tpu.memory_space<vmem>> -> memref<1x8x4096xf32, #tpu.memory_space<vmem>>
    %dma_start3A_13 = tpu.memref_squeeze %dma_start3A_12 : memref<1x8x4096xf32, #tpu.memory_space<vmem>> -> memref<8x4096xf32, #tpu.memory_space<vmem>>
    %dma_start3A_14 = arith.constant 0 : i32
    %dma_start3A_15 = tpu.memref_slice %arg7[%dma_start3A_14] : memref<192xi32, #tpu.memory_space<vmem>> -> memref<8xi32, #tpu.memory_space<vmem>>
    %dma_start3A_16 = arith.constant 0 : i32
    %dma_start3A_17 = arith.constant 0 : i32
    %dma_start3A_18 = tpu.memref_slice %arg4[%dma_start3A_16, %dma_start3A_17] : memref<128x4096xf32, #tpu.memory_space<hbm>> -> memref<128x4096xf32, #tpu.memory_space<hbm>>
    %dma_start3A_19 = tpu.memref_slice %arg11[%dma_start3A_9] : memref<2x!tpu.dma_semaphore, #tpu.memory_space<semaphore_mem>> -> memref<1x!tpu.dma_semaphore, #tpu.memory_space<semaphore_mem>>
    %dma_start3A_20 = tpu.memref_squeeze %dma_start3A_19 : memref<1x!tpu.dma_semaphore, #tpu.memory_space<semaphore_mem>> -> memref<!tpu.dma_semaphore, #tpu.memory_space<semaphore_mem>>
    tpu.enqueue_indirect_dma source(%dma_start3A_18 : memref<128x4096xf32, #tpu.memory_space<hbm>>) target(%dma_start3A_13 : memref<8x4096xf32, #tpu.memory_space<vmem>>) offsets(%dma_start3A_15 : memref<8xi32, #tpu.memory_space<vmem>>) semaphore(%dma_start3A_20 : memref<!tpu.dma_semaphore, #tpu.memory_space<semaphore_mem>>)
    %dma_start3A_21 = arith.constant 1 : i32
    %dma_start3A_22 = arith.constant 1 : i32
    %dma_start3A_23 = arith.constant 0 : i32
    %dma_start3A_24 = arith.constant 0 : i32
    %dma_start3A_25 = tpu.memref_slice %arg8[%dma_start3A_21, %dma_start3A_23, %dma_start3A_24] : memref<2x8x4096xf32, #tpu.memory_space<vmem>> -> memref<1x8x4096xf32, #tpu.memory_space<vmem>>
    %dma_start3A_26 = tpu.memref_squeeze %dma_start3A_25 : memref<1x8x4096xf32, #tpu.memory_space<vmem>> -> memref<8x4096xf32, #tpu.memory_space<vmem>>
    %dma_start3A_27 = arith.constant 8 : i32
    %dma_start3A_28 = tpu.memref_slice %arg7[%dma_start3A_27] : memref<192xi32, #tpu.memory_space<vmem>> -> memref<8xi32, #tpu.memory_space<vmem>>
    %dma_start3A_29 = arith.constant 0 : i32
    %dma_start3A_30 = arith.constant 0 : i32
    %dma_start3A_31 = tpu.memref_slice %arg4[%dma_start3A_29, %dma_start3A_30] : memref<128x4096xf32, #tpu.memory_space<hbm>> -> memref<128x4096xf32, #tpu.memory_space<hbm>>
    %dma_start3A_32 = tpu.memref_slice %arg11[%dma_start3A_22] : memref<2x!tpu.dma_semaphore, #tpu.memory_space<semaphore_mem>> -> memref<1x!tpu.dma_semaphore, #tpu.memory_space<semaphore_mem>>
    %dma_start3A_33 = tpu.memref_squeeze %dma_start3A_32 : memref<1x!tpu.dma_semaphore, #tpu.memory_space<semaphore_mem>> -> memref<!tpu.dma_semaphore, #tpu.memory_space<semaphore_mem>>
    tpu.enqueue_indirect_dma source(%dma_start3A_31 : memref<128x4096xf32, #tpu.memory_space<hbm>>) target(%dma_start3A_26 : memref<8x4096xf32, #tpu.memory_space<vmem>>) offsets(%dma_start3A_28 : memref<8xi32, #tpu.memory_space<vmem>>) semaphore(%dma_start3A_33 : memref<!tpu.dma_semaphore, #tpu.memory_space<semaphore_mem>>)
    %multiple_of3A = arith.constant 0 : i32
    %multiple_of3A_34 = tpu.assume_multiple %multiple_of3A, 16 : i32
    %get3A = arith.index_cast %multiple_of3A_34 : i32 to index
    %get3A_35 = tpu.vector_load %arg6[%get3A] {strides = array<i32>} : memref<512xi32, #tpu.memory_space<vmem>>, vector<16xi32>,
    %get3A_36 = vector.shape_cast %get3A_35 : vector<16xi32> to vector<16xi32>
    %slice3A = vector.extract_strided_slice %get3A_36 {offsets = [0], sizes = [1], strides = [1]} : vector<16xi32> to vector<1xi32>
    %squeeze3A = vector.extract %slice3A[0] : i32 from vector<1xi32>
    %add3A_37 = arith.constant 0 : i32
    %add3A_38 = arith.addi %mul3A_2, %add3A_37 : i32
    %add3A_39 = arith.constant 0 : i32
    %add3A_40 = arith.addi %add3A_38, %add3A_39 : i32
    %dma_start3A_41 = arith.constant 0 : i32
    %dma_start3A_42 = tpu.memref_slice %arg10[%dma_start3A_41] : memref<5x!tpu.dma_semaphore, #tpu.memory_space<semaphore_mem>> -> memref<1x!tpu.dma_semaphore, #tpu.memory_space<semaphore_mem>>
    %dma_start3A_43 = tpu.memref_squeeze %dma_start3A_42 : memref<1x!tpu.dma_semaphore, #tpu.memory_space<semaphore_mem>> -> memref<!tpu.dma_semaphore, #tpu.memory_space<semaphore_mem>>
    %dma_start3A_44 = arith.constant 0 : i32
    %dma_start3A_45 = tpu.memref_slice %arg5[%add3A_40, %dma_start3A_44] : memref<16384x4096xf32, #tpu.memory_space<hbm>> -> memref<1x4096xf32, #tpu.memory_space<hbm>>
    %dma_start3A_46 = arith.constant 0 : i32
    %dma_start3A_47 = tpu.memref_slice %arg9[%squeeze3A, %dma_start3A_46] : memref<128x4096xf32, #tpu.memory_space<vmem_shared>> -> memref<1x4096xf32, #tpu.memory_space<vmem_shared>>
    tpu.enqueue_dma source(%dma_start3A_47 : memref<1x4096xf32, #tpu.memory_space<vmem_shared>>) target(%dma_start3A_45 : memref<1x4096xf32, #tpu.memory_space<hbm>>) target_semaphore(%dma_start3A_43 : memref<!tpu.dma_semaphore, #tpu.memory_space<semaphore_mem>>)
    %slice3A_48 = vector.extract_strided_slice %get3A_36 {offsets = [1], sizes = [1], strides = [1]} : vector<16xi32> to vector<1xi32>
    %squeeze3A_49 = vector.extract %slice3A_48[0] : i32 from vector<1xi32>
    %add3A_50 = arith.constant 0 : i32
    %add3A_51 = arith.addi %mul3A_2, %add3A_50 : i32
    %add3A_52 = arith.constant 1 : i32
    %add3A_53 = arith.addi %add3A_51, %add3A_52 : i32
    %dma_start3A_54 = arith.constant 0 : i32
    %dma_start3A_55 = tpu.memref_slice %arg10[%dma_start3A_54] : memref<5x!tpu.dma_semaphore, #tpu.memory_space<semaphore_mem>> -> memref<1x!tpu.dma_semaphore, #tpu.memory_space<semaphore_mem>>
    %dma_start3A_56 = tpu.memref_squeeze %dma_start3A_55 : memref<1x!tpu.dma_semaphore, #tpu.memory_space<semaphore_mem>> -> memref<!tpu.dma_semaphore, #tpu.memory_space<semaphore_mem>>
    %dma_start3A_57 = arith.constant 0 : i32
    %dma_start3A_58 = tpu.memref_slice %arg5[%add3A_53, %dma_start3A_57] : memref<16384x4096xf32, #tpu.memory_space<hbm>> -> memref<1x4096xf32, #tpu.memory_space<hbm>>
    %dma_start3A_59 = arith.constant 0 : i32
    %dma_start3A_60 = tpu.memref_slice %arg9[%squeeze3A_49, %dma_start3A_59] : memref<128x4096xf32, #tpu.memory_space<vmem_shared>> -> memref<1x4096xf32, #tpu.memory_space<vmem_shared>>
    tpu.enqueue_dma source(%dma_start3A_60 : memref<1x4096xf32, #tpu.memory_space<vmem_shared>>) target(%dma_start3A_58 : memref<1x4096xf32, #tpu.memory_space<hbm>>) target_semaphore(%dma_start3A_56 : memref<!tpu.dma_semaphore, #tpu.memory_space<semaphore_mem>>)
    %slice3A_61 = vector.extract_strided_slice %get3A_36 {offsets = [2], sizes = [1], strides = [1]} : vector<16xi32> to vector<1xi32>
    %squeeze3A_62 = vector.extract %slice3A_61[0] : i32 from vector<1xi32>
    %add3A_63 = arith.constant 0 : i32
    %add3A_64 = arith.addi %mul3A_2, %add3A_63 : i32
    %add3A_65 = arith.constant 2 : i32
    %add3A_66 = arith.addi %add3A_64, %add3A_65 : i32
    %dma_start3A_67 = arith.constant 0 : i32
    %dma_start3A_68 = tpu.memref_slice %arg10[%dma_start3A_67] : memref<5x!tpu.dma_semaphore, #tpu.memory_space<semaphore_mem>> -> memref<1x!tpu.dma_semaphore, #tpu.memory_space<semaphore_mem>>
    %dma_start3A_69 = tpu.memref_squeeze %dma_start3A_68 : memref<1x!tpu.dma_semaphore, #tpu.memory_space<semaphore_mem>> -> memref<!tpu.dma_semaphore, #tpu.memory_space<semaphore_mem>>
    %dma_start3A_70 = arith.constant 0 : i32
    %dma_start3A_71 = tpu.memref_slice %arg5[%add3A_66, %dma_start3A_70] : memref<16384x4096xf32, #tpu.memory_space<hbm>> -> memref<1x4096xf32, #tpu.memory_space<hbm>>
    %dma_start3A_72 = arith.constant 0 : i32
    %dma_start3A_73 = tpu.memref_slice %arg9[%squeeze3A_62, %dma_start3A_72] : memref<128x4096xf32, #tpu.memory_space<vmem_shared>> -> memref<1x4096xf32, #tpu.memory_space<vmem_shared>>
    tpu.enqueue_dma source(%dma_start3A_73 : memref<1x4096xf32, #tpu.memory_space<vmem_shared>>) target(%dma_start3A_71 : memref<1x4096xf32, #tpu.memory_space<hbm>>) target_semaphore(%dma_start3A_69 : memref<!tpu.dma_semaphore, #tpu.memory_space<semaphore_mem>>)
    %slice3A_74 = vector.extract_strided_slice %get3A_36 {offsets = [3], sizes = [1], strides = [1]} : vector<16xi32> to vector<1xi32>
    %squeeze3A_75 = vector.extract %slice3A_74[0] : i32 from vector<1xi32>
    %add3A_76 = arith.constant 0 : i32
    %add3A_77 = arith.addi %mul3A_2, %add3A_76 : i32
    %add3A_78 = arith.constant 3 : i32
    %add3A_79 = arith.addi %add3A_77, %add3A_78 : i32
    %dma_start3A_80 = arith.constant 0 : i32
    %dma_start3A_81 = tpu.memref_slice %arg10[%dma_start3A_80] : memref<5x!tpu.dma_semaphore, #tpu.memory_space<semaphore_mem>> -> memref<1x!tpu.dma_semaphore, #tpu.memory_space<semaphore_mem>>
    %dma_start3A_82 = tpu.memref_squeeze %dma_start3A_81 : memref<1x!tpu.dma_semaphore, #tpu.memory_space<semaphore_mem>> -> memref<!tpu.dma_semaphore, #tpu.memory_space<semaphore_mem>>
    %dma_start3A_83 = arith.constant 0 : i32
    %dma_start3A_84 = tpu.memref_slice %arg5[%add3A_79, %dma_start3A_83] : memref<16384x4096xf32, #tpu.memory_space<hbm>> -> memref<1x4096xf32, #tpu.memory_space<hbm>>
    %dma_start3A_85 = arith.constant 0 : i32
    %dma_start3A_86 = tpu.memref_slice %arg9[%squeeze3A_75, %dma_start3A_85] : memref<128x4096xf32, #tpu.memory_space<vmem_shared>> -> memref<1x4096xf32, #tpu.memory_space<vmem_shared>>
    tpu.enqueue_dma source(%dma_start3A_86 : memref<1x4096xf32, #tpu.memory_space<vmem_shared>>) target(%dma_start3A_84 : memref<1x4096xf32, #tpu.memory_space<hbm>>) target_semaphore(%dma_start3A_82 : memref<!tpu.dma_semaphore, #tpu.memory_space<semaphore_mem>>)
    %slice3A_87 = vector.extract_strided_slice %get3A_36 {offsets = [4], sizes = [1], strides = [1]} : vector<16xi32> to vector<1xi32>
    %squeeze3A_88 = vector.extract %slice3A_87[0] : i32 from vector<1xi32>
    %add3A_89 = arith.constant 0 : i32
    %add3A_90 = arith.addi %mul3A_2, %add3A_89 : i32
    %add3A_91 = arith.constant 4 : i32
    %add3A_92 = arith.addi %add3A_90, %add3A_91 : i32
    %dma_start3A_93 = arith.constant 0 : i32
    %dma_start3A_94 = tpu.memref_slice %arg10[%dma_start3A_93] : memref<5x!tpu.dma_semaphore, #tpu.memory_space<semaphore_mem>> -> memref<1x!tpu.dma_semaphore, #tpu.memory_space<semaphore_mem>>
    %dma_start3A_95 = tpu.memref_squeeze %dma_start3A_94 : memref<1x!tpu.dma_semaphore, #tpu.memory_space<semaphore_mem>> -> memref<!tpu.dma_semaphore, #tpu.memory_space<semaphore_mem>>
    %dma_start3A_96 = arith.constant 0 : i32
    %dma_start3A_97 = tpu.memref_slice %arg5[%add3A_92, %dma_start3A_96] : memref<16384x4096xf32, #tpu.memory_space<hbm>> -> memref<1x4096xf32, #tpu.memory_space<hbm>>
    %dma_start3A_98 = arith.constant 0 : i32
    %dma_start3A_99 = tpu.memref_slice %arg9[%squeeze3A_88, %dma_start3A_98] : memref<128x4096xf32, #tpu.memory_space<vmem_shared>> -> memref<1x4096xf32, #tpu.memory_space<vmem_shared>>
    tpu.enqueue_dma source(%dma_start3A_99 : memref<1x4096xf32, #tpu.memory_space<vmem_shared>>) target(%dma_start3A_97 : memref<1x4096xf32, #tpu.memory_space<hbm>>) target_semaphore(%dma_start3A_95 : memref<!tpu.dma_semaphore, #tpu.memory_space<semaphore_mem>>)
    %slice3A_100 = vector.extract_strided_slice %get3A_36 {offsets = [5], sizes = [1], strides = [1]} : vector<16xi32> to vector<1xi32>
    %squeeze3A_101 = vector.extract %slice3A_100[0] : i32 from vector<1xi32>
    %add3A_102 = arith.constant 0 : i32
    %add3A_103 = arith.addi %mul3A_2, %add3A_102 : i32
    %add3A_104 = arith.constant 5 : i32
    %add3A_105 = arith.addi %add3A_103, %add3A_104 : i32
    %dma_start3A_106 = arith.constant 0 : i32
    %dma_start3A_107 = tpu.memref_slice %arg10[%dma_start3A_106] : memref<5x!tpu.dma_semaphore, #tpu.memory_space<semaphore_mem>> -> memref<1x!tpu.dma_semaphore, #tpu.memory_space<semaphore_mem>>
    %dma_start3A_108 = tpu.memref_squeeze %dma_start3A_107 : memref<1x!tpu.dma_semaphore, #tpu.memory_space<semaphore_mem>> -> memref<!tpu.dma_semaphore, #tpu.memory_space<semaphore_mem>>
    %dma_start3A_109 = arith.constant 0 : i32
    %dma_start3A_110 = tpu.memref_slice %arg5[%add3A_105, %dma_start3A_109] : memref<16384x4096xf32, #tpu.memory_space<hbm>> -> memref<1x4096xf32, #tpu.memory_space<hbm>>
    %dma_start3A_111 = arith.constant 0 : i32
    %dma_start3A_112 = tpu.memref_slice %arg9[%squeeze3A_101, %dma_start3A_111] : memref<128x4096xf32, #tpu.memory_space<vmem_shared>> -> memref<1x4096xf32, #tpu.memory_space<vmem_shared>>
    tpu.enqueue_dma source(%dma_start3A_112 : memref<1x4096xf32, #tpu.memory_space<vmem_shared>>) target(%dma_start3A_110 : memref<1x4096xf32, #tpu.memory_space<hbm>>) target_semaphore(%dma_start3A_108 : memref<!tpu.dma_semaphore, #tpu.memory_space<semaphore_mem>>)
    %slice3A_113 = vector.extract_strided_slice %get3A_36 {offsets = [6], sizes = [1], strides = [1]} : vector<16xi32> to vector<1xi32>
    %squeeze3A_114 = vector.extract %slice3A_113[0] : i32 from vector<1xi32>
    %add3A_115 = arith.constant 0 : i32
    %add3A_116 = arith.addi %mul3A_2, %add3A_115 : i32
    %add3A_117 = arith.constant 6 : i32
    %add3A_118 = arith.addi %add3A_116, %add3A_117 : i32
    %dma_start3A_119 = arith.constant 0 : i32
    %dma_start3A_120 = tpu.memref_slice %arg10[%dma_start3A_119] : memref<5x!tpu.dma_semaphore, #tpu.memory_space<semaphore_mem>> -> memref<1x!tpu.dma_semaphore, #tpu.memory_space<semaphore_mem>>
    %dma_start3A_121 = tpu.memref_squeeze %dma_start3A_120 : memref<1x!tpu.dma_semaphore, #tpu.memory_space<semaphore_mem>> -> memref<!tpu.dma_semaphore, #tpu.memory_space<semaphore_mem>>
    %dma_start3A_122 = arith.constant 0 : i32
    %dma_start3A_123 = tpu.memref_slice %arg5[%add3A_118, %dma_start3A_122] : memref<16384x4096xf32, #tpu.memory_space<hbm>> -> memref<1x4096xf32, #tpu.memory_space<hbm>>
    %dma_start3A_124 = arith.constant 0 : i32
    %dma_start3A_125 = tpu.memref_slice %arg9[%squeeze3A_114, %dma_start3A_124] : memref<128x4096xf32, #tpu.memory_space<vmem_shared>> -> memref<1x4096xf32, #tpu.memory_space<vmem_shared>>
    tpu.enqueue_dma source(%dma_start3A_125 : memref<1x4096xf32, #tpu.memory_space<vmem_shared>>) target(%dma_start3A_123 : memref<1x4096xf32, #tpu.memory_space<hbm>>) target_semaphore(%dma_start3A_121 : memref<!tpu.dma_semaphore, #tpu.memory_space<semaphore_mem>>)
    %slice3A_126 = vector.extract_strided_slice %get3A_36 {offsets = [7], sizes = [1], strides = [1]} : vector<16xi32> to vector<1xi32>
    %squeeze3A_127 = vector.extract %slice3A_126[0] : i32 from vector<1xi32>
    %add3A_128 = arith.constant 0 : i32
    %add3A_129 = arith.addi %mul3A_2, %add3A_128 : i32
    %add3A_130 = arith.constant 7 : i32
    %add3A_131 = arith.addi %add3A_129, %add3A_130 : i32
    %dma_start3A_132 = arith.constant 0 : i32
    %dma_start3A_133 = tpu.memref_slice %arg10[%dma_start3A_132] : memref<5x!tpu.dma_semaphore, #tpu.memory_space<semaphore_mem>> -> memref<1x!tpu.dma_semaphore, #tpu.memory_space<semaphore_mem>>
    %dma_start3A_134 = tpu.memref_squeeze %dma_start3A_133 : memref<1x!tpu.dma_semaphore, #tpu.memory_space<semaphore_mem>> -> memref<!tpu.dma_semaphore, #tpu.memory_space<semaphore_mem>>
    %dma_start3A_135 = arith.constant 0 : i32
    %dma_start3A_136 = tpu.memref_slice %arg5[%add3A_131, %dma_start3A_135] : memref<16384x4096xf32, #tpu.memory_space<hbm>> -> memref<1x4096xf32, #tpu.memory_space<hbm>>
    %dma_start3A_137 = arith.constant 0 : i32
    %dma_start3A_138 = tpu.memref_slice %arg9[%squeeze3A_127, %dma_start3A_137] : memref<128x4096xf32, #tpu.memory_space<vmem_shared>> -> memref<1x4096xf32, #tpu.memory_space<vmem_shared>>
    tpu.enqueue_dma source(%dma_start3A_138 : memref<1x4096xf32, #tpu.memory_space<vmem_shared>>) target(%dma_start3A_136 : memref<1x4096xf32, #tpu.memory_space<hbm>>) target_semaphore(%dma_start3A_134 : memref<!tpu.dma_semaphore, #tpu.memory_space<semaphore_mem>>)
    %slice3A_139 = vector.extract_strided_slice %get3A_36 {offsets = [8], sizes = [1], strides = [1]} : vector<16xi32> to vector<1xi32>
    %squeeze3A_140 = vector.extract %slice3A_139[0] : i32 from vector<1xi32>
    %add3A_141 = arith.constant 0 : i32
    %add3A_142 = arith.addi %mul3A_2, %add3A_141 : i32
    %add3A_143 = arith.constant 8 : i32
    %add3A_144 = arith.addi %add3A_142, %add3A_143 : i32
    %dma_start3A_145 = arith.constant 0 : i32
    %dma_start3A_146 = tpu.memref_slice %arg10[%dma_start3A_145] : memref<5x!tpu.dma_semaphore, #tpu.memory_space<semaphore_mem>> -> memref<1x!tpu.dma_semaphore, #tpu.memory_space<semaphore_mem>>
    %dma_start3A_147 = tpu.memref_squeeze %dma_start3A_146 : memref<1x!tpu.dma_semaphore, #tpu.memory_space<semaphore_mem>> -> memref<!tpu.dma_semaphore, #tpu.memory_space<semaphore_mem>>
    %dma_start3A_148 = arith.constant 0 : i32
    %dma_start3A_149 = tpu.memref_slice %arg5[%add3A_144, %dma_start3A_148] : memref<16384x4096xf32, #tpu.memory_space<hbm>> -> memref<1x4096xf32, #tpu.memory_space<hbm>>
    %dma_start3A_150 = arith.constant 0 : i32
    %dma_start3A_151 = tpu.memref_slice %arg9[%squeeze3A_140, %dma_start3A_150] : memref<128x4096xf32, #tpu.memory_space<vmem_shared>> -> memref<1x4096xf32, #tpu.memory_space<vmem_shared>>
    tpu.enqueue_dma source(%dma_start3A_151 : memref<1x4096xf32, #tpu.memory_space<vmem_shared>>) target(%dma_start3A_149 : memref<1x4096xf32, #tpu.memory_space<hbm>>) target_semaphore(%dma_start3A_147 : memref<!tpu.dma_semaphore, #tpu.memory_space<semaphore_mem>>)
    %slice3A_152 = vector.extract_strided_slice %get3A_36 {offsets = [9], sizes = [1], strides = [1]} : vector<16xi32> to vector<1xi32>
    %squeeze3A_153 = vector.extract %slice3A_152[0] : i32 from vector<1xi32>
    %add3A_154 = arith.constant 0 : i32
    %add3A_155 = arith.addi %mul3A_2, %add3A_154 : i32
    %add3A_156 = arith.constant 9 : i32
    %add3A_157 = arith.addi %add3A_155, %add3A_156 : i32
    %dma_start3A_158 = arith.constant 0 : i32
    %dma_start3A_159 = tpu.memref_slice %arg10[%dma_start3A_158] : memref<5x!tpu.dma_semaphore, #tpu.memory_space<semaphore_mem>> -> memref<1x!tpu.dma_semaphore, #tpu.memory_space<semaphore_mem>>
    %dma_start3A_160 = tpu.memref_squeeze %dma_start3A_159 : memref<1x!tpu.dma_semaphore, #tpu.memory_space<semaphore_mem>> -> memref<!tpu.dma_semaphore, #tpu.memory_space<semaphore_mem>>
    %dma_start3A_161 = arith.constant 0 : i32
    %dma_start3A_162 = tpu.memref_slice %arg5[%add3A_157, %dma_start3A_161] : memref<16384x4096xf32, #tpu.memory_space<hbm>> -> memref<1x4096xf32, #tpu.memory_space<hbm>>
    %dma_start3A_163 = arith.constant 0 : i32
    %dma_start3A_164 = tpu.memref_slice %arg9[%squeeze3A_153, %dma_start3A_163] : memref<128x4096xf32, #tpu.memory_space<vmem_shared>> -> memref<1x4096xf32, #tpu.memory_space<vmem_shared>>
    tpu.enqueue_dma source(%dma_start3A_164 : memref<1x4096xf32, #tpu.memory_space<vmem_shared>>) target(%dma_start3A_162 : memref<1x4096xf32, #tpu.memory_space<hbm>>) target_semaphore(%dma_start3A_160 : memref<!tpu.dma_semaphore, #tpu.memory_space<semaphore_mem>>)
    %slice3A_165 = vector.extract_strided_slice %get3A_36 {offsets = [10], sizes = [1], strides = [1]} : vector<16xi32> to vector<1xi32>
    %squeeze3A_166 = vector.extract %slice3A_165[0] : i32 from vector<1xi32>
    %add3A_167 = arith.constant 0 : i32
    %add3A_168 = arith.addi %mul3A_2, %add3A_167 : i32
    %add3A_169 = arith.constant 10 : i32
    %add3A_170 = arith.addi %add3A_168, %add3A_169 : i32
    %dma_start3A_171 = arith.constant 0 : i32
    %dma_start3A_172 = tpu.memref_slice %arg10[%dma_start3A_171] : memref<5x!tpu.dma_semaphore, #tpu.memory_space<semaphore_mem>> -> memref<1x!tpu.dma_semaphore, #tpu.memory_space<semaphore_mem>>
    %dma_start3A_173 = tpu.memref_squeeze %dma_start3A_172 : memref<1x!tpu.dma_semaphore, #tpu.memory_space<semaphore_mem>> -> memref<!tpu.dma_semaphore, #tpu.memory_space<semaphore_mem>>
    %dma_start3A_174 = arith.constant 0 : i32
    %dma_start3A_175 = tpu.memref_slice %arg5[%add3A_170, %dma_start3A_174] : memref<16384x4096xf32, #tpu.memory_space<hbm>> -> memref<1x4096xf32, #tpu.memory_space<hbm>>
    %dma_start3A_176 = arith.constant 0 : i32
    %dma_start3A_177 = tpu.memref_slice %arg9[%squeeze3A_166, %dma_start3A_176] : memref<128x4096xf32, #tpu.memory_space<vmem_shared>> -> memref<1x4096xf32, #tpu.memory_space<vmem_shared>>
    tpu.enqueue_dma source(%dma_start3A_177 : memref<1x4096xf32, #tpu.memory_space<vmem_shared>>) target(%dma_start3A_175 : memref<1x4096xf32, #tpu.memory_space<hbm>>) target_semaphore(%dma_start3A_173 : memref<!tpu.dma_semaphore, #tpu.memory_space<semaphore_mem>>)
    %slice3A_178 = vector.extract_strided_slice %get3A_36 {offsets = [11], sizes = [1], strides = [1]} : vector<16xi32> to vector<1xi32>
    %squeeze3A_179 = vector.extract %slice3A_178[0] : i32 from vector<1xi32>
    %add3A_180 = arith.constant 0 : i32
    %add3A_181 = arith.addi %mul3A_2, %add3A_180 : i32
    %add3A_182 = arith.constant 11 : i32
    %add3A_183 = arith.addi %add3A_181, %add3A_182 : i32
    %dma_start3A_184 = arith.constant 0 : i32
    %dma_start3A_185 = tpu.memref_slice %arg10[%dma_start3A_184] : memref<5x!tpu.dma_semaphore, #tpu.memory_space<semaphore_mem>> -> memref<1x!tpu.dma_semaphore, #tpu.memory_space<semaphore_mem>>
    %dma_start3A_186 = tpu.memref_squeeze %dma_start3A_185 : memref<1x!tpu.dma_semaphore, #tpu.memory_space<semaphore_mem>> -> memref<!tpu.dma_semaphore, #tpu.memory_space<semaphore_mem>>
    %dma_start3A_187 = arith.constant 0 : i32
    %dma_start3A_188 = tpu.memref_slice %arg5[%add3A_183, %dma_start3A_187] : memref<16384x4096xf32, #tpu.memory_space<hbm>> -> memref<1x4096xf32, #tpu.memory_space<hbm>>
    %dma_start3A_189 = arith.constant 0 : i32
    %dma_start3A_190 = tpu.memref_slice %arg9[%squeeze3A_179, %dma_start3A_189] : memref<128x4096xf32, #tpu.memory_space<vmem_shared>> -> memref<1x4096xf32, #tpu.memory_space<vmem_shared>>
    tpu.enqueue_dma source(%dma_start3A_190 : memref<1x4096xf32, #tpu.memory_space<vmem_shared>>) target(%dma_start3A_188 : memref<1x4096xf32, #tpu.memory_space<hbm>>) target_semaphore(%dma_start3A_186 : memref<!tpu.dma_semaphore, #tpu.memory_space<semaphore_mem>>)
    %slice3A_191 = vector.extract_strided_slice %get3A_36 {offsets = [12], sizes = [1], strides = [1]} : vector<16xi32> to vector<1xi32>
    %squeeze3A_192 = vector.extract %slice3A_191[0] : i32 from vector<1xi32>
    %add3A_193 = arith.constant 0 : i32
    %add3A_194 = arith.addi %mul3A_2, %add3A_193 : i32
    %add3A_195 = arith.constant 12 : i32
    %add3A_196 = arith.addi %add3A_194, %add3A_195 : i32
    %dma_start3A_197 = arith.constant 0 : i32
    %dma_start3A_198 = tpu.memref_slice %arg10[%dma_start3A_197] : memref<5x!tpu.dma_semaphore, #tpu.memory_space<semaphore_mem>> -> memref<1x!tpu.dma_semaphore, #tpu.memory_space<semaphore_mem>>
    %dma_start3A_199 = tpu.memref_squeeze %dma_start3A_198 : memref<1x!tpu.dma_semaphore, #tpu.memory_space<semaphore_mem>> -> memref<!tpu.dma_semaphore, #tpu.memory_space<semaphore_mem>>
    %dma_start3A_200 = arith.constant 0 : i32
    %dma_start3A_201 = tpu.memref_slice %arg5[%add3A_196, %dma_start3A_200] : memref<16384x4096xf32, #tpu.memory_space<hbm>> -> memref<1x4096xf32, #tpu.memory_space<hbm>>
    %dma_start3A_202 = arith.constant 0 : i32
    %dma_start3A_203 = tpu.memref_slice %arg9[%squeeze3A_192, %dma_start3A_202] : memref<128x4096xf32, #tpu.memory_space<vmem_shared>> -> memref<1x4096xf32, #tpu.memory_space<vmem_shared>>
    tpu.enqueue_dma source(%dma_start3A_203 : memref<1x4096xf32, #tpu.memory_space<vmem_shared>>) target(%dma_start3A_201 : memref<1x4096xf32, #tpu.memory_space<hbm>>) target_semaphore(%dma_start3A_199 : memref<!tpu.dma_semaphore, #tpu.memory_space<semaphore_mem>>)
    %slice3A_204 = vector.extract_strided_slice %get3A_36 {offsets = [13], sizes = [1], strides = [1]} : vector<16xi32> to vector<1xi32>
    %squeeze3A_205 = vector.extract %slice3A_204[0] : i32 from vector<1xi32>
    %add3A_206 = arith.constant 0 : i32
    %add3A_207 = arith.addi %mul3A_2, %add3A_206 : i32
    %add3A_208 = arith.constant 13 : i32
    %add3A_209 = arith.addi %add3A_207, %add3A_208 : i32
    %dma_start3A_210 = arith.constant 0 : i32
    %dma_start3A_211 = tpu.memref_slice %arg10[%dma_start3A_210] : memref<5x!tpu.dma_semaphore, #tpu.memory_space<semaphore_mem>> -> memref<1x!tpu.dma_semaphore, #tpu.memory_space<semaphore_mem>>
    %dma_start3A_212 = tpu.memref_squeeze %dma_start3A_211 : memref<1x!tpu.dma_semaphore, #tpu.memory_space<semaphore_mem>> -> memref<!tpu.dma_semaphore, #tpu.memory_space<semaphore_mem>>
    %dma_start3A_213 = arith.constant 0 : i32
    %dma_start3A_214 = tpu.memref_slice %arg5[%add3A_209, %dma_start3A_213] : memref<16384x4096xf32, #tpu.memory_space<hbm>> -> memref<1x4096xf32, #tpu.memory_space<hbm>>
    %dma_start3A_215 = arith.constant 0 : i32
    %dma_start3A_216 = tpu.memref_slice %arg9[%squeeze3A_205, %dma_start3A_215] : memref<128x4096xf32, #tpu.memory_space<vmem_shared>> -> memref<1x4096xf32, #tpu.memory_space<vmem_shared>>
    tpu.enqueue_dma source(%dma_start3A_216 : memref<1x4096xf32, #tpu.memory_space<vmem_shared>>) target(%dma_start3A_214 : memref<1x4096xf32, #tpu.memory_space<hbm>>) target_semaphore(%dma_start3A_212 : memref<!tpu.dma_semaphore, #tpu.memory_space<semaphore_mem>>)
    %slice3A_217 = vector.extract_strided_slice %get3A_36 {offsets = [14], sizes = [1], strides = [1]} : vector<16xi32> to vector<1xi32>
    %squeeze3A_218 = vector.extract %slice3A_217[0] : i32 from vector<1xi32>
    %add3A_219 = arith.constant 0 : i32
    %add3A_220 = arith.addi %mul3A_2, %add3A_219 : i32
    %add3A_221 = arith.constant 14 : i32
    %add3A_222 = arith.addi %add3A_220, %add3A_221 : i32
    %dma_start3A_223 = arith.constant 0 : i32
    %dma_start3A_224 = tpu.memref_slice %arg10[%dma_start3A_223] : memref<5x!tpu.dma_semaphore, #tpu.memory_space<semaphore_mem>> -> memref<1x!tpu.dma_semaphore, #tpu.memory_space<semaphore_mem>>
    %dma_start3A_225 = tpu.memref_squeeze %dma_start3A_224 : memref<1x!tpu.dma_semaphore, #tpu.memory_space<semaphore_mem>> -> memref<!tpu.dma_semaphore, #tpu.memory_space<semaphore_mem>>
    %dma_start3A_226 = arith.constant 0 : i32
    %dma_start3A_227 = tpu.memref_slice %arg5[%add3A_222, %dma_start3A_226] : memref<16384x4096xf32, #tpu.memory_space<hbm>> -> memref<1x4096xf32, #tpu.memory_space<hbm>>
    %dma_start3A_228 = arith.constant 0 : i32
    %dma_start3A_229 = tpu.memref_slice %arg9[%squeeze3A_218, %dma_start3A_228] : memref<128x4096xf32, #tpu.memory_space<vmem_shared>> -> memref<1x4096xf32, #tpu.memory_space<vmem_shared>>
    tpu.enqueue_dma source(%dma_start3A_229 : memref<1x4096xf32, #tpu.memory_space<vmem_shared>>) target(%dma_start3A_227 : memref<1x4096xf32, #tpu.memory_space<hbm>>) target_semaphore(%dma_start3A_225 : memref<!tpu.dma_semaphore, #tpu.memory_space<semaphore_mem>>)
    %slice3A_230 = vector.extract_strided_slice %get3A_36 {offsets = [15], sizes = [1], strides = [1]} : vector<16xi32> to vector<1xi32>
    %squeeze3A_231 = vector.extract %slice3A_230[0] : i32 from vector<1xi32>
    %add3A_232 = arith.constant 0 : i32
    %add3A_233 = arith.addi %mul3A_2, %add3A_232 : i32
    %add3A_234 = arith.constant 15 : i32
    %add3A_235 = arith.addi %add3A_233, %add3A_234 : i32
    %dma_start3A_236 = arith.constant 0 : i32
    %dma_start3A_237 = tpu.memref_slice %arg10[%dma_start3A_236] : memref<5x!tpu.dma_semaphore, #tpu.memory_space<semaphore_mem>> -> memref<1x!tpu.dma_semaphore, #tpu.memory_space<semaphore_mem>>
    %dma_start3A_238 = tpu.memref_squeeze %dma_start3A_237 : memref<1x!tpu.dma_semaphore, #tpu.memory_space<semaphore_mem>> -> memref<!tpu.dma_semaphore, #tpu.memory_space<semaphore_mem>>
    %dma_start3A_239 = arith.constant 0 : i32
    %dma_start3A_240 = tpu.memref_slice %arg5[%add3A_235, %dma_start3A_239] : memref<16384x4096xf32, #tpu.memory_space<hbm>> -> memref<1x4096xf32, #tpu.memory_space<hbm>>
    %dma_start3A_241 = arith.constant 0 : i32
    %dma_start3A_242 = tpu.memref_slice %arg9[%squeeze3A_231, %dma_start3A_241] : memref<128x4096xf32, #tpu.memory_space<vmem_shared>> -> memref<1x4096xf32, #tpu.memory_space<vmem_shared>>
    tpu.enqueue_dma source(%dma_start3A_242 : memref<1x4096xf32, #tpu.memory_space<vmem_shared>>) target(%dma_start3A_240 : memref<1x4096xf32, #tpu.memory_space<hbm>>) target_semaphore(%dma_start3A_238 : memref<!tpu.dma_semaphore, #tpu.memory_space<semaphore_mem>>)
    %multiple_of3A_243 = arith.constant 16 : i32
    %multiple_of3A_244 = tpu.assume_multiple %multiple_of3A_243, 16 : i32
    %get3A_245 = arith.index_cast %multiple_of3A_244 : i32 to index
    %get3A_246 = tpu.vector_load %arg6[%get3A_245] {strides = array<i32>} : memref<512xi32, #tpu.memory_space<vmem>>, vector<16xi32>,
    %get3A_247 = vector.shape_cast %get3A_246 : vector<16xi32> to vector<16xi32>
    %slice3A_248 = vector.extract_strided_slice %get3A_247 {offsets = [0], sizes = [1], strides = [1]} : vector<16xi32> to vector<1xi32>
    %squeeze3A_249 = vector.extract %slice3A_248[0] : i32 from vector<1xi32>
    %add3A_250 = arith.constant 16 : i32
    %add3A_251 = arith.addi %mul3A_2, %add3A_250 : i32
    %add3A_252 = arith.constant 0 : i32
    %add3A_253 = arith.addi %add3A_251, %add3A_252 : i32
    %dma_start3A_254 = arith.constant 1 : i32
    %dma_start3A_255 = tpu.memref_slice %arg10[%dma_start3A_254] : memref<5x!tpu.dma_semaphore, #tpu.memory_space<semaphore_mem>> -> memref<1x!tpu.dma_semaphore, #tpu.memory_space<semaphore_mem>>
    %dma_start3A_256 = tpu.memref_squeeze %dma_start3A_255 : memref<1x!tpu.dma_semaphore, #tpu.memory_space<semaphore_mem>> -> memref<!tpu.dma_semaphore, #tpu.memory_space<semaphore_mem>>
    %dma_start3A_257 = arith.constant 0 : i32
    %dma_start3A_258 = tpu.memref_slice %arg5[%add3A_253, %dma_start3A_257] : memref<16384x4096xf32, #tpu.memory_space<hbm>> -> memref<1x4096xf32, #tpu.memory_space<hbm>>
    %dma_start3A_259 = arith.constant 0 : i32
    %dma_start3A_260 = tpu.memref_slice %arg9[%squeeze3A_249, %dma_start3A_259] : memref<128x4096xf32, #tpu.memory_space<vmem_shared>> -> memref<1x4096xf32, #tpu.memory_space<vmem_shared>>
    tpu.enqueue_dma source(%dma_start3A_260 : memref<1x4096xf32, #tpu.memory_space<vmem_shared>>) target(%dma_start3A_258 : memref<1x4096xf32, #tpu.memory_space<hbm>>) target_semaphore(%dma_start3A_256 : memref<!tpu.dma_semaphore, #tpu.memory_space<semaphore_mem>>)
    %slice3A_261 = vector.extract_strided_slice %get3A_247 {offsets = [1], sizes = [1], strides = [1]} : vector<16xi32> to vector<1xi32>
    %squeeze3A_262 = vector.extract %slice3A_261[0] : i32 from vector<1xi32>
    %add3A_263 = arith.constant 16 : i32
    %add3A_264 = arith.addi %mul3A_2, %add3A_263 : i32
    %add3A_265 = arith.constant 1 : i32
    %add3A_266 = arith.addi %add3A_264, %add3A_265 : i32
    %dma_start3A_267 = arith.constant 1 : i32
    %dma_start3A_268 = tpu.memref_slice %arg10[%dma_start3A_267] : memref<5x!tpu.dma_semaphore, #tpu.memory_space<semaphore_mem>> -> memref<1x!tpu.dma_semaphore, #tpu.memory_space<semaphore_mem>>
    %dma_start3A_269 = tpu.memref_squeeze %dma_start3A_268 : memref<1x!tpu.dma_semaphore, #tpu.memory_space<semaphore_mem>> -> memref<!tpu.dma_semaphore, #tpu.memory_space<semaphore_mem>>
    %dma_start3A_270 = arith.constant 0 : i32
    %dma_start3A_271 = tpu.memref_slice %arg5[%add3A_266, %dma_start3A_270] : memref<16384x4096xf32, #tpu.memory_space<hbm>> -> memref<1x4096xf32, #tpu.memory_space<hbm>>
    %dma_start3A_272 = arith.constant 0 : i32
    %dma_start3A_273 = tpu.memref_slice %arg9[%squeeze3A_262, %dma_start3A_272] : memref<128x4096xf32, #tpu.memory_space<vmem_shared>> -> memref<1x4096xf32, #tpu.memory_space<vmem_shared>>
    tpu.enqueue_dma source(%dma_start3A_273 : memref<1x4096xf32, #tpu.memory_space<vmem_shared>>) target(%dma_start3A_271 : memref<1x4096xf32, #tpu.memory_space<hbm>>) target_semaphore(%dma_start3A_269 : memref<!tpu.dma_semaphore, #tpu.memory_space<semaphore_mem>>)
    %slice3A_274 = vector.extract_strided_slice %get3A_247 {offsets = [2], sizes = [1], strides = [1]} : vector<16xi32> to vector<1xi32>
    %squeeze3A_275 = vector.extract %slice3A_274[0] : i32 from vector<1xi32>
    %add3A_276 = arith.constant 16 : i32
    %add3A_277 = arith.addi %mul3A_2, %add3A_276 : i32
    %add3A_278 = arith.constant 2 : i32
    %add3A_279 = arith.addi %add3A_277, %add3A_278 : i32
    %dma_start3A_280 = arith.constant 1 : i32
    %dma_start3A_281 = tpu.memref_slice %arg10[%dma_start3A_280] : memref<5x!tpu.dma_semaphore, #tpu.memory_space<semaphore_mem>> -> memref<1x!tpu.dma_semaphore, #tpu.memory_space<semaphore_mem>>
    %dma_start3A_282 = tpu.memref_squeeze %dma_start3A_281 : memref<1x!tpu.dma_semaphore, #tpu.memory_space<semaphore_mem>> -> memref<!tpu.dma_semaphore, #tpu.memory_space<semaphore_mem>>
    %dma_start3A_283 = arith.constant 0 : i32
    %dma_start3A_284 = tpu.memref_slice %arg5[%add3A_279, %dma_start3A_283] : memref<16384x4096xf32, #tpu.memory_space<hbm>> -> memref<1x4096xf32, #tpu.memory_space<hbm>>
    %dma_start3A_285 = arith.constant 0 : i32
    %dma_start3A_286 = tpu.memref_slice %arg9[%squeeze3A_275, %dma_start3A_285] : memref<128x4096xf32, #tpu.memory_space<vmem_shared>> -> memref<1x4096xf32, #tpu.memory_space<vmem_shared>>
    tpu.enqueue_dma source(%dma_start3A_286 : memref<1x4096xf32, #tpu.memory_space<vmem_shared>>) target(%dma_start3A_284 : memref<1x4096xf32, #tpu.memory_space<hbm>>) target_semaphore(%dma_start3A_282 : memref<!tpu.dma_semaphore, #tpu.memory_space<semaphore_mem>>)
    %slice3A_287 = vector.extract_strided_slice %get3A_247 {offsets = [3], sizes = [1], strides = [1]} : vector<16xi32> to vector<1xi32>
    %squeeze3A_288 = vector.extract %slice3A_287[0] : i32 from vector<1xi32>
    %add3A_289 = arith.constant 16 : i32
    %add3A_290 = arith.addi %mul3A_2, %add3A_289 : i32
    %add3A_291 = arith.constant 3 : i32
    %add3A_292 = arith.addi %add3A_290, %add3A_291 : i32
    %dma_start3A_293 = arith.constant 1 : i32
    %dma_start3A_294 = tpu.memref_slice %arg10[%dma_start3A_293] : memref<5x!tpu.dma_semaphore, #tpu.memory_space<semaphore_mem>> -> memref<1x!tpu.dma_semaphore, #tpu.memory_space<semaphore_mem>>
    %dma_start3A_295 = tpu.memref_squeeze %dma_start3A_294 : memref<1x!tpu.dma_semaphore, #tpu.memory_space<semaphore_mem>> -> memref<!tpu.dma_semaphore, #tpu.memory_space<semaphore_mem>>
    %dma_start3A_296 = arith.constant 0 : i32
    %dma_start3A_297 = tpu.memref_slice %arg5[%add3A_292, %dma_start3A_296] : memref<16384x4096xf32, #tpu.memory_space<hbm>> -> memref<1x4096xf32, #tpu.memory_space<hbm>>
    %dma_start3A_298 = arith.constant 0 : i32
    %dma_start3A_299 = tpu.memref_slice %arg9[%squeeze3A_288, %dma_start3A_298] : memref<128x4096xf32, #tpu.memory_space<vmem_shared>> -> memref<1x4096xf32, #tpu.memory_space<vmem_shared>>
    tpu.enqueue_dma source(%dma_start3A_299 : memref<1x4096xf32, #tpu.memory_space<vmem_shared>>) target(%dma_start3A_297 : memref<1x4096xf32, #tpu.memory_space<hbm>>) target_semaphore(%dma_start3A_295 : memref<!tpu.dma_semaphore, #tpu.memory_space<semaphore_mem>>)
    %slice3A_300 = vector.extract_strided_slice %get3A_247 {offsets = [4], sizes = [1], strides = [1]} : vector<16xi32> to vector<1xi32>
    %squeeze3A_301 = vector.extract %slice3A_300[0] : i32 from vector<1xi32>
    %add3A_302 = arith.constant 16 : i32
    %add3A_303 = arith.addi %mul3A_2, %add3A_302 : i32
    %add3A_304 = arith.constant 4 : i32
    %add3A_305 = arith.addi %add3A_303, %add3A_304 : i32
    %dma_start3A_306 = arith.constant 1 : i32
    %dma_start3A_307 = tpu.memref_slice %arg10[%dma_start3A_306] : memref<5x!tpu.dma_semaphore, #tpu.memory_space<semaphore_mem>> -> memref<1x!tpu.dma_semaphore, #tpu.memory_space<semaphore_mem>>
    %dma_start3A_308 = tpu.memref_squeeze %dma_start3A_307 : memref<1x!tpu.dma_semaphore, #tpu.memory_space<semaphore_mem>> -> memref<!tpu.dma_semaphore, #tpu.memory_space<semaphore_mem>>
    %dma_start3A_309 = arith.constant 0 : i32
    %dma_start3A_310 = tpu.memref_slice %arg5[%add3A_305, %dma_start3A_309] : memref<16384x4096xf32, #tpu.memory_space<hbm>> -> memref<1x4096xf32, #tpu.memory_space<hbm>>
    %dma_start3A_311 = arith.constant 0 : i32
    %dma_start3A_312 = tpu.memref_slice %arg9[%squeeze3A_301, %dma_start3A_311] : memref<128x4096xf32, #tpu.memory_space<vmem_shared>> -> memref<1x4096xf32, #tpu.memory_space<vmem_shared>>
    tpu.enqueue_dma source(%dma_start3A_312 : memref<1x4096xf32, #tpu.memory_space<vmem_shared>>) target(%dma_start3A_310 : memref<1x4096xf32, #tpu.memory_space<hbm>>) target_semaphore(%dma_start3A_308 : memref<!tpu.dma_semaphore, #tpu.memory_space<semaphore_mem>>)
    %slice3A_313 = vector.extract_strided_slice %get3A_247 {offsets = [5], sizes = [1], strides = [1]} : vector<16xi32> to vector<1xi32>
    %squeeze3A_314 = vector.extract %slice3A_313[0] : i32 from vector<1xi32>
    %add3A_315 = arith.constant 16 : i32
    %add3A_316 = arith.addi %mul3A_2, %add3A_315 : i32
    %add3A_317 = arith.constant 5 : i32
    %add3A_318 = arith.addi %add3A_316, %add3A_317 : i32
    %dma_start3A_319 = arith.constant 1 : i32
    %dma_start3A_320 = tpu.memref_slice %arg10[%dma_start3A_319] : memref<5x!tpu.dma_semaphore, #tpu.memory_space<semaphore_mem>> -> memref<1x!tpu.dma_semaphore, #tpu.memory_space<semaphore_mem>>
    %dma_start3A_321 = tpu.memref_squeeze %dma_start3A_320 : memref<1x!tpu.dma_semaphore, #tpu.memory_space<semaphore_mem>> -> memref<!tpu.dma_semaphore, #tpu.memory_space<semaphore_mem>>
    %dma_start3A_322 = arith.constant 0 : i32
    %dma_start3A_323 = tpu.memref_slice %arg5[%add3A_318, %dma_start3A_322] : memref<16384x4096xf32, #tpu.memory_space<hbm>> -> memref<1x4096xf32, #tpu.memory_space<hbm>>
    %dma_start3A_324 = arith.constant 0 : i32
    %dma_start3A_325 = tpu.memref_slice %arg9[%squeeze3A_314, %dma_start3A_324] : memref<128x4096xf32, #tpu.memory_space<vmem_shared>> -> memref<1x4096xf32, #tpu.memory_space<vmem_shared>>
    tpu.enqueue_dma source(%dma_start3A_325 : memref<1x4096xf32, #tpu.memory_space<vmem_shared>>) target(%dma_start3A_323 : memref<1x4096xf32, #tpu.memory_space<hbm>>) target_semaphore(%dma_start3A_321 : memref<!tpu.dma_semaphore, #tpu.memory_space<semaphore_mem>>)
    %slice3A_326 = vector.extract_strided_slice %get3A_247 {offsets = [6], sizes = [1], strides = [1]} : vector<16xi32> to vector<1xi32>
    %squeeze3A_327 = vector.extract %slice3A_326[0] : i32 from vector<1xi32>
    %add3A_328 = arith.constant 16 : i32
    %add3A_329 = arith.addi %mul3A_2, %add3A_328 : i32
    %add3A_330 = arith.constant 6 : i32
    %add3A_331 = arith.addi %add3A_329, %add3A_330 : i32
    %dma_start3A_332 = arith.constant 1 : i32
    %dma_start3A_333 = tpu.memref_slice %arg10[%dma_start3A_332] : memref<5x!tpu.dma_semaphore, #tpu.memory_space<semaphore_mem>> -> memref<1x!tpu.dma_semaphore, #tpu.memory_space<semaphore_mem>>
    %dma_start3A_334 = tpu.memref_squeeze %dma_start3A_333 : memref<1x!tpu.dma_semaphore, #tpu.memory_space<semaphore_mem>> -> memref<!tpu.dma_semaphore, #tpu.memory_space<semaphore_mem>>
    %dma_start3A_335 = arith.constant 0 : i32
    %dma_start3A_336 = tpu.memref_slice %arg5[%add3A_331, %dma_start3A_335] : memref<16384x4096xf32, #tpu.memory_space<hbm>> -> memref<1x4096xf32, #tpu.memory_space<hbm>>
    %dma_start3A_337 = arith.constant 0 : i32
    %dma_start3A_338 = tpu.memref_slice %arg9[%squeeze3A_327, %dma_start3A_337] : memref<128x4096xf32, #tpu.memory_space<vmem_shared>> -> memref<1x4096xf32, #tpu.memory_space<vmem_shared>>
    tpu.enqueue_dma source(%dma_start3A_338 : memref<1x4096xf32, #tpu.memory_space<vmem_shared>>) target(%dma_start3A_336 : memref<1x4096xf32, #tpu.memory_space<hbm>>) target_semaphore(%dma_start3A_334 : memref<!tpu.dma_semaphore, #tpu.memory_space<semaphore_mem>>)
    %slice3A_339 = vector.extract_strided_slice %get3A_247 {offsets = [7], sizes = [1], strides = [1]} : vector<16xi32> to vector<1xi32>
    %squeeze3A_340 = vector.extract %slice3A_339[0] : i32 from vector<1xi32>
    %add3A_341 = arith.constant 16 : i32
    %add3A_342 = arith.addi %mul3A_2, %add3A_341 : i32
    %add3A_343 = arith.constant 7 : i32
    %add3A_344 = arith.addi %add3A_342, %add3A_343 : i32
    %dma_start3A_345 = arith.constant 1 : i32
    %dma_start3A_346 = tpu.memref_slice %arg10[%dma_start3A_345] : memref<5x!tpu.dma_semaphore, #tpu.memory_space<semaphore_mem>> -> memref<1x!tpu.dma_semaphore, #tpu.memory_space<semaphore_mem>>
    %dma_start3A_347 = tpu.memref_squeeze %dma_start3A_346 : memref<1x!tpu.dma_semaphore, #tpu.memory_space<semaphore_mem>> -> memref<!tpu.dma_semaphore, #tpu.memory_space<semaphore_mem>>
    %dma_start3A_348 = arith.constant 0 : i32
    %dma_start3A_349 = tpu.memref_slice %arg5[%add3A_344, %dma_start3A_348] : memref<16384x4096xf32, #tpu.memory_space<hbm>> -> memref<1x4096xf32, #tpu.memory_space<hbm>>
    %dma_start3A_350 = arith.constant 0 : i32
    %dma_start3A_351 = tpu.memref_slice %arg9[%squeeze3A_340, %dma_start3A_350] : memref<128x4096xf32, #tpu.memory_space<vmem_shared>> -> memref<1x4096xf32, #tpu.memory_space<vmem_shared>>
    tpu.enqueue_dma source(%dma_start3A_351 : memref<1x4096xf32, #tpu.memory_space<vmem_shared>>) target(%dma_start3A_349 : memref<1x4096xf32, #tpu.memory_space<hbm>>) target_semaphore(%dma_start3A_347 : memref<!tpu.dma_semaphore, #tpu.memory_space<semaphore_mem>>)
    %slice3A_352 = vector.extract_strided_slice %get3A_247 {offsets = [8], sizes = [1], strides = [1]} : vector<16xi32> to vector<1xi32>
    %squeeze3A_353 = vector.extract %slice3A_352[0] : i32 from vector<1xi32>
    %add3A_354 = arith.constant 16 : i32
    %add3A_355 = arith.addi %mul3A_2, %add3A_354 : i32
    %add3A_356 = arith.constant 8 : i32
    %add3A_357 = arith.addi %add3A_355, %add3A_356 : i32
    %dma_start3A_358 = arith.constant 1 : i32
    %dma_start3A_359 = tpu.memref_slice %arg10[%dma_start3A_358] : memref<5x!tpu.dma_semaphore, #tpu.memory_space<semaphore_mem>> -> memref<1x!tpu.dma_semaphore, #tpu.memory_space<semaphore_mem>>
    %dma_start3A_360 = tpu.memref_squeeze %dma_start3A_359 : memref<1x!tpu.dma_semaphore, #tpu.memory_space<semaphore_mem>> -> memref<!tpu.dma_semaphore, #tpu.memory_space<semaphore_mem>>
    %dma_start3A_361 = arith.constant 0 : i32
    %dma_start3A_362 = tpu.memref_slice %arg5[%add3A_357, %dma_start3A_361] : memref<16384x4096xf32, #tpu.memory_space<hbm>> -> memref<1x4096xf32, #tpu.memory_space<hbm>>
    %dma_start3A_363 = arith.constant 0 : i32
    %dma_start3A_364 = tpu.memref_slice %arg9[%squeeze3A_353, %dma_start3A_363] : memref<128x4096xf32, #tpu.memory_space<vmem_shared>> -> memref<1x4096xf32, #tpu.memory_space<vmem_shared>>
    tpu.enqueue_dma source(%dma_start3A_364 : memref<1x4096xf32, #tpu.memory_space<vmem_shared>>) target(%dma_start3A_362 : memref<1x4096xf32, #tpu.memory_space<hbm>>) target_semaphore(%dma_start3A_360 : memref<!tpu.dma_semaphore, #tpu.memory_space<semaphore_mem>>)
    %slice3A_365 = vector.extract_strided_slice %get3A_247 {offsets = [9], sizes = [1], strides = [1]} : vector<16xi32> to vector<1xi32>
    %squeeze3A_366 = vector.extract %slice3A_365[0] : i32 from vector<1xi32>
    %add3A_367 = arith.constant 16 : i32
    %add3A_368 = arith.addi %mul3A_2, %add3A_367 : i32
    %add3A_369 = arith.constant 9 : i32
    %add3A_370 = arith.addi %add3A_368, %add3A_369 : i32
    %dma_start3A_371 = arith.constant 1 : i32
    %dma_start3A_372 = tpu.memref_slice %arg10[%dma_start3A_371] : memref<5x!tpu.dma_semaphore, #tpu.memory_space<semaphore_mem>> -> memref<1x!tpu.dma_semaphore, #tpu.memory_space<semaphore_mem>>
    %dma_start3A_373 = tpu.memref_squeeze %dma_start3A_372 : memref<1x!tpu.dma_semaphore, #tpu.memory_space<semaphore_mem>> -> memref<!tpu.dma_semaphore, #tpu.memory_space<semaphore_mem>>
    %dma_start3A_374 = arith.constant 0 : i32
    %dma_start3A_375 = tpu.memref_slice %arg5[%add3A_370, %dma_start3A_374] : memref<16384x4096xf32, #tpu.memory_space<hbm>> -> memref<1x4096xf32, #tpu.memory_space<hbm>>
    %dma_start3A_376 = arith.constant 0 : i32
    %dma_start3A_377 = tpu.memref_slice %arg9[%squeeze3A_366, %dma_start3A_376] : memref<128x4096xf32, #tpu.memory_space<vmem_shared>> -> memref<1x4096xf32, #tpu.memory_space<vmem_shared>>
    tpu.enqueue_dma source(%dma_start3A_377 : memref<1x4096xf32, #tpu.memory_space<vmem_shared>>) target(%dma_start3A_375 : memref<1x4096xf32, #tpu.memory_space<hbm>>) target_semaphore(%dma_start3A_373 : memref<!tpu.dma_semaphore, #tpu.memory_space<semaphore_mem>>)
    %slice3A_378 = vector.extract_strided_slice %get3A_247 {offsets = [10], sizes = [1], strides = [1]} : vector<16xi32> to vector<1xi32>
    %squeeze3A_379 = vector.extract %slice3A_378[0] : i32 from vector<1xi32>
    %add3A_380 = arith.constant 16 : i32
    %add3A_381 = arith.addi %mul3A_2, %add3A_380 : i32
    %add3A_382 = arith.constant 10 : i32
    %add3A_383 = arith.addi %add3A_381, %add3A_382 : i32
    %dma_start3A_384 = arith.constant 1 : i32
    %dma_start3A_385 = tpu.memref_slice %arg10[%dma_start3A_384] : memref<5x!tpu.dma_semaphore, #tpu.memory_space<semaphore_mem>> -> memref<1x!tpu.dma_semaphore, #tpu.memory_space<semaphore_mem>>
    %dma_start3A_386 = tpu.memref_squeeze %dma_start3A_385 : memref<1x!tpu.dma_semaphore, #tpu.memory_space<semaphore_mem>> -> memref<!tpu.dma_semaphore, #tpu.memory_space<semaphore_mem>>
    %dma_start3A_387 = arith.constant 0 : i32
    %dma_start3A_388 = tpu.memref_slice %arg5[%add3A_383, %dma_start3A_387] : memref<16384x4096xf32, #tpu.memory_space<hbm>> -> memref<1x4096xf32, #tpu.memory_space<hbm>>
    %dma_start3A_389 = arith.constant 0 : i32
    %dma_start3A_390 = tpu.memref_slice %arg9[%squeeze3A_379, %dma_start3A_389] : memref<128x4096xf32, #tpu.memory_space<vmem_shared>> -> memref<1x4096xf32, #tpu.memory_space<vmem_shared>>
    tpu.enqueue_dma source(%dma_start3A_390 : memref<1x4096xf32, #tpu.memory_space<vmem_shared>>) target(%dma_start3A_388 : memref<1x4096xf32, #tpu.memory_space<hbm>>) target_semaphore(%dma_start3A_386 : memref<!tpu.dma_semaphore, #tpu.memory_space<semaphore_mem>>)
    %slice3A_391 = vector.extract_strided_slice %get3A_247 {offsets = [11], sizes = [1], strides = [1]} : vector<16xi32> to vector<1xi32>
    %squeeze3A_392 = vector.extract %slice3A_391[0] : i32 from vector<1xi32>
    %add3A_393 = arith.constant 16 : i32
    %add3A_394 = arith.addi %mul3A_2, %add3A_393 : i32
    %add3A_395 = arith.constant 11 : i32
    %add3A_396 = arith.addi %add3A_394, %add3A_395 : i32
    %dma_start3A_397 = arith.constant 1 : i32
    %dma_start3A_398 = tpu.memref_slice %arg10[%dma_start3A_397] : memref<5x!tpu.dma_semaphore, #tpu.memory_space<semaphore_mem>> -> memref<1x!tpu.dma_semaphore, #tpu.memory_space<semaphore_mem>>
    %dma_start3A_399 = tpu.memref_squeeze %dma_start3A_398 : memref<1x!tpu.dma_semaphore, #tpu.memory_space<semaphore_mem>> -> memref<!tpu.dma_semaphore, #tpu.memory_space<semaphore_mem>>
    %dma_start3A_400 = arith.constant 0 : i32
    %dma_start3A_401 = tpu.memref_slice %arg5[%add3A_396, %dma_start3A_400] : memref<16384x4096xf32, #tpu.memory_space<hbm>> -> memref<1x4096xf32, #tpu.memory_space<hbm>>
    %dma_start3A_402 = arith.constant 0 : i32
    %dma_start3A_403 = tpu.memref_slice %arg9[%squeeze3A_392, %dma_start3A_402] : memref<128x4096xf32, #tpu.memory_space<vmem_shared>> -> memref<1x4096xf32, #tpu.memory_space<vmem_shared>>
    tpu.enqueue_dma source(%dma_start3A_403 : memref<1x4096xf32, #tpu.memory_space<vmem_shared>>) target(%dma_start3A_401 : memref<1x4096xf32, #tpu.memory_space<hbm>>) target_semaphore(%dma_start3A_399 : memref<!tpu.dma_semaphore, #tpu.memory_space<semaphore_mem>>)
    %slice3A_404 = vector.extract_strided_slice %get3A_247 {offsets = [12], sizes = [1], strides = [1]} : vector<16xi32> to vector<1xi32>
    %squeeze3A_405 = vector.extract %slice3A_404[0] : i32 from vector<1xi32>
    %add3A_406 = arith.constant 16 : i32
    %add3A_407 = arith.addi %mul3A_2, %add3A_406 : i32
    %add3A_408 = arith.constant 12 : i32
    %add3A_409 = arith.addi %add3A_407, %add3A_408 : i32
    %dma_start3A_410 = arith.constant 1 : i32
    %dma_start3A_411 = tpu.memref_slice %arg10[%dma_start3A_410] : memref<5x!tpu.dma_semaphore, #tpu.memory_space<semaphore_mem>> -> memref<1x!tpu.dma_semaphore, #tpu.memory_space<semaphore_mem>>
    %dma_start3A_412 = tpu.memref_squeeze %dma_start3A_411 : memref<1x!tpu.dma_semaphore, #tpu.memory_space<semaphore_mem>> -> memref<!tpu.dma_semaphore, #tpu.memory_space<semaphore_mem>>
    %dma_start3A_413 = arith.constant 0 : i32
    %dma_start3A_414 = tpu.memref_slice %arg5[%add3A_409, %dma_start3A_413] : memref<16384x4096xf32, #tpu.memory_space<hbm>> -> memref<1x4096xf32, #tpu.memory_space<hbm>>
    %dma_start3A_415 = arith.constant 0 : i32
    %dma_start3A_416 = tpu.memref_slice %arg9[%squeeze3A_405, %dma_start3A_415] : memref<128x4096xf32, #tpu.memory_space<vmem_shared>> -> memref<1x4096xf32, #tpu.memory_space<vmem_shared>>
    tpu.enqueue_dma source(%dma_start3A_416 : memref<1x4096xf32, #tpu.memory_space<vmem_shared>>) target(%dma_start3A_414 : memref<1x4096xf32, #tpu.memory_space<hbm>>) target_semaphore(%dma_start3A_412 : memref<!tpu.dma_semaphore, #tpu.memory_space<semaphore_mem>>)
    %slice3A_417 = vector.extract_strided_slice %get3A_247 {offsets = [13], sizes = [1], strides = [1]} : vector<16xi32> to vector<1xi32>
    %squeeze3A_418 = vector.extract %slice3A_417[0] : i32 from vector<1xi32>
    %add3A_419 = arith.constant 16 : i32
    %add3A_420 = arith.addi %mul3A_2, %add3A_419 : i32
    %add3A_421 = arith.constant 13 : i32
    %add3A_422 = arith.addi %add3A_420, %add3A_421 : i32
    %dma_start3A_423 = arith.constant 1 : i32
    %dma_start3A_424 = tpu.memref_slice %arg10[%dma_start3A_423] : memref<5x!tpu.dma_semaphore, #tpu.memory_space<semaphore_mem>> -> memref<1x!tpu.dma_semaphore, #tpu.memory_space<semaphore_mem>>
    %dma_start3A_425 = tpu.memref_squeeze %dma_start3A_424 : memref<1x!tpu.dma_semaphore, #tpu.memory_space<semaphore_mem>> -> memref<!tpu.dma_semaphore, #tpu.memory_space<semaphore_mem>>
    %dma_start3A_426 = arith.constant 0 : i32
    %dma_start3A_427 = tpu.memref_slice %arg5[%add3A_422, %dma_start3A_426] : memref<16384x4096xf32, #tpu.memory_space<hbm>> -> memref<1x4096xf32, #tpu.memory_space<hbm>>
    %dma_start3A_428 = arith.constant 0 : i32
    %dma_start3A_429 = tpu.memref_slice %arg9[%squeeze3A_418, %dma_start3A_428] : memref<128x4096xf32, #tpu.memory_space<vmem_shared>> -> memref<1x4096xf32, #tpu.memory_space<vmem_shared>>
    tpu.enqueue_dma source(%dma_start3A_429 : memref<1x4096xf32, #tpu.memory_space<vmem_shared>>) target(%dma_start3A_427 : memref<1x4096xf32, #tpu.memory_space<hbm>>) target_semaphore(%dma_start3A_425 : memref<!tpu.dma_semaphore, #tpu.memory_space<semaphore_mem>>)
    %slice3A_430 = vector.extract_strided_slice %get3A_247 {offsets = [14], sizes = [1], strides = [1]} : vector<16xi32> to vector<1xi32>
    %squeeze3A_431 = vector.extract %slice3A_430[0] : i32 from vector<1xi32>
    %add3A_432 = arith.constant 16 : i32
    %add3A_433 = arith.addi %mul3A_2, %add3A_432 : i32
    %add3A_434 = arith.constant 14 : i32
    %add3A_435 = arith.addi %add3A_433, %add3A_434 : i32
    %dma_start3A_436 = arith.constant 1 : i32
    %dma_start3A_437 = tpu.memref_slice %arg10[%dma_start3A_436] : memref<5x!tpu.dma_semaphore, #tpu.memory_space<semaphore_mem>> -> memref<1x!tpu.dma_semaphore, #tpu.memory_space<semaphore_mem>>
    %dma_start3A_438 = tpu.memref_squeeze %dma_start3A_437 : memref<1x!tpu.dma_semaphore, #tpu.memory_space<semaphore_mem>> -> memref<!tpu.dma_semaphore, #tpu.memory_space<semaphore_mem>>
    %dma_start3A_439 = arith.constant 0 : i32
    %dma_start3A_440 = tpu.memref_slice %arg5[%add3A_435, %dma_start3A_439] : memref<16384x4096xf32, #tpu.memory_space<hbm>> -> memref<1x4096xf32, #tpu.memory_space<hbm>>
    %dma_start3A_441 = arith.constant 0 : i32
    %dma_start3A_442 = tpu.memref_slice %arg9[%squeeze3A_431, %dma_start3A_441] : memref<128x4096xf32, #tpu.memory_space<vmem_shared>> -> memref<1x4096xf32, #tpu.memory_space<vmem_shared>>
    tpu.enqueue_dma source(%dma_start3A_442 : memref<1x4096xf32, #tpu.memory_space<vmem_shared>>) target(%dma_start3A_440 : memref<1x4096xf32, #tpu.memory_space<hbm>>) target_semaphore(%dma_start3A_438 : memref<!tpu.dma_semaphore, #tpu.memory_space<semaphore_mem>>)
    %slice3A_443 = vector.extract_strided_slice %get3A_247 {offsets = [15], sizes = [1], strides = [1]} : vector<16xi32> to vector<1xi32>
    %squeeze3A_444 = vector.extract %slice3A_443[0] : i32 from vector<1xi32>
    %add3A_445 = arith.constant 16 : i32
    %add3A_446 = arith.addi %mul3A_2, %add3A_445 : i32
    %add3A_447 = arith.constant 15 : i32
    %add3A_448 = arith.addi %add3A_446, %add3A_447 : i32
    %dma_start3A_449 = arith.constant 1 : i32
    %dma_start3A_450 = tpu.memref_slice %arg10[%dma_start3A_449] : memref<5x!tpu.dma_semaphore, #tpu.memory_space<semaphore_mem>> -> memref<1x!tpu.dma_semaphore, #tpu.memory_space<semaphore_mem>>
    %dma_start3A_451 = tpu.memref_squeeze %dma_start3A_450 : memref<1x!tpu.dma_semaphore, #tpu.memory_space<semaphore_mem>> -> memref<!tpu.dma_semaphore, #tpu.memory_space<semaphore_mem>>
    %dma_start3A_452 = arith.constant 0 : i32
    %dma_start3A_453 = tpu.memref_slice %arg5[%add3A_448, %dma_start3A_452] : memref<16384x4096xf32, #tpu.memory_space<hbm>> -> memref<1x4096xf32, #tpu.memory_space<hbm>>
    %dma_start3A_454 = arith.constant 0 : i32
    %dma_start3A_455 = tpu.memref_slice %arg9[%squeeze3A_444, %dma_start3A_454] : memref<128x4096xf32, #tpu.memory_space<vmem_shared>> -> memref<1x4096xf32, #tpu.memory_space<vmem_shared>>
    tpu.enqueue_dma source(%dma_start3A_455 : memref<1x4096xf32, #tpu.memory_space<vmem_shared>>) target(%dma_start3A_453 : memref<1x4096xf32, #tpu.memory_space<hbm>>) target_semaphore(%dma_start3A_451 : memref<!tpu.dma_semaphore, #tpu.memory_space<semaphore_mem>>)
    %multiple_of3A_456 = arith.constant 32 : i32
    %multiple_of3A_457 = tpu.assume_multiple %multiple_of3A_456, 16 : i32
    %get3A_458 = arith.index_cast %multiple_of3A_457 : i32 to index
    %get3A_459 = tpu.vector_load %arg6[%get3A_458] {strides = array<i32>} : memref<512xi32, #tpu.memory_space<vmem>>, vector<16xi32>,
    %get3A_460 = vector.shape_cast %get3A_459 : vector<16xi32> to vector<16xi32>
    %slice3A_461 = vector.extract_strided_slice %get3A_460 {offsets = [0], sizes = [1], strides = [1]} : vector<16xi32> to vector<1xi32>
    %squeeze3A_462 = vector.extract %slice3A_461[0] : i32 from vector<1xi32>
    %add3A_463 = arith.constant 32 : i32
    %add3A_464 = arith.addi %mul3A_2, %add3A_463 : i32
    %add3A_465 = arith.constant 0 : i32
    %add3A_466 = arith.addi %add3A_464, %add3A_465 : i32
    %dma_start3A_467 = arith.constant 2 : i32
    %dma_start3A_468 = tpu.memref_slice %arg10[%dma_start3A_467] : memref<5x!tpu.dma_semaphore, #tpu.memory_space<semaphore_mem>> -> memref<1x!tpu.dma_semaphore, #tpu.memory_space<semaphore_mem>>
    %dma_start3A_469 = tpu.memref_squeeze %dma_start3A_468 : memref<1x!tpu.dma_semaphore, #tpu.memory_space<semaphore_mem>> -> memref<!tpu.dma_semaphore, #tpu.memory_space<semaphore_mem>>
    %dma_start3A_470 = arith.constant 0 : i32
    %dma_start3A_471 = tpu.memref_slice %arg5[%add3A_466, %dma_start3A_470] : memref<16384x4096xf32, #tpu.memory_space<hbm>> -> memref<1x4096xf32, #tpu.memory_space<hbm>>
    %dma_start3A_472 = arith.constant 0 : i32
    %dma_start3A_473 = tpu.memref_slice %arg9[%squeeze3A_462, %dma_start3A_472] : memref<128x4096xf32, #tpu.memory_space<vmem_shared>> -> memref<1x4096xf32, #tpu.memory_space<vmem_shared>>
    tpu.enqueue_dma source(%dma_start3A_473 : memref<1x4096xf32, #tpu.memory_space<vmem_shared>>) target(%dma_start3A_471 : memref<1x4096xf32, #tpu.memory_space<hbm>>) target_semaphore(%dma_start3A_469 : memref<!tpu.dma_semaphore, #tpu.memory_space<semaphore_mem>>)
    %slice3A_474 = vector.extract_strided_slice %get3A_460 {offsets = [1], sizes = [1], strides = [1]} : vector<16xi32> to vector<1xi32>
    %squeeze3A_475 = vector.extract %slice3A_474[0] : i32 from vector<1xi32>
    %add3A_476 = arith.constant 32 : i32
    %add3A_477 = arith.addi %mul3A_2, %add3A_476 : i32
    %add3A_478 = arith.constant 1 : i32
    %add3A_479 = arith.addi %add3A_477, %add3A_478 : i32
    %dma_start3A_480 = arith.constant 2 : i32
    %dma_start3A_481 = tpu.memref_slice %arg10[%dma_start3A_480] : memref<5x!tpu.dma_semaphore, #tpu.memory_space<semaphore_mem>> -> memref<1x!tpu.dma_semaphore, #tpu.memory_space<semaphore_mem>>
    %dma_start3A_482 = tpu.memref_squeeze %dma_start3A_481 : memref<1x!tpu.dma_semaphore, #tpu.memory_space<semaphore_mem>> -> memref<!tpu.dma_semaphore, #tpu.memory_space<semaphore_mem>>
    %dma_start3A_483 = arith.constant 0 : i32
    %dma_start3A_484 = tpu.memref_slice %arg5[%add3A_479, %dma_start3A_483] : memref<16384x4096xf32, #tpu.memory_space<hbm>> -> memref<1x4096xf32, #tpu.memory_space<hbm>>
    %dma_start3A_485 = arith.constant 0 : i32
    %dma_start3A_486 = tpu.memref_slice %arg9[%squeeze3A_475, %dma_start3A_485] : memref<128x4096xf32, #tpu.memory_space<vmem_shared>> -> memref<1x4096xf32, #tpu.memory_space<vmem_shared>>
    tpu.enqueue_dma source(%dma_start3A_486 : memref<1x4096xf32, #tpu.memory_space<vmem_shared>>) target(%dma_start3A_484 : memref<1x4096xf32, #tpu.memory_space<hbm>>) target_semaphore(%dma_start3A_482 : memref<!tpu.dma_semaphore, #tpu.memory_space<semaphore_mem>>)
    %slice3A_487 = vector.extract_strided_slice %get3A_460 {offsets = [2], sizes = [1], strides = [1]} : vector<16xi32> to vector<1xi32>
    %squeeze3A_488 = vector.extract %slice3A_487[0] : i32 from vector<1xi32>
    %add3A_489 = arith.constant 32 : i32
    %add3A_490 = arith.addi %mul3A_2, %add3A_489 : i32
    %add3A_491 = arith.constant 2 : i32
    %add3A_492 = arith.addi %add3A_490, %add3A_491 : i32
    %dma_start3A_493 = arith.constant 2 : i32
    %dma_start3A_494 = tpu.memref_slice %arg10[%dma_start3A_493] : memref<5x!tpu.dma_semaphore, #tpu.memory_space<semaphore_mem>> -> memref<1x!tpu.dma_semaphore, #tpu.memory_space<semaphore_mem>>
    %dma_start3A_495 = tpu.memref_squeeze %dma_start3A_494 : memref<1x!tpu.dma_semaphore, #tpu.memory_space<semaphore_mem>> -> memref<!tpu.dma_semaphore, #tpu.memory_space<semaphore_mem>>
    %dma_start3A_496 = arith.constant 0 : i32
    %dma_start3A_497 = tpu.memref_slice %arg5[%add3A_492, %dma_start3A_496] : memref<16384x4096xf32, #tpu.memory_space<hbm>> -> memref<1x4096xf32, #tpu.memory_space<hbm>>
    %dma_start3A_498 = arith.constant 0 : i32
    %dma_start3A_499 = tpu.memref_slice %arg9[%squeeze3A_488, %dma_start3A_498] : memref<128x4096xf32, #tpu.memory_space<vmem_shared>> -> memref<1x4096xf32, #tpu.memory_space<vmem_shared>>
    tpu.enqueue_dma source(%dma_start3A_499 : memref<1x4096xf32, #tpu.memory_space<vmem_shared>>) target(%dma_start3A_497 : memref<1x4096xf32, #tpu.memory_space<hbm>>) target_semaphore(%dma_start3A_495 : memref<!tpu.dma_semaphore, #tpu.memory_space<semaphore_mem>>)
    %slice3A_500 = vector.extract_strided_slice %get3A_460 {offsets = [3], sizes = [1], strides = [1]} : vector<16xi32> to vector<1xi32>
    %squeeze3A_501 = vector.extract %slice3A_500[0] : i32 from vector<1xi32>
    %add3A_502 = arith.constant 32 : i32
    %add3A_503 = arith.addi %mul3A_2, %add3A_502 : i32
    %add3A_504 = arith.constant 3 : i32
    %add3A_505 = arith.addi %add3A_503, %add3A_504 : i32
    %dma_start3A_506 = arith.constant 2 : i32
    %dma_start3A_507 = tpu.memref_slice %arg10[%dma_start3A_506] : memref<5x!tpu.dma_semaphore, #tpu.memory_space<semaphore_mem>> -> memref<1x!tpu.dma_semaphore, #tpu.memory_space<semaphore_mem>>
    %dma_start3A_508 = tpu.memref_squeeze %dma_start3A_507 : memref<1x!tpu.dma_semaphore, #tpu.memory_space<semaphore_mem>> -> memref<!tpu.dma_semaphore, #tpu.memory_space<semaphore_mem>>
    %dma_start3A_509 = arith.constant 0 : i32
    %dma_start3A_510 = tpu.memref_slice %arg5[%add3A_505, %dma_start3A_509] : memref<16384x4096xf32, #tpu.memory_space<hbm>> -> memref<1x4096xf32, #tpu.memory_space<hbm>>
    %dma_start3A_511 = arith.constant 0 : i32
    %dma_start3A_512 = tpu.memref_slice %arg9[%squeeze3A_501, %dma_start3A_511] : memref<128x4096xf32, #tpu.memory_space<vmem_shared>> -> memref<1x4096xf32, #tpu.memory_space<vmem_shared>>
    tpu.enqueue_dma source(%dma_start3A_512 : memref<1x4096xf32, #tpu.memory_space<vmem_shared>>) target(%dma_start3A_510 : memref<1x4096xf32, #tpu.memory_space<hbm>>) target_semaphore(%dma_start3A_508 : memref<!tpu.dma_semaphore, #tpu.memory_space<semaphore_mem>>)
    %slice3A_513 = vector.extract_strided_slice %get3A_460 {offsets = [4], sizes = [1], strides = [1]} : vector<16xi32> to vector<1xi32>
    %squeeze3A_514 = vector.extract %slice3A_513[0] : i32 from vector<1xi32>
    %add3A_515 = arith.constant 32 : i32
    %add3A_516 = arith.addi %mul3A_2, %add3A_515 : i32
    %add3A_517 = arith.constant 4 : i32
    %add3A_518 = arith.addi %add3A_516, %add3A_517 : i32
    %dma_start3A_519 = arith.constant 2 : i32
    %dma_start3A_520 = tpu.memref_slice %arg10[%dma_start3A_519] : memref<5x!tpu.dma_semaphore, #tpu.memory_space<semaphore_mem>> -> memref<1x!tpu.dma_semaphore, #tpu.memory_space<semaphore_mem>>
    %dma_start3A_521 = tpu.memref_squeeze %dma_start3A_520 : memref<1x!tpu.dma_semaphore, #tpu.memory_space<semaphore_mem>> -> memref<!tpu.dma_semaphore, #tpu.memory_space<semaphore_mem>>
    %dma_start3A_522 = arith.constant 0 : i32
    %dma_start3A_523 = tpu.memref_slice %arg5[%add3A_518, %dma_start3A_522] : memref<16384x4096xf32, #tpu.memory_space<hbm>> -> memref<1x4096xf32, #tpu.memory_space<hbm>>
    %dma_start3A_524 = arith.constant 0 : i32
    %dma_start3A_525 = tpu.memref_slice %arg9[%squeeze3A_514, %dma_start3A_524] : memref<128x4096xf32, #tpu.memory_space<vmem_shared>> -> memref<1x4096xf32, #tpu.memory_space<vmem_shared>>
    tpu.enqueue_dma source(%dma_start3A_525 : memref<1x4096xf32, #tpu.memory_space<vmem_shared>>) target(%dma_start3A_523 : memref<1x4096xf32, #tpu.memory_space<hbm>>) target_semaphore(%dma_start3A_521 : memref<!tpu.dma_semaphore, #tpu.memory_space<semaphore_mem>>)
    %slice3A_526 = vector.extract_strided_slice %get3A_460 {offsets = [5], sizes = [1], strides = [1]} : vector<16xi32> to vector<1xi32>
    %squeeze3A_527 = vector.extract %slice3A_526[0] : i32 from vector<1xi32>
    %add3A_528 = arith.constant 32 : i32
    %add3A_529 = arith.addi %mul3A_2, %add3A_528 : i32
    %add3A_530 = arith.constant 5 : i32
    %add3A_531 = arith.addi %add3A_529, %add3A_530 : i32
    %dma_start3A_532 = arith.constant 2 : i32
    %dma_start3A_533 = tpu.memref_slice %arg10[%dma_start3A_532] : memref<5x!tpu.dma_semaphore, #tpu.memory_space<semaphore_mem>> -> memref<1x!tpu.dma_semaphore, #tpu.memory_space<semaphore_mem>>
    %dma_start3A_534 = tpu.memref_squeeze %dma_start3A_533 : memref<1x!tpu.dma_semaphore, #tpu.memory_space<semaphore_mem>> -> memref<!tpu.dma_semaphore, #tpu.memory_space<semaphore_mem>>
    %dma_start3A_535 = arith.constant 0 : i32
    %dma_start3A_536 = tpu.memref_slice %arg5[%add3A_531, %dma_start3A_535] : memref<16384x4096xf32, #tpu.memory_space<hbm>> -> memref<1x4096xf32, #tpu.memory_space<hbm>>
    %dma_start3A_537 = arith.constant 0 : i32
    %dma_start3A_538 = tpu.memref_slice %arg9[%squeeze3A_527, %dma_start3A_537] : memref<128x4096xf32, #tpu.memory_space<vmem_shared>> -> memref<1x4096xf32, #tpu.memory_space<vmem_shared>>
    tpu.enqueue_dma source(%dma_start3A_538 : memref<1x4096xf32, #tpu.memory_space<vmem_shared>>) target(%dma_start3A_536 : memref<1x4096xf32, #tpu.memory_space<hbm>>) target_semaphore(%dma_start3A_534 : memref<!tpu.dma_semaphore, #tpu.memory_space<semaphore_mem>>)
    %slice3A_539 = vector.extract_strided_slice %get3A_460 {offsets = [6], sizes = [1], strides = [1]} : vector<16xi32> to vector<1xi32>
    %squeeze3A_540 = vector.extract %slice3A_539[0] : i32 from vector<1xi32>
    %add3A_541 = arith.constant 32 : i32
    %add3A_542 = arith.addi %mul3A_2, %add3A_541 : i32
    %add3A_543 = arith.constant 6 : i32
    %add3A_544 = arith.addi %add3A_542, %add3A_543 : i32
    %dma_start3A_545 = arith.constant 2 : i32
    %dma_start3A_546 = tpu.memref_slice %arg10[%dma_start3A_545] : memref<5x!tpu.dma_semaphore, #tpu.memory_space<semaphore_mem>> -> memref<1x!tpu.dma_semaphore, #tpu.memory_space<semaphore_mem>>
    %dma_start3A_547 = tpu.memref_squeeze %dma_start3A_546 : memref<1x!tpu.dma_semaphore, #tpu.memory_space<semaphore_mem>> -> memref<!tpu.dma_semaphore, #tpu.memory_space<semaphore_mem>>
    %dma_start3A_548 = arith.constant 0 : i32
    %dma_start3A_549 = tpu.memref_slice %arg5[%add3A_544, %dma_start3A_548] : memref<16384x4096xf32, #tpu.memory_space<hbm>> -> memref<1x4096xf32, #tpu.memory_space<hbm>>
    %dma_start3A_550 = arith.constant 0 : i32
    %dma_start3A_551 = tpu.memref_slice %arg9[%squeeze3A_540, %dma_start3A_550] : memref<128x4096xf32, #tpu.memory_space<vmem_shared>> -> memref<1x4096xf32, #tpu.memory_space<vmem_shared>>
    tpu.enqueue_dma source(%dma_start3A_551 : memref<1x4096xf32, #tpu.memory_space<vmem_shared>>) target(%dma_start3A_549 : memref<1x4096xf32, #tpu.memory_space<hbm>>) target_semaphore(%dma_start3A_547 : memref<!tpu.dma_semaphore, #tpu.memory_space<semaphore_mem>>)
    %slice3A_552 = vector.extract_strided_slice %get3A_460 {offsets = [7], sizes = [1], strides = [1]} : vector<16xi32> to vector<1xi32>
    %squeeze3A_553 = vector.extract %slice3A_552[0] : i32 from vector<1xi32>
    %add3A_554 = arith.constant 32 : i32
    %add3A_555 = arith.addi %mul3A_2, %add3A_554 : i32
    %add3A_556 = arith.constant 7 : i32
    %add3A_557 = arith.addi %add3A_555, %add3A_556 : i32
    %dma_start3A_558 = arith.constant 2 : i32
    %dma_start3A_559 = tpu.memref_slice %arg10[%dma_start3A_558] : memref<5x!tpu.dma_semaphore, #tpu.memory_space<semaphore_mem>> -> memref<1x!tpu.dma_semaphore, #tpu.memory_space<semaphore_mem>>
    %dma_start3A_560 = tpu.memref_squeeze %dma_start3A_559 : memref<1x!tpu.dma_semaphore, #tpu.memory_space<semaphore_mem>> -> memref<!tpu.dma_semaphore, #tpu.memory_space<semaphore_mem>>
    %dma_start3A_561 = arith.constant 0 : i32
    %dma_start3A_562 = tpu.memref_slice %arg5[%add3A_557, %dma_start3A_561] : memref<16384x4096xf32, #tpu.memory_space<hbm>> -> memref<1x4096xf32, #tpu.memory_space<hbm>>
    %dma_start3A_563 = arith.constant 0 : i32
    %dma_start3A_564 = tpu.memref_slice %arg9[%squeeze3A_553, %dma_start3A_563] : memref<128x4096xf32, #tpu.memory_space<vmem_shared>> -> memref<1x4096xf32, #tpu.memory_space<vmem_shared>>
    tpu.enqueue_dma source(%dma_start3A_564 : memref<1x4096xf32, #tpu.memory_space<vmem_shared>>) target(%dma_start3A_562 : memref<1x4096xf32, #tpu.memory_space<hbm>>) target_semaphore(%dma_start3A_560 : memref<!tpu.dma_semaphore, #tpu.memory_space<semaphore_mem>>)
    %slice3A_565 = vector.extract_strided_slice %get3A_460 {offsets = [8], sizes = [1], strides = [1]} : vector<16xi32> to vector<1xi32>
    %squeeze3A_566 = vector.extract %slice3A_565[0] : i32 from vector<1xi32>
    %add3A_567 = arith.constant 32 : i32
    %add3A_568 = arith.addi %mul3A_2, %add3A_567 : i32
    %add3A_569 = arith.constant 8 : i32
    %add3A_570 = arith.addi %add3A_568, %add3A_569 : i32
    %dma_start3A_571 = arith.constant 2 : i32
    %dma_start3A_572 = tpu.memref_slice %arg10[%dma_start3A_571] : memref<5x!tpu.dma_semaphore, #tpu.memory_space<semaphore_mem>> -> memref<1x!tpu.dma_semaphore, #tpu.memory_space<semaphore_mem>>
    %dma_start3A_573 = tpu.memref_squeeze %dma_start3A_572 : memref<1x!tpu.dma_semaphore, #tpu.memory_space<semaphore_mem>> -> memref<!tpu.dma_semaphore, #tpu.memory_space<semaphore_mem>>
    %dma_start3A_574 = arith.constant 0 : i32
    %dma_start3A_575 = tpu.memref_slice %arg5[%add3A_570, %dma_start3A_574] : memref<16384x4096xf32, #tpu.memory_space<hbm>> -> memref<1x4096xf32, #tpu.memory_space<hbm>>
    %dma_start3A_576 = arith.constant 0 : i32
    %dma_start3A_577 = tpu.memref_slice %arg9[%squeeze3A_566, %dma_start3A_576] : memref<128x4096xf32, #tpu.memory_space<vmem_shared>> -> memref<1x4096xf32, #tpu.memory_space<vmem_shared>>
    tpu.enqueue_dma source(%dma_start3A_577 : memref<1x4096xf32, #tpu.memory_space<vmem_shared>>) target(%dma_start3A_575 : memref<1x4096xf32, #tpu.memory_space<hbm>>) target_semaphore(%dma_start3A_573 : memref<!tpu.dma_semaphore, #tpu.memory_space<semaphore_mem>>)
    %slice3A_578 = vector.extract_strided_slice %get3A_460 {offsets = [9], sizes = [1], strides = [1]} : vector<16xi32> to vector<1xi32>
    %squeeze3A_579 = vector.extract %slice3A_578[0] : i32 from vector<1xi32>
    %add3A_580 = arith.constant 32 : i32
    %add3A_581 = arith.addi %mul3A_2, %add3A_580 : i32
    %add3A_582 = arith.constant 9 : i32
    %add3A_583 = arith.addi %add3A_581, %add3A_582 : i32
    %dma_start3A_584 = arith.constant 2 : i32
    %dma_start3A_585 = tpu.memref_slice %arg10[%dma_start3A_584] : memref<5x!tpu.dma_semaphore, #tpu.memory_space<semaphore_mem>> -> memref<1x!tpu.dma_semaphore, #tpu.memory_space<semaphore_mem>>
    %dma_start3A_586 = tpu.memref_squeeze %dma_start3A_585 : memref<1x!tpu.dma_semaphore, #tpu.memory_space<semaphore_mem>> -> memref<!tpu.dma_semaphore, #tpu.memory_space<semaphore_mem>>
    %dma_start3A_587 = arith.constant 0 : i32
    %dma_start3A_588 = tpu.memref_slice %arg5[%add3A_583, %dma_start3A_587] : memref<16384x4096xf32, #tpu.memory_space<hbm>> -> memref<1x4096xf32, #tpu.memory_space<hbm>>
    %dma_start3A_589 = arith.constant 0 : i32
    %dma_start3A_590 = tpu.memref_slice %arg9[%squeeze3A_579, %dma_start3A_589] : memref<128x4096xf32, #tpu.memory_space<vmem_shared>> -> memref<1x4096xf32, #tpu.memory_space<vmem_shared>>
    tpu.enqueue_dma source(%dma_start3A_590 : memref<1x4096xf32, #tpu.memory_space<vmem_shared>>) target(%dma_start3A_588 : memref<1x4096xf32, #tpu.memory_space<hbm>>) target_semaphore(%dma_start3A_586 : memref<!tpu.dma_semaphore, #tpu.memory_space<semaphore_mem>>)
    %slice3A_591 = vector.extract_strided_slice %get3A_460 {offsets = [10], sizes = [1], strides = [1]} : vector<16xi32> to vector<1xi32>
    %squeeze3A_592 = vector.extract %slice3A_591[0] : i32 from vector<1xi32>
    %add3A_593 = arith.constant 32 : i32
    %add3A_594 = arith.addi %mul3A_2, %add3A_593 : i32
    %add3A_595 = arith.constant 10 : i32
    %add3A_596 = arith.addi %add3A_594, %add3A_595 : i32
    %dma_start3A_597 = arith.constant 2 : i32
    %dma_start3A_598 = tpu.memref_slice %arg10[%dma_start3A_597] : memref<5x!tpu.dma_semaphore, #tpu.memory_space<semaphore_mem>> -> memref<1x!tpu.dma_semaphore, #tpu.memory_space<semaphore_mem>>
    %dma_start3A_599 = tpu.memref_squeeze %dma_start3A_598 : memref<1x!tpu.dma_semaphore, #tpu.memory_space<semaphore_mem>> -> memref<!tpu.dma_semaphore, #tpu.memory_space<semaphore_mem>>
    %dma_start3A_600 = arith.constant 0 : i32
    %dma_start3A_601 = tpu.memref_slice %arg5[%add3A_596, %dma_start3A_600] : memref<16384x4096xf32, #tpu.memory_space<hbm>> -> memref<1x4096xf32, #tpu.memory_space<hbm>>
    %dma_start3A_602 = arith.constant 0 : i32
    %dma_start3A_603 = tpu.memref_slice %arg9[%squeeze3A_592, %dma_start3A_602] : memref<128x4096xf32, #tpu.memory_space<vmem_shared>> -> memref<1x4096xf32, #tpu.memory_space<vmem_shared>>
    tpu.enqueue_dma source(%dma_start3A_603 : memref<1x4096xf32, #tpu.memory_space<vmem_shared>>) target(%dma_start3A_601 : memref<1x4096xf32, #tpu.memory_space<hbm>>) target_semaphore(%dma_start3A_599 : memref<!tpu.dma_semaphore, #tpu.memory_space<semaphore_mem>>)
    %slice3A_604 = vector.extract_strided_slice %get3A_460 {offsets = [11], sizes = [1], strides = [1]} : vector<16xi32> to vector<1xi32>
    %squeeze3A_605 = vector.extract %slice3A_604[0] : i32 from vector<1xi32>
    %add3A_606 = arith.constant 32 : i32
    %add3A_607 = arith.addi %mul3A_2, %add3A_606 : i32
    %add3A_608 = arith.constant 11 : i32
    %add3A_609 = arith.addi %add3A_607, %add3A_608 : i32
    %dma_start3A_610 = arith.constant 2 : i32
    %dma_start3A_611 = tpu.memref_slice %arg10[%dma_start3A_610] : memref<5x!tpu.dma_semaphore, #tpu.memory_space<semaphore_mem>> -> memref<1x!tpu.dma_semaphore, #tpu.memory_space<semaphore_mem>>
    %dma_start3A_612 = tpu.memref_squeeze %dma_start3A_611 : memref<1x!tpu.dma_semaphore, #tpu.memory_space<semaphore_mem>> -> memref<!tpu.dma_semaphore, #tpu.memory_space<semaphore_mem>>
    %dma_start3A_613 = arith.constant 0 : i32
    %dma_start3A_614 = tpu.memref_slice %arg5[%add3A_609, %dma_start3A_613] : memref<16384x4096xf32, #tpu.memory_space<hbm>> -> memref<1x4096xf32, #tpu.memory_space<hbm>>
    %dma_start3A_615 = arith.constant 0 : i32
    %dma_start3A_616 = tpu.memref_slice %arg9[%squeeze3A_605, %dma_start3A_615] : memref<128x4096xf32, #tpu.memory_space<vmem_shared>> -> memref<1x4096xf32, #tpu.memory_space<vmem_shared>>
    tpu.enqueue_dma source(%dma_start3A_616 : memref<1x4096xf32, #tpu.memory_space<vmem_shared>>) target(%dma_start3A_614 : memref<1x4096xf32, #tpu.memory_space<hbm>>) target_semaphore(%dma_start3A_612 : memref<!tpu.dma_semaphore, #tpu.memory_space<semaphore_mem>>)
    %slice3A_617 = vector.extract_strided_slice %get3A_460 {offsets = [12], sizes = [1], strides = [1]} : vector<16xi32> to vector<1xi32>
    %squeeze3A_618 = vector.extract %slice3A_617[0] : i32 from vector<1xi32>
    %add3A_619 = arith.constant 32 : i32
    %add3A_620 = arith.addi %mul3A_2, %add3A_619 : i32
    %add3A_621 = arith.constant 12 : i32
    %add3A_622 = arith.addi %add3A_620, %add3A_621 : i32
    %dma_start3A_623 = arith.constant 2 : i32
    %dma_start3A_624 = tpu.memref_slice %arg10[%dma_start3A_623] : memref<5x!tpu.dma_semaphore, #tpu.memory_space<semaphore_mem>> -> memref<1x!tpu.dma_semaphore, #tpu.memory_space<semaphore_mem>>
    %dma_start3A_625 = tpu.memref_squeeze %dma_start3A_624 : memref<1x!tpu.dma_semaphore, #tpu.memory_space<semaphore_mem>> -> memref<!tpu.dma_semaphore, #tpu.memory_space<semaphore_mem>>
    %dma_start3A_626 = arith.constant 0 : i32
    %dma_start3A_627 = tpu.memref_slice %arg5[%add3A_622, %dma_start3A_626] : memref<16384x4096xf32, #tpu.memory_space<hbm>> -> memref<1x4096xf32, #tpu.memory_space<hbm>>
    %dma_start3A_628 = arith.constant 0 : i32
    %dma_start3A_629 = tpu.memref_slice %arg9[%squeeze3A_618, %dma_start3A_628] : memref<128x4096xf32, #tpu.memory_space<vmem_shared>> -> memref<1x4096xf32, #tpu.memory_space<vmem_shared>>
    tpu.enqueue_dma source(%dma_start3A_629 : memref<1x4096xf32, #tpu.memory_space<vmem_shared>>) target(%dma_start3A_627 : memref<1x4096xf32, #tpu.memory_space<hbm>>) target_semaphore(%dma_start3A_625 : memref<!tpu.dma_semaphore, #tpu.memory_space<semaphore_mem>>)
    %slice3A_630 = vector.extract_strided_slice %get3A_460 {offsets = [13], sizes = [1], strides = [1]} : vector<16xi32> to vector<1xi32>
    %squeeze3A_631 = vector.extract %slice3A_630[0] : i32 from vector<1xi32>
    %add3A_632 = arith.constant 32 : i32
    %add3A_633 = arith.addi %mul3A_2, %add3A_632 : i32
    %add3A_634 = arith.constant 13 : i32
    %add3A_635 = arith.addi %add3A_633, %add3A_634 : i32
    %dma_start3A_636 = arith.constant 2 : i32
    %dma_start3A_637 = tpu.memref_slice %arg10[%dma_start3A_636] : memref<5x!tpu.dma_semaphore, #tpu.memory_space<semaphore_mem>> -> memref<1x!tpu.dma_semaphore, #tpu.memory_space<semaphore_mem>>
    %dma_start3A_638 = tpu.memref_squeeze %dma_start3A_637 : memref<1x!tpu.dma_semaphore, #tpu.memory_space<semaphore_mem>> -> memref<!tpu.dma_semaphore, #tpu.memory_space<semaphore_mem>>
    %dma_start3A_639 = arith.constant 0 : i32
    %dma_start3A_640 = tpu.memref_slice %arg5[%add3A_635, %dma_start3A_639] : memref<16384x4096xf32, #tpu.memory_space<hbm>> -> memref<1x4096xf32, #tpu.memory_space<hbm>>
    %dma_start3A_641 = arith.constant 0 : i32
    %dma_start3A_642 = tpu.memref_slice %arg9[%squeeze3A_631, %dma_start3A_641] : memref<128x4096xf32, #tpu.memory_space<vmem_shared>> -> memref<1x4096xf32, #tpu.memory_space<vmem_shared>>
    tpu.enqueue_dma source(%dma_start3A_642 : memref<1x4096xf32, #tpu.memory_space<vmem_shared>>) target(%dma_start3A_640 : memref<1x4096xf32, #tpu.memory_space<hbm>>) target_semaphore(%dma_start3A_638 : memref<!tpu.dma_semaphore, #tpu.memory_space<semaphore_mem>>)
    %slice3A_643 = vector.extract_strided_slice %get3A_460 {offsets = [14], sizes = [1], strides = [1]} : vector<16xi32> to vector<1xi32>
    %squeeze3A_644 = vector.extract %slice3A_643[0] : i32 from vector<1xi32>
    %add3A_645 = arith.constant 32 : i32
    %add3A_646 = arith.addi %mul3A_2, %add3A_645 : i32
    %add3A_647 = arith.constant 14 : i32
    %add3A_648 = arith.addi %add3A_646, %add3A_647 : i32
    %dma_start3A_649 = arith.constant 2 : i32
    %dma_start3A_650 = tpu.memref_slice %arg10[%dma_start3A_649] : memref<5x!tpu.dma_semaphore, #tpu.memory_space<semaphore_mem>> -> memref<1x!tpu.dma_semaphore, #tpu.memory_space<semaphore_mem>>
    %dma_start3A_651 = tpu.memref_squeeze %dma_start3A_650 : memref<1x!tpu.dma_semaphore, #tpu.memory_space<semaphore_mem>> -> memref<!tpu.dma_semaphore, #tpu.memory_space<semaphore_mem>>
    %dma_start3A_652 = arith.constant 0 : i32
    %dma_start3A_653 = tpu.memref_slice %arg5[%add3A_648, %dma_start3A_652] : memref<16384x4096xf32, #tpu.memory_space<hbm>> -> memref<1x4096xf32, #tpu.memory_space<hbm>>
    %dma_start3A_654 = arith.constant 0 : i32
    %dma_start3A_655 = tpu.memref_slice %arg9[%squeeze3A_644, %dma_start3A_654] : memref<128x4096xf32, #tpu.memory_space<vmem_shared>> -> memref<1x4096xf32, #tpu.memory_space<vmem_shared>>
    tpu.enqueue_dma source(%dma_start3A_655 : memref<1x4096xf32, #tpu.memory_space<vmem_shared>>) target(%dma_start3A_653 : memref<1x4096xf32, #tpu.memory_space<hbm>>) target_semaphore(%dma_start3A_651 : memref<!tpu.dma_semaphore, #tpu.memory_space<semaphore_mem>>)
    %slice3A_656 = vector.extract_strided_slice %get3A_460 {offsets = [15], sizes = [1], strides = [1]} : vector<16xi32> to vector<1xi32>
    %squeeze3A_657 = vector.extract %slice3A_656[0] : i32 from vector<1xi32>
    %add3A_658 = arith.constant 32 : i32
    %add3A_659 = arith.addi %mul3A_2, %add3A_658 : i32
    %add3A_660 = arith.constant 15 : i32
    %add3A_661 = arith.addi %add3A_659, %add3A_660 : i32
    %dma_start3A_662 = arith.constant 2 : i32
    %dma_start3A_663 = tpu.memref_slice %arg10[%dma_start3A_662] : memref<5x!tpu.dma_semaphore, #tpu.memory_space<semaphore_mem>> -> memref<1x!tpu.dma_semaphore, #tpu.memory_space<semaphore_mem>>
    %dma_start3A_664 = tpu.memref_squeeze %dma_start3A_663 : memref<1x!tpu.dma_semaphore, #tpu.memory_space<semaphore_mem>> -> memref<!tpu.dma_semaphore, #tpu.memory_space<semaphore_mem>>
    %dma_start3A_665 = arith.constant 0 : i32
    %dma_start3A_666 = tpu.memref_slice %arg5[%add3A_661, %dma_start3A_665] : memref<16384x4096xf32, #tpu.memory_space<hbm>> -> memref<1x4096xf32, #tpu.memory_space<hbm>>
    %dma_start3A_667 = arith.constant 0 : i32
    %dma_start3A_668 = tpu.memref_slice %arg9[%squeeze3A_657, %dma_start3A_667] : memref<128x4096xf32, #tpu.memory_space<vmem_shared>> -> memref<1x4096xf32, #tpu.memory_space<vmem_shared>>
    tpu.enqueue_dma source(%dma_start3A_668 : memref<1x4096xf32, #tpu.memory_space<vmem_shared>>) target(%dma_start3A_666 : memref<1x4096xf32, #tpu.memory_space<hbm>>) target_semaphore(%dma_start3A_664 : memref<!tpu.dma_semaphore, #tpu.memory_space<semaphore_mem>>)
    %multiple_of3A_669 = arith.constant 48 : i32
    %multiple_of3A_670 = tpu.assume_multiple %multiple_of3A_669, 16 : i32
    %get3A_671 = arith.index_cast %multiple_of3A_670 : i32 to index
    %get3A_672 = tpu.vector_load %arg6[%get3A_671] {strides = array<i32>} : memref<512xi32, #tpu.memory_space<vmem>>, vector<16xi32>,
    %get3A_673 = vector.shape_cast %get3A_672 : vector<16xi32> to vector<16xi32>
    %slice3A_674 = vector.extract_strided_slice %get3A_673 {offsets = [0], sizes = [1], strides = [1]} : vector<16xi32> to vector<1xi32>
    %squeeze3A_675 = vector.extract %slice3A_674[0] : i32 from vector<1xi32>
    %add3A_676 = arith.constant 48 : i32
    %add3A_677 = arith.addi %mul3A_2, %add3A_676 : i32
    %add3A_678 = arith.constant 0 : i32
    %add3A_679 = arith.addi %add3A_677, %add3A_678 : i32
    %dma_start3A_680 = arith.constant 3 : i32
    %dma_start3A_681 = tpu.memref_slice %arg10[%dma_start3A_680] : memref<5x!tpu.dma_semaphore, #tpu.memory_space<semaphore_mem>> -> memref<1x!tpu.dma_semaphore, #tpu.memory_space<semaphore_mem>>
    %dma_start3A_682 = tpu.memref_squeeze %dma_start3A_681 : memref<1x!tpu.dma_semaphore, #tpu.memory_space<semaphore_mem>> -> memref<!tpu.dma_semaphore, #tpu.memory_space<semaphore_mem>>
    %dma_start3A_683 = arith.constant 0 : i32
    %dma_start3A_684 = tpu.memref_slice %arg5[%add3A_679, %dma_start3A_683] : memref<16384x4096xf32, #tpu.memory_space<hbm>> -> memref<1x4096xf32, #tpu.memory_space<hbm>>
    %dma_start3A_685 = arith.constant 0 : i32
    %dma_start3A_686 = tpu.memref_slice %arg9[%squeeze3A_675, %dma_start3A_685] : memref<128x4096xf32, #tpu.memory_space<vmem_shared>> -> memref<1x4096xf32, #tpu.memory_space<vmem_shared>>
    tpu.enqueue_dma source(%dma_start3A_686 : memref<1x4096xf32, #tpu.memory_space<vmem_shared>>) target(%dma_start3A_684 : memref<1x4096xf32, #tpu.memory_space<hbm>>) target_semaphore(%dma_start3A_682 : memref<!tpu.dma_semaphore, #tpu.memory_space<semaphore_mem>>)
    %slice3A_687 = vector.extract_strided_slice %get3A_673 {offsets = [1], sizes = [1], strides = [1]} : vector<16xi32> to vector<1xi32>
    %squeeze3A_688 = vector.extract %slice3A_687[0] : i32 from vector<1xi32>
    %add3A_689 = arith.constant 48 : i32
    %add3A_690 = arith.addi %mul3A_2, %add3A_689 : i32
    %add3A_691 = arith.constant 1 : i32
    %add3A_692 = arith.addi %add3A_690, %add3A_691 : i32
    %dma_start3A_693 = arith.constant 3 : i32
    %dma_start3A_694 = tpu.memref_slice %arg10[%dma_start3A_693] : memref<5x!tpu.dma_semaphore, #tpu.memory_space<semaphore_mem>> -> memref<1x!tpu.dma_semaphore, #tpu.memory_space<semaphore_mem>>
    %dma_start3A_695 = tpu.memref_squeeze %dma_start3A_694 : memref<1x!tpu.dma_semaphore, #tpu.memory_space<semaphore_mem>> -> memref<!tpu.dma_semaphore, #tpu.memory_space<semaphore_mem>>
    %dma_start3A_696 = arith.constant 0 : i32
    %dma_start3A_697 = tpu.memref_slice %arg5[%add3A_692, %dma_start3A_696] : memref<16384x4096xf32, #tpu.memory_space<hbm>> -> memref<1x4096xf32, #tpu.memory_space<hbm>>
    %dma_start3A_698 = arith.constant 0 : i32
    %dma_start3A_699 = tpu.memref_slice %arg9[%squeeze3A_688, %dma_start3A_698] : memref<128x4096xf32, #tpu.memory_space<vmem_shared>> -> memref<1x4096xf32, #tpu.memory_space<vmem_shared>>
    tpu.enqueue_dma source(%dma_start3A_699 : memref<1x4096xf32, #tpu.memory_space<vmem_shared>>) target(%dma_start3A_697 : memref<1x4096xf32, #tpu.memory_space<hbm>>) target_semaphore(%dma_start3A_695 : memref<!tpu.dma_semaphore, #tpu.memory_space<semaphore_mem>>)
    %slice3A_700 = vector.extract_strided_slice %get3A_673 {offsets = [2], sizes = [1], strides = [1]} : vector<16xi32> to vector<1xi32>
    %squeeze3A_701 = vector.extract %slice3A_700[0] : i32 from vector<1xi32>
    %add3A_702 = arith.constant 48 : i32
    %add3A_703 = arith.addi %mul3A_2, %add3A_702 : i32
    %add3A_704 = arith.constant 2 : i32
    %add3A_705 = arith.addi %add3A_703, %add3A_704 : i32
    %dma_start3A_706 = arith.constant 3 : i32
    %dma_start3A_707 = tpu.memref_slice %arg10[%dma_start3A_706] : memref<5x!tpu.dma_semaphore, #tpu.memory_space<semaphore_mem>> -> memref<1x!tpu.dma_semaphore, #tpu.memory_space<semaphore_mem>>
    %dma_start3A_708 = tpu.memref_squeeze %dma_start3A_707 : memref<1x!tpu.dma_semaphore, #tpu.memory_space<semaphore_mem>> -> memref<!tpu.dma_semaphore, #tpu.memory_space<semaphore_mem>>
    %dma_start3A_709 = arith.constant 0 : i32
    %dma_start3A_710 = tpu.memref_slice %arg5[%add3A_705, %dma_start3A_709] : memref<16384x4096xf32, #tpu.memory_space<hbm>> -> memref<1x4096xf32, #tpu.memory_space<hbm>>
    %dma_start3A_711 = arith.constant 0 : i32
    %dma_start3A_712 = tpu.memref_slice %arg9[%squeeze3A_701, %dma_start3A_711] : memref<128x4096xf32, #tpu.memory_space<vmem_shared>> -> memref<1x4096xf32, #tpu.memory_space<vmem_shared>>
    tpu.enqueue_dma source(%dma_start3A_712 : memref<1x4096xf32, #tpu.memory_space<vmem_shared>>) target(%dma_start3A_710 : memref<1x4096xf32, #tpu.memory_space<hbm>>) target_semaphore(%dma_start3A_708 : memref<!tpu.dma_semaphore, #tpu.memory_space<semaphore_mem>>)
    %slice3A_713 = vector.extract_strided_slice %get3A_673 {offsets = [3], sizes = [1], strides = [1]} : vector<16xi32> to vector<1xi32>
    %squeeze3A_714 = vector.extract %slice3A_713[0] : i32 from vector<1xi32>
    %add3A_715 = arith.constant 48 : i32
    %add3A_716 = arith.addi %mul3A_2, %add3A_715 : i32
    %add3A_717 = arith.constant 3 : i32
    %add3A_718 = arith.addi %add3A_716, %add3A_717 : i32
    %dma_start3A_719 = arith.constant 3 : i32
    %dma_start3A_720 = tpu.memref_slice %arg10[%dma_start3A_719] : memref<5x!tpu.dma_semaphore, #tpu.memory_space<semaphore_mem>> -> memref<1x!tpu.dma_semaphore, #tpu.memory_space<semaphore_mem>>
    %dma_start3A_721 = tpu.memref_squeeze %dma_start3A_720 : memref<1x!tpu.dma_semaphore, #tpu.memory_space<semaphore_mem>> -> memref<!tpu.dma_semaphore, #tpu.memory_space<semaphore_mem>>
    %dma_start3A_722 = arith.constant 0 : i32
    %dma_start3A_723 = tpu.memref_slice %arg5[%add3A_718, %dma_start3A_722] : memref<16384x4096xf32, #tpu.memory_space<hbm>> -> memref<1x4096xf32, #tpu.memory_space<hbm>>
    %dma_start3A_724 = arith.constant 0 : i32
    %dma_start3A_725 = tpu.memref_slice %arg9[%squeeze3A_714, %dma_start3A_724] : memref<128x4096xf32, #tpu.memory_space<vmem_shared>> -> memref<1x4096xf32, #tpu.memory_space<vmem_shared>>
    tpu.enqueue_dma source(%dma_start3A_725 : memref<1x4096xf32, #tpu.memory_space<vmem_shared>>) target(%dma_start3A_723 : memref<1x4096xf32, #tpu.memory_space<hbm>>) target_semaphore(%dma_start3A_721 : memref<!tpu.dma_semaphore, #tpu.memory_space<semaphore_mem>>)
    %slice3A_726 = vector.extract_strided_slice %get3A_673 {offsets = [4], sizes = [1], strides = [1]} : vector<16xi32> to vector<1xi32>
    %squeeze3A_727 = vector.extract %slice3A_726[0] : i32 from vector<1xi32>
    %add3A_728 = arith.constant 48 : i32
    %add3A_729 = arith.addi %mul3A_2, %add3A_728 : i32
    %add3A_730 = arith.constant 4 : i32
    %add3A_731 = arith.addi %add3A_729, %add3A_730 : i32
    %dma_start3A_732 = arith.constant 3 : i32
    %dma_start3A_733 = tpu.memref_slice %arg10[%dma_start3A_732] : memref<5x!tpu.dma_semaphore, #tpu.memory_space<semaphore_mem>> -> memref<1x!tpu.dma_semaphore, #tpu.memory_space<semaphore_mem>>
    %dma_start3A_734 = tpu.memref_squeeze %dma_start3A_733 : memref<1x!tpu.dma_semaphore, #tpu.memory_space<semaphore_mem>> -> memref<!tpu.dma_semaphore, #tpu.memory_space<semaphore_mem>>
    %dma_start3A_735 = arith.constant 0 : i32
    %dma_start3A_736 = tpu.memref_slice %arg5[%add3A_731, %dma_start3A_735] : memref<16384x4096xf32, #tpu.memory_space<hbm>> -> memref<1x4096xf32, #tpu.memory_space<hbm>>
    %dma_start3A_737 = arith.constant 0 : i32
    %dma_start3A_738 = tpu.memref_slice %arg9[%squeeze3A_727, %dma_start3A_737] : memref<128x4096xf32, #tpu.memory_space<vmem_shared>> -> memref<1x4096xf32, #tpu.memory_space<vmem_shared>>
    tpu.enqueue_dma source(%dma_start3A_738 : memref<1x4096xf32, #tpu.memory_space<vmem_shared>>) target(%dma_start3A_736 : memref<1x4096xf32, #tpu.memory_space<hbm>>) target_semaphore(%dma_start3A_734 : memref<!tpu.dma_semaphore, #tpu.memory_space<semaphore_mem>>)
    %slice3A_739 = vector.extract_strided_slice %get3A_673 {offsets = [5], sizes = [1], strides = [1]} : vector<16xi32> to vector<1xi32>
    %squeeze3A_740 = vector.extract %slice3A_739[0] : i32 from vector<1xi32>
    %add3A_741 = arith.constant 48 : i32
    %add3A_742 = arith.addi %mul3A_2, %add3A_741 : i32
    %add3A_743 = arith.constant 5 : i32
    %add3A_744 = arith.addi %add3A_742, %add3A_743 : i32
    %dma_start3A_745 = arith.constant 3 : i32
    %dma_start3A_746 = tpu.memref_slice %arg10[%dma_start3A_745] : memref<5x!tpu.dma_semaphore, #tpu.memory_space<semaphore_mem>> -> memref<1x!tpu.dma_semaphore, #tpu.memory_space<semaphore_mem>>
    %dma_start3A_747 = tpu.memref_squeeze %dma_start3A_746 : memref<1x!tpu.dma_semaphore, #tpu.memory_space<semaphore_mem>> -> memref<!tpu.dma_semaphore, #tpu.memory_space<semaphore_mem>>
    %dma_start3A_748 = arith.constant 0 : i32
    %dma_start3A_749 = tpu.memref_slice %arg5[%add3A_744, %dma_start3A_748] : memref<16384x4096xf32, #tpu.memory_space<hbm>> -> memref<1x4096xf32, #tpu.memory_space<hbm>>
    %dma_start3A_750 = arith.constant 0 : i32
    %dma_start3A_751 = tpu.memref_slice %arg9[%squeeze3A_740, %dma_start3A_750] : memref<128x4096xf32, #tpu.memory_space<vmem_shared>> -> memref<1x4096xf32, #tpu.memory_space<vmem_shared>>
    tpu.enqueue_dma source(%dma_start3A_751 : memref<1x4096xf32, #tpu.memory_space<vmem_shared>>) target(%dma_start3A_749 : memref<1x4096xf32, #tpu.memory_space<hbm>>) target_semaphore(%dma_start3A_747 : memref<!tpu.dma_semaphore, #tpu.memory_space<semaphore_mem>>)
    %slice3A_752 = vector.extract_strided_slice %get3A_673 {offsets = [6], sizes = [1], strides = [1]} : vector<16xi32> to vector<1xi32>
    %squeeze3A_753 = vector.extract %slice3A_752[0] : i32 from vector<1xi32>
    %add3A_754 = arith.constant 48 : i32
    %add3A_755 = arith.addi %mul3A_2, %add3A_754 : i32
    %add3A_756 = arith.constant 6 : i32
    %add3A_757 = arith.addi %add3A_755, %add3A_756 : i32
    %dma_start3A_758 = arith.constant 3 : i32
    %dma_start3A_759 = tpu.memref_slice %arg10[%dma_start3A_758] : memref<5x!tpu.dma_semaphore, #tpu.memory_space<semaphore_mem>> -> memref<1x!tpu.dma_semaphore, #tpu.memory_space<semaphore_mem>>
    %dma_start3A_760 = tpu.memref_squeeze %dma_start3A_759 : memref<1x!tpu.dma_semaphore, #tpu.memory_space<semaphore_mem>> -> memref<!tpu.dma_semaphore, #tpu.memory_space<semaphore_mem>>
    %dma_start3A_761 = arith.constant 0 : i32
    %dma_start3A_762 = tpu.memref_slice %arg5[%add3A_757, %dma_start3A_761] : memref<16384x4096xf32, #tpu.memory_space<hbm>> -> memref<1x4096xf32, #tpu.memory_space<hbm>>
    %dma_start3A_763 = arith.constant 0 : i32
    %dma_start3A_764 = tpu.memref_slice %arg9[%squeeze3A_753, %dma_start3A_763] : memref<128x4096xf32, #tpu.memory_space<vmem_shared>> -> memref<1x4096xf32, #tpu.memory_space<vmem_shared>>
    tpu.enqueue_dma source(%dma_start3A_764 : memref<1x4096xf32, #tpu.memory_space<vmem_shared>>) target(%dma_start3A_762 : memref<1x4096xf32, #tpu.memory_space<hbm>>) target_semaphore(%dma_start3A_760 : memref<!tpu.dma_semaphore, #tpu.memory_space<semaphore_mem>>)
    %slice3A_765 = vector.extract_strided_slice %get3A_673 {offsets = [7], sizes = [1], strides = [1]} : vector<16xi32> to vector<1xi32>
    %squeeze3A_766 = vector.extract %slice3A_765[0] : i32 from vector<1xi32>
    %add3A_767 = arith.constant 48 : i32
    %add3A_768 = arith.addi %mul3A_2, %add3A_767 : i32
    %add3A_769 = arith.constant 7 : i32
    %add3A_770 = arith.addi %add3A_768, %add3A_769 : i32
    %dma_start3A_771 = arith.constant 3 : i32
    %dma_start3A_772 = tpu.memref_slice %arg10[%dma_start3A_771] : memref<5x!tpu.dma_semaphore, #tpu.memory_space<semaphore_mem>> -> memref<1x!tpu.dma_semaphore, #tpu.memory_space<semaphore_mem>>
    %dma_start3A_773 = tpu.memref_squeeze %dma_start3A_772 : memref<1x!tpu.dma_semaphore, #tpu.memory_space<semaphore_mem>> -> memref<!tpu.dma_semaphore, #tpu.memory_space<semaphore_mem>>
    %dma_start3A_774 = arith.constant 0 : i32
    %dma_start3A_775 = tpu.memref_slice %arg5[%add3A_770, %dma_start3A_774] : memref<16384x4096xf32, #tpu.memory_space<hbm>> -> memref<1x4096xf32, #tpu.memory_space<hbm>>
    %dma_start3A_776 = arith.constant 0 : i32
    %dma_start3A_777 = tpu.memref_slice %arg9[%squeeze3A_766, %dma_start3A_776] : memref<128x4096xf32, #tpu.memory_space<vmem_shared>> -> memref<1x4096xf32, #tpu.memory_space<vmem_shared>>
    tpu.enqueue_dma source(%dma_start3A_777 : memref<1x4096xf32, #tpu.memory_space<vmem_shared>>) target(%dma_start3A_775 : memref<1x4096xf32, #tpu.memory_space<hbm>>) target_semaphore(%dma_start3A_773 : memref<!tpu.dma_semaphore, #tpu.memory_space<semaphore_mem>>)
    %slice3A_778 = vector.extract_strided_slice %get3A_673 {offsets = [8], sizes = [1], strides = [1]} : vector<16xi32> to vector<1xi32>
    %squeeze3A_779 = vector.extract %slice3A_778[0] : i32 from vector<1xi32>
    %add3A_780 = arith.constant 48 : i32
    %add3A_781 = arith.addi %mul3A_2, %add3A_780 : i32
    %add3A_782 = arith.constant 8 : i32
    %add3A_783 = arith.addi %add3A_781, %add3A_782 : i32
    %dma_start3A_784 = arith.constant 3 : i32
    %dma_start3A_785 = tpu.memref_slice %arg10[%dma_start3A_784] : memref<5x!tpu.dma_semaphore, #tpu.memory_space<semaphore_mem>> -> memref<1x!tpu.dma_semaphore, #tpu.memory_space<semaphore_mem>>
    %dma_start3A_786 = tpu.memref_squeeze %dma_start3A_785 : memref<1x!tpu.dma_semaphore, #tpu.memory_space<semaphore_mem>> -> memref<!tpu.dma_semaphore, #tpu.memory_space<semaphore_mem>>
    %dma_start3A_787 = arith.constant 0 : i32
    %dma_start3A_788 = tpu.memref_slice %arg5[%add3A_783, %dma_start3A_787] : memref<16384x4096xf32, #tpu.memory_space<hbm>> -> memref<1x4096xf32, #tpu.memory_space<hbm>>
    %dma_start3A_789 = arith.constant 0 : i32
    %dma_start3A_790 = tpu.memref_slice %arg9[%squeeze3A_779, %dma_start3A_789] : memref<128x4096xf32, #tpu.memory_space<vmem_shared>> -> memref<1x4096xf32, #tpu.memory_space<vmem_shared>>
    tpu.enqueue_dma source(%dma_start3A_790 : memref<1x4096xf32, #tpu.memory_space<vmem_shared>>) target(%dma_start3A_788 : memref<1x4096xf32, #tpu.memory_space<hbm>>) target_semaphore(%dma_start3A_786 : memref<!tpu.dma_semaphore, #tpu.memory_space<semaphore_mem>>)
    %slice3A_791 = vector.extract_strided_slice %get3A_673 {offsets = [9], sizes = [1], strides = [1]} : vector<16xi32> to vector<1xi32>
    %squeeze3A_792 = vector.extract %slice3A_791[0] : i32 from vector<1xi32>
    %add3A_793 = arith.constant 48 : i32
    %add3A_794 = arith.addi %mul3A_2, %add3A_793 : i32
    %add3A_795 = arith.constant 9 : i32
    %add3A_796 = arith.addi %add3A_794, %add3A_795 : i32
    %dma_start3A_797 = arith.constant 3 : i32
    %dma_start3A_798 = tpu.memref_slice %arg10[%dma_start3A_797] : memref<5x!tpu.dma_semaphore, #tpu.memory_space<semaphore_mem>> -> memref<1x!tpu.dma_semaphore, #tpu.memory_space<semaphore_mem>>
    %dma_start3A_799 = tpu.memref_squeeze %dma_start3A_798 : memref<1x!tpu.dma_semaphore, #tpu.memory_space<semaphore_mem>> -> memref<!tpu.dma_semaphore, #tpu.memory_space<semaphore_mem>>
    %dma_start3A_800 = arith.constant 0 : i32
    %dma_start3A_801 = tpu.memref_slice %arg5[%add3A_796, %dma_start3A_800] : memref<16384x4096xf32, #tpu.memory_space<hbm>> -> memref<1x4096xf32, #tpu.memory_space<hbm>>
    %dma_start3A_802 = arith.constant 0 : i32
    %dma_start3A_803 = tpu.memref_slice %arg9[%squeeze3A_792, %dma_start3A_802] : memref<128x4096xf32, #tpu.memory_space<vmem_shared>> -> memref<1x4096xf32, #tpu.memory_space<vmem_shared>>
    tpu.enqueue_dma source(%dma_start3A_803 : memref<1x4096xf32, #tpu.memory_space<vmem_shared>>) target(%dma_start3A_801 : memref<1x4096xf32, #tpu.memory_space<hbm>>) target_semaphore(%dma_start3A_799 : memref<!tpu.dma_semaphore, #tpu.memory_space<semaphore_mem>>)
    %slice3A_804 = vector.extract_strided_slice %get3A_673 {offsets = [10], sizes = [1], strides = [1]} : vector<16xi32> to vector<1xi32>
    %squeeze3A_805 = vector.extract %slice3A_804[0] : i32 from vector<1xi32>
    %add3A_806 = arith.constant 48 : i32
    %add3A_807 = arith.addi %mul3A_2, %add3A_806 : i32
    %add3A_808 = arith.constant 10 : i32
    %add3A_809 = arith.addi %add3A_807, %add3A_808 : i32
    %dma_start3A_810 = arith.constant 3 : i32
    %dma_start3A_811 = tpu.memref_slice %arg10[%dma_start3A_810] : memref<5x!tpu.dma_semaphore, #tpu.memory_space<semaphore_mem>> -> memref<1x!tpu.dma_semaphore, #tpu.memory_space<semaphore_mem>>
    %dma_start3A_812 = tpu.memref_squeeze %dma_start3A_811 : memref<1x!tpu.dma_semaphore, #tpu.memory_space<semaphore_mem>> -> memref<!tpu.dma_semaphore, #tpu.memory_space<semaphore_mem>>
    %dma_start3A_813 = arith.constant 0 : i32
    %dma_start3A_814 = tpu.memref_slice %arg5[%add3A_809, %dma_start3A_813] : memref<16384x4096xf32, #tpu.memory_space<hbm>> -> memref<1x4096xf32, #tpu.memory_space<hbm>>
    %dma_start3A_815 = arith.constant 0 : i32
    %dma_start3A_816 = tpu.memref_slice %arg9[%squeeze3A_805, %dma_start3A_815] : memref<128x4096xf32, #tpu.memory_space<vmem_shared>> -> memref<1x4096xf32, #tpu.memory_space<vmem_shared>>
    tpu.enqueue_dma source(%dma_start3A_816 : memref<1x4096xf32, #tpu.memory_space<vmem_shared>>) target(%dma_start3A_814 : memref<1x4096xf32, #tpu.memory_space<hbm>>) target_semaphore(%dma_start3A_812 : memref<!tpu.dma_semaphore, #tpu.memory_space<semaphore_mem>>)
    %slice3A_817 = vector.extract_strided_slice %get3A_673 {offsets = [11], sizes = [1], strides = [1]} : vector<16xi32> to vector<1xi32>
    %squeeze3A_818 = vector.extract %slice3A_817[0] : i32 from vector<1xi32>
    %add3A_819 = arith.constant 48 : i32
    %add3A_820 = arith.addi %mul3A_2, %add3A_819 : i32
    %add3A_821 = arith.constant 11 : i32
    %add3A_822 = arith.addi %add3A_820, %add3A_821 : i32
    %dma_start3A_823 = arith.constant 3 : i32
    %dma_start3A_824 = tpu.memref_slice %arg10[%dma_start3A_823] : memref<5x!tpu.dma_semaphore, #tpu.memory_space<semaphore_mem>> -> memref<1x!tpu.dma_semaphore, #tpu.memory_space<semaphore_mem>>
    %dma_start3A_825 = tpu.memref_squeeze %dma_start3A_824 : memref<1x!tpu.dma_semaphore, #tpu.memory_space<semaphore_mem>> -> memref<!tpu.dma_semaphore, #tpu.memory_space<semaphore_mem>>
    %dma_start3A_826 = arith.constant 0 : i32
    %dma_start3A_827 = tpu.memref_slice %arg5[%add3A_822, %dma_start3A_826] : memref<16384x4096xf32, #tpu.memory_space<hbm>> -> memref<1x4096xf32, #tpu.memory_space<hbm>>
    %dma_start3A_828 = arith.constant 0 : i32
    %dma_start3A_829 = tpu.memref_slice %arg9[%squeeze3A_818, %dma_start3A_828] : memref<128x4096xf32, #tpu.memory_space<vmem_shared>> -> memref<1x4096xf32, #tpu.memory_space<vmem_shared>>
    tpu.enqueue_dma source(%dma_start3A_829 : memref<1x4096xf32, #tpu.memory_space<vmem_shared>>) target(%dma_start3A_827 : memref<1x4096xf32, #tpu.memory_space<hbm>>) target_semaphore(%dma_start3A_825 : memref<!tpu.dma_semaphore, #tpu.memory_space<semaphore_mem>>)
    %slice3A_830 = vector.extract_strided_slice %get3A_673 {offsets = [12], sizes = [1], strides = [1]} : vector<16xi32> to vector<1xi32>
    %squeeze3A_831 = vector.extract %slice3A_830[0] : i32 from vector<1xi32>
    %add3A_832 = arith.constant 48 : i32
    %add3A_833 = arith.addi %mul3A_2, %add3A_832 : i32
    %add3A_834 = arith.constant 12 : i32
    %add3A_835 = arith.addi %add3A_833, %add3A_834 : i32
    %dma_start3A_836 = arith.constant 3 : i32
    %dma_start3A_837 = tpu.memref_slice %arg10[%dma_start3A_836] : memref<5x!tpu.dma_semaphore, #tpu.memory_space<semaphore_mem>> -> memref<1x!tpu.dma_semaphore, #tpu.memory_space<semaphore_mem>>
    %dma_start3A_838 = tpu.memref_squeeze %dma_start3A_837 : memref<1x!tpu.dma_semaphore, #tpu.memory_space<semaphore_mem>> -> memref<!tpu.dma_semaphore, #tpu.memory_space<semaphore_mem>>
    %dma_start3A_839 = arith.constant 0 : i32
    %dma_start3A_840 = tpu.memref_slice %arg5[%add3A_835, %dma_start3A_839] : memref<16384x4096xf32, #tpu.memory_space<hbm>> -> memref<1x4096xf32, #tpu.memory_space<hbm>>
    %dma_start3A_841 = arith.constant 0 : i32
    %dma_start3A_842 = tpu.memref_slice %arg9[%squeeze3A_831, %dma_start3A_841] : memref<128x4096xf32, #tpu.memory_space<vmem_shared>> -> memref<1x4096xf32, #tpu.memory_space<vmem_shared>>
    tpu.enqueue_dma source(%dma_start3A_842 : memref<1x4096xf32, #tpu.memory_space<vmem_shared>>) target(%dma_start3A_840 : memref<1x4096xf32, #tpu.memory_space<hbm>>) target_semaphore(%dma_start3A_838 : memref<!tpu.dma_semaphore, #tpu.memory_space<semaphore_mem>>)
    %slice3A_843 = vector.extract_strided_slice %get3A_673 {offsets = [13], sizes = [1], strides = [1]} : vector<16xi32> to vector<1xi32>
    %squeeze3A_844 = vector.extract %slice3A_843[0] : i32 from vector<1xi32>
    %add3A_845 = arith.constant 48 : i32
    %add3A_846 = arith.addi %mul3A_2, %add3A_845 : i32
    %add3A_847 = arith.constant 13 : i32
    %add3A_848 = arith.addi %add3A_846, %add3A_847 : i32
    %dma_start3A_849 = arith.constant 3 : i32
    %dma_start3A_850 = tpu.memref_slice %arg10[%dma_start3A_849] : memref<5x!tpu.dma_semaphore, #tpu.memory_space<semaphore_mem>> -> memref<1x!tpu.dma_semaphore, #tpu.memory_space<semaphore_mem>>
    %dma_start3A_851 = tpu.memref_squeeze %dma_start3A_850 : memref<1x!tpu.dma_semaphore, #tpu.memory_space<semaphore_mem>> -> memref<!tpu.dma_semaphore, #tpu.memory_space<semaphore_mem>>
    %dma_start3A_852 = arith.constant 0 : i32
    %dma_start3A_853 = tpu.memref_slice %arg5[%add3A_848, %dma_start3A_852] : memref<16384x4096xf32, #tpu.memory_space<hbm>> -> memref<1x4096xf32, #tpu.memory_space<hbm>>
    %dma_start3A_854 = arith.constant 0 : i32
    %dma_start3A_855 = tpu.memref_slice %arg9[%squeeze3A_844, %dma_start3A_854] : memref<128x4096xf32, #tpu.memory_space<vmem_shared>> -> memref<1x4096xf32, #tpu.memory_space<vmem_shared>>
    tpu.enqueue_dma source(%dma_start3A_855 : memref<1x4096xf32, #tpu.memory_space<vmem_shared>>) target(%dma_start3A_853 : memref<1x4096xf32, #tpu.memory_space<hbm>>) target_semaphore(%dma_start3A_851 : memref<!tpu.dma_semaphore, #tpu.memory_space<semaphore_mem>>)
    %slice3A_856 = vector.extract_strided_slice %get3A_673 {offsets = [14], sizes = [1], strides = [1]} : vector<16xi32> to vector<1xi32>
    %squeeze3A_857 = vector.extract %slice3A_856[0] : i32 from vector<1xi32>
    %add3A_858 = arith.constant 48 : i32
    %add3A_859 = arith.addi %mul3A_2, %add3A_858 : i32
    %add3A_860 = arith.constant 14 : i32
    %add3A_861 = arith.addi %add3A_859, %add3A_860 : i32
    %dma_start3A_862 = arith.constant 3 : i32
    %dma_start3A_863 = tpu.memref_slice %arg10[%dma_start3A_862] : memref<5x!tpu.dma_semaphore, #tpu.memory_space<semaphore_mem>> -> memref<1x!tpu.dma_semaphore, #tpu.memory_space<semaphore_mem>>
    %dma_start3A_864 = tpu.memref_squeeze %dma_start3A_863 : memref<1x!tpu.dma_semaphore, #tpu.memory_space<semaphore_mem>> -> memref<!tpu.dma_semaphore, #tpu.memory_space<semaphore_mem>>
    %dma_start3A_865 = arith.constant 0 : i32
    %dma_start3A_866 = tpu.memref_slice %arg5[%add3A_861, %dma_start3A_865] : memref<16384x4096xf32, #tpu.memory_space<hbm>> -> memref<1x4096xf32, #tpu.memory_space<hbm>>
    %dma_start3A_867 = arith.constant 0 : i32
    %dma_start3A_868 = tpu.memref_slice %arg9[%squeeze3A_857, %dma_start3A_867] : memref<128x4096xf32, #tpu.memory_space<vmem_shared>> -> memref<1x4096xf32, #tpu.memory_space<vmem_shared>>
    tpu.enqueue_dma source(%dma_start3A_868 : memref<1x4096xf32, #tpu.memory_space<vmem_shared>>) target(%dma_start3A_866 : memref<1x4096xf32, #tpu.memory_space<hbm>>) target_semaphore(%dma_start3A_864 : memref<!tpu.dma_semaphore, #tpu.memory_space<semaphore_mem>>)
    %slice3A_869 = vector.extract_strided_slice %get3A_673 {offsets = [15], sizes = [1], strides = [1]} : vector<16xi32> to vector<1xi32>
    %squeeze3A_870 = vector.extract %slice3A_869[0] : i32 from vector<1xi32>
    %add3A_871 = arith.constant 48 : i32
    %add3A_872 = arith.addi %mul3A_2, %add3A_871 : i32
    %add3A_873 = arith.constant 15 : i32
    %add3A_874 = arith.addi %add3A_872, %add3A_873 : i32
    %dma_start3A_875 = arith.constant 3 : i32
    %dma_start3A_876 = tpu.memref_slice %arg10[%dma_start3A_875] : memref<5x!tpu.dma_semaphore, #tpu.memory_space<semaphore_mem>> -> memref<1x!tpu.dma_semaphore, #tpu.memory_space<semaphore_mem>>
    %dma_start3A_877 = tpu.memref_squeeze %dma_start3A_876 : memref<1x!tpu.dma_semaphore, #tpu.memory_space<semaphore_mem>> -> memref<!tpu.dma_semaphore, #tpu.memory_space<semaphore_mem>>
    %dma_start3A_878 = arith.constant 0 : i32
    %dma_start3A_879 = tpu.memref_slice %arg5[%add3A_874, %dma_start3A_878] : memref<16384x4096xf32, #tpu.memory_space<hbm>> -> memref<1x4096xf32, #tpu.memory_space<hbm>>
    %dma_start3A_880 = arith.constant 0 : i32
    %dma_start3A_881 = tpu.memref_slice %arg9[%squeeze3A_870, %dma_start3A_880] : memref<128x4096xf32, #tpu.memory_space<vmem_shared>> -> memref<1x4096xf32, #tpu.memory_space<vmem_shared>>
    tpu.enqueue_dma source(%dma_start3A_881 : memref<1x4096xf32, #tpu.memory_space<vmem_shared>>) target(%dma_start3A_879 : memref<1x4096xf32, #tpu.memory_space<hbm>>) target_semaphore(%dma_start3A_877 : memref<!tpu.dma_semaphore, #tpu.memory_space<semaphore_mem>>)
    %multiple_of3A_882 = arith.constant 64 : i32
    %multiple_of3A_883 = tpu.assume_multiple %multiple_of3A_882, 16 : i32
    %get3A_884 = arith.index_cast %multiple_of3A_883 : i32 to index
    %get3A_885 = tpu.vector_load %arg6[%get3A_884] {strides = array<i32>} : memref<512xi32, #tpu.memory_space<vmem>>, vector<16xi32>,
    %get3A_886 = vector.shape_cast %get3A_885 : vector<16xi32> to vector<16xi32>
    %slice3A_887 = vector.extract_strided_slice %get3A_886 {offsets = [0], sizes = [1], strides = [1]} : vector<16xi32> to vector<1xi32>
    %squeeze3A_888 = vector.extract %slice3A_887[0] : i32 from vector<1xi32>
    %add3A_889 = arith.constant 64 : i32
    %add3A_890 = arith.addi %mul3A_2, %add3A_889 : i32
    %add3A_891 = arith.constant 0 : i32
    %add3A_892 = arith.addi %add3A_890, %add3A_891 : i32
    %dma_start3A_893 = arith.constant 4 : i32
    %dma_start3A_894 = tpu.memref_slice %arg10[%dma_start3A_893] : memref<5x!tpu.dma_semaphore, #tpu.memory_space<semaphore_mem>> -> memref<1x!tpu.dma_semaphore, #tpu.memory_space<semaphore_mem>>
    %dma_start3A_895 = tpu.memref_squeeze %dma_start3A_894 : memref<1x!tpu.dma_semaphore, #tpu.memory_space<semaphore_mem>> -> memref<!tpu.dma_semaphore, #tpu.memory_space<semaphore_mem>>
    %dma_start3A_896 = arith.constant 0 : i32
    %dma_start3A_897 = tpu.memref_slice %arg5[%add3A_892, %dma_start3A_896] : memref<16384x4096xf32, #tpu.memory_space<hbm>> -> memref<1x4096xf32, #tpu.memory_space<hbm>>
    %dma_start3A_898 = arith.constant 0 : i32
    %dma_start3A_899 = tpu.memref_slice %arg9[%squeeze3A_888, %dma_start3A_898] : memref<128x4096xf32, #tpu.memory_space<vmem_shared>> -> memref<1x4096xf32, #tpu.memory_space<vmem_shared>>
    tpu.enqueue_dma source(%dma_start3A_899 : memref<1x4096xf32, #tpu.memory_space<vmem_shared>>) target(%dma_start3A_897 : memref<1x4096xf32, #tpu.memory_space<hbm>>) target_semaphore(%dma_start3A_895 : memref<!tpu.dma_semaphore, #tpu.memory_space<semaphore_mem>>)
    %slice3A_900 = vector.extract_strided_slice %get3A_886 {offsets = [1], sizes = [1], strides = [1]} : vector<16xi32> to vector<1xi32>
    %squeeze3A_901 = vector.extract %slice3A_900[0] : i32 from vector<1xi32>
    %add3A_902 = arith.constant 64 : i32
    %add3A_903 = arith.addi %mul3A_2, %add3A_902 : i32
    %add3A_904 = arith.constant 1 : i32
    %add3A_905 = arith.addi %add3A_903, %add3A_904 : i32
    %dma_start3A_906 = arith.constant 4 : i32
    %dma_start3A_907 = tpu.memref_slice %arg10[%dma_start3A_906] : memref<5x!tpu.dma_semaphore, #tpu.memory_space<semaphore_mem>> -> memref<1x!tpu.dma_semaphore, #tpu.memory_space<semaphore_mem>>
    %dma_start3A_908 = tpu.memref_squeeze %dma_start3A_907 : memref<1x!tpu.dma_semaphore, #tpu.memory_space<semaphore_mem>> -> memref<!tpu.dma_semaphore, #tpu.memory_space<semaphore_mem>>
    %dma_start3A_909 = arith.constant 0 : i32
    %dma_start3A_910 = tpu.memref_slice %arg5[%add3A_905, %dma_start3A_909] : memref<16384x4096xf32, #tpu.memory_space<hbm>> -> memref<1x4096xf32, #tpu.memory_space<hbm>>
    %dma_start3A_911 = arith.constant 0 : i32
    %dma_start3A_912 = tpu.memref_slice %arg9[%squeeze3A_901, %dma_start3A_911] : memref<128x4096xf32, #tpu.memory_space<vmem_shared>> -> memref<1x4096xf32, #tpu.memory_space<vmem_shared>>
    tpu.enqueue_dma source(%dma_start3A_912 : memref<1x4096xf32, #tpu.memory_space<vmem_shared>>) target(%dma_start3A_910 : memref<1x4096xf32, #tpu.memory_space<hbm>>) target_semaphore(%dma_start3A_908 : memref<!tpu.dma_semaphore, #tpu.memory_space<semaphore_mem>>)
    %slice3A_913 = vector.extract_strided_slice %get3A_886 {offsets = [2], sizes = [1], strides = [1]} : vector<16xi32> to vector<1xi32>
    %squeeze3A_914 = vector.extract %slice3A_913[0] : i32 from vector<1xi32>
    %add3A_915 = arith.constant 64 : i32
    %add3A_916 = arith.addi %mul3A_2, %add3A_915 : i32
    %add3A_917 = arith.constant 2 : i32
    %add3A_918 = arith.addi %add3A_916, %add3A_917 : i32
    %dma_start3A_919 = arith.constant 4 : i32
    %dma_start3A_920 = tpu.memref_slice %arg10[%dma_start3A_919] : memref<5x!tpu.dma_semaphore, #tpu.memory_space<semaphore_mem>> -> memref<1x!tpu.dma_semaphore, #tpu.memory_space<semaphore_mem>>
    %dma_start3A_921 = tpu.memref_squeeze %dma_start3A_920 : memref<1x!tpu.dma_semaphore, #tpu.memory_space<semaphore_mem>> -> memref<!tpu.dma_semaphore, #tpu.memory_space<semaphore_mem>>
    %dma_start3A_922 = arith.constant 0 : i32
    %dma_start3A_923 = tpu.memref_slice %arg5[%add3A_918, %dma_start3A_922] : memref<16384x4096xf32, #tpu.memory_space<hbm>> -> memref<1x4096xf32, #tpu.memory_space<hbm>>
    %dma_start3A_924 = arith.constant 0 : i32
    %dma_start3A_925 = tpu.memref_slice %arg9[%squeeze3A_914, %dma_start3A_924] : memref<128x4096xf32, #tpu.memory_space<vmem_shared>> -> memref<1x4096xf32, #tpu.memory_space<vmem_shared>>
    tpu.enqueue_dma source(%dma_start3A_925 : memref<1x4096xf32, #tpu.memory_space<vmem_shared>>) target(%dma_start3A_923 : memref<1x4096xf32, #tpu.memory_space<hbm>>) target_semaphore(%dma_start3A_921 : memref<!tpu.dma_semaphore, #tpu.memory_space<semaphore_mem>>)
    %slice3A_926 = vector.extract_strided_slice %get3A_886 {offsets = [3], sizes = [1], strides = [1]} : vector<16xi32> to vector<1xi32>
    %squeeze3A_927 = vector.extract %slice3A_926[0] : i32 from vector<1xi32>
    %add3A_928 = arith.constant 64 : i32
    %add3A_929 = arith.addi %mul3A_2, %add3A_928 : i32
    %add3A_930 = arith.constant 3 : i32
    %add3A_931 = arith.addi %add3A_929, %add3A_930 : i32
    %dma_start3A_932 = arith.constant 4 : i32
    %dma_start3A_933 = tpu.memref_slice %arg10[%dma_start3A_932] : memref<5x!tpu.dma_semaphore, #tpu.memory_space<semaphore_mem>> -> memref<1x!tpu.dma_semaphore, #tpu.memory_space<semaphore_mem>>
    %dma_start3A_934 = tpu.memref_squeeze %dma_start3A_933 : memref<1x!tpu.dma_semaphore, #tpu.memory_space<semaphore_mem>> -> memref<!tpu.dma_semaphore, #tpu.memory_space<semaphore_mem>>
    %dma_start3A_935 = arith.constant 0 : i32
    %dma_start3A_936 = tpu.memref_slice %arg5[%add3A_931, %dma_start3A_935] : memref<16384x4096xf32, #tpu.memory_space<hbm>> -> memref<1x4096xf32, #tpu.memory_space<hbm>>
    %dma_start3A_937 = arith.constant 0 : i32
    %dma_start3A_938 = tpu.memref_slice %arg9[%squeeze3A_927, %dma_start3A_937] : memref<128x4096xf32, #tpu.memory_space<vmem_shared>> -> memref<1x4096xf32, #tpu.memory_space<vmem_shared>>
    tpu.enqueue_dma source(%dma_start3A_938 : memref<1x4096xf32, #tpu.memory_space<vmem_shared>>) target(%dma_start3A_936 : memref<1x4096xf32, #tpu.memory_space<hbm>>) target_semaphore(%dma_start3A_934 : memref<!tpu.dma_semaphore, #tpu.memory_space<semaphore_mem>>)
    %slice3A_939 = vector.extract_strided_slice %get3A_886 {offsets = [4], sizes = [1], strides = [1]} : vector<16xi32> to vector<1xi32>
    %squeeze3A_940 = vector.extract %slice3A_939[0] : i32 from vector<1xi32>
    %add3A_941 = arith.constant 64 : i32
    %add3A_942 = arith.addi %mul3A_2, %add3A_941 : i32
    %add3A_943 = arith.constant 4 : i32
    %add3A_944 = arith.addi %add3A_942, %add3A_943 : i32
    %dma_start3A_945 = arith.constant 4 : i32
    %dma_start3A_946 = tpu.memref_slice %arg10[%dma_start3A_945] : memref<5x!tpu.dma_semaphore, #tpu.memory_space<semaphore_mem>> -> memref<1x!tpu.dma_semaphore, #tpu.memory_space<semaphore_mem>>
    %dma_start3A_947 = tpu.memref_squeeze %dma_start3A_946 : memref<1x!tpu.dma_semaphore, #tpu.memory_space<semaphore_mem>> -> memref<!tpu.dma_semaphore, #tpu.memory_space<semaphore_mem>>
    %dma_start3A_948 = arith.constant 0 : i32
    %dma_start3A_949 = tpu.memref_slice %arg5[%add3A_944, %dma_start3A_948] : memref<16384x4096xf32, #tpu.memory_space<hbm>> -> memref<1x4096xf32, #tpu.memory_space<hbm>>
    %dma_start3A_950 = arith.constant 0 : i32
    %dma_start3A_951 = tpu.memref_slice %arg9[%squeeze3A_940, %dma_start3A_950] : memref<128x4096xf32, #tpu.memory_space<vmem_shared>> -> memref<1x4096xf32, #tpu.memory_space<vmem_shared>>
    tpu.enqueue_dma source(%dma_start3A_951 : memref<1x4096xf32, #tpu.memory_space<vmem_shared>>) target(%dma_start3A_949 : memref<1x4096xf32, #tpu.memory_space<hbm>>) target_semaphore(%dma_start3A_947 : memref<!tpu.dma_semaphore, #tpu.memory_space<semaphore_mem>>)
    %slice3A_952 = vector.extract_strided_slice %get3A_886 {offsets = [5], sizes = [1], strides = [1]} : vector<16xi32> to vector<1xi32>
    %squeeze3A_953 = vector.extract %slice3A_952[0] : i32 from vector<1xi32>
    %add3A_954 = arith.constant 64 : i32
    %add3A_955 = arith.addi %mul3A_2, %add3A_954 : i32
    %add3A_956 = arith.constant 5 : i32
    %add3A_957 = arith.addi %add3A_955, %add3A_956 : i32
    %dma_start3A_958 = arith.constant 4 : i32
    %dma_start3A_959 = tpu.memref_slice %arg10[%dma_start3A_958] : memref<5x!tpu.dma_semaphore, #tpu.memory_space<semaphore_mem>> -> memref<1x!tpu.dma_semaphore, #tpu.memory_space<semaphore_mem>>
    %dma_start3A_960 = tpu.memref_squeeze %dma_start3A_959 : memref<1x!tpu.dma_semaphore, #tpu.memory_space<semaphore_mem>> -> memref<!tpu.dma_semaphore, #tpu.memory_space<semaphore_mem>>
    %dma_start3A_961 = arith.constant 0 : i32
    %dma_start3A_962 = tpu.memref_slice %arg5[%add3A_957, %dma_start3A_961] : memref<16384x4096xf32, #tpu.memory_space<hbm>> -> memref<1x4096xf32, #tpu.memory_space<hbm>>
    %dma_start3A_963 = arith.constant 0 : i32
    %dma_start3A_964 = tpu.memref_slice %arg9[%squeeze3A_953, %dma_start3A_963] : memref<128x4096xf32, #tpu.memory_space<vmem_shared>> -> memref<1x4096xf32, #tpu.memory_space<vmem_shared>>
    tpu.enqueue_dma source(%dma_start3A_964 : memref<1x4096xf32, #tpu.memory_space<vmem_shared>>) target(%dma_start3A_962 : memref<1x4096xf32, #tpu.memory_space<hbm>>) target_semaphore(%dma_start3A_960 : memref<!tpu.dma_semaphore, #tpu.memory_space<semaphore_mem>>)
    %slice3A_965 = vector.extract_strided_slice %get3A_886 {offsets = [6], sizes = [1], strides = [1]} : vector<16xi32> to vector<1xi32>
    %squeeze3A_966 = vector.extract %slice3A_965[0] : i32 from vector<1xi32>
    %add3A_967 = arith.constant 64 : i32
    %add3A_968 = arith.addi %mul3A_2, %add3A_967 : i32
    %add3A_969 = arith.constant 6 : i32
    %add3A_970 = arith.addi %add3A_968, %add3A_969 : i32
    %dma_start3A_971 = arith.constant 4 : i32
    %dma_start3A_972 = tpu.memref_slice %arg10[%dma_start3A_971] : memref<5x!tpu.dma_semaphore, #tpu.memory_space<semaphore_mem>> -> memref<1x!tpu.dma_semaphore, #tpu.memory_space<semaphore_mem>>
    %dma_start3A_973 = tpu.memref_squeeze %dma_start3A_972 : memref<1x!tpu.dma_semaphore, #tpu.memory_space<semaphore_mem>> -> memref<!tpu.dma_semaphore, #tpu.memory_space<semaphore_mem>>
    %dma_start3A_974 = arith.constant 0 : i32
    %dma_start3A_975 = tpu.memref_slice %arg5[%add3A_970, %dma_start3A_974] : memref<16384x4096xf32, #tpu.memory_space<hbm>> -> memref<1x4096xf32, #tpu.memory_space<hbm>>
    %dma_start3A_976 = arith.constant 0 : i32
    %dma_start3A_977 = tpu.memref_slice %arg9[%squeeze3A_966, %dma_start3A_976] : memref<128x4096xf32, #tpu.memory_space<vmem_shared>> -> memref<1x4096xf32, #tpu.memory_space<vmem_shared>>
    tpu.enqueue_dma source(%dma_start3A_977 : memref<1x4096xf32, #tpu.memory_space<vmem_shared>>) target(%dma_start3A_975 : memref<1x4096xf32, #tpu.memory_space<hbm>>) target_semaphore(%dma_start3A_973 : memref<!tpu.dma_semaphore, #tpu.memory_space<semaphore_mem>>)
    %slice3A_978 = vector.extract_strided_slice %get3A_886 {offsets = [7], sizes = [1], strides = [1]} : vector<16xi32> to vector<1xi32>
    %squeeze3A_979 = vector.extract %slice3A_978[0] : i32 from vector<1xi32>
    %add3A_980 = arith.constant 64 : i32
    %add3A_981 = arith.addi %mul3A_2, %add3A_980 : i32
    %add3A_982 = arith.constant 7 : i32
    %add3A_983 = arith.addi %add3A_981, %add3A_982 : i32
    %dma_start3A_984 = arith.constant 4 : i32
    %dma_start3A_985 = tpu.memref_slice %arg10[%dma_start3A_984] : memref<5x!tpu.dma_semaphore, #tpu.memory_space<semaphore_mem>> -> memref<1x!tpu.dma_semaphore, #tpu.memory_space<semaphore_mem>>
    %dma_start3A_986 = tpu.memref_squeeze %dma_start3A_985 : memref<1x!tpu.dma_semaphore, #tpu.memory_space<semaphore_mem>> -> memref<!tpu.dma_semaphore, #tpu.memory_space<semaphore_mem>>
    %dma_start3A_987 = arith.constant 0 : i32
    %dma_start3A_988 = tpu.memref_slice %arg5[%add3A_983, %dma_start3A_987] : memref<16384x4096xf32, #tpu.memory_space<hbm>> -> memref<1x4096xf32, #tpu.memory_space<hbm>>
    %dma_start3A_989 = arith.constant 0 : i32
    %dma_start3A_990 = tpu.memref_slice %arg9[%squeeze3A_979, %dma_start3A_989] : memref<128x4096xf32, #tpu.memory_space<vmem_shared>> -> memref<1x4096xf32, #tpu.memory_space<vmem_shared>>
    tpu.enqueue_dma source(%dma_start3A_990 : memref<1x4096xf32, #tpu.memory_space<vmem_shared>>) target(%dma_start3A_988 : memref<1x4096xf32, #tpu.memory_space<hbm>>) target_semaphore(%dma_start3A_986 : memref<!tpu.dma_semaphore, #tpu.memory_space<semaphore_mem>>)
    %slice3A_991 = vector.extract_strided_slice %get3A_886 {offsets = [8], sizes = [1], strides = [1]} : vector<16xi32> to vector<1xi32>
    %squeeze3A_992 = vector.extract %slice3A_991[0] : i32 from vector<1xi32>
    %add3A_993 = arith.constant 64 : i32
    %add3A_994 = arith.addi %mul3A_2, %add3A_993 : i32
    %add3A_995 = arith.constant 8 : i32
    %add3A_996 = arith.addi %add3A_994, %add3A_995 : i32
    %dma_start3A_997 = arith.constant 4 : i32
    %dma_start3A_998 = tpu.memref_slice %arg10[%dma_start3A_997] : memref<5x!tpu.dma_semaphore, #tpu.memory_space<semaphore_mem>> -> memref<1x!tpu.dma_semaphore, #tpu.memory_space<semaphore_mem>>
    %dma_start3A_999 = tpu.memref_squeeze %dma_start3A_998 : memref<1x!tpu.dma_semaphore, #tpu.memory_space<semaphore_mem>> -> memref<!tpu.dma_semaphore, #tpu.memory_space<semaphore_mem>>
    %dma_start3A_1000 = arith.constant 0 : i32
    %dma_start3A_1001 = tpu.memref_slice %arg5[%add3A_996, %dma_start3A_1000] : memref<16384x4096xf32, #tpu.memory_space<hbm>> -> memref<1x4096xf32, #tpu.memory_space<hbm>>
    %dma_start3A_1002 = arith.constant 0 : i32
    %dma_start3A_1003 = tpu.memref_slice %arg9[%squeeze3A_992, %dma_start3A_1002] : memref<128x4096xf32, #tpu.memory_space<vmem_shared>> -> memref<1x4096xf32, #tpu.memory_space<vmem_shared>>
    tpu.enqueue_dma source(%dma_start3A_1003 : memref<1x4096xf32, #tpu.memory_space<vmem_shared>>) target(%dma_start3A_1001 : memref<1x4096xf32, #tpu.memory_space<hbm>>) target_semaphore(%dma_start3A_999 : memref<!tpu.dma_semaphore, #tpu.memory_space<semaphore_mem>>)
    %slice3A_1004 = vector.extract_strided_slice %get3A_886 {offsets = [9], sizes = [1], strides = [1]} : vector<16xi32> to vector<1xi32>
    %squeeze3A_1005 = vector.extract %slice3A_1004[0] : i32 from vector<1xi32>
    %add3A_1006 = arith.constant 64 : i32
    %add3A_1007 = arith.addi %mul3A_2, %add3A_1006 : i32
    %add3A_1008 = arith.constant 9 : i32
    %add3A_1009 = arith.addi %add3A_1007, %add3A_1008 : i32
    %dma_start3A_1010 = arith.constant 4 : i32
    %dma_start3A_1011 = tpu.memref_slice %arg10[%dma_start3A_1010] : memref<5x!tpu.dma_semaphore, #tpu.memory_space<semaphore_mem>> -> memref<1x!tpu.dma_semaphore, #tpu.memory_space<semaphore_mem>>
    %dma_start3A_1012 = tpu.memref_squeeze %dma_start3A_1011 : memref<1x!tpu.dma_semaphore, #tpu.memory_space<semaphore_mem>> -> memref<!tpu.dma_semaphore, #tpu.memory_space<semaphore_mem>>
    %dma_start3A_1013 = arith.constant 0 : i32
    %dma_start3A_1014 = tpu.memref_slice %arg5[%add3A_1009, %dma_start3A_1013] : memref<16384x4096xf32, #tpu.memory_space<hbm>> -> memref<1x4096xf32, #tpu.memory_space<hbm>>
    %dma_start3A_1015 = arith.constant 0 : i32
    %dma_start3A_1016 = tpu.memref_slice %arg9[%squeeze3A_1005, %dma_start3A_1015] : memref<128x4096xf32, #tpu.memory_space<vmem_shared>> -> memref<1x4096xf32, #tpu.memory_space<vmem_shared>>
    tpu.enqueue_dma source(%dma_start3A_1016 : memref<1x4096xf32, #tpu.memory_space<vmem_shared>>) target(%dma_start3A_1014 : memref<1x4096xf32, #tpu.memory_space<hbm>>) target_semaphore(%dma_start3A_1012 : memref<!tpu.dma_semaphore, #tpu.memory_space<semaphore_mem>>)
    %slice3A_1017 = vector.extract_strided_slice %get3A_886 {offsets = [10], sizes = [1], strides = [1]} : vector<16xi32> to vector<1xi32>
    %squeeze3A_1018 = vector.extract %slice3A_1017[0] : i32 from vector<1xi32>
    %add3A_1019 = arith.constant 64 : i32
    %add3A_1020 = arith.addi %mul3A_2, %add3A_1019 : i32
    %add3A_1021 = arith.constant 10 : i32
    %add3A_1022 = arith.addi %add3A_1020, %add3A_1021 : i32
    %dma_start3A_1023 = arith.constant 4 : i32
    %dma_start3A_1024 = tpu.memref_slice %arg10[%dma_start3A_1023] : memref<5x!tpu.dma_semaphore, #tpu.memory_space<semaphore_mem>> -> memref<1x!tpu.dma_semaphore, #tpu.memory_space<semaphore_mem>>
    %dma_start3A_1025 = tpu.memref_squeeze %dma_start3A_1024 : memref<1x!tpu.dma_semaphore, #tpu.memory_space<semaphore_mem>> -> memref<!tpu.dma_semaphore, #tpu.memory_space<semaphore_mem>>
    %dma_start3A_1026 = arith.constant 0 : i32
    %dma_start3A_1027 = tpu.memref_slice %arg5[%add3A_1022, %dma_start3A_1026] : memref<16384x4096xf32, #tpu.memory_space<hbm>> -> memref<1x4096xf32, #tpu.memory_space<hbm>>
    %dma_start3A_1028 = arith.constant 0 : i32
    %dma_start3A_1029 = tpu.memref_slice %arg9[%squeeze3A_1018, %dma_start3A_1028] : memref<128x4096xf32, #tpu.memory_space<vmem_shared>> -> memref<1x4096xf32, #tpu.memory_space<vmem_shared>>
    tpu.enqueue_dma source(%dma_start3A_1029 : memref<1x4096xf32, #tpu.memory_space<vmem_shared>>) target(%dma_start3A_1027 : memref<1x4096xf32, #tpu.memory_space<hbm>>) target_semaphore(%dma_start3A_1025 : memref<!tpu.dma_semaphore, #tpu.memory_space<semaphore_mem>>)
    %slice3A_1030 = vector.extract_strided_slice %get3A_886 {offsets = [11], sizes = [1], strides = [1]} : vector<16xi32> to vector<1xi32>
    %squeeze3A_1031 = vector.extract %slice3A_1030[0] : i32 from vector<1xi32>
    %add3A_1032 = arith.constant 64 : i32
    %add3A_1033 = arith.addi %mul3A_2, %add3A_1032 : i32
    %add3A_1034 = arith.constant 11 : i32
    %add3A_1035 = arith.addi %add3A_1033, %add3A_1034 : i32
    %dma_start3A_1036 = arith.constant 4 : i32
    %dma_start3A_1037 = tpu.memref_slice %arg10[%dma_start3A_1036] : memref<5x!tpu.dma_semaphore, #tpu.memory_space<semaphore_mem>> -> memref<1x!tpu.dma_semaphore, #tpu.memory_space<semaphore_mem>>
    %dma_start3A_1038 = tpu.memref_squeeze %dma_start3A_1037 : memref<1x!tpu.dma_semaphore, #tpu.memory_space<semaphore_mem>> -> memref<!tpu.dma_semaphore, #tpu.memory_space<semaphore_mem>>
    %dma_start3A_1039 = arith.constant 0 : i32
    %dma_start3A_1040 = tpu.memref_slice %arg5[%add3A_1035, %dma_start3A_1039] : memref<16384x4096xf32, #tpu.memory_space<hbm>> -> memref<1x4096xf32, #tpu.memory_space<hbm>>
    %dma_start3A_1041 = arith.constant 0 : i32
    %dma_start3A_1042 = tpu.memref_slice %arg9[%squeeze3A_1031, %dma_start3A_1041] : memref<128x4096xf32, #tpu.memory_space<vmem_shared>> -> memref<1x4096xf32, #tpu.memory_space<vmem_shared>>
    tpu.enqueue_dma source(%dma_start3A_1042 : memref<1x4096xf32, #tpu.memory_space<vmem_shared>>) target(%dma_start3A_1040 : memref<1x4096xf32, #tpu.memory_space<hbm>>) target_semaphore(%dma_start3A_1038 : memref<!tpu.dma_semaphore, #tpu.memory_space<semaphore_mem>>)
    %slice3A_1043 = vector.extract_strided_slice %get3A_886 {offsets = [12], sizes = [1], strides = [1]} : vector<16xi32> to vector<1xi32>
    %squeeze3A_1044 = vector.extract %slice3A_1043[0] : i32 from vector<1xi32>
    %add3A_1045 = arith.constant 64 : i32
    %add3A_1046 = arith.addi %mul3A_2, %add3A_1045 : i32
    %add3A_1047 = arith.constant 12 : i32
    %add3A_1048 = arith.addi %add3A_1046, %add3A_1047 : i32
    %dma_start3A_1049 = arith.constant 4 : i32
    %dma_start3A_1050 = tpu.memref_slice %arg10[%dma_start3A_1049] : memref<5x!tpu.dma_semaphore, #tpu.memory_space<semaphore_mem>> -> memref<1x!tpu.dma_semaphore, #tpu.memory_space<semaphore_mem>>
    %dma_start3A_1051 = tpu.memref_squeeze %dma_start3A_1050 : memref<1x!tpu.dma_semaphore, #tpu.memory_space<semaphore_mem>> -> memref<!tpu.dma_semaphore, #tpu.memory_space<semaphore_mem>>
    %dma_start3A_1052 = arith.constant 0 : i32
    %dma_start3A_1053 = tpu.memref_slice %arg5[%add3A_1048, %dma_start3A_1052] : memref<16384x4096xf32, #tpu.memory_space<hbm>> -> memref<1x4096xf32, #tpu.memory_space<hbm>>
    %dma_start3A_1054 = arith.constant 0 : i32
    %dma_start3A_1055 = tpu.memref_slice %arg9[%squeeze3A_1044, %dma_start3A_1054] : memref<128x4096xf32, #tpu.memory_space<vmem_shared>> -> memref<1x4096xf32, #tpu.memory_space<vmem_shared>>
    tpu.enqueue_dma source(%dma_start3A_1055 : memref<1x4096xf32, #tpu.memory_space<vmem_shared>>) target(%dma_start3A_1053 : memref<1x4096xf32, #tpu.memory_space<hbm>>) target_semaphore(%dma_start3A_1051 : memref<!tpu.dma_semaphore, #tpu.memory_space<semaphore_mem>>)
    %slice3A_1056 = vector.extract_strided_slice %get3A_886 {offsets = [13], sizes = [1], strides = [1]} : vector<16xi32> to vector<1xi32>
    %squeeze3A_1057 = vector.extract %slice3A_1056[0] : i32 from vector<1xi32>
    %add3A_1058 = arith.constant 64 : i32
    %add3A_1059 = arith.addi %mul3A_2, %add3A_1058 : i32
    %add3A_1060 = arith.constant 13 : i32
    %add3A_1061 = arith.addi %add3A_1059, %add3A_1060 : i32
    %dma_start3A_1062 = arith.constant 4 : i32
    %dma_start3A_1063 = tpu.memref_slice %arg10[%dma_start3A_1062] : memref<5x!tpu.dma_semaphore, #tpu.memory_space<semaphore_mem>> -> memref<1x!tpu.dma_semaphore, #tpu.memory_space<semaphore_mem>>
    %dma_start3A_1064 = tpu.memref_squeeze %dma_start3A_1063 : memref<1x!tpu.dma_semaphore, #tpu.memory_space<semaphore_mem>> -> memref<!tpu.dma_semaphore, #tpu.memory_space<semaphore_mem>>
    %dma_start3A_1065 = arith.constant 0 : i32
    %dma_start3A_1066 = tpu.memref_slice %arg5[%add3A_1061, %dma_start3A_1065] : memref<16384x4096xf32, #tpu.memory_space<hbm>> -> memref<1x4096xf32, #tpu.memory_space<hbm>>
    %dma_start3A_1067 = arith.constant 0 : i32
    %dma_start3A_1068 = tpu.memref_slice %arg9[%squeeze3A_1057, %dma_start3A_1067] : memref<128x4096xf32, #tpu.memory_space<vmem_shared>> -> memref<1x4096xf32, #tpu.memory_space<vmem_shared>>
    tpu.enqueue_dma source(%dma_start3A_1068 : memref<1x4096xf32, #tpu.memory_space<vmem_shared>>) target(%dma_start3A_1066 : memref<1x4096xf32, #tpu.memory_space<hbm>>) target_semaphore(%dma_start3A_1064 : memref<!tpu.dma_semaphore, #tpu.memory_space<semaphore_mem>>)
    %slice3A_1069 = vector.extract_strided_slice %get3A_886 {offsets = [14], sizes = [1], strides = [1]} : vector<16xi32> to vector<1xi32>
    %squeeze3A_1070 = vector.extract %slice3A_1069[0] : i32 from vector<1xi32>
    %add3A_1071 = arith.constant 64 : i32
    %add3A_1072 = arith.addi %mul3A_2, %add3A_1071 : i32
    %add3A_1073 = arith.constant 14 : i32
    %add3A_1074 = arith.addi %add3A_1072, %add3A_1073 : i32
    %dma_start3A_1075 = arith.constant 4 : i32
    %dma_start3A_1076 = tpu.memref_slice %arg10[%dma_start3A_1075] : memref<5x!tpu.dma_semaphore, #tpu.memory_space<semaphore_mem>> -> memref<1x!tpu.dma_semaphore, #tpu.memory_space<semaphore_mem>>
    %dma_start3A_1077 = tpu.memref_squeeze %dma_start3A_1076 : memref<1x!tpu.dma_semaphore, #tpu.memory_space<semaphore_mem>> -> memref<!tpu.dma_semaphore, #tpu.memory_space<semaphore_mem>>
    %dma_start3A_1078 = arith.constant 0 : i32
    %dma_start3A_1079 = tpu.memref_slice %arg5[%add3A_1074, %dma_start3A_1078] : memref<16384x4096xf32, #tpu.memory_space<hbm>> -> memref<1x4096xf32, #tpu.memory_space<hbm>>
    %dma_start3A_1080 = arith.constant 0 : i32
    %dma_start3A_1081 = tpu.memref_slice %arg9[%squeeze3A_1070, %dma_start3A_1080] : memref<128x4096xf32, #tpu.memory_space<vmem_shared>> -> memref<1x4096xf32, #tpu.memory_space<vmem_shared>>
    tpu.enqueue_dma source(%dma_start3A_1081 : memref<1x4096xf32, #tpu.memory_space<vmem_shared>>) target(%dma_start3A_1079 : memref<1x4096xf32, #tpu.memory_space<hbm>>) target_semaphore(%dma_start3A_1077 : memref<!tpu.dma_semaphore, #tpu.memory_space<semaphore_mem>>)
    %slice3A_1082 = vector.extract_strided_slice %get3A_886 {offsets = [15], sizes = [1], strides = [1]} : vector<16xi32> to vector<1xi32>
    %squeeze3A_1083 = vector.extract %slice3A_1082[0] : i32 from vector<1xi32>
    %add3A_1084 = arith.constant 64 : i32
    %add3A_1085 = arith.addi %mul3A_2, %add3A_1084 : i32
    %add3A_1086 = arith.constant 15 : i32
    %add3A_1087 = arith.addi %add3A_1085, %add3A_1086 : i32
    %dma_start3A_1088 = arith.constant 4 : i32
    %dma_start3A_1089 = tpu.memref_slice %arg10[%dma_start3A_1088] : memref<5x!tpu.dma_semaphore, #tpu.memory_space<semaphore_mem>> -> memref<1x!tpu.dma_semaphore, #tpu.memory_space<semaphore_mem>>
    %dma_start3A_1090 = tpu.memref_squeeze %dma_start3A_1089 : memref<1x!tpu.dma_semaphore, #tpu.memory_space<semaphore_mem>> -> memref<!tpu.dma_semaphore, #tpu.memory_space<semaphore_mem>>
    %dma_start3A_1091 = arith.constant 0 : i32
    %dma_start3A_1092 = tpu.memref_slice %arg5[%add3A_1087, %dma_start3A_1091] : memref<16384x4096xf32, #tpu.memory_space<hbm>> -> memref<1x4096xf32, #tpu.memory_space<hbm>>
    %dma_start3A_1093 = arith.constant 0 : i32
    %dma_start3A_1094 = tpu.memref_slice %arg9[%squeeze3A_1083, %dma_start3A_1093] : memref<128x4096xf32, #tpu.memory_space<vmem_shared>> -> memref<1x4096xf32, #tpu.memory_space<vmem_shared>>
    tpu.enqueue_dma source(%dma_start3A_1094 : memref<1x4096xf32, #tpu.memory_space<vmem_shared>>) target(%dma_start3A_1092 : memref<1x4096xf32, #tpu.memory_space<hbm>>) target_semaphore(%dma_start3A_1090 : memref<!tpu.dma_semaphore, #tpu.memory_space<semaphore_mem>>)
    %scan3A = arith.constant 0 : i32
    %scan3A_1095 = arith.constant 4 : i32
    %scan3A_1096 = arith.addi %scan3A, %scan3A_1095 : i32
    %scan3A_1097 = arith.constant 1 : i32
    scf.for %scan3A_1130 = %scan3A to %scan3A_1096 step %scan3A_1097  : i32 {
      %mul3A_1131 = arith.constant 5 : i32
      %mul3A_1132 = arith.muli %scan3A_1130, %mul3A_1131 : i32
      %add3A_1133 = arith.constant 0 : i32
      %add3A_1134 = arith.addi %mul3A_1132, %add3A_1133 : i32
      %dma_wait3A_1135 = arith.constant 0 : i32
      %dma_wait3A_1136 = tpu.memref_slice %arg10[%dma_wait3A_1135] : memref<5x!tpu.dma_semaphore, #tpu.memory_space<semaphore_mem>> -> memref<1x!tpu.dma_semaphore, #tpu.memory_space<semaphore_mem>>
      %dma_wait3A_1137 = tpu.memref_squeeze %dma_wait3A_1136 : memref<1x!tpu.dma_semaphore, #tpu.memory_space<semaphore_mem>> -> memref<!tpu.dma_semaphore, #tpu.memory_space<semaphore_mem>>
      %dma_wait3A_1138 = arith.constant 0 : i32
      %dma_wait3A_1139 = tpu.memref_slice %arg5[%mul3A_2, %dma_wait3A_1138] : memref<16384x4096xf32, #tpu.memory_space<hbm>> -> memref<16x4096xf32, #tpu.memory_space<hbm>>
      %dma_wait3A_1140 = arith.constant 0 : i32
      %dma_wait3A_1141 = arith.constant 0 : i32
      %dma_wait3A_1142 = tpu.memref_slice %arg9[%dma_wait3A_1140, %dma_wait3A_1141] : memref<128x4096xf32, #tpu.memory_space<vmem_shared>> -> memref<16x4096xf32, #tpu.memory_space<vmem_shared>>
      tpu.wait_dma2 semaphore(%dma_wait3A_1137 : memref<!tpu.dma_semaphore, #tpu.memory_space<semaphore_mem>>) src(%dma_wait3A_1142 : memref<16x4096xf32, #tpu.memory_space<vmem_shared>>) dst(%dma_wait3A_1139 : memref<16x4096xf32, #tpu.memory_space<hbm>>)
      %add3A_1143 = arith.constant 5 : i32
      %add3A_1144 = arith.addi %add3A_1134, %add3A_1143 : i32
      %lt3A = arith.constant 20 : i32
      %lt3A_1145 = arith.cmpi slt, %add3A_1144, %lt3A : i32
      %convert_element_type3A = arith.extui %lt3A_1145 : i1 to i32
      %cond3A = arith.constant 0 : i32
      %cond3A_1146 = arith.cmpi ne, %convert_element_type3A, %cond3A : i32
      scf.if %cond3A_1146 {
        %add3A_1523 = arith.constant 5 : i32
        %add3A_1524 = arith.addi %add3A_1134, %add3A_1523 : i32
        %mul3A_1525 = arith.constant 16 : i32
        %mul3A_1526 = arith.muli %add3A_1524, %mul3A_1525 : i32
        %multiple_of3A_1527 = tpu.assume_multiple %mul3A_1526, 16 : i32
        %get3A_1528 = arith.index_cast %multiple_of3A_1527 : i32 to index
        %get3A_1529 = tpu.vector_load %arg6[%get3A_1528] {strides = array<i32>} : memref<512xi32, #tpu.memory_space<vmem>>, vector<16xi32>,
        %get3A_1530 = vector.shape_cast %get3A_1529 : vector<16xi32> to vector<16xi32>
        %slice3A_1531 = vector.extract_strided_slice %get3A_1530 {offsets = [0], sizes = [1], strides = [1]} : vector<16xi32> to vector<1xi32>
        %squeeze3A_1532 = vector.extract %slice3A_1531[0] : i32 from vector<1xi32>
        %mul3A_1533 = arith.constant 16 : i32
        %mul3A_1534 = arith.muli %add3A_1524, %mul3A_1533 : i32
        %add3A_1535 = arith.addi %mul3A_2, %mul3A_1534 : i32
        %add3A_1536 = arith.constant 0 : i32
        %add3A_1537 = arith.addi %add3A_1535, %add3A_1536 : i32
        %dma_start3A_1538 = arith.constant 0 : i32
        %dma_start3A_1539 = tpu.memref_slice %arg10[%dma_start3A_1538] : memref<5x!tpu.dma_semaphore, #tpu.memory_space<semaphore_mem>> -> memref<1x!tpu.dma_semaphore, #tpu.memory_space<semaphore_mem>>
        %dma_start3A_1540 = tpu.memref_squeeze %dma_start3A_1539 : memref<1x!tpu.dma_semaphore, #tpu.memory_space<semaphore_mem>> -> memref<!tpu.dma_semaphore, #tpu.memory_space<semaphore_mem>>
        %dma_start3A_1541 = arith.constant 0 : i32
        %dma_start3A_1542 = tpu.memref_slice %arg5[%add3A_1537, %dma_start3A_1541] : memref<16384x4096xf32, #tpu.memory_space<hbm>> -> memref<1x4096xf32, #tpu.memory_space<hbm>>
        %dma_start3A_1543 = arith.constant 0 : i32
        %dma_start3A_1544 = tpu.memref_slice %arg9[%squeeze3A_1532, %dma_start3A_1543] : memref<128x4096xf32, #tpu.memory_space<vmem_shared>> -> memref<1x4096xf32, #tpu.memory_space<vmem_shared>>
        tpu.enqueue_dma source(%dma_start3A_1544 : memref<1x4096xf32, #tpu.memory_space<vmem_shared>>) target(%dma_start3A_1542 : memref<1x4096xf32, #tpu.memory_space<hbm>>) target_semaphore(%dma_start3A_1540 : memref<!tpu.dma_semaphore, #tpu.memory_space<semaphore_mem>>)
        %slice3A_1545 = vector.extract_strided_slice %get3A_1530 {offsets = [1], sizes = [1], strides = [1]} : vector<16xi32> to vector<1xi32>
        %squeeze3A_1546 = vector.extract %slice3A_1545[0] : i32 from vector<1xi32>
        %mul3A_1547 = arith.constant 16 : i32
        %mul3A_1548 = arith.muli %add3A_1524, %mul3A_1547 : i32
        %add3A_1549 = arith.addi %mul3A_2, %mul3A_1548 : i32
        %add3A_1550 = arith.constant 1 : i32
        %add3A_1551 = arith.addi %add3A_1549, %add3A_1550 : i32
        %dma_start3A_1552 = arith.constant 0 : i32
        %dma_start3A_1553 = tpu.memref_slice %arg10[%dma_start3A_1552] : memref<5x!tpu.dma_semaphore, #tpu.memory_space<semaphore_mem>> -> memref<1x!tpu.dma_semaphore, #tpu.memory_space<semaphore_mem>>
        %dma_start3A_1554 = tpu.memref_squeeze %dma_start3A_1553 : memref<1x!tpu.dma_semaphore, #tpu.memory_space<semaphore_mem>> -> memref<!tpu.dma_semaphore, #tpu.memory_space<semaphore_mem>>
        %dma_start3A_1555 = arith.constant 0 : i32
        %dma_start3A_1556 = tpu.memref_slice %arg5[%add3A_1551, %dma_start3A_1555] : memref<16384x4096xf32, #tpu.memory_space<hbm>> -> memref<1x4096xf32, #tpu.memory_space<hbm>>
        %dma_start3A_1557 = arith.constant 0 : i32
        %dma_start3A_1558 = tpu.memref_slice %arg9[%squeeze3A_1546, %dma_start3A_1557] : memref<128x4096xf32, #tpu.memory_space<vmem_shared>> -> memref<1x4096xf32, #tpu.memory_space<vmem_shared>>
        tpu.enqueue_dma source(%dma_start3A_1558 : memref<1x4096xf32, #tpu.memory_space<vmem_shared>>) target(%dma_start3A_1556 : memref<1x4096xf32, #tpu.memory_space<hbm>>) target_semaphore(%dma_start3A_1554 : memref<!tpu.dma_semaphore, #tpu.memory_space<semaphore_mem>>)
        %slice3A_1559 = vector.extract_strided_slice %get3A_1530 {offsets = [2], sizes = [1], strides = [1]} : vector<16xi32> to vector<1xi32>
        %squeeze3A_1560 = vector.extract %slice3A_1559[0] : i32 from vector<1xi32>
        %mul3A_1561 = arith.constant 16 : i32
        %mul3A_1562 = arith.muli %add3A_1524, %mul3A_1561 : i32
        %add3A_1563 = arith.addi %mul3A_2, %mul3A_1562 : i32
        %add3A_1564 = arith.constant 2 : i32
        %add3A_1565 = arith.addi %add3A_1563, %add3A_1564 : i32
        %dma_start3A_1566 = arith.constant 0 : i32
        %dma_start3A_1567 = tpu.memref_slice %arg10[%dma_start3A_1566] : memref<5x!tpu.dma_semaphore, #tpu.memory_space<semaphore_mem>> -> memref<1x!tpu.dma_semaphore, #tpu.memory_space<semaphore_mem>>
        %dma_start3A_1568 = tpu.memref_squeeze %dma_start3A_1567 : memref<1x!tpu.dma_semaphore, #tpu.memory_space<semaphore_mem>> -> memref<!tpu.dma_semaphore, #tpu.memory_space<semaphore_mem>>
        %dma_start3A_1569 = arith.constant 0 : i32
        %dma_start3A_1570 = tpu.memref_slice %arg5[%add3A_1565, %dma_start3A_1569] : memref<16384x4096xf32, #tpu.memory_space<hbm>> -> memref<1x4096xf32, #tpu.memory_space<hbm>>
        %dma_start3A_1571 = arith.constant 0 : i32
        %dma_start3A_1572 = tpu.memref_slice %arg9[%squeeze3A_1560, %dma_start3A_1571] : memref<128x4096xf32, #tpu.memory_space<vmem_shared>> -> memref<1x4096xf32, #tpu.memory_space<vmem_shared>>
        tpu.enqueue_dma source(%dma_start3A_1572 : memref<1x4096xf32, #tpu.memory_space<vmem_shared>>) target(%dma_start3A_1570 : memref<1x4096xf32, #tpu.memory_space<hbm>>) target_semaphore(%dma_start3A_1568 : memref<!tpu.dma_semaphore, #tpu.memory_space<semaphore_mem>>)
        %slice3A_1573 = vector.extract_strided_slice %get3A_1530 {offsets = [3], sizes = [1], strides = [1]} : vector<16xi32> to vector<1xi32>
        %squeeze3A_1574 = vector.extract %slice3A_1573[0] : i32 from vector<1xi32>
        %mul3A_1575 = arith.constant 16 : i32
        %mul3A_1576 = arith.muli %add3A_1524, %mul3A_1575 : i32
        %add3A_1577 = arith.addi %mul3A_2, %mul3A_1576 : i32
        %add3A_1578 = arith.constant 3 : i32
        %add3A_1579 = arith.addi %add3A_1577, %add3A_1578 : i32
        %dma_start3A_1580 = arith.constant 0 : i32
        %dma_start3A_1581 = tpu.memref_slice %arg10[%dma_start3A_1580] : memref<5x!tpu.dma_semaphore, #tpu.memory_space<semaphore_mem>> -> memref<1x!tpu.dma_semaphore, #tpu.memory_space<semaphore_mem>>
        %dma_start3A_1582 = tpu.memref_squeeze %dma_start3A_1581 : memref<1x!tpu.dma_semaphore, #tpu.memory_space<semaphore_mem>> -> memref<!tpu.dma_semaphore, #tpu.memory_space<semaphore_mem>>
        %dma_start3A_1583 = arith.constant 0 : i32
        %dma_start3A_1584 = tpu.memref_slice %arg5[%add3A_1579, %dma_start3A_1583] : memref<16384x4096xf32, #tpu.memory_space<hbm>> -> memref<1x4096xf32, #tpu.memory_space<hbm>>
        %dma_start3A_1585 = arith.constant 0 : i32
        %dma_start3A_1586 = tpu.memref_slice %arg9[%squeeze3A_1574, %dma_start3A_1585] : memref<128x4096xf32, #tpu.memory_space<vmem_shared>> -> memref<1x4096xf32, #tpu.memory_space<vmem_shared>>
        tpu.enqueue_dma source(%dma_start3A_1586 : memref<1x4096xf32, #tpu.memory_space<vmem_shared>>) target(%dma_start3A_1584 : memref<1x4096xf32, #tpu.memory_space<hbm>>) target_semaphore(%dma_start3A_1582 : memref<!tpu.dma_semaphore, #tpu.memory_space<semaphore_mem>>)
        %slice3A_1587 = vector.extract_strided_slice %get3A_1530 {offsets = [4], sizes = [1], strides = [1]} : vector<16xi32> to vector<1xi32>
        %squeeze3A_1588 = vector.extract %slice3A_1587[0] : i32 from vector<1xi32>
        %mul3A_1589 = arith.constant 16 : i32
        %mul3A_1590 = arith.muli %add3A_1524, %mul3A_1589 : i32
        %add3A_1591 = arith.addi %mul3A_2, %mul3A_1590 : i32
        %add3A_1592 = arith.constant 4 : i32
        %add3A_1593 = arith.addi %add3A_1591, %add3A_1592 : i32
        %dma_start3A_1594 = arith.constant 0 : i32
        %dma_start3A_1595 = tpu.memref_slice %arg10[%dma_start3A_1594] : memref<5x!tpu.dma_semaphore, #tpu.memory_space<semaphore_mem>> -> memref<1x!tpu.dma_semaphore, #tpu.memory_space<semaphore_mem>>
        %dma_start3A_1596 = tpu.memref_squeeze %dma_start3A_1595 : memref<1x!tpu.dma_semaphore, #tpu.memory_space<semaphore_mem>> -> memref<!tpu.dma_semaphore, #tpu.memory_space<semaphore_mem>>
        %dma_start3A_1597 = arith.constant 0 : i32
        %dma_start3A_1598 = tpu.memref_slice %arg5[%add3A_1593, %dma_start3A_1597] : memref<16384x4096xf32, #tpu.memory_space<hbm>> -> memref<1x4096xf32, #tpu.memory_space<hbm>>
        %dma_start3A_1599 = arith.constant 0 : i32
        %dma_start3A_1600 = tpu.memref_slice %arg9[%squeeze3A_1588, %dma_start3A_1599] : memref<128x4096xf32, #tpu.memory_space<vmem_shared>> -> memref<1x4096xf32, #tpu.memory_space<vmem_shared>>
        tpu.enqueue_dma source(%dma_start3A_1600 : memref<1x4096xf32, #tpu.memory_space<vmem_shared>>) target(%dma_start3A_1598 : memref<1x4096xf32, #tpu.memory_space<hbm>>) target_semaphore(%dma_start3A_1596 : memref<!tpu.dma_semaphore, #tpu.memory_space<semaphore_mem>>)
        %slice3A_1601 = vector.extract_strided_slice %get3A_1530 {offsets = [5], sizes = [1], strides = [1]} : vector<16xi32> to vector<1xi32>
        %squeeze3A_1602 = vector.extract %slice3A_1601[0] : i32 from vector<1xi32>
        %mul3A_1603 = arith.constant 16 : i32
        %mul3A_1604 = arith.muli %add3A_1524, %mul3A_1603 : i32
        %add3A_1605 = arith.addi %mul3A_2, %mul3A_1604 : i32
        %add3A_1606 = arith.constant 5 : i32
        %add3A_1607 = arith.addi %add3A_1605, %add3A_1606 : i32
        %dma_start3A_1608 = arith.constant 0 : i32
        %dma_start3A_1609 = tpu.memref_slice %arg10[%dma_start3A_1608] : memref<5x!tpu.dma_semaphore, #tpu.memory_space<semaphore_mem>> -> memref<1x!tpu.dma_semaphore, #tpu.memory_space<semaphore_mem>>
        %dma_start3A_1610 = tpu.memref_squeeze %dma_start3A_1609 : memref<1x!tpu.dma_semaphore, #tpu.memory_space<semaphore_mem>> -> memref<!tpu.dma_semaphore, #tpu.memory_space<semaphore_mem>>
        %dma_start3A_1611 = arith.constant 0 : i32
        %dma_start3A_1612 = tpu.memref_slice %arg5[%add3A_1607, %dma_start3A_1611] : memref<16384x4096xf32, #tpu.memory_space<hbm>> -> memref<1x4096xf32, #tpu.memory_space<hbm>>
        %dma_start3A_1613 = arith.constant 0 : i32
        %dma_start3A_1614 = tpu.memref_slice %arg9[%squeeze3A_1602, %dma_start3A_1613] : memref<128x4096xf32, #tpu.memory_space<vmem_shared>> -> memref<1x4096xf32, #tpu.memory_space<vmem_shared>>
        tpu.enqueue_dma source(%dma_start3A_1614 : memref<1x4096xf32, #tpu.memory_space<vmem_shared>>) target(%dma_start3A_1612 : memref<1x4096xf32, #tpu.memory_space<hbm>>) target_semaphore(%dma_start3A_1610 : memref<!tpu.dma_semaphore, #tpu.memory_space<semaphore_mem>>)
        %slice3A_1615 = vector.extract_strided_slice %get3A_1530 {offsets = [6], sizes = [1], strides = [1]} : vector<16xi32> to vector<1xi32>
        %squeeze3A_1616 = vector.extract %slice3A_1615[0] : i32 from vector<1xi32>
        %mul3A_1617 = arith.constant 16 : i32
        %mul3A_1618 = arith.muli %add3A_1524, %mul3A_1617 : i32
        %add3A_1619 = arith.addi %mul3A_2, %mul3A_1618 : i32
        %add3A_1620 = arith.constant 6 : i32
        %add3A_1621 = arith.addi %add3A_1619, %add3A_1620 : i32
        %dma_start3A_1622 = arith.constant 0 : i32
        %dma_start3A_1623 = tpu.memref_slice %arg10[%dma_start3A_1622] : memref<5x!tpu.dma_semaphore, #tpu.memory_space<semaphore_mem>> -> memref<1x!tpu.dma_semaphore, #tpu.memory_space<semaphore_mem>>
        %dma_start3A_1624 = tpu.memref_squeeze %dma_start3A_1623 : memref<1x!tpu.dma_semaphore, #tpu.memory_space<semaphore_mem>> -> memref<!tpu.dma_semaphore, #tpu.memory_space<semaphore_mem>>
        %dma_start3A_1625 = arith.constant 0 : i32
        %dma_start3A_1626 = tpu.memref_slice %arg5[%add3A_1621, %dma_start3A_1625] : memref<16384x4096xf32, #tpu.memory_space<hbm>> -> memref<1x4096xf32, #tpu.memory_space<hbm>>
        %dma_start3A_1627 = arith.constant 0 : i32
        %dma_start3A_1628 = tpu.memref_slice %arg9[%squeeze3A_1616, %dma_start3A_1627] : memref<128x4096xf32, #tpu.memory_space<vmem_shared>> -> memref<1x4096xf32, #tpu.memory_space<vmem_shared>>
        tpu.enqueue_dma source(%dma_start3A_1628 : memref<1x4096xf32, #tpu.memory_space<vmem_shared>>) target(%dma_start3A_1626 : memref<1x4096xf32, #tpu.memory_space<hbm>>) target_semaphore(%dma_start3A_1624 : memref<!tpu.dma_semaphore, #tpu.memory_space<semaphore_mem>>)
        %slice3A_1629 = vector.extract_strided_slice %get3A_1530 {offsets = [7], sizes = [1], strides = [1]} : vector<16xi32> to vector<1xi32>
        %squeeze3A_1630 = vector.extract %slice3A_1629[0] : i32 from vector<1xi32>
        %mul3A_1631 = arith.constant 16 : i32
        %mul3A_1632 = arith.muli %add3A_1524, %mul3A_1631 : i32
        %add3A_1633 = arith.addi %mul3A_2, %mul3A_1632 : i32
        %add3A_1634 = arith.constant 7 : i32
        %add3A_1635 = arith.addi %add3A_1633, %add3A_1634 : i32
        %dma_start3A_1636 = arith.constant 0 : i32
        %dma_start3A_1637 = tpu.memref_slice %arg10[%dma_start3A_1636] : memref<5x!tpu.dma_semaphore, #tpu.memory_space<semaphore_mem>> -> memref<1x!tpu.dma_semaphore, #tpu.memory_space<semaphore_mem>>
        %dma_start3A_1638 = tpu.memref_squeeze %dma_start3A_1637 : memref<1x!tpu.dma_semaphore, #tpu.memory_space<semaphore_mem>> -> memref<!tpu.dma_semaphore, #tpu.memory_space<semaphore_mem>>
        %dma_start3A_1639 = arith.constant 0 : i32
        %dma_start3A_1640 = tpu.memref_slice %arg5[%add3A_1635, %dma_start3A_1639] : memref<16384x4096xf32, #tpu.memory_space<hbm>> -> memref<1x4096xf32, #tpu.memory_space<hbm>>
        %dma_start3A_1641 = arith.constant 0 : i32
        %dma_start3A_1642 = tpu.memref_slice %arg9[%squeeze3A_1630, %dma_start3A_1641] : memref<128x4096xf32, #tpu.memory_space<vmem_shared>> -> memref<1x4096xf32, #tpu.memory_space<vmem_shared>>
        tpu.enqueue_dma source(%dma_start3A_1642 : memref<1x4096xf32, #tpu.memory_space<vmem_shared>>) target(%dma_start3A_1640 : memref<1x4096xf32, #tpu.memory_space<hbm>>) target_semaphore(%dma_start3A_1638 : memref<!tpu.dma_semaphore, #tpu.memory_space<semaphore_mem>>)
        %slice3A_1643 = vector.extract_strided_slice %get3A_1530 {offsets = [8], sizes = [1], strides = [1]} : vector<16xi32> to vector<1xi32>
        %squeeze3A_1644 = vector.extract %slice3A_1643[0] : i32 from vector<1xi32>
        %mul3A_1645 = arith.constant 16 : i32
        %mul3A_1646 = arith.muli %add3A_1524, %mul3A_1645 : i32
        %add3A_1647 = arith.addi %mul3A_2, %mul3A_1646 : i32
        %add3A_1648 = arith.constant 8 : i32
        %add3A_1649 = arith.addi %add3A_1647, %add3A_1648 : i32
        %dma_start3A_1650 = arith.constant 0 : i32
        %dma_start3A_1651 = tpu.memref_slice %arg10[%dma_start3A_1650] : memref<5x!tpu.dma_semaphore, #tpu.memory_space<semaphore_mem>> -> memref<1x!tpu.dma_semaphore, #tpu.memory_space<semaphore_mem>>
        %dma_start3A_1652 = tpu.memref_squeeze %dma_start3A_1651 : memref<1x!tpu.dma_semaphore, #tpu.memory_space<semaphore_mem>> -> memref<!tpu.dma_semaphore, #tpu.memory_space<semaphore_mem>>
        %dma_start3A_1653 = arith.constant 0 : i32
        %dma_start3A_1654 = tpu.memref_slice %arg5[%add3A_1649, %dma_start3A_1653] : memref<16384x4096xf32, #tpu.memory_space<hbm>> -> memref<1x4096xf32, #tpu.memory_space<hbm>>
        %dma_start3A_1655 = arith.constant 0 : i32
        %dma_start3A_1656 = tpu.memref_slice %arg9[%squeeze3A_1644, %dma_start3A_1655] : memref<128x4096xf32, #tpu.memory_space<vmem_shared>> -> memref<1x4096xf32, #tpu.memory_space<vmem_shared>>
        tpu.enqueue_dma source(%dma_start3A_1656 : memref<1x4096xf32, #tpu.memory_space<vmem_shared>>) target(%dma_start3A_1654 : memref<1x4096xf32, #tpu.memory_space<hbm>>) target_semaphore(%dma_start3A_1652 : memref<!tpu.dma_semaphore, #tpu.memory_space<semaphore_mem>>)
        %slice3A_1657 = vector.extract_strided_slice %get3A_1530 {offsets = [9], sizes = [1], strides = [1]} : vector<16xi32> to vector<1xi32>
        %squeeze3A_1658 = vector.extract %slice3A_1657[0] : i32 from vector<1xi32>
        %mul3A_1659 = arith.constant 16 : i32
        %mul3A_1660 = arith.muli %add3A_1524, %mul3A_1659 : i32
        %add3A_1661 = arith.addi %mul3A_2, %mul3A_1660 : i32
        %add3A_1662 = arith.constant 9 : i32
        %add3A_1663 = arith.addi %add3A_1661, %add3A_1662 : i32
        %dma_start3A_1664 = arith.constant 0 : i32
        %dma_start3A_1665 = tpu.memref_slice %arg10[%dma_start3A_1664] : memref<5x!tpu.dma_semaphore, #tpu.memory_space<semaphore_mem>> -> memref<1x!tpu.dma_semaphore, #tpu.memory_space<semaphore_mem>>
        %dma_start3A_1666 = tpu.memref_squeeze %dma_start3A_1665 : memref<1x!tpu.dma_semaphore, #tpu.memory_space<semaphore_mem>> -> memref<!tpu.dma_semaphore, #tpu.memory_space<semaphore_mem>>
        %dma_start3A_1667 = arith.constant 0 : i32
        %dma_start3A_1668 = tpu.memref_slice %arg5[%add3A_1663, %dma_start3A_1667] : memref<16384x4096xf32, #tpu.memory_space<hbm>> -> memref<1x4096xf32, #tpu.memory_space<hbm>>
        %dma_start3A_1669 = arith.constant 0 : i32
        %dma_start3A_1670 = tpu.memref_slice %arg9[%squeeze3A_1658, %dma_start3A_1669] : memref<128x4096xf32, #tpu.memory_space<vmem_shared>> -> memref<1x4096xf32, #tpu.memory_space<vmem_shared>>
        tpu.enqueue_dma source(%dma_start3A_1670 : memref<1x4096xf32, #tpu.memory_space<vmem_shared>>) target(%dma_start3A_1668 : memref<1x4096xf32, #tpu.memory_space<hbm>>) target_semaphore(%dma_start3A_1666 : memref<!tpu.dma_semaphore, #tpu.memory_space<semaphore_mem>>)
        %slice3A_1671 = vector.extract_strided_slice %get3A_1530 {offsets = [10], sizes = [1], strides = [1]} : vector<16xi32> to vector<1xi32>
        %squeeze3A_1672 = vector.extract %slice3A_1671[0] : i32 from vector<1xi32>
        %mul3A_1673 = arith.constant 16 : i32
        %mul3A_1674 = arith.muli %add3A_1524, %mul3A_1673 : i32
        %add3A_1675 = arith.addi %mul3A_2, %mul3A_1674 : i32
        %add3A_1676 = arith.constant 10 : i32
        %add3A_1677 = arith.addi %add3A_1675, %add3A_1676 : i32
        %dma_start3A_1678 = arith.constant 0 : i32
        %dma_start3A_1679 = tpu.memref_slice %arg10[%dma_start3A_1678] : memref<5x!tpu.dma_semaphore, #tpu.memory_space<semaphore_mem>> -> memref<1x!tpu.dma_semaphore, #tpu.memory_space<semaphore_mem>>
        %dma_start3A_1680 = tpu.memref_squeeze %dma_start3A_1679 : memref<1x!tpu.dma_semaphore, #tpu.memory_space<semaphore_mem>> -> memref<!tpu.dma_semaphore, #tpu.memory_space<semaphore_mem>>
        %dma_start3A_1681 = arith.constant 0 : i32
        %dma_start3A_1682 = tpu.memref_slice %arg5[%add3A_1677, %dma_start3A_1681] : memref<16384x4096xf32, #tpu.memory_space<hbm>> -> memref<1x4096xf32, #tpu.memory_space<hbm>>
        %dma_start3A_1683 = arith.constant 0 : i32
        %dma_start3A_1684 = tpu.memref_slice %arg9[%squeeze3A_1672, %dma_start3A_1683] : memref<128x4096xf32, #tpu.memory_space<vmem_shared>> -> memref<1x4096xf32, #tpu.memory_space<vmem_shared>>
        tpu.enqueue_dma source(%dma_start3A_1684 : memref<1x4096xf32, #tpu.memory_space<vmem_shared>>) target(%dma_start3A_1682 : memref<1x4096xf32, #tpu.memory_space<hbm>>) target_semaphore(%dma_start3A_1680 : memref<!tpu.dma_semaphore, #tpu.memory_space<semaphore_mem>>)
        %slice3A_1685 = vector.extract_strided_slice %get3A_1530 {offsets = [11], sizes = [1], strides = [1]} : vector<16xi32> to vector<1xi32>
        %squeeze3A_1686 = vector.extract %slice3A_1685[0] : i32 from vector<1xi32>
        %mul3A_1687 = arith.constant 16 : i32
        %mul3A_1688 = arith.muli %add3A_1524, %mul3A_1687 : i32
        %add3A_1689 = arith.addi %mul3A_2, %mul3A_1688 : i32
        %add3A_1690 = arith.constant 11 : i32
        %add3A_1691 = arith.addi %add3A_1689, %add3A_1690 : i32
        %dma_start3A_1692 = arith.constant 0 : i32
        %dma_start3A_1693 = tpu.memref_slice %arg10[%dma_start3A_1692] : memref<5x!tpu.dma_semaphore, #tpu.memory_space<semaphore_mem>> -> memref<1x!tpu.dma_semaphore, #tpu.memory_space<semaphore_mem>>
        %dma_start3A_1694 = tpu.memref_squeeze %dma_start3A_1693 : memref<1x!tpu.dma_semaphore, #tpu.memory_space<semaphore_mem>> -> memref<!tpu.dma_semaphore, #tpu.memory_space<semaphore_mem>>
        %dma_start3A_1695 = arith.constant 0 : i32
        %dma_start3A_1696 = tpu.memref_slice %arg5[%add3A_1691, %dma_start3A_1695] : memref<16384x4096xf32, #tpu.memory_space<hbm>> -> memref<1x4096xf32, #tpu.memory_space<hbm>>
        %dma_start3A_1697 = arith.constant 0 : i32
        %dma_start3A_1698 = tpu.memref_slice %arg9[%squeeze3A_1686, %dma_start3A_1697] : memref<128x4096xf32, #tpu.memory_space<vmem_shared>> -> memref<1x4096xf32, #tpu.memory_space<vmem_shared>>
        tpu.enqueue_dma source(%dma_start3A_1698 : memref<1x4096xf32, #tpu.memory_space<vmem_shared>>) target(%dma_start3A_1696 : memref<1x4096xf32, #tpu.memory_space<hbm>>) target_semaphore(%dma_start3A_1694 : memref<!tpu.dma_semaphore, #tpu.memory_space<semaphore_mem>>)
        %slice3A_1699 = vector.extract_strided_slice %get3A_1530 {offsets = [12], sizes = [1], strides = [1]} : vector<16xi32> to vector<1xi32>
        %squeeze3A_1700 = vector.extract %slice3A_1699[0] : i32 from vector<1xi32>
        %mul3A_1701 = arith.constant 16 : i32
        %mul3A_1702 = arith.muli %add3A_1524, %mul3A_1701 : i32
        %add3A_1703 = arith.addi %mul3A_2, %mul3A_1702 : i32
        %add3A_1704 = arith.constant 12 : i32
        %add3A_1705 = arith.addi %add3A_1703, %add3A_1704 : i32
        %dma_start3A_1706 = arith.constant 0 : i32
        %dma_start3A_1707 = tpu.memref_slice %arg10[%dma_start3A_1706] : memref<5x!tpu.dma_semaphore, #tpu.memory_space<semaphore_mem>> -> memref<1x!tpu.dma_semaphore, #tpu.memory_space<semaphore_mem>>
        %dma_start3A_1708 = tpu.memref_squeeze %dma_start3A_1707 : memref<1x!tpu.dma_semaphore, #tpu.memory_space<semaphore_mem>> -> memref<!tpu.dma_semaphore, #tpu.memory_space<semaphore_mem>>
        %dma_start3A_1709 = arith.constant 0 : i32
        %dma_start3A_1710 = tpu.memref_slice %arg5[%add3A_1705, %dma_start3A_1709] : memref<16384x4096xf32, #tpu.memory_space<hbm>> -> memref<1x4096xf32, #tpu.memory_space<hbm>>
        %dma_start3A_1711 = arith.constant 0 : i32
        %dma_start3A_1712 = tpu.memref_slice %arg9[%squeeze3A_1700, %dma_start3A_1711] : memref<128x4096xf32, #tpu.memory_space<vmem_shared>> -> memref<1x4096xf32, #tpu.memory_space<vmem_shared>>
        tpu.enqueue_dma source(%dma_start3A_1712 : memref<1x4096xf32, #tpu.memory_space<vmem_shared>>) target(%dma_start3A_1710 : memref<1x4096xf32, #tpu.memory_space<hbm>>) target_semaphore(%dma_start3A_1708 : memref<!tpu.dma_semaphore, #tpu.memory_space<semaphore_mem>>)
        %slice3A_1713 = vector.extract_strided_slice %get3A_1530 {offsets = [13], sizes = [1], strides = [1]} : vector<16xi32> to vector<1xi32>
        %squeeze3A_1714 = vector.extract %slice3A_1713[0] : i32 from vector<1xi32>
        %mul3A_1715 = arith.constant 16 : i32
        %mul3A_1716 = arith.muli %add3A_1524, %mul3A_1715 : i32
        %add3A_1717 = arith.addi %mul3A_2, %mul3A_1716 : i32
        %add3A_1718 = arith.constant 13 : i32
        %add3A_1719 = arith.addi %add3A_1717, %add3A_1718 : i32
        %dma_start3A_1720 = arith.constant 0 : i32
        %dma_start3A_1721 = tpu.memref_slice %arg10[%dma_start3A_1720] : memref<5x!tpu.dma_semaphore, #tpu.memory_space<semaphore_mem>> -> memref<1x!tpu.dma_semaphore, #tpu.memory_space<semaphore_mem>>
        %dma_start3A_1722 = tpu.memref_squeeze %dma_start3A_1721 : memref<1x!tpu.dma_semaphore, #tpu.memory_space<semaphore_mem>> -> memref<!tpu.dma_semaphore, #tpu.memory_space<semaphore_mem>>
        %dma_start3A_1723 = arith.constant 0 : i32
        %dma_start3A_1724 = tpu.memref_slice %arg5[%add3A_1719, %dma_start3A_1723] : memref<16384x4096xf32, #tpu.memory_space<hbm>> -> memref<1x4096xf32, #tpu.memory_space<hbm>>
        %dma_start3A_1725 = arith.constant 0 : i32
        %dma_start3A_1726 = tpu.memref_slice %arg9[%squeeze3A_1714, %dma_start3A_1725] : memref<128x4096xf32, #tpu.memory_space<vmem_shared>> -> memref<1x4096xf32, #tpu.memory_space<vmem_shared>>
        tpu.enqueue_dma source(%dma_start3A_1726 : memref<1x4096xf32, #tpu.memory_space<vmem_shared>>) target(%dma_start3A_1724 : memref<1x4096xf32, #tpu.memory_space<hbm>>) target_semaphore(%dma_start3A_1722 : memref<!tpu.dma_semaphore, #tpu.memory_space<semaphore_mem>>)
        %slice3A_1727 = vector.extract_strided_slice %get3A_1530 {offsets = [14], sizes = [1], strides = [1]} : vector<16xi32> to vector<1xi32>
        %squeeze3A_1728 = vector.extract %slice3A_1727[0] : i32 from vector<1xi32>
        %mul3A_1729 = arith.constant 16 : i32
        %mul3A_1730 = arith.muli %add3A_1524, %mul3A_1729 : i32
        %add3A_1731 = arith.addi %mul3A_2, %mul3A_1730 : i32
        %add3A_1732 = arith.constant 14 : i32
        %add3A_1733 = arith.addi %add3A_1731, %add3A_1732 : i32
        %dma_start3A_1734 = arith.constant 0 : i32
        %dma_start3A_1735 = tpu.memref_slice %arg10[%dma_start3A_1734] : memref<5x!tpu.dma_semaphore, #tpu.memory_space<semaphore_mem>> -> memref<1x!tpu.dma_semaphore, #tpu.memory_space<semaphore_mem>>
        %dma_start3A_1736 = tpu.memref_squeeze %dma_start3A_1735 : memref<1x!tpu.dma_semaphore, #tpu.memory_space<semaphore_mem>> -> memref<!tpu.dma_semaphore, #tpu.memory_space<semaphore_mem>>
        %dma_start3A_1737 = arith.constant 0 : i32
        %dma_start3A_1738 = tpu.memref_slice %arg5[%add3A_1733, %dma_start3A_1737] : memref<16384x4096xf32, #tpu.memory_space<hbm>> -> memref<1x4096xf32, #tpu.memory_space<hbm>>
        %dma_start3A_1739 = arith.constant 0 : i32
        %dma_start3A_1740 = tpu.memref_slice %arg9[%squeeze3A_1728, %dma_start3A_1739] : memref<128x4096xf32, #tpu.memory_space<vmem_shared>> -> memref<1x4096xf32, #tpu.memory_space<vmem_shared>>
        tpu.enqueue_dma source(%dma_start3A_1740 : memref<1x4096xf32, #tpu.memory_space<vmem_shared>>) target(%dma_start3A_1738 : memref<1x4096xf32, #tpu.memory_space<hbm>>) target_semaphore(%dma_start3A_1736 : memref<!tpu.dma_semaphore, #tpu.memory_space<semaphore_mem>>)
        %slice3A_1741 = vector.extract_strided_slice %get3A_1530 {offsets = [15], sizes = [1], strides = [1]} : vector<16xi32> to vector<1xi32>
        %squeeze3A_1742 = vector.extract %slice3A_1741[0] : i32 from vector<1xi32>
        %mul3A_1743 = arith.constant 16 : i32
        %mul3A_1744 = arith.muli %add3A_1524, %mul3A_1743 : i32
        %add3A_1745 = arith.addi %mul3A_2, %mul3A_1744 : i32
        %add3A_1746 = arith.constant 15 : i32
        %add3A_1747 = arith.addi %add3A_1745, %add3A_1746 : i32
        %dma_start3A_1748 = arith.constant 0 : i32
        %dma_start3A_1749 = tpu.memref_slice %arg10[%dma_start3A_1748] : memref<5x!tpu.dma_semaphore, #tpu.memory_space<semaphore_mem>> -> memref<1x!tpu.dma_semaphore, #tpu.memory_space<semaphore_mem>>
        %dma_start3A_1750 = tpu.memref_squeeze %dma_start3A_1749 : memref<1x!tpu.dma_semaphore, #tpu.memory_space<semaphore_mem>> -> memref<!tpu.dma_semaphore, #tpu.memory_space<semaphore_mem>>
        %dma_start3A_1751 = arith.constant 0 : i32
        %dma_start3A_1752 = tpu.memref_slice %arg5[%add3A_1747, %dma_start3A_1751] : memref<16384x4096xf32, #tpu.memory_space<hbm>> -> memref<1x4096xf32, #tpu.memory_space<hbm>>
        %dma_start3A_1753 = arith.constant 0 : i32
        %dma_start3A_1754 = tpu.memref_slice %arg9[%squeeze3A_1742, %dma_start3A_1753] : memref<128x4096xf32, #tpu.memory_space<vmem_shared>> -> memref<1x4096xf32, #tpu.memory_space<vmem_shared>>
        tpu.enqueue_dma source(%dma_start3A_1754 : memref<1x4096xf32, #tpu.memory_space<vmem_shared>>) target(%dma_start3A_1752 : memref<1x4096xf32, #tpu.memory_space<hbm>>) target_semaphore(%dma_start3A_1750 : memref<!tpu.dma_semaphore, #tpu.memory_space<semaphore_mem>>)
      } else {
      }
      %mul3A_1147 = arith.constant 5 : i32
      %mul3A_1148 = arith.muli %scan3A_1130, %mul3A_1147 : i32
      %add3A_1149 = arith.constant 1 : i32
      %add3A_1150 = arith.addi %mul3A_1148, %add3A_1149 : i32
      %dma_wait3A_1151 = arith.constant 1 : i32
      %dma_wait3A_1152 = tpu.memref_slice %arg10[%dma_wait3A_1151] : memref<5x!tpu.dma_semaphore, #tpu.memory_space<semaphore_mem>> -> memref<1x!tpu.dma_semaphore, #tpu.memory_space<semaphore_mem>>
      %dma_wait3A_1153 = tpu.memref_squeeze %dma_wait3A_1152 : memref<1x!tpu.dma_semaphore, #tpu.memory_space<semaphore_mem>> -> memref<!tpu.dma_semaphore, #tpu.memory_space<semaphore_mem>>
      %dma_wait3A_1154 = arith.constant 0 : i32
      %dma_wait3A_1155 = tpu.memref_slice %arg5[%mul3A_2, %dma_wait3A_1154] : memref<16384x4096xf32, #tpu.memory_space<hbm>> -> memref<16x4096xf32, #tpu.memory_space<hbm>>
      %dma_wait3A_1156 = arith.constant 0 : i32
      %dma_wait3A_1157 = arith.constant 0 : i32
      %dma_wait3A_1158 = tpu.memref_slice %arg9[%dma_wait3A_1156, %dma_wait3A_1157] : memref<128x4096xf32, #tpu.memory_space<vmem_shared>> -> memref<16x4096xf32, #tpu.memory_space<vmem_shared>>
      tpu.wait_dma2 semaphore(%dma_wait3A_1153 : memref<!tpu.dma_semaphore, #tpu.memory_space<semaphore_mem>>) src(%dma_wait3A_1158 : memref<16x4096xf32, #tpu.memory_space<vmem_shared>>) dst(%dma_wait3A_1155 : memref<16x4096xf32, #tpu.memory_space<hbm>>)
      %add3A_1159 = arith.constant 5 : i32
      %add3A_1160 = arith.addi %add3A_1150, %add3A_1159 : i32
      %lt3A_1161 = arith.constant 20 : i32
      %lt3A_1162 = arith.cmpi slt, %add3A_1160, %lt3A_1161 : i32
      %convert_element_type3A_1163 = arith.extui %lt3A_1162 : i1 to i32
      %cond3A_1164 = arith.constant 0 : i32
      %cond3A_1165 = arith.cmpi ne, %convert_element_type3A_1163, %cond3A_1164 : i32
      scf.if %cond3A_1165 {
        %add3A_1523 = arith.constant 5 : i32
        %add3A_1524 = arith.addi %add3A_1150, %add3A_1523 : i32
        %mul3A_1525 = arith.constant 16 : i32
        %mul3A_1526 = arith.muli %add3A_1524, %mul3A_1525 : i32
        %multiple_of3A_1527 = tpu.assume_multiple %mul3A_1526, 16 : i32
        %get3A_1528 = arith.index_cast %multiple_of3A_1527 : i32 to index
        %get3A_1529 = tpu.vector_load %arg6[%get3A_1528] {strides = array<i32>} : memref<512xi32, #tpu.memory_space<vmem>>, vector<16xi32>,
        %get3A_1530 = vector.shape_cast %get3A_1529 : vector<16xi32> to vector<16xi32>
        %slice3A_1531 = vector.extract_strided_slice %get3A_1530 {offsets = [0], sizes = [1], strides = [1]} : vector<16xi32> to vector<1xi32>
        %squeeze3A_1532 = vector.extract %slice3A_1531[0] : i32 from vector<1xi32>
        %mul3A_1533 = arith.constant 16 : i32
        %mul3A_1534 = arith.muli %add3A_1524, %mul3A_1533 : i32
        %add3A_1535 = arith.addi %mul3A_2, %mul3A_1534 : i32
        %add3A_1536 = arith.constant 0 : i32
        %add3A_1537 = arith.addi %add3A_1535, %add3A_1536 : i32
        %dma_start3A_1538 = arith.constant 1 : i32
        %dma_start3A_1539 = tpu.memref_slice %arg10[%dma_start3A_1538] : memref<5x!tpu.dma_semaphore, #tpu.memory_space<semaphore_mem>> -> memref<1x!tpu.dma_semaphore, #tpu.memory_space<semaphore_mem>>
        %dma_start3A_1540 = tpu.memref_squeeze %dma_start3A_1539 : memref<1x!tpu.dma_semaphore, #tpu.memory_space<semaphore_mem>> -> memref<!tpu.dma_semaphore, #tpu.memory_space<semaphore_mem>>
        %dma_start3A_1541 = arith.constant 0 : i32
        %dma_start3A_1542 = tpu.memref_slice %arg5[%add3A_1537, %dma_start3A_1541] : memref<16384x4096xf32, #tpu.memory_space<hbm>> -> memref<1x4096xf32, #tpu.memory_space<hbm>>
        %dma_start3A_1543 = arith.constant 0 : i32
        %dma_start3A_1544 = tpu.memref_slice %arg9[%squeeze3A_1532, %dma_start3A_1543] : memref<128x4096xf32, #tpu.memory_space<vmem_shared>> -> memref<1x4096xf32, #tpu.memory_space<vmem_shared>>
        tpu.enqueue_dma source(%dma_start3A_1544 : memref<1x4096xf32, #tpu.memory_space<vmem_shared>>) target(%dma_start3A_1542 : memref<1x4096xf32, #tpu.memory_space<hbm>>) target_semaphore(%dma_start3A_1540 : memref<!tpu.dma_semaphore, #tpu.memory_space<semaphore_mem>>)
        %slice3A_1545 = vector.extract_strided_slice %get3A_1530 {offsets = [1], sizes = [1], strides = [1]} : vector<16xi32> to vector<1xi32>
        %squeeze3A_1546 = vector.extract %slice3A_1545[0] : i32 from vector<1xi32>
        %mul3A_1547 = arith.constant 16 : i32
        %mul3A_1548 = arith.muli %add3A_1524, %mul3A_1547 : i32
        %add3A_1549 = arith.addi %mul3A_2, %mul3A_1548 : i32
        %add3A_1550 = arith.constant 1 : i32
        %add3A_1551 = arith.addi %add3A_1549, %add3A_1550 : i32
        %dma_start3A_1552 = arith.constant 1 : i32
        %dma_start3A_1553 = tpu.memref_slice %arg10[%dma_start3A_1552] : memref<5x!tpu.dma_semaphore, #tpu.memory_space<semaphore_mem>> -> memref<1x!tpu.dma_semaphore, #tpu.memory_space<semaphore_mem>>
        %dma_start3A_1554 = tpu.memref_squeeze %dma_start3A_1553 : memref<1x!tpu.dma_semaphore, #tpu.memory_space<semaphore_mem>> -> memref<!tpu.dma_semaphore, #tpu.memory_space<semaphore_mem>>
        %dma_start3A_1555 = arith.constant 0 : i32
        %dma_start3A_1556 = tpu.memref_slice %arg5[%add3A_1551, %dma_start3A_1555] : memref<16384x4096xf32, #tpu.memory_space<hbm>> -> memref<1x4096xf32, #tpu.memory_space<hbm>>
        %dma_start3A_1557 = arith.constant 0 : i32
        %dma_start3A_1558 = tpu.memref_slice %arg9[%squeeze3A_1546, %dma_start3A_1557] : memref<128x4096xf32, #tpu.memory_space<vmem_shared>> -> memref<1x4096xf32, #tpu.memory_space<vmem_shared>>
        tpu.enqueue_dma source(%dma_start3A_1558 : memref<1x4096xf32, #tpu.memory_space<vmem_shared>>) target(%dma_start3A_1556 : memref<1x4096xf32, #tpu.memory_space<hbm>>) target_semaphore(%dma_start3A_1554 : memref<!tpu.dma_semaphore, #tpu.memory_space<semaphore_mem>>)
        %slice3A_1559 = vector.extract_strided_slice %get3A_1530 {offsets = [2], sizes = [1], strides = [1]} : vector<16xi32> to vector<1xi32>
        %squeeze3A_1560 = vector.extract %slice3A_1559[0] : i32 from vector<1xi32>
        %mul3A_1561 = arith.constant 16 : i32
        %mul3A_1562 = arith.muli %add3A_1524, %mul3A_1561 : i32
        %add3A_1563 = arith.addi %mul3A_2, %mul3A_1562 : i32
        %add3A_1564 = arith.constant 2 : i32
        %add3A_1565 = arith.addi %add3A_1563, %add3A_1564 : i32
        %dma_start3A_1566 = arith.constant 1 : i32
        %dma_start3A_1567 = tpu.memref_slice %arg10[%dma_start3A_1566] : memref<5x!tpu.dma_semaphore, #tpu.memory_space<semaphore_mem>> -> memref<1x!tpu.dma_semaphore, #tpu.memory_space<semaphore_mem>>
        %dma_start3A_1568 = tpu.memref_squeeze %dma_start3A_1567 : memref<1x!tpu.dma_semaphore, #tpu.memory_space<semaphore_mem>> -> memref<!tpu.dma_semaphore, #tpu.memory_space<semaphore_mem>>
        %dma_start3A_1569 = arith.constant 0 : i32
        %dma_start3A_1570 = tpu.memref_slice %arg5[%add3A_1565, %dma_start3A_1569] : memref<16384x4096xf32, #tpu.memory_space<hbm>> -> memref<1x4096xf32, #tpu.memory_space<hbm>>
        %dma_start3A_1571 = arith.constant 0 : i32
        %dma_start3A_1572 = tpu.memref_slice %arg9[%squeeze3A_1560, %dma_start3A_1571] : memref<128x4096xf32, #tpu.memory_space<vmem_shared>> -> memref<1x4096xf32, #tpu.memory_space<vmem_shared>>
        tpu.enqueue_dma source(%dma_start3A_1572 : memref<1x4096xf32, #tpu.memory_space<vmem_shared>>) target(%dma_start3A_1570 : memref<1x4096xf32, #tpu.memory_space<hbm>>) target_semaphore(%dma_start3A_1568 : memref<!tpu.dma_semaphore, #tpu.memory_space<semaphore_mem>>)
        %slice3A_1573 = vector.extract_strided_slice %get3A_1530 {offsets = [3], sizes = [1], strides = [1]} : vector<16xi32> to vector<1xi32>
        %squeeze3A_1574 = vector.extract %slice3A_1573[0] : i32 from vector<1xi32>
        %mul3A_1575 = arith.constant 16 : i32
        %mul3A_1576 = arith.muli %add3A_1524, %mul3A_1575 : i32
        %add3A_1577 = arith.addi %mul3A_2, %mul3A_1576 : i32
        %add3A_1578 = arith.constant 3 : i32
        %add3A_1579 = arith.addi %add3A_1577, %add3A_1578 : i32
        %dma_start3A_1580 = arith.constant 1 : i32
        %dma_start3A_1581 = tpu.memref_slice %arg10[%dma_start3A_1580] : memref<5x!tpu.dma_semaphore, #tpu.memory_space<semaphore_mem>> -> memref<1x!tpu.dma_semaphore, #tpu.memory_space<semaphore_mem>>
        %dma_start3A_1582 = tpu.memref_squeeze %dma_start3A_1581 : memref<1x!tpu.dma_semaphore, #tpu.memory_space<semaphore_mem>> -> memref<!tpu.dma_semaphore, #tpu.memory_space<semaphore_mem>>
        %dma_start3A_1583 = arith.constant 0 : i32
        %dma_start3A_1584 = tpu.memref_slice %arg5[%add3A_1579, %dma_start3A_1583] : memref<16384x4096xf32, #tpu.memory_space<hbm>> -> memref<1x4096xf32, #tpu.memory_space<hbm>>
        %dma_start3A_1585 = arith.constant 0 : i32
        %dma_start3A_1586 = tpu.memref_slice %arg9[%squeeze3A_1574, %dma_start3A_1585] : memref<128x4096xf32, #tpu.memory_space<vmem_shared>> -> memref<1x4096xf32, #tpu.memory_space<vmem_shared>>
        tpu.enqueue_dma source(%dma_start3A_1586 : memref<1x4096xf32, #tpu.memory_space<vmem_shared>>) target(%dma_start3A_1584 : memref<1x4096xf32, #tpu.memory_space<hbm>>) target_semaphore(%dma_start3A_1582 : memref<!tpu.dma_semaphore, #tpu.memory_space<semaphore_mem>>)
        %slice3A_1587 = vector.extract_strided_slice %get3A_1530 {offsets = [4], sizes = [1], strides = [1]} : vector<16xi32> to vector<1xi32>
        %squeeze3A_1588 = vector.extract %slice3A_1587[0] : i32 from vector<1xi32>
        %mul3A_1589 = arith.constant 16 : i32
        %mul3A_1590 = arith.muli %add3A_1524, %mul3A_1589 : i32
        %add3A_1591 = arith.addi %mul3A_2, %mul3A_1590 : i32
        %add3A_1592 = arith.constant 4 : i32
        %add3A_1593 = arith.addi %add3A_1591, %add3A_1592 : i32
        %dma_start3A_1594 = arith.constant 1 : i32
        %dma_start3A_1595 = tpu.memref_slice %arg10[%dma_start3A_1594] : memref<5x!tpu.dma_semaphore, #tpu.memory_space<semaphore_mem>> -> memref<1x!tpu.dma_semaphore, #tpu.memory_space<semaphore_mem>>
        %dma_start3A_1596 = tpu.memref_squeeze %dma_start3A_1595 : memref<1x!tpu.dma_semaphore, #tpu.memory_space<semaphore_mem>> -> memref<!tpu.dma_semaphore, #tpu.memory_space<semaphore_mem>>
        %dma_start3A_1597 = arith.constant 0 : i32
        %dma_start3A_1598 = tpu.memref_slice %arg5[%add3A_1593, %dma_start3A_1597] : memref<16384x4096xf32, #tpu.memory_space<hbm>> -> memref<1x4096xf32, #tpu.memory_space<hbm>>
        %dma_start3A_1599 = arith.constant 0 : i32
        %dma_start3A_1600 = tpu.memref_slice %arg9[%squeeze3A_1588, %dma_start3A_1599] : memref<128x4096xf32, #tpu.memory_space<vmem_shared>> -> memref<1x4096xf32, #tpu.memory_space<vmem_shared>>
        tpu.enqueue_dma source(%dma_start3A_1600 : memref<1x4096xf32, #tpu.memory_space<vmem_shared>>) target(%dma_start3A_1598 : memref<1x4096xf32, #tpu.memory_space<hbm>>) target_semaphore(%dma_start3A_1596 : memref<!tpu.dma_semaphore, #tpu.memory_space<semaphore_mem>>)
        %slice3A_1601 = vector.extract_strided_slice %get3A_1530 {offsets = [5], sizes = [1], strides = [1]} : vector<16xi32> to vector<1xi32>
        %squeeze3A_1602 = vector.extract %slice3A_1601[0] : i32 from vector<1xi32>
        %mul3A_1603 = arith.constant 16 : i32
        %mul3A_1604 = arith.muli %add3A_1524, %mul3A_1603 : i32
        %add3A_1605 = arith.addi %mul3A_2, %mul3A_1604 : i32
        %add3A_1606 = arith.constant 5 : i32
        %add3A_1607 = arith.addi %add3A_1605, %add3A_1606 : i32
        %dma_start3A_1608 = arith.constant 1 : i32
        %dma_start3A_1609 = tpu.memref_slice %arg10[%dma_start3A_1608] : memref<5x!tpu.dma_semaphore, #tpu.memory_space<semaphore_mem>> -> memref<1x!tpu.dma_semaphore, #tpu.memory_space<semaphore_mem>>
        %dma_start3A_1610 = tpu.memref_squeeze %dma_start3A_1609 : memref<1x!tpu.dma_semaphore, #tpu.memory_space<semaphore_mem>> -> memref<!tpu.dma_semaphore, #tpu.memory_space<semaphore_mem>>
        %dma_start3A_1611 = arith.constant 0 : i32
        %dma_start3A_1612 = tpu.memref_slice %arg5[%add3A_1607, %dma_start3A_1611] : memref<16384x4096xf32, #tpu.memory_space<hbm>> -> memref<1x4096xf32, #tpu.memory_space<hbm>>
        %dma_start3A_1613 = arith.constant 0 : i32
        %dma_start3A_1614 = tpu.memref_slice %arg9[%squeeze3A_1602, %dma_start3A_1613] : memref<128x4096xf32, #tpu.memory_space<vmem_shared>> -> memref<1x4096xf32, #tpu.memory_space<vmem_shared>>
        tpu.enqueue_dma source(%dma_start3A_1614 : memref<1x4096xf32, #tpu.memory_space<vmem_shared>>) target(%dma_start3A_1612 : memref<1x4096xf32, #tpu.memory_space<hbm>>) target_semaphore(%dma_start3A_1610 : memref<!tpu.dma_semaphore, #tpu.memory_space<semaphore_mem>>)
        %slice3A_1615 = vector.extract_strided_slice %get3A_1530 {offsets = [6], sizes = [1], strides = [1]} : vector<16xi32> to vector<1xi32>
        %squeeze3A_1616 = vector.extract %slice3A_1615[0] : i32 from vector<1xi32>
        %mul3A_1617 = arith.constant 16 : i32
        %mul3A_1618 = arith.muli %add3A_1524, %mul3A_1617 : i32
        %add3A_1619 = arith.addi %mul3A_2, %mul3A_1618 : i32
        %add3A_1620 = arith.constant 6 : i32
        %add3A_1621 = arith.addi %add3A_1619, %add3A_1620 : i32
        %dma_start3A_1622 = arith.constant 1 : i32
        %dma_start3A_1623 = tpu.memref_slice %arg10[%dma_start3A_1622] : memref<5x!tpu.dma_semaphore, #tpu.memory_space<semaphore_mem>> -> memref<1x!tpu.dma_semaphore, #tpu.memory_space<semaphore_mem>>
        %dma_start3A_1624 = tpu.memref_squeeze %dma_start3A_1623 : memref<1x!tpu.dma_semaphore, #tpu.memory_space<semaphore_mem>> -> memref<!tpu.dma_semaphore, #tpu.memory_space<semaphore_mem>>
        %dma_start3A_1625 = arith.constant 0 : i32
        %dma_start3A_1626 = tpu.memref_slice %arg5[%add3A_1621, %dma_start3A_1625] : memref<16384x4096xf32, #tpu.memory_space<hbm>> -> memref<1x4096xf32, #tpu.memory_space<hbm>>
        %dma_start3A_1627 = arith.constant 0 : i32
        %dma_start3A_1628 = tpu.memref_slice %arg9[%squeeze3A_1616, %dma_start3A_1627] : memref<128x4096xf32, #tpu.memory_space<vmem_shared>> -> memref<1x4096xf32, #tpu.memory_space<vmem_shared>>
        tpu.enqueue_dma source(%dma_start3A_1628 : memref<1x4096xf32, #tpu.memory_space<vmem_shared>>) target(%dma_start3A_1626 : memref<1x4096xf32, #tpu.memory_space<hbm>>) target_semaphore(%dma_start3A_1624 : memref<!tpu.dma_semaphore, #tpu.memory_space<semaphore_mem>>)
        %slice3A_1629 = vector.extract_strided_slice %get3A_1530 {offsets = [7], sizes = [1], strides = [1]} : vector<16xi32> to vector<1xi32>
        %squeeze3A_1630 = vector.extract %slice3A_1629[0] : i32 from vector<1xi32>
        %mul3A_1631 = arith.constant 16 : i32
        %mul3A_1632 = arith.muli %add3A_1524, %mul3A_1631 : i32
        %add3A_1633 = arith.addi %mul3A_2, %mul3A_1632 : i32
        %add3A_1634 = arith.constant 7 : i32
        %add3A_1635 = arith.addi %add3A_1633, %add3A_1634 : i32
        %dma_start3A_1636 = arith.constant 1 : i32
        %dma_start3A_1637 = tpu.memref_slice %arg10[%dma_start3A_1636] : memref<5x!tpu.dma_semaphore, #tpu.memory_space<semaphore_mem>> -> memref<1x!tpu.dma_semaphore, #tpu.memory_space<semaphore_mem>>
        %dma_start3A_1638 = tpu.memref_squeeze %dma_start3A_1637 : memref<1x!tpu.dma_semaphore, #tpu.memory_space<semaphore_mem>> -> memref<!tpu.dma_semaphore, #tpu.memory_space<semaphore_mem>>
        %dma_start3A_1639 = arith.constant 0 : i32
        %dma_start3A_1640 = tpu.memref_slice %arg5[%add3A_1635, %dma_start3A_1639] : memref<16384x4096xf32, #tpu.memory_space<hbm>> -> memref<1x4096xf32, #tpu.memory_space<hbm>>
        %dma_start3A_1641 = arith.constant 0 : i32
        %dma_start3A_1642 = tpu.memref_slice %arg9[%squeeze3A_1630, %dma_start3A_1641] : memref<128x4096xf32, #tpu.memory_space<vmem_shared>> -> memref<1x4096xf32, #tpu.memory_space<vmem_shared>>
        tpu.enqueue_dma source(%dma_start3A_1642 : memref<1x4096xf32, #tpu.memory_space<vmem_shared>>) target(%dma_start3A_1640 : memref<1x4096xf32, #tpu.memory_space<hbm>>) target_semaphore(%dma_start3A_1638 : memref<!tpu.dma_semaphore, #tpu.memory_space<semaphore_mem>>)
        %slice3A_1643 = vector.extract_strided_slice %get3A_1530 {offsets = [8], sizes = [1], strides = [1]} : vector<16xi32> to vector<1xi32>
        %squeeze3A_1644 = vector.extract %slice3A_1643[0] : i32 from vector<1xi32>
        %mul3A_1645 = arith.constant 16 : i32
        %mul3A_1646 = arith.muli %add3A_1524, %mul3A_1645 : i32
        %add3A_1647 = arith.addi %mul3A_2, %mul3A_1646 : i32
        %add3A_1648 = arith.constant 8 : i32
        %add3A_1649 = arith.addi %add3A_1647, %add3A_1648 : i32
        %dma_start3A_1650 = arith.constant 1 : i32
        %dma_start3A_1651 = tpu.memref_slice %arg10[%dma_start3A_1650] : memref<5x!tpu.dma_semaphore, #tpu.memory_space<semaphore_mem>> -> memref<1x!tpu.dma_semaphore, #tpu.memory_space<semaphore_mem>>
        %dma_start3A_1652 = tpu.memref_squeeze %dma_start3A_1651 : memref<1x!tpu.dma_semaphore, #tpu.memory_space<semaphore_mem>> -> memref<!tpu.dma_semaphore, #tpu.memory_space<semaphore_mem>>
        %dma_start3A_1653 = arith.constant 0 : i32
        %dma_start3A_1654 = tpu.memref_slice %arg5[%add3A_1649, %dma_start3A_1653] : memref<16384x4096xf32, #tpu.memory_space<hbm>> -> memref<1x4096xf32, #tpu.memory_space<hbm>>
        %dma_start3A_1655 = arith.constant 0 : i32
        %dma_start3A_1656 = tpu.memref_slice %arg9[%squeeze3A_1644, %dma_start3A_1655] : memref<128x4096xf32, #tpu.memory_space<vmem_shared>> -> memref<1x4096xf32, #tpu.memory_space<vmem_shared>>
        tpu.enqueue_dma source(%dma_start3A_1656 : memref<1x4096xf32, #tpu.memory_space<vmem_shared>>) target(%dma_start3A_1654 : memref<1x4096xf32, #tpu.memory_space<hbm>>) target_semaphore(%dma_start3A_1652 : memref<!tpu.dma_semaphore, #tpu.memory_space<semaphore_mem>>)
        %slice3A_1657 = vector.extract_strided_slice %get3A_1530 {offsets = [9], sizes = [1], strides = [1]} : vector<16xi32> to vector<1xi32>
        %squeeze3A_1658 = vector.extract %slice3A_1657[0] : i32 from vector<1xi32>
        %mul3A_1659 = arith.constant 16 : i32
        %mul3A_1660 = arith.muli %add3A_1524, %mul3A_1659 : i32
        %add3A_1661 = arith.addi %mul3A_2, %mul3A_1660 : i32
        %add3A_1662 = arith.constant 9 : i32
        %add3A_1663 = arith.addi %add3A_1661, %add3A_1662 : i32
        %dma_start3A_1664 = arith.constant 1 : i32
        %dma_start3A_1665 = tpu.memref_slice %arg10[%dma_start3A_1664] : memref<5x!tpu.dma_semaphore, #tpu.memory_space<semaphore_mem>> -> memref<1x!tpu.dma_semaphore, #tpu.memory_space<semaphore_mem>>
        %dma_start3A_1666 = tpu.memref_squeeze %dma_start3A_1665 : memref<1x!tpu.dma_semaphore, #tpu.memory_space<semaphore_mem>> -> memref<!tpu.dma_semaphore, #tpu.memory_space<semaphore_mem>>
        %dma_start3A_1667 = arith.constant 0 : i32
        %dma_start3A_1668 = tpu.memref_slice %arg5[%add3A_1663, %dma_start3A_1667] : memref<16384x4096xf32, #tpu.memory_space<hbm>> -> memref<1x4096xf32, #tpu.memory_space<hbm>>
        %dma_start3A_1669 = arith.constant 0 : i32
        %dma_start3A_1670 = tpu.memref_slice %arg9[%squeeze3A_1658, %dma_start3A_1669] : memref<128x4096xf32, #tpu.memory_space<vmem_shared>> -> memref<1x4096xf32, #tpu.memory_space<vmem_shared>>
        tpu.enqueue_dma source(%dma_start3A_1670 : memref<1x4096xf32, #tpu.memory_space<vmem_shared>>) target(%dma_start3A_1668 : memref<1x4096xf32, #tpu.memory_space<hbm>>) target_semaphore(%dma_start3A_1666 : memref<!tpu.dma_semaphore, #tpu.memory_space<semaphore_mem>>)
        %slice3A_1671 = vector.extract_strided_slice %get3A_1530 {offsets = [10], sizes = [1], strides = [1]} : vector<16xi32> to vector<1xi32>
        %squeeze3A_1672 = vector.extract %slice3A_1671[0] : i32 from vector<1xi32>
        %mul3A_1673 = arith.constant 16 : i32
        %mul3A_1674 = arith.muli %add3A_1524, %mul3A_1673 : i32
        %add3A_1675 = arith.addi %mul3A_2, %mul3A_1674 : i32
        %add3A_1676 = arith.constant 10 : i32
        %add3A_1677 = arith.addi %add3A_1675, %add3A_1676 : i32
        %dma_start3A_1678 = arith.constant 1 : i32
        %dma_start3A_1679 = tpu.memref_slice %arg10[%dma_start3A_1678] : memref<5x!tpu.dma_semaphore, #tpu.memory_space<semaphore_mem>> -> memref<1x!tpu.dma_semaphore, #tpu.memory_space<semaphore_mem>>
        %dma_start3A_1680 = tpu.memref_squeeze %dma_start3A_1679 : memref<1x!tpu.dma_semaphore, #tpu.memory_space<semaphore_mem>> -> memref<!tpu.dma_semaphore, #tpu.memory_space<semaphore_mem>>
        %dma_start3A_1681 = arith.constant 0 : i32
        %dma_start3A_1682 = tpu.memref_slice %arg5[%add3A_1677, %dma_start3A_1681] : memref<16384x4096xf32, #tpu.memory_space<hbm>> -> memref<1x4096xf32, #tpu.memory_space<hbm>>
        %dma_start3A_1683 = arith.constant 0 : i32
        %dma_start3A_1684 = tpu.memref_slice %arg9[%squeeze3A_1672, %dma_start3A_1683] : memref<128x4096xf32, #tpu.memory_space<vmem_shared>> -> memref<1x4096xf32, #tpu.memory_space<vmem_shared>>
        tpu.enqueue_dma source(%dma_start3A_1684 : memref<1x4096xf32, #tpu.memory_space<vmem_shared>>) target(%dma_start3A_1682 : memref<1x4096xf32, #tpu.memory_space<hbm>>) target_semaphore(%dma_start3A_1680 : memref<!tpu.dma_semaphore, #tpu.memory_space<semaphore_mem>>)
        %slice3A_1685 = vector.extract_strided_slice %get3A_1530 {offsets = [11], sizes = [1], strides = [1]} : vector<16xi32> to vector<1xi32>
        %squeeze3A_1686 = vector.extract %slice3A_1685[0] : i32 from vector<1xi32>
        %mul3A_1687 = arith.constant 16 : i32
        %mul3A_1688 = arith.muli %add3A_1524, %mul3A_1687 : i32
        %add3A_1689 = arith.addi %mul3A_2, %mul3A_1688 : i32
        %add3A_1690 = arith.constant 11 : i32
        %add3A_1691 = arith.addi %add3A_1689, %add3A_1690 : i32
        %dma_start3A_1692 = arith.constant 1 : i32
        %dma_start3A_1693 = tpu.memref_slice %arg10[%dma_start3A_1692] : memref<5x!tpu.dma_semaphore, #tpu.memory_space<semaphore_mem>> -> memref<1x!tpu.dma_semaphore, #tpu.memory_space<semaphore_mem>>
        %dma_start3A_1694 = tpu.memref_squeeze %dma_start3A_1693 : memref<1x!tpu.dma_semaphore, #tpu.memory_space<semaphore_mem>> -> memref<!tpu.dma_semaphore, #tpu.memory_space<semaphore_mem>>
        %dma_start3A_1695 = arith.constant 0 : i32
        %dma_start3A_1696 = tpu.memref_slice %arg5[%add3A_1691, %dma_start3A_1695] : memref<16384x4096xf32, #tpu.memory_space<hbm>> -> memref<1x4096xf32, #tpu.memory_space<hbm>>
        %dma_start3A_1697 = arith.constant 0 : i32
        %dma_start3A_1698 = tpu.memref_slice %arg9[%squeeze3A_1686, %dma_start3A_1697] : memref<128x4096xf32, #tpu.memory_space<vmem_shared>> -> memref<1x4096xf32, #tpu.memory_space<vmem_shared>>
        tpu.enqueue_dma source(%dma_start3A_1698 : memref<1x4096xf32, #tpu.memory_space<vmem_shared>>) target(%dma_start3A_1696 : memref<1x4096xf32, #tpu.memory_space<hbm>>) target_semaphore(%dma_start3A_1694 : memref<!tpu.dma_semaphore, #tpu.memory_space<semaphore_mem>>)
        %slice3A_1699 = vector.extract_strided_slice %get3A_1530 {offsets = [12], sizes = [1], strides = [1]} : vector<16xi32> to vector<1xi32>
        %squeeze3A_1700 = vector.extract %slice3A_1699[0] : i32 from vector<1xi32>
        %mul3A_1701 = arith.constant 16 : i32
        %mul3A_1702 = arith.muli %add3A_1524, %mul3A_1701 : i32
        %add3A_1703 = arith.addi %mul3A_2, %mul3A_1702 : i32
        %add3A_1704 = arith.constant 12 : i32
        %add3A_1705 = arith.addi %add3A_1703, %add3A_1704 : i32
        %dma_start3A_1706 = arith.constant 1 : i32
        %dma_start3A_1707 = tpu.memref_slice %arg10[%dma_start3A_1706] : memref<5x!tpu.dma_semaphore, #tpu.memory_space<semaphore_mem>> -> memref<1x!tpu.dma_semaphore, #tpu.memory_space<semaphore_mem>>
        %dma_start3A_1708 = tpu.memref_squeeze %dma_start3A_1707 : memref<1x!tpu.dma_semaphore, #tpu.memory_space<semaphore_mem>> -> memref<!tpu.dma_semaphore, #tpu.memory_space<semaphore_mem>>
        %dma_start3A_1709 = arith.constant 0 : i32
        %dma_start3A_1710 = tpu.memref_slice %arg5[%add3A_1705, %dma_start3A_1709] : memref<16384x4096xf32, #tpu.memory_space<hbm>> -> memref<1x4096xf32, #tpu.memory_space<hbm>>
        %dma_start3A_1711 = arith.constant 0 : i32
        %dma_start3A_1712 = tpu.memref_slice %arg9[%squeeze3A_1700, %dma_start3A_1711] : memref<128x4096xf32, #tpu.memory_space<vmem_shared>> -> memref<1x4096xf32, #tpu.memory_space<vmem_shared>>
        tpu.enqueue_dma source(%dma_start3A_1712 : memref<1x4096xf32, #tpu.memory_space<vmem_shared>>) target(%dma_start3A_1710 : memref<1x4096xf32, #tpu.memory_space<hbm>>) target_semaphore(%dma_start3A_1708 : memref<!tpu.dma_semaphore, #tpu.memory_space<semaphore_mem>>)
        %slice3A_1713 = vector.extract_strided_slice %get3A_1530 {offsets = [13], sizes = [1], strides = [1]} : vector<16xi32> to vector<1xi32>
        %squeeze3A_1714 = vector.extract %slice3A_1713[0] : i32 from vector<1xi32>
        %mul3A_1715 = arith.constant 16 : i32
        %mul3A_1716 = arith.muli %add3A_1524, %mul3A_1715 : i32
        %add3A_1717 = arith.addi %mul3A_2, %mul3A_1716 : i32
        %add3A_1718 = arith.constant 13 : i32
        %add3A_1719 = arith.addi %add3A_1717, %add3A_1718 : i32
        %dma_start3A_1720 = arith.constant 1 : i32
        %dma_start3A_1721 = tpu.memref_slice %arg10[%dma_start3A_1720] : memref<5x!tpu.dma_semaphore, #tpu.memory_space<semaphore_mem>> -> memref<1x!tpu.dma_semaphore, #tpu.memory_space<semaphore_mem>>
        %dma_start3A_1722 = tpu.memref_squeeze %dma_start3A_1721 : memref<1x!tpu.dma_semaphore, #tpu.memory_space<semaphore_mem>> -> memref<!tpu.dma_semaphore, #tpu.memory_space<semaphore_mem>>
        %dma_start3A_1723 = arith.constant 0 : i32
        %dma_start3A_1724 = tpu.memref_slice %arg5[%add3A_1719, %dma_start3A_1723] : memref<16384x4096xf32, #tpu.memory_space<hbm>> -> memref<1x4096xf32, #tpu.memory_space<hbm>>
        %dma_start3A_1725 = arith.constant 0 : i32
        %dma_start3A_1726 = tpu.memref_slice %arg9[%squeeze3A_1714, %dma_start3A_1725] : memref<128x4096xf32, #tpu.memory_space<vmem_shared>> -> memref<1x4096xf32, #tpu.memory_space<vmem_shared>>
        tpu.enqueue_dma source(%dma_start3A_1726 : memref<1x4096xf32, #tpu.memory_space<vmem_shared>>) target(%dma_start3A_1724 : memref<1x4096xf32, #tpu.memory_space<hbm>>) target_semaphore(%dma_start3A_1722 : memref<!tpu.dma_semaphore, #tpu.memory_space<semaphore_mem>>)
        %slice3A_1727 = vector.extract_strided_slice %get3A_1530 {offsets = [14], sizes = [1], strides = [1]} : vector<16xi32> to vector<1xi32>
        %squeeze3A_1728 = vector.extract %slice3A_1727[0] : i32 from vector<1xi32>
        %mul3A_1729 = arith.constant 16 : i32
        %mul3A_1730 = arith.muli %add3A_1524, %mul3A_1729 : i32
        %add3A_1731 = arith.addi %mul3A_2, %mul3A_1730 : i32
        %add3A_1732 = arith.constant 14 : i32
        %add3A_1733 = arith.addi %add3A_1731, %add3A_1732 : i32
        %dma_start3A_1734 = arith.constant 1 : i32
        %dma_start3A_1735 = tpu.memref_slice %arg10[%dma_start3A_1734] : memref<5x!tpu.dma_semaphore, #tpu.memory_space<semaphore_mem>> -> memref<1x!tpu.dma_semaphore, #tpu.memory_space<semaphore_mem>>
        %dma_start3A_1736 = tpu.memref_squeeze %dma_start3A_1735 : memref<1x!tpu.dma_semaphore, #tpu.memory_space<semaphore_mem>> -> memref<!tpu.dma_semaphore, #tpu.memory_space<semaphore_mem>>
        %dma_start3A_1737 = arith.constant 0 : i32
        %dma_start3A_1738 = tpu.memref_slice %arg5[%add3A_1733, %dma_start3A_1737] : memref<16384x4096xf32, #tpu.memory_space<hbm>> -> memref<1x4096xf32, #tpu.memory_space<hbm>>
        %dma_start3A_1739 = arith.constant 0 : i32
        %dma_start3A_1740 = tpu.memref_slice %arg9[%squeeze3A_1728, %dma_start3A_1739] : memref<128x4096xf32, #tpu.memory_space<vmem_shared>> -> memref<1x4096xf32, #tpu.memory_space<vmem_shared>>
        tpu.enqueue_dma source(%dma_start3A_1740 : memref<1x4096xf32, #tpu.memory_space<vmem_shared>>) target(%dma_start3A_1738 : memref<1x4096xf32, #tpu.memory_space<hbm>>) target_semaphore(%dma_start3A_1736 : memref<!tpu.dma_semaphore, #tpu.memory_space<semaphore_mem>>)
        %slice3A_1741 = vector.extract_strided_slice %get3A_1530 {offsets = [15], sizes = [1], strides = [1]} : vector<16xi32> to vector<1xi32>
        %squeeze3A_1742 = vector.extract %slice3A_1741[0] : i32 from vector<1xi32>
        %mul3A_1743 = arith.constant 16 : i32
        %mul3A_1744 = arith.muli %add3A_1524, %mul3A_1743 : i32
        %add3A_1745 = arith.addi %mul3A_2, %mul3A_1744 : i32
        %add3A_1746 = arith.constant 15 : i32
        %add3A_1747 = arith.addi %add3A_1745, %add3A_1746 : i32
        %dma_start3A_1748 = arith.constant 1 : i32
        %dma_start3A_1749 = tpu.memref_slice %arg10[%dma_start3A_1748] : memref<5x!tpu.dma_semaphore, #tpu.memory_space<semaphore_mem>> -> memref<1x!tpu.dma_semaphore, #tpu.memory_space<semaphore_mem>>
        %dma_start3A_1750 = tpu.memref_squeeze %dma_start3A_1749 : memref<1x!tpu.dma_semaphore, #tpu.memory_space<semaphore_mem>> -> memref<!tpu.dma_semaphore, #tpu.memory_space<semaphore_mem>>
        %dma_start3A_1751 = arith.constant 0 : i32
        %dma_start3A_1752 = tpu.memref_slice %arg5[%add3A_1747, %dma_start3A_1751] : memref<16384x4096xf32, #tpu.memory_space<hbm>> -> memref<1x4096xf32, #tpu.memory_space<hbm>>
        %dma_start3A_1753 = arith.constant 0 : i32
        %dma_start3A_1754 = tpu.memref_slice %arg9[%squeeze3A_1742, %dma_start3A_1753] : memref<128x4096xf32, #tpu.memory_space<vmem_shared>> -> memref<1x4096xf32, #tpu.memory_space<vmem_shared>>
        tpu.enqueue_dma source(%dma_start3A_1754 : memref<1x4096xf32, #tpu.memory_space<vmem_shared>>) target(%dma_start3A_1752 : memref<1x4096xf32, #tpu.memory_space<hbm>>) target_semaphore(%dma_start3A_1750 : memref<!tpu.dma_semaphore, #tpu.memory_space<semaphore_mem>>)
      } else {
      }
      %mul3A_1166 = arith.constant 5 : i32
      %mul3A_1167 = arith.muli %scan3A_1130, %mul3A_1166 : i32
      %add3A_1168 = arith.constant 2 : i32
      %add3A_1169 = arith.addi %mul3A_1167, %add3A_1168 : i32
      %dma_wait3A_1170 = arith.constant 2 : i32
      %dma_wait3A_1171 = tpu.memref_slice %arg10[%dma_wait3A_1170] : memref<5x!tpu.dma_semaphore, #tpu.memory_space<semaphore_mem>> -> memref<1x!tpu.dma_semaphore, #tpu.memory_space<semaphore_mem>>
      %dma_wait3A_1172 = tpu.memref_squeeze %dma_wait3A_1171 : memref<1x!tpu.dma_semaphore, #tpu.memory_space<semaphore_mem>> -> memref<!tpu.dma_semaphore, #tpu.memory_space<semaphore_mem>>
      %dma_wait3A_1173 = arith.constant 0 : i32
      %dma_wait3A_1174 = tpu.memref_slice %arg5[%mul3A_2, %dma_wait3A_1173] : memref<16384x4096xf32, #tpu.memory_space<hbm>> -> memref<16x4096xf32, #tpu.memory_space<hbm>>
      %dma_wait3A_1175 = arith.constant 0 : i32
      %dma_wait3A_1176 = arith.constant 0 : i32
      %dma_wait3A_1177 = tpu.memref_slice %arg9[%dma_wait3A_1175, %dma_wait3A_1176] : memref<128x4096xf32, #tpu.memory_space<vmem_shared>> -> memref<16x4096xf32, #tpu.memory_space<vmem_shared>>
      tpu.wait_dma2 semaphore(%dma_wait3A_1172 : memref<!tpu.dma_semaphore, #tpu.memory_space<semaphore_mem>>) src(%dma_wait3A_1177 : memref<16x4096xf32, #tpu.memory_space<vmem_shared>>) dst(%dma_wait3A_1174 : memref<16x4096xf32, #tpu.memory_space<hbm>>)
      %add3A_1178 = arith.constant 5 : i32
      %add3A_1179 = arith.addi %add3A_1169, %add3A_1178 : i32
      %lt3A_1180 = arith.constant 20 : i32
      %lt3A_1181 = arith.cmpi slt, %add3A_1179, %lt3A_1180 : i32
      %convert_element_type3A_1182 = arith.extui %lt3A_1181 : i1 to i32
      %cond3A_1183 = arith.constant 0 : i32
      %cond3A_1184 = arith.cmpi ne, %convert_element_type3A_1182, %cond3A_1183 : i32
      scf.if %cond3A_1184 {
        %add3A_1523 = arith.constant 5 : i32
        %add3A_1524 = arith.addi %add3A_1169, %add3A_1523 : i32
        %mul3A_1525 = arith.constant 16 : i32
        %mul3A_1526 = arith.muli %add3A_1524, %mul3A_1525 : i32
        %multiple_of3A_1527 = tpu.assume_multiple %mul3A_1526, 16 : i32
        %get3A_1528 = arith.index_cast %multiple_of3A_1527 : i32 to index
        %get3A_1529 = tpu.vector_load %arg6[%get3A_1528] {strides = array<i32>} : memref<512xi32, #tpu.memory_space<vmem>>, vector<16xi32>,
        %get3A_1530 = vector.shape_cast %get3A_1529 : vector<16xi32> to vector<16xi32>
        %slice3A_1531 = vector.extract_strided_slice %get3A_1530 {offsets = [0], sizes = [1], strides = [1]} : vector<16xi32> to vector<1xi32>
        %squeeze3A_1532 = vector.extract %slice3A_1531[0] : i32 from vector<1xi32>
        %mul3A_1533 = arith.constant 16 : i32
        %mul3A_1534 = arith.muli %add3A_1524, %mul3A_1533 : i32
        %add3A_1535 = arith.addi %mul3A_2, %mul3A_1534 : i32
        %add3A_1536 = arith.constant 0 : i32
        %add3A_1537 = arith.addi %add3A_1535, %add3A_1536 : i32
        %dma_start3A_1538 = arith.constant 2 : i32
        %dma_start3A_1539 = tpu.memref_slice %arg10[%dma_start3A_1538] : memref<5x!tpu.dma_semaphore, #tpu.memory_space<semaphore_mem>> -> memref<1x!tpu.dma_semaphore, #tpu.memory_space<semaphore_mem>>
        %dma_start3A_1540 = tpu.memref_squeeze %dma_start3A_1539 : memref<1x!tpu.dma_semaphore, #tpu.memory_space<semaphore_mem>> -> memref<!tpu.dma_semaphore, #tpu.memory_space<semaphore_mem>>
        %dma_start3A_1541 = arith.constant 0 : i32
        %dma_start3A_1542 = tpu.memref_slice %arg5[%add3A_1537, %dma_start3A_1541] : memref<16384x4096xf32, #tpu.memory_space<hbm>> -> memref<1x4096xf32, #tpu.memory_space<hbm>>
        %dma_start3A_1543 = arith.constant 0 : i32
        %dma_start3A_1544 = tpu.memref_slice %arg9[%squeeze3A_1532, %dma_start3A_1543] : memref<128x4096xf32, #tpu.memory_space<vmem_shared>> -> memref<1x4096xf32, #tpu.memory_space<vmem_shared>>
        tpu.enqueue_dma source(%dma_start3A_1544 : memref<1x4096xf32, #tpu.memory_space<vmem_shared>>) target(%dma_start3A_1542 : memref<1x4096xf32, #tpu.memory_space<hbm>>) target_semaphore(%dma_start3A_1540 : memref<!tpu.dma_semaphore, #tpu.memory_space<semaphore_mem>>)
        %slice3A_1545 = vector.extract_strided_slice %get3A_1530 {offsets = [1], sizes = [1], strides = [1]} : vector<16xi32> to vector<1xi32>
        %squeeze3A_1546 = vector.extract %slice3A_1545[0] : i32 from vector<1xi32>
        %mul3A_1547 = arith.constant 16 : i32
        %mul3A_1548 = arith.muli %add3A_1524, %mul3A_1547 : i32
        %add3A_1549 = arith.addi %mul3A_2, %mul3A_1548 : i32
        %add3A_1550 = arith.constant 1 : i32
        %add3A_1551 = arith.addi %add3A_1549, %add3A_1550 : i32
        %dma_start3A_1552 = arith.constant 2 : i32
        %dma_start3A_1553 = tpu.memref_slice %arg10[%dma_start3A_1552] : memref<5x!tpu.dma_semaphore, #tpu.memory_space<semaphore_mem>> -> memref<1x!tpu.dma_semaphore, #tpu.memory_space<semaphore_mem>>
        %dma_start3A_1554 = tpu.memref_squeeze %dma_start3A_1553 : memref<1x!tpu.dma_semaphore, #tpu.memory_space<semaphore_mem>> -> memref<!tpu.dma_semaphore, #tpu.memory_space<semaphore_mem>>
        %dma_start3A_1555 = arith.constant 0 : i32
        %dma_start3A_1556 = tpu.memref_slice %arg5[%add3A_1551, %dma_start3A_1555] : memref<16384x4096xf32, #tpu.memory_space<hbm>> -> memref<1x4096xf32, #tpu.memory_space<hbm>>
        %dma_start3A_1557 = arith.constant 0 : i32
        %dma_start3A_1558 = tpu.memref_slice %arg9[%squeeze3A_1546, %dma_start3A_1557] : memref<128x4096xf32, #tpu.memory_space<vmem_shared>> -> memref<1x4096xf32, #tpu.memory_space<vmem_shared>>
        tpu.enqueue_dma source(%dma_start3A_1558 : memref<1x4096xf32, #tpu.memory_space<vmem_shared>>) target(%dma_start3A_1556 : memref<1x4096xf32, #tpu.memory_space<hbm>>) target_semaphore(%dma_start3A_1554 : memref<!tpu.dma_semaphore, #tpu.memory_space<semaphore_mem>>)
        %slice3A_1559 = vector.extract_strided_slice %get3A_1530 {offsets = [2], sizes = [1], strides = [1]} : vector<16xi32> to vector<1xi32>
        %squeeze3A_1560 = vector.extract %slice3A_1559[0] : i32 from vector<1xi32>
        %mul3A_1561 = arith.constant 16 : i32
        %mul3A_1562 = arith.muli %add3A_1524, %mul3A_1561 : i32
        %add3A_1563 = arith.addi %mul3A_2, %mul3A_1562 : i32
        %add3A_1564 = arith.constant 2 : i32
        %add3A_1565 = arith.addi %add3A_1563, %add3A_1564 : i32
        %dma_start3A_1566 = arith.constant 2 : i32
        %dma_start3A_1567 = tpu.memref_slice %arg10[%dma_start3A_1566] : memref<5x!tpu.dma_semaphore, #tpu.memory_space<semaphore_mem>> -> memref<1x!tpu.dma_semaphore, #tpu.memory_space<semaphore_mem>>
        %dma_start3A_1568 = tpu.memref_squeeze %dma_start3A_1567 : memref<1x!tpu.dma_semaphore, #tpu.memory_space<semaphore_mem>> -> memref<!tpu.dma_semaphore, #tpu.memory_space<semaphore_mem>>
        %dma_start3A_1569 = arith.constant 0 : i32
        %dma_start3A_1570 = tpu.memref_slice %arg5[%add3A_1565, %dma_start3A_1569] : memref<16384x4096xf32, #tpu.memory_space<hbm>> -> memref<1x4096xf32, #tpu.memory_space<hbm>>
        %dma_start3A_1571 = arith.constant 0 : i32
        %dma_start3A_1572 = tpu.memref_slice %arg9[%squeeze3A_1560, %dma_start3A_1571] : memref<128x4096xf32, #tpu.memory_space<vmem_shared>> -> memref<1x4096xf32, #tpu.memory_space<vmem_shared>>
        tpu.enqueue_dma source(%dma_start3A_1572 : memref<1x4096xf32, #tpu.memory_space<vmem_shared>>) target(%dma_start3A_1570 : memref<1x4096xf32, #tpu.memory_space<hbm>>) target_semaphore(%dma_start3A_1568 : memref<!tpu.dma_semaphore, #tpu.memory_space<semaphore_mem>>)
        %slice3A_1573 = vector.extract_strided_slice %get3A_1530 {offsets = [3], sizes = [1], strides = [1]} : vector<16xi32> to vector<1xi32>
        %squeeze3A_1574 = vector.extract %slice3A_1573[0] : i32 from vector<1xi32>
        %mul3A_1575 = arith.constant 16 : i32
        %mul3A_1576 = arith.muli %add3A_1524, %mul3A_1575 : i32
        %add3A_1577 = arith.addi %mul3A_2, %mul3A_1576 : i32
        %add3A_1578 = arith.constant 3 : i32
        %add3A_1579 = arith.addi %add3A_1577, %add3A_1578 : i32
        %dma_start3A_1580 = arith.constant 2 : i32
        %dma_start3A_1581 = tpu.memref_slice %arg10[%dma_start3A_1580] : memref<5x!tpu.dma_semaphore, #tpu.memory_space<semaphore_mem>> -> memref<1x!tpu.dma_semaphore, #tpu.memory_space<semaphore_mem>>
        %dma_start3A_1582 = tpu.memref_squeeze %dma_start3A_1581 : memref<1x!tpu.dma_semaphore, #tpu.memory_space<semaphore_mem>> -> memref<!tpu.dma_semaphore, #tpu.memory_space<semaphore_mem>>
        %dma_start3A_1583 = arith.constant 0 : i32
        %dma_start3A_1584 = tpu.memref_slice %arg5[%add3A_1579, %dma_start3A_1583] : memref<16384x4096xf32, #tpu.memory_space<hbm>> -> memref<1x4096xf32, #tpu.memory_space<hbm>>
        %dma_start3A_1585 = arith.constant 0 : i32
        %dma_start3A_1586 = tpu.memref_slice %arg9[%squeeze3A_1574, %dma_start3A_1585] : memref<128x4096xf32, #tpu.memory_space<vmem_shared>> -> memref<1x4096xf32, #tpu.memory_space<vmem_shared>>
        tpu.enqueue_dma source(%dma_start3A_1586 : memref<1x4096xf32, #tpu.memory_space<vmem_shared>>) target(%dma_start3A_1584 : memref<1x4096xf32, #tpu.memory_space<hbm>>) target_semaphore(%dma_start3A_1582 : memref<!tpu.dma_semaphore, #tpu.memory_space<semaphore_mem>>)
        %slice3A_1587 = vector.extract_strided_slice %get3A_1530 {offsets = [4], sizes = [1], strides = [1]} : vector<16xi32> to vector<1xi32>
        %squeeze3A_1588 = vector.extract %slice3A_1587[0] : i32 from vector<1xi32>
        %mul3A_1589 = arith.constant 16 : i32
        %mul3A_1590 = arith.muli %add3A_1524, %mul3A_1589 : i32
        %add3A_1591 = arith.addi %mul3A_2, %mul3A_1590 : i32
        %add3A_1592 = arith.constant 4 : i32
        %add3A_1593 = arith.addi %add3A_1591, %add3A_1592 : i32
        %dma_start3A_1594 = arith.constant 2 : i32
        %dma_start3A_1595 = tpu.memref_slice %arg10[%dma_start3A_1594] : memref<5x!tpu.dma_semaphore, #tpu.memory_space<semaphore_mem>> -> memref<1x!tpu.dma_semaphore, #tpu.memory_space<semaphore_mem>>
        %dma_start3A_1596 = tpu.memref_squeeze %dma_start3A_1595 : memref<1x!tpu.dma_semaphore, #tpu.memory_space<semaphore_mem>> -> memref<!tpu.dma_semaphore, #tpu.memory_space<semaphore_mem>>
        %dma_start3A_1597 = arith.constant 0 : i32
        %dma_start3A_1598 = tpu.memref_slice %arg5[%add3A_1593, %dma_start3A_1597] : memref<16384x4096xf32, #tpu.memory_space<hbm>> -> memref<1x4096xf32, #tpu.memory_space<hbm>>
        %dma_start3A_1599 = arith.constant 0 : i32
        %dma_start3A_1600 = tpu.memref_slice %arg9[%squeeze3A_1588, %dma_start3A_1599] : memref<128x4096xf32, #tpu.memory_space<vmem_shared>> -> memref<1x4096xf32, #tpu.memory_space<vmem_shared>>
        tpu.enqueue_dma source(%dma_start3A_1600 : memref<1x4096xf32, #tpu.memory_space<vmem_shared>>) target(%dma_start3A_1598 : memref<1x4096xf32, #tpu.memory_space<hbm>>) target_semaphore(%dma_start3A_1596 : memref<!tpu.dma_semaphore, #tpu.memory_space<semaphore_mem>>)
        %slice3A_1601 = vector.extract_strided_slice %get3A_1530 {offsets = [5], sizes = [1], strides = [1]} : vector<16xi32> to vector<1xi32>
        %squeeze3A_1602 = vector.extract %slice3A_1601[0] : i32 from vector<1xi32>
        %mul3A_1603 = arith.constant 16 : i32
        %mul3A_1604 = arith.muli %add3A_1524, %mul3A_1603 : i32
        %add3A_1605 = arith.addi %mul3A_2, %mul3A_1604 : i32
        %add3A_1606 = arith.constant 5 : i32
        %add3A_1607 = arith.addi %add3A_1605, %add3A_1606 : i32
        %dma_start3A_1608 = arith.constant 2 : i32
        %dma_start3A_1609 = tpu.memref_slice %arg10[%dma_start3A_1608] : memref<5x!tpu.dma_semaphore, #tpu.memory_space<semaphore_mem>> -> memref<1x!tpu.dma_semaphore, #tpu.memory_space<semaphore_mem>>
        %dma_start3A_1610 = tpu.memref_squeeze %dma_start3A_1609 : memref<1x!tpu.dma_semaphore, #tpu.memory_space<semaphore_mem>> -> memref<!tpu.dma_semaphore, #tpu.memory_space<semaphore_mem>>
        %dma_start3A_1611 = arith.constant 0 : i32
        %dma_start3A_1612 = tpu.memref_slice %arg5[%add3A_1607, %dma_start3A_1611] : memref<16384x4096xf32, #tpu.memory_space<hbm>> -> memref<1x4096xf32, #tpu.memory_space<hbm>>
        %dma_start3A_1613 = arith.constant 0 : i32
        %dma_start3A_1614 = tpu.memref_slice %arg9[%squeeze3A_1602, %dma_start3A_1613] : memref<128x4096xf32, #tpu.memory_space<vmem_shared>> -> memref<1x4096xf32, #tpu.memory_space<vmem_shared>>
        tpu.enqueue_dma source(%dma_start3A_1614 : memref<1x4096xf32, #tpu.memory_space<vmem_shared>>) target(%dma_start3A_1612 : memref<1x4096xf32, #tpu.memory_space<hbm>>) target_semaphore(%dma_start3A_1610 : memref<!tpu.dma_semaphore, #tpu.memory_space<semaphore_mem>>)
        %slice3A_1615 = vector.extract_strided_slice %get3A_1530 {offsets = [6], sizes = [1], strides = [1]} : vector<16xi32> to vector<1xi32>
        %squeeze3A_1616 = vector.extract %slice3A_1615[0] : i32 from vector<1xi32>
        %mul3A_1617 = arith.constant 16 : i32
        %mul3A_1618 = arith.muli %add3A_1524, %mul3A_1617 : i32
        %add3A_1619 = arith.addi %mul3A_2, %mul3A_1618 : i32
        %add3A_1620 = arith.constant 6 : i32
        %add3A_1621 = arith.addi %add3A_1619, %add3A_1620 : i32
        %dma_start3A_1622 = arith.constant 2 : i32
        %dma_start3A_1623 = tpu.memref_slice %arg10[%dma_start3A_1622] : memref<5x!tpu.dma_semaphore, #tpu.memory_space<semaphore_mem>> -> memref<1x!tpu.dma_semaphore, #tpu.memory_space<semaphore_mem>>
        %dma_start3A_1624 = tpu.memref_squeeze %dma_start3A_1623 : memref<1x!tpu.dma_semaphore, #tpu.memory_space<semaphore_mem>> -> memref<!tpu.dma_semaphore, #tpu.memory_space<semaphore_mem>>
        %dma_start3A_1625 = arith.constant 0 : i32
        %dma_start3A_1626 = tpu.memref_slice %arg5[%add3A_1621, %dma_start3A_1625] : memref<16384x4096xf32, #tpu.memory_space<hbm>> -> memref<1x4096xf32, #tpu.memory_space<hbm>>
        %dma_start3A_1627 = arith.constant 0 : i32
        %dma_start3A_1628 = tpu.memref_slice %arg9[%squeeze3A_1616, %dma_start3A_1627] : memref<128x4096xf32, #tpu.memory_space<vmem_shared>> -> memref<1x4096xf32, #tpu.memory_space<vmem_shared>>
        tpu.enqueue_dma source(%dma_start3A_1628 : memref<1x4096xf32, #tpu.memory_space<vmem_shared>>) target(%dma_start3A_1626 : memref<1x4096xf32, #tpu.memory_space<hbm>>) target_semaphore(%dma_start3A_1624 : memref<!tpu.dma_semaphore, #tpu.memory_space<semaphore_mem>>)
        %slice3A_1629 = vector.extract_strided_slice %get3A_1530 {offsets = [7], sizes = [1], strides = [1]} : vector<16xi32> to vector<1xi32>
        %squeeze3A_1630 = vector.extract %slice3A_1629[0] : i32 from vector<1xi32>
        %mul3A_1631 = arith.constant 16 : i32
        %mul3A_1632 = arith.muli %add3A_1524, %mul3A_1631 : i32
        %add3A_1633 = arith.addi %mul3A_2, %mul3A_1632 : i32
        %add3A_1634 = arith.constant 7 : i32
        %add3A_1635 = arith.addi %add3A_1633, %add3A_1634 : i32
        %dma_start3A_1636 = arith.constant 2 : i32
        %dma_start3A_1637 = tpu.memref_slice %arg10[%dma_start3A_1636] : memref<5x!tpu.dma_semaphore, #tpu.memory_space<semaphore_mem>> -> memref<1x!tpu.dma_semaphore, #tpu.memory_space<semaphore_mem>>
        %dma_start3A_1638 = tpu.memref_squeeze %dma_start3A_1637 : memref<1x!tpu.dma_semaphore, #tpu.memory_space<semaphore_mem>> -> memref<!tpu.dma_semaphore, #tpu.memory_space<semaphore_mem>>
        %dma_start3A_1639 = arith.constant 0 : i32
        %dma_start3A_1640 = tpu.memref_slice %arg5[%add3A_1635, %dma_start3A_1639] : memref<16384x4096xf32, #tpu.memory_space<hbm>> -> memref<1x4096xf32, #tpu.memory_space<hbm>>
        %dma_start3A_1641 = arith.constant 0 : i32
        %dma_start3A_1642 = tpu.memref_slice %arg9[%squeeze3A_1630, %dma_start3A_1641] : memref<128x4096xf32, #tpu.memory_space<vmem_shared>> -> memref<1x4096xf32, #tpu.memory_space<vmem_shared>>
        tpu.enqueue_dma source(%dma_start3A_1642 : memref<1x4096xf32, #tpu.memory_space<vmem_shared>>) target(%dma_start3A_1640 : memref<1x4096xf32, #tpu.memory_space<hbm>>) target_semaphore(%dma_start3A_1638 : memref<!tpu.dma_semaphore, #tpu.memory_space<semaphore_mem>>)
        %slice3A_1643 = vector.extract_strided_slice %get3A_1530 {offsets = [8], sizes = [1], strides = [1]} : vector<16xi32> to vector<1xi32>
        %squeeze3A_1644 = vector.extract %slice3A_1643[0] : i32 from vector<1xi32>
        %mul3A_1645 = arith.constant 16 : i32
        %mul3A_1646 = arith.muli %add3A_1524, %mul3A_1645 : i32
        %add3A_1647 = arith.addi %mul3A_2, %mul3A_1646 : i32
        %add3A_1648 = arith.constant 8 : i32
        %add3A_1649 = arith.addi %add3A_1647, %add3A_1648 : i32
        %dma_start3A_1650 = arith.constant 2 : i32
        %dma_start3A_1651 = tpu.memref_slice %arg10[%dma_start3A_1650] : memref<5x!tpu.dma_semaphore, #tpu.memory_space<semaphore_mem>> -> memref<1x!tpu.dma_semaphore, #tpu.memory_space<semaphore_mem>>
        %dma_start3A_1652 = tpu.memref_squeeze %dma_start3A_1651 : memref<1x!tpu.dma_semaphore, #tpu.memory_space<semaphore_mem>> -> memref<!tpu.dma_semaphore, #tpu.memory_space<semaphore_mem>>
        %dma_start3A_1653 = arith.constant 0 : i32
        %dma_start3A_1654 = tpu.memref_slice %arg5[%add3A_1649, %dma_start3A_1653] : memref<16384x4096xf32, #tpu.memory_space<hbm>> -> memref<1x4096xf32, #tpu.memory_space<hbm>>
        %dma_start3A_1655 = arith.constant 0 : i32
        %dma_start3A_1656 = tpu.memref_slice %arg9[%squeeze3A_1644, %dma_start3A_1655] : memref<128x4096xf32, #tpu.memory_space<vmem_shared>> -> memref<1x4096xf32, #tpu.memory_space<vmem_shared>>
        tpu.enqueue_dma source(%dma_start3A_1656 : memref<1x4096xf32, #tpu.memory_space<vmem_shared>>) target(%dma_start3A_1654 : memref<1x4096xf32, #tpu.memory_space<hbm>>) target_semaphore(%dma_start3A_1652 : memref<!tpu.dma_semaphore, #tpu.memory_space<semaphore_mem>>)
        %slice3A_1657 = vector.extract_strided_slice %get3A_1530 {offsets = [9], sizes = [1], strides = [1]} : vector<16xi32> to vector<1xi32>
        %squeeze3A_1658 = vector.extract %slice3A_1657[0] : i32 from vector<1xi32>
        %mul3A_1659 = arith.constant 16 : i32
        %mul3A_1660 = arith.muli %add3A_1524, %mul3A_1659 : i32
        %add3A_1661 = arith.addi %mul3A_2, %mul3A_1660 : i32
        %add3A_1662 = arith.constant 9 : i32
        %add3A_1663 = arith.addi %add3A_1661, %add3A_1662 : i32
        %dma_start3A_1664 = arith.constant 2 : i32
        %dma_start3A_1665 = tpu.memref_slice %arg10[%dma_start3A_1664] : memref<5x!tpu.dma_semaphore, #tpu.memory_space<semaphore_mem>> -> memref<1x!tpu.dma_semaphore, #tpu.memory_space<semaphore_mem>>
        %dma_start3A_1666 = tpu.memref_squeeze %dma_start3A_1665 : memref<1x!tpu.dma_semaphore, #tpu.memory_space<semaphore_mem>> -> memref<!tpu.dma_semaphore, #tpu.memory_space<semaphore_mem>>
        %dma_start3A_1667 = arith.constant 0 : i32
        %dma_start3A_1668 = tpu.memref_slice %arg5[%add3A_1663, %dma_start3A_1667] : memref<16384x4096xf32, #tpu.memory_space<hbm>> -> memref<1x4096xf32, #tpu.memory_space<hbm>>
        %dma_start3A_1669 = arith.constant 0 : i32
        %dma_start3A_1670 = tpu.memref_slice %arg9[%squeeze3A_1658, %dma_start3A_1669] : memref<128x4096xf32, #tpu.memory_space<vmem_shared>> -> memref<1x4096xf32, #tpu.memory_space<vmem_shared>>
        tpu.enqueue_dma source(%dma_start3A_1670 : memref<1x4096xf32, #tpu.memory_space<vmem_shared>>) target(%dma_start3A_1668 : memref<1x4096xf32, #tpu.memory_space<hbm>>) target_semaphore(%dma_start3A_1666 : memref<!tpu.dma_semaphore, #tpu.memory_space<semaphore_mem>>)
        %slice3A_1671 = vector.extract_strided_slice %get3A_1530 {offsets = [10], sizes = [1], strides = [1]} : vector<16xi32> to vector<1xi32>
        %squeeze3A_1672 = vector.extract %slice3A_1671[0] : i32 from vector<1xi32>
        %mul3A_1673 = arith.constant 16 : i32
        %mul3A_1674 = arith.muli %add3A_1524, %mul3A_1673 : i32
        %add3A_1675 = arith.addi %mul3A_2, %mul3A_1674 : i32
        %add3A_1676 = arith.constant 10 : i32
        %add3A_1677 = arith.addi %add3A_1675, %add3A_1676 : i32
        %dma_start3A_1678 = arith.constant 2 : i32
        %dma_start3A_1679 = tpu.memref_slice %arg10[%dma_start3A_1678] : memref<5x!tpu.dma_semaphore, #tpu.memory_space<semaphore_mem>> -> memref<1x!tpu.dma_semaphore, #tpu.memory_space<semaphore_mem>>
        %dma_start3A_1680 = tpu.memref_squeeze %dma_start3A_1679 : memref<1x!tpu.dma_semaphore, #tpu.memory_space<semaphore_mem>> -> memref<!tpu.dma_semaphore, #tpu.memory_space<semaphore_mem>>
        %dma_start3A_1681 = arith.constant 0 : i32
        %dma_start3A_1682 = tpu.memref_slice %arg5[%add3A_1677, %dma_start3A_1681] : memref<16384x4096xf32, #tpu.memory_space<hbm>> -> memref<1x4096xf32, #tpu.memory_space<hbm>>
        %dma_start3A_1683 = arith.constant 0 : i32
        %dma_start3A_1684 = tpu.memref_slice %arg9[%squeeze3A_1672, %dma_start3A_1683] : memref<128x4096xf32, #tpu.memory_space<vmem_shared>> -> memref<1x4096xf32, #tpu.memory_space<vmem_shared>>
        tpu.enqueue_dma source(%dma_start3A_1684 : memref<1x4096xf32, #tpu.memory_space<vmem_shared>>) target(%dma_start3A_1682 : memref<1x4096xf32, #tpu.memory_space<hbm>>) target_semaphore(%dma_start3A_1680 : memref<!tpu.dma_semaphore, #tpu.memory_space<semaphore_mem>>)
        %slice3A_1685 = vector.extract_strided_slice %get3A_1530 {offsets = [11], sizes = [1], strides = [1]} : vector<16xi32> to vector<1xi32>
        %squeeze3A_1686 = vector.extract %slice3A_1685[0] : i32 from vector<1xi32>
        %mul3A_1687 = arith.constant 16 : i32
        %mul3A_1688 = arith.muli %add3A_1524, %mul3A_1687 : i32
        %add3A_1689 = arith.addi %mul3A_2, %mul3A_1688 : i32
        %add3A_1690 = arith.constant 11 : i32
        %add3A_1691 = arith.addi %add3A_1689, %add3A_1690 : i32
        %dma_start3A_1692 = arith.constant 2 : i32
        %dma_start3A_1693 = tpu.memref_slice %arg10[%dma_start3A_1692] : memref<5x!tpu.dma_semaphore, #tpu.memory_space<semaphore_mem>> -> memref<1x!tpu.dma_semaphore, #tpu.memory_space<semaphore_mem>>
        %dma_start3A_1694 = tpu.memref_squeeze %dma_start3A_1693 : memref<1x!tpu.dma_semaphore, #tpu.memory_space<semaphore_mem>> -> memref<!tpu.dma_semaphore, #tpu.memory_space<semaphore_mem>>
        %dma_start3A_1695 = arith.constant 0 : i32
        %dma_start3A_1696 = tpu.memref_slice %arg5[%add3A_1691, %dma_start3A_1695] : memref<16384x4096xf32, #tpu.memory_space<hbm>> -> memref<1x4096xf32, #tpu.memory_space<hbm>>
        %dma_start3A_1697 = arith.constant 0 : i32
        %dma_start3A_1698 = tpu.memref_slice %arg9[%squeeze3A_1686, %dma_start3A_1697] : memref<128x4096xf32, #tpu.memory_space<vmem_shared>> -> memref<1x4096xf32, #tpu.memory_space<vmem_shared>>
        tpu.enqueue_dma source(%dma_start3A_1698 : memref<1x4096xf32, #tpu.memory_space<vmem_shared>>) target(%dma_start3A_1696 : memref<1x4096xf32, #tpu.memory_space<hbm>>) target_semaphore(%dma_start3A_1694 : memref<!tpu.dma_semaphore, #tpu.memory_space<semaphore_mem>>)
        %slice3A_1699 = vector.extract_strided_slice %get3A_1530 {offsets = [12], sizes = [1], strides = [1]} : vector<16xi32> to vector<1xi32>
        %squeeze3A_1700 = vector.extract %slice3A_1699[0] : i32 from vector<1xi32>
        %mul3A_1701 = arith.constant 16 : i32
        %mul3A_1702 = arith.muli %add3A_1524, %mul3A_1701 : i32
        %add3A_1703 = arith.addi %mul3A_2, %mul3A_1702 : i32
        %add3A_1704 = arith.constant 12 : i32
        %add3A_1705 = arith.addi %add3A_1703, %add3A_1704 : i32
        %dma_start3A_1706 = arith.constant 2 : i32
        %dma_start3A_1707 = tpu.memref_slice %arg10[%dma_start3A_1706] : memref<5x!tpu.dma_semaphore, #tpu.memory_space<semaphore_mem>> -> memref<1x!tpu.dma_semaphore, #tpu.memory_space<semaphore_mem>>
        %dma_start3A_1708 = tpu.memref_squeeze %dma_start3A_1707 : memref<1x!tpu.dma_semaphore, #tpu.memory_space<semaphore_mem>> -> memref<!tpu.dma_semaphore, #tpu.memory_space<semaphore_mem>>
        %dma_start3A_1709 = arith.constant 0 : i32
        %dma_start3A_1710 = tpu.memref_slice %arg5[%add3A_1705, %dma_start3A_1709] : memref<16384x4096xf32, #tpu.memory_space<hbm>> -> memref<1x4096xf32, #tpu.memory_space<hbm>>
        %dma_start3A_1711 = arith.constant 0 : i32
        %dma_start3A_1712 = tpu.memref_slice %arg9[%squeeze3A_1700, %dma_start3A_1711] : memref<128x4096xf32, #tpu.memory_space<vmem_shared>> -> memref<1x4096xf32, #tpu.memory_space<vmem_shared>>
        tpu.enqueue_dma source(%dma_start3A_1712 : memref<1x4096xf32, #tpu.memory_space<vmem_shared>>) target(%dma_start3A_1710 : memref<1x4096xf32, #tpu.memory_space<hbm>>) target_semaphore(%dma_start3A_1708 : memref<!tpu.dma_semaphore, #tpu.memory_space<semaphore_mem>>)
        %slice3A_1713 = vector.extract_strided_slice %get3A_1530 {offsets = [13], sizes = [1], strides = [1]} : vector<16xi32> to vector<1xi32>
        %squeeze3A_1714 = vector.extract %slice3A_1713[0] : i32 from vector<1xi32>
        %mul3A_1715 = arith.constant 16 : i32
        %mul3A_1716 = arith.muli %add3A_1524, %mul3A_1715 : i32
        %add3A_1717 = arith.addi %mul3A_2, %mul3A_1716 : i32
        %add3A_1718 = arith.constant 13 : i32
        %add3A_1719 = arith.addi %add3A_1717, %add3A_1718 : i32
        %dma_start3A_1720 = arith.constant 2 : i32
        %dma_start3A_1721 = tpu.memref_slice %arg10[%dma_start3A_1720] : memref<5x!tpu.dma_semaphore, #tpu.memory_space<semaphore_mem>> -> memref<1x!tpu.dma_semaphore, #tpu.memory_space<semaphore_mem>>
        %dma_start3A_1722 = tpu.memref_squeeze %dma_start3A_1721 : memref<1x!tpu.dma_semaphore, #tpu.memory_space<semaphore_mem>> -> memref<!tpu.dma_semaphore, #tpu.memory_space<semaphore_mem>>
        %dma_start3A_1723 = arith.constant 0 : i32
        %dma_start3A_1724 = tpu.memref_slice %arg5[%add3A_1719, %dma_start3A_1723] : memref<16384x4096xf32, #tpu.memory_space<hbm>> -> memref<1x4096xf32, #tpu.memory_space<hbm>>
        %dma_start3A_1725 = arith.constant 0 : i32
        %dma_start3A_1726 = tpu.memref_slice %arg9[%squeeze3A_1714, %dma_start3A_1725] : memref<128x4096xf32, #tpu.memory_space<vmem_shared>> -> memref<1x4096xf32, #tpu.memory_space<vmem_shared>>
        tpu.enqueue_dma source(%dma_start3A_1726 : memref<1x4096xf32, #tpu.memory_space<vmem_shared>>) target(%dma_start3A_1724 : memref<1x4096xf32, #tpu.memory_space<hbm>>) target_semaphore(%dma_start3A_1722 : memref<!tpu.dma_semaphore, #tpu.memory_space<semaphore_mem>>)
        %slice3A_1727 = vector.extract_strided_slice %get3A_1530 {offsets = [14], sizes = [1], strides = [1]} : vector<16xi32> to vector<1xi32>
        %squeeze3A_1728 = vector.extract %slice3A_1727[0] : i32 from vector<1xi32>
        %mul3A_1729 = arith.constant 16 : i32
        %mul3A_1730 = arith.muli %add3A_1524, %mul3A_1729 : i32
        %add3A_1731 = arith.addi %mul3A_2, %mul3A_1730 : i32
        %add3A_1732 = arith.constant 14 : i32
        %add3A_1733 = arith.addi %add3A_1731, %add3A_1732 : i32
        %dma_start3A_1734 = arith.constant 2 : i32
        %dma_start3A_1735 = tpu.memref_slice %arg10[%dma_start3A_1734] : memref<5x!tpu.dma_semaphore, #tpu.memory_space<semaphore_mem>> -> memref<1x!tpu.dma_semaphore, #tpu.memory_space<semaphore_mem>>
        %dma_start3A_1736 = tpu.memref_squeeze %dma_start3A_1735 : memref<1x!tpu.dma_semaphore, #tpu.memory_space<semaphore_mem>> -> memref<!tpu.dma_semaphore, #tpu.memory_space<semaphore_mem>>
        %dma_start3A_1737 = arith.constant 0 : i32
        %dma_start3A_1738 = tpu.memref_slice %arg5[%add3A_1733, %dma_start3A_1737] : memref<16384x4096xf32, #tpu.memory_space<hbm>> -> memref<1x4096xf32, #tpu.memory_space<hbm>>
        %dma_start3A_1739 = arith.constant 0 : i32
        %dma_start3A_1740 = tpu.memref_slice %arg9[%squeeze3A_1728, %dma_start3A_1739] : memref<128x4096xf32, #tpu.memory_space<vmem_shared>> -> memref<1x4096xf32, #tpu.memory_space<vmem_shared>>
        tpu.enqueue_dma source(%dma_start3A_1740 : memref<1x4096xf32, #tpu.memory_space<vmem_shared>>) target(%dma_start3A_1738 : memref<1x4096xf32, #tpu.memory_space<hbm>>) target_semaphore(%dma_start3A_1736 : memref<!tpu.dma_semaphore, #tpu.memory_space<semaphore_mem>>)
        %slice3A_1741 = vector.extract_strided_slice %get3A_1530 {offsets = [15], sizes = [1], strides = [1]} : vector<16xi32> to vector<1xi32>
        %squeeze3A_1742 = vector.extract %slice3A_1741[0] : i32 from vector<1xi32>
        %mul3A_1743 = arith.constant 16 : i32
        %mul3A_1744 = arith.muli %add3A_1524, %mul3A_1743 : i32
        %add3A_1745 = arith.addi %mul3A_2, %mul3A_1744 : i32
        %add3A_1746 = arith.constant 15 : i32
        %add3A_1747 = arith.addi %add3A_1745, %add3A_1746 : i32
        %dma_start3A_1748 = arith.constant 2 : i32
        %dma_start3A_1749 = tpu.memref_slice %arg10[%dma_start3A_1748] : memref<5x!tpu.dma_semaphore, #tpu.memory_space<semaphore_mem>> -> memref<1x!tpu.dma_semaphore, #tpu.memory_space<semaphore_mem>>
        %dma_start3A_1750 = tpu.memref_squeeze %dma_start3A_1749 : memref<1x!tpu.dma_semaphore, #tpu.memory_space<semaphore_mem>> -> memref<!tpu.dma_semaphore, #tpu.memory_space<semaphore_mem>>
        %dma_start3A_1751 = arith.constant 0 : i32
        %dma_start3A_1752 = tpu.memref_slice %arg5[%add3A_1747, %dma_start3A_1751] : memref<16384x4096xf32, #tpu.memory_space<hbm>> -> memref<1x4096xf32, #tpu.memory_space<hbm>>
        %dma_start3A_1753 = arith.constant 0 : i32
        %dma_start3A_1754 = tpu.memref_slice %arg9[%squeeze3A_1742, %dma_start3A_1753] : memref<128x4096xf32, #tpu.memory_space<vmem_shared>> -> memref<1x4096xf32, #tpu.memory_space<vmem_shared>>
        tpu.enqueue_dma source(%dma_start3A_1754 : memref<1x4096xf32, #tpu.memory_space<vmem_shared>>) target(%dma_start3A_1752 : memref<1x4096xf32, #tpu.memory_space<hbm>>) target_semaphore(%dma_start3A_1750 : memref<!tpu.dma_semaphore, #tpu.memory_space<semaphore_mem>>)
      } else {
      }
      %mul3A_1185 = arith.constant 5 : i32
      %mul3A_1186 = arith.muli %scan3A_1130, %mul3A_1185 : i32
      %add3A_1187 = arith.constant 3 : i32
      %add3A_1188 = arith.addi %mul3A_1186, %add3A_1187 : i32
      %dma_wait3A_1189 = arith.constant 3 : i32
      %dma_wait3A_1190 = tpu.memref_slice %arg10[%dma_wait3A_1189] : memref<5x!tpu.dma_semaphore, #tpu.memory_space<semaphore_mem>> -> memref<1x!tpu.dma_semaphore, #tpu.memory_space<semaphore_mem>>
      %dma_wait3A_1191 = tpu.memref_squeeze %dma_wait3A_1190 : memref<1x!tpu.dma_semaphore, #tpu.memory_space<semaphore_mem>> -> memref<!tpu.dma_semaphore, #tpu.memory_space<semaphore_mem>>
      %dma_wait3A_1192 = arith.constant 0 : i32
      %dma_wait3A_1193 = tpu.memref_slice %arg5[%mul3A_2, %dma_wait3A_1192] : memref<16384x4096xf32, #tpu.memory_space<hbm>> -> memref<16x4096xf32, #tpu.memory_space<hbm>>
      %dma_wait3A_1194 = arith.constant 0 : i32
      %dma_wait3A_1195 = arith.constant 0 : i32
      %dma_wait3A_1196 = tpu.memref_slice %arg9[%dma_wait3A_1194, %dma_wait3A_1195] : memref<128x4096xf32, #tpu.memory_space<vmem_shared>> -> memref<16x4096xf32, #tpu.memory_space<vmem_shared>>
      tpu.wait_dma2 semaphore(%dma_wait3A_1191 : memref<!tpu.dma_semaphore, #tpu.memory_space<semaphore_mem>>) src(%dma_wait3A_1196 : memref<16x4096xf32, #tpu.memory_space<vmem_shared>>) dst(%dma_wait3A_1193 : memref<16x4096xf32, #tpu.memory_space<hbm>>)
      %add3A_1197 = arith.constant 5 : i32
      %add3A_1198 = arith.addi %add3A_1188, %add3A_1197 : i32
      %lt3A_1199 = arith.constant 20 : i32
      %lt3A_1200 = arith.cmpi slt, %add3A_1198, %lt3A_1199 : i32
      %convert_element_type3A_1201 = arith.extui %lt3A_1200 : i1 to i32
      %cond3A_1202 = arith.constant 0 : i32
      %cond3A_1203 = arith.cmpi ne, %convert_element_type3A_1201, %cond3A_1202 : i32
      scf.if %cond3A_1203 {
        %add3A_1523 = arith.constant 5 : i32
        %add3A_1524 = arith.addi %add3A_1188, %add3A_1523 : i32
        %mul3A_1525 = arith.constant 16 : i32
        %mul3A_1526 = arith.muli %add3A_1524, %mul3A_1525 : i32
        %multiple_of3A_1527 = tpu.assume_multiple %mul3A_1526, 16 : i32
        %get3A_1528 = arith.index_cast %multiple_of3A_1527 : i32 to index
        %get3A_1529 = tpu.vector_load %arg6[%get3A_1528] {strides = array<i32>} : memref<512xi32, #tpu.memory_space<vmem>>, vector<16xi32>,
        %get3A_1530 = vector.shape_cast %get3A_1529 : vector<16xi32> to vector<16xi32>
        %slice3A_1531 = vector.extract_strided_slice %get3A_1530 {offsets = [0], sizes = [1], strides = [1]} : vector<16xi32> to vector<1xi32>
        %squeeze3A_1532 = vector.extract %slice3A_1531[0] : i32 from vector<1xi32>
        %mul3A_1533 = arith.constant 16 : i32
        %mul3A_1534 = arith.muli %add3A_1524, %mul3A_1533 : i32
        %add3A_1535 = arith.addi %mul3A_2, %mul3A_1534 : i32
        %add3A_1536 = arith.constant 0 : i32
        %add3A_1537 = arith.addi %add3A_1535, %add3A_1536 : i32
        %dma_start3A_1538 = arith.constant 3 : i32
        %dma_start3A_1539 = tpu.memref_slice %arg10[%dma_start3A_1538] : memref<5x!tpu.dma_semaphore, #tpu.memory_space<semaphore_mem>> -> memref<1x!tpu.dma_semaphore, #tpu.memory_space<semaphore_mem>>
        %dma_start3A_1540 = tpu.memref_squeeze %dma_start3A_1539 : memref<1x!tpu.dma_semaphore, #tpu.memory_space<semaphore_mem>> -> memref<!tpu.dma_semaphore, #tpu.memory_space<semaphore_mem>>
        %dma_start3A_1541 = arith.constant 0 : i32
        %dma_start3A_1542 = tpu.memref_slice %arg5[%add3A_1537, %dma_start3A_1541] : memref<16384x4096xf32, #tpu.memory_space<hbm>> -> memref<1x4096xf32, #tpu.memory_space<hbm>>
        %dma_start3A_1543 = arith.constant 0 : i32
        %dma_start3A_1544 = tpu.memref_slice %arg9[%squeeze3A_1532, %dma_start3A_1543] : memref<128x4096xf32, #tpu.memory_space<vmem_shared>> -> memref<1x4096xf32, #tpu.memory_space<vmem_shared>>
        tpu.enqueue_dma source(%dma_start3A_1544 : memref<1x4096xf32, #tpu.memory_space<vmem_shared>>) target(%dma_start3A_1542 : memref<1x4096xf32, #tpu.memory_space<hbm>>) target_semaphore(%dma_start3A_1540 : memref<!tpu.dma_semaphore, #tpu.memory_space<semaphore_mem>>)
        %slice3A_1545 = vector.extract_strided_slice %get3A_1530 {offsets = [1], sizes = [1], strides = [1]} : vector<16xi32> to vector<1xi32>
        %squeeze3A_1546 = vector.extract %slice3A_1545[0] : i32 from vector<1xi32>
        %mul3A_1547 = arith.constant 16 : i32
        %mul3A_1548 = arith.muli %add3A_1524, %mul3A_1547 : i32
        %add3A_1549 = arith.addi %mul3A_2, %mul3A_1548 : i32
        %add3A_1550 = arith.constant 1 : i32
        %add3A_1551 = arith.addi %add3A_1549, %add3A_1550 : i32
        %dma_start3A_1552 = arith.constant 3 : i32
        %dma_start3A_1553 = tpu.memref_slice %arg10[%dma_start3A_1552] : memref<5x!tpu.dma_semaphore, #tpu.memory_space<semaphore_mem>> -> memref<1x!tpu.dma_semaphore, #tpu.memory_space<semaphore_mem>>
        %dma_start3A_1554 = tpu.memref_squeeze %dma_start3A_1553 : memref<1x!tpu.dma_semaphore, #tpu.memory_space<semaphore_mem>> -> memref<!tpu.dma_semaphore, #tpu.memory_space<semaphore_mem>>
        %dma_start3A_1555 = arith.constant 0 : i32
        %dma_start3A_1556 = tpu.memref_slice %arg5[%add3A_1551, %dma_start3A_1555] : memref<16384x4096xf32, #tpu.memory_space<hbm>> -> memref<1x4096xf32, #tpu.memory_space<hbm>>
        %dma_start3A_1557 = arith.constant 0 : i32
        %dma_start3A_1558 = tpu.memref_slice %arg9[%squeeze3A_1546, %dma_start3A_1557] : memref<128x4096xf32, #tpu.memory_space<vmem_shared>> -> memref<1x4096xf32, #tpu.memory_space<vmem_shared>>
        tpu.enqueue_dma source(%dma_start3A_1558 : memref<1x4096xf32, #tpu.memory_space<vmem_shared>>) target(%dma_start3A_1556 : memref<1x4096xf32, #tpu.memory_space<hbm>>) target_semaphore(%dma_start3A_1554 : memref<!tpu.dma_semaphore, #tpu.memory_space<semaphore_mem>>)
        %slice3A_1559 = vector.extract_strided_slice %get3A_1530 {offsets = [2], sizes = [1], strides = [1]} : vector<16xi32> to vector<1xi32>
        %squeeze3A_1560 = vector.extract %slice3A_1559[0] : i32 from vector<1xi32>
        %mul3A_1561 = arith.constant 16 : i32
        %mul3A_1562 = arith.muli %add3A_1524, %mul3A_1561 : i32
        %add3A_1563 = arith.addi %mul3A_2, %mul3A_1562 : i32
        %add3A_1564 = arith.constant 2 : i32
        %add3A_1565 = arith.addi %add3A_1563, %add3A_1564 : i32
        %dma_start3A_1566 = arith.constant 3 : i32
        %dma_start3A_1567 = tpu.memref_slice %arg10[%dma_start3A_1566] : memref<5x!tpu.dma_semaphore, #tpu.memory_space<semaphore_mem>> -> memref<1x!tpu.dma_semaphore, #tpu.memory_space<semaphore_mem>>
        %dma_start3A_1568 = tpu.memref_squeeze %dma_start3A_1567 : memref<1x!tpu.dma_semaphore, #tpu.memory_space<semaphore_mem>> -> memref<!tpu.dma_semaphore, #tpu.memory_space<semaphore_mem>>
        %dma_start3A_1569 = arith.constant 0 : i32
        %dma_start3A_1570 = tpu.memref_slice %arg5[%add3A_1565, %dma_start3A_1569] : memref<16384x4096xf32, #tpu.memory_space<hbm>> -> memref<1x4096xf32, #tpu.memory_space<hbm>>
        %dma_start3A_1571 = arith.constant 0 : i32
        %dma_start3A_1572 = tpu.memref_slice %arg9[%squeeze3A_1560, %dma_start3A_1571] : memref<128x4096xf32, #tpu.memory_space<vmem_shared>> -> memref<1x4096xf32, #tpu.memory_space<vmem_shared>>
        tpu.enqueue_dma source(%dma_start3A_1572 : memref<1x4096xf32, #tpu.memory_space<vmem_shared>>) target(%dma_start3A_1570 : memref<1x4096xf32, #tpu.memory_space<hbm>>) target_semaphore(%dma_start3A_1568 : memref<!tpu.dma_semaphore, #tpu.memory_space<semaphore_mem>>)
        %slice3A_1573 = vector.extract_strided_slice %get3A_1530 {offsets = [3], sizes = [1], strides = [1]} : vector<16xi32> to vector<1xi32>
        %squeeze3A_1574 = vector.extract %slice3A_1573[0] : i32 from vector<1xi32>
        %mul3A_1575 = arith.constant 16 : i32
        %mul3A_1576 = arith.muli %add3A_1524, %mul3A_1575 : i32
        %add3A_1577 = arith.addi %mul3A_2, %mul3A_1576 : i32
        %add3A_1578 = arith.constant 3 : i32
        %add3A_1579 = arith.addi %add3A_1577, %add3A_1578 : i32
        %dma_start3A_1580 = arith.constant 3 : i32
        %dma_start3A_1581 = tpu.memref_slice %arg10[%dma_start3A_1580] : memref<5x!tpu.dma_semaphore, #tpu.memory_space<semaphore_mem>> -> memref<1x!tpu.dma_semaphore, #tpu.memory_space<semaphore_mem>>
        %dma_start3A_1582 = tpu.memref_squeeze %dma_start3A_1581 : memref<1x!tpu.dma_semaphore, #tpu.memory_space<semaphore_mem>> -> memref<!tpu.dma_semaphore, #tpu.memory_space<semaphore_mem>>
        %dma_start3A_1583 = arith.constant 0 : i32
        %dma_start3A_1584 = tpu.memref_slice %arg5[%add3A_1579, %dma_start3A_1583] : memref<16384x4096xf32, #tpu.memory_space<hbm>> -> memref<1x4096xf32, #tpu.memory_space<hbm>>
        %dma_start3A_1585 = arith.constant 0 : i32
        %dma_start3A_1586 = tpu.memref_slice %arg9[%squeeze3A_1574, %dma_start3A_1585] : memref<128x4096xf32, #tpu.memory_space<vmem_shared>> -> memref<1x4096xf32, #tpu.memory_space<vmem_shared>>
        tpu.enqueue_dma source(%dma_start3A_1586 : memref<1x4096xf32, #tpu.memory_space<vmem_shared>>) target(%dma_start3A_1584 : memref<1x4096xf32, #tpu.memory_space<hbm>>) target_semaphore(%dma_start3A_1582 : memref<!tpu.dma_semaphore, #tpu.memory_space<semaphore_mem>>)
        %slice3A_1587 = vector.extract_strided_slice %get3A_1530 {offsets = [4], sizes = [1], strides = [1]} : vector<16xi32> to vector<1xi32>
        %squeeze3A_1588 = vector.extract %slice3A_1587[0] : i32 from vector<1xi32>
        %mul3A_1589 = arith.constant 16 : i32
        %mul3A_1590 = arith.muli %add3A_1524, %mul3A_1589 : i32
        %add3A_1591 = arith.addi %mul3A_2, %mul3A_1590 : i32
        %add3A_1592 = arith.constant 4 : i32
        %add3A_1593 = arith.addi %add3A_1591, %add3A_1592 : i32
        %dma_start3A_1594 = arith.constant 3 : i32
        %dma_start3A_1595 = tpu.memref_slice %arg10[%dma_start3A_1594] : memref<5x!tpu.dma_semaphore, #tpu.memory_space<semaphore_mem>> -> memref<1x!tpu.dma_semaphore, #tpu.memory_space<semaphore_mem>>
        %dma_start3A_1596 = tpu.memref_squeeze %dma_start3A_1595 : memref<1x!tpu.dma_semaphore, #tpu.memory_space<semaphore_mem>> -> memref<!tpu.dma_semaphore, #tpu.memory_space<semaphore_mem>>
        %dma_start3A_1597 = arith.constant 0 : i32
        %dma_start3A_1598 = tpu.memref_slice %arg5[%add3A_1593, %dma_start3A_1597] : memref<16384x4096xf32, #tpu.memory_space<hbm>> -> memref<1x4096xf32, #tpu.memory_space<hbm>>
        %dma_start3A_1599 = arith.constant 0 : i32
        %dma_start3A_1600 = tpu.memref_slice %arg9[%squeeze3A_1588, %dma_start3A_1599] : memref<128x4096xf32, #tpu.memory_space<vmem_shared>> -> memref<1x4096xf32, #tpu.memory_space<vmem_shared>>
        tpu.enqueue_dma source(%dma_start3A_1600 : memref<1x4096xf32, #tpu.memory_space<vmem_shared>>) target(%dma_start3A_1598 : memref<1x4096xf32, #tpu.memory_space<hbm>>) target_semaphore(%dma_start3A_1596 : memref<!tpu.dma_semaphore, #tpu.memory_space<semaphore_mem>>)
        %slice3A_1601 = vector.extract_strided_slice %get3A_1530 {offsets = [5], sizes = [1], strides = [1]} : vector<16xi32> to vector<1xi32>
        %squeeze3A_1602 = vector.extract %slice3A_1601[0] : i32 from vector<1xi32>
        %mul3A_1603 = arith.constant 16 : i32
        %mul3A_1604 = arith.muli %add3A_1524, %mul3A_1603 : i32
        %add3A_1605 = arith.addi %mul3A_2, %mul3A_1604 : i32
        %add3A_1606 = arith.constant 5 : i32
        %add3A_1607 = arith.addi %add3A_1605, %add3A_1606 : i32
        %dma_start3A_1608 = arith.constant 3 : i32
        %dma_start3A_1609 = tpu.memref_slice %arg10[%dma_start3A_1608] : memref<5x!tpu.dma_semaphore, #tpu.memory_space<semaphore_mem>> -> memref<1x!tpu.dma_semaphore, #tpu.memory_space<semaphore_mem>>
        %dma_start3A_1610 = tpu.memref_squeeze %dma_start3A_1609 : memref<1x!tpu.dma_semaphore, #tpu.memory_space<semaphore_mem>> -> memref<!tpu.dma_semaphore, #tpu.memory_space<semaphore_mem>>
        %dma_start3A_1611 = arith.constant 0 : i32
        %dma_start3A_1612 = tpu.memref_slice %arg5[%add3A_1607, %dma_start3A_1611] : memref<16384x4096xf32, #tpu.memory_space<hbm>> -> memref<1x4096xf32, #tpu.memory_space<hbm>>
        %dma_start3A_1613 = arith.constant 0 : i32
        %dma_start3A_1614 = tpu.memref_slice %arg9[%squeeze3A_1602, %dma_start3A_1613] : memref<128x4096xf32, #tpu.memory_space<vmem_shared>> -> memref<1x4096xf32, #tpu.memory_space<vmem_shared>>
        tpu.enqueue_dma source(%dma_start3A_1614 : memref<1x4096xf32, #tpu.memory_space<vmem_shared>>) target(%dma_start3A_1612 : memref<1x4096xf32, #tpu.memory_space<hbm>>) target_semaphore(%dma_start3A_1610 : memref<!tpu.dma_semaphore, #tpu.memory_space<semaphore_mem>>)
        %slice3A_1615 = vector.extract_strided_slice %get3A_1530 {offsets = [6], sizes = [1], strides = [1]} : vector<16xi32> to vector<1xi32>
        %squeeze3A_1616 = vector.extract %slice3A_1615[0] : i32 from vector<1xi32>
        %mul3A_1617 = arith.constant 16 : i32
        %mul3A_1618 = arith.muli %add3A_1524, %mul3A_1617 : i32
        %add3A_1619 = arith.addi %mul3A_2, %mul3A_1618 : i32
        %add3A_1620 = arith.constant 6 : i32
        %add3A_1621 = arith.addi %add3A_1619, %add3A_1620 : i32
        %dma_start3A_1622 = arith.constant 3 : i32
        %dma_start3A_1623 = tpu.memref_slice %arg10[%dma_start3A_1622] : memref<5x!tpu.dma_semaphore, #tpu.memory_space<semaphore_mem>> -> memref<1x!tpu.dma_semaphore, #tpu.memory_space<semaphore_mem>>
        %dma_start3A_1624 = tpu.memref_squeeze %dma_start3A_1623 : memref<1x!tpu.dma_semaphore, #tpu.memory_space<semaphore_mem>> -> memref<!tpu.dma_semaphore, #tpu.memory_space<semaphore_mem>>
        %dma_start3A_1625 = arith.constant 0 : i32
        %dma_start3A_1626 = tpu.memref_slice %arg5[%add3A_1621, %dma_start3A_1625] : memref<16384x4096xf32, #tpu.memory_space<hbm>> -> memref<1x4096xf32, #tpu.memory_space<hbm>>
        %dma_start3A_1627 = arith.constant 0 : i32
        %dma_start3A_1628 = tpu.memref_slice %arg9[%squeeze3A_1616, %dma_start3A_1627] : memref<128x4096xf32, #tpu.memory_space<vmem_shared>> -> memref<1x4096xf32, #tpu.memory_space<vmem_shared>>
        tpu.enqueue_dma source(%dma_start3A_1628 : memref<1x4096xf32, #tpu.memory_space<vmem_shared>>) target(%dma_start3A_1626 : memref<1x4096xf32, #tpu.memory_space<hbm>>) target_semaphore(%dma_start3A_1624 : memref<!tpu.dma_semaphore, #tpu.memory_space<semaphore_mem>>)
        %slice3A_1629 = vector.extract_strided_slice %get3A_1530 {offsets = [7], sizes = [1], strides = [1]} : vector<16xi32> to vector<1xi32>
        %squeeze3A_1630 = vector.extract %slice3A_1629[0] : i32 from vector<1xi32>
        %mul3A_1631 = arith.constant 16 : i32
        %mul3A_1632 = arith.muli %add3A_1524, %mul3A_1631 : i32
        %add3A_1633 = arith.addi %mul3A_2, %mul3A_1632 : i32
        %add3A_1634 = arith.constant 7 : i32
        %add3A_1635 = arith.addi %add3A_1633, %add3A_1634 : i32
        %dma_start3A_1636 = arith.constant 3 : i32
        %dma_start3A_1637 = tpu.memref_slice %arg10[%dma_start3A_1636] : memref<5x!tpu.dma_semaphore, #tpu.memory_space<semaphore_mem>> -> memref<1x!tpu.dma_semaphore, #tpu.memory_space<semaphore_mem>>
        %dma_start3A_1638 = tpu.memref_squeeze %dma_start3A_1637 : memref<1x!tpu.dma_semaphore, #tpu.memory_space<semaphore_mem>> -> memref<!tpu.dma_semaphore, #tpu.memory_space<semaphore_mem>>
        %dma_start3A_1639 = arith.constant 0 : i32
        %dma_start3A_1640 = tpu.memref_slice %arg5[%add3A_1635, %dma_start3A_1639] : memref<16384x4096xf32, #tpu.memory_space<hbm>> -> memref<1x4096xf32, #tpu.memory_space<hbm>>
        %dma_start3A_1641 = arith.constant 0 : i32
        %dma_start3A_1642 = tpu.memref_slice %arg9[%squeeze3A_1630, %dma_start3A_1641] : memref<128x4096xf32, #tpu.memory_space<vmem_shared>> -> memref<1x4096xf32, #tpu.memory_space<vmem_shared>>
        tpu.enqueue_dma source(%dma_start3A_1642 : memref<1x4096xf32, #tpu.memory_space<vmem_shared>>) target(%dma_start3A_1640 : memref<1x4096xf32, #tpu.memory_space<hbm>>) target_semaphore(%dma_start3A_1638 : memref<!tpu.dma_semaphore, #tpu.memory_space<semaphore_mem>>)
        %slice3A_1643 = vector.extract_strided_slice %get3A_1530 {offsets = [8], sizes = [1], strides = [1]} : vector<16xi32> to vector<1xi32>
        %squeeze3A_1644 = vector.extract %slice3A_1643[0] : i32 from vector<1xi32>
        %mul3A_1645 = arith.constant 16 : i32
        %mul3A_1646 = arith.muli %add3A_1524, %mul3A_1645 : i32
        %add3A_1647 = arith.addi %mul3A_2, %mul3A_1646 : i32
        %add3A_1648 = arith.constant 8 : i32
        %add3A_1649 = arith.addi %add3A_1647, %add3A_1648 : i32
        %dma_start3A_1650 = arith.constant 3 : i32
        %dma_start3A_1651 = tpu.memref_slice %arg10[%dma_start3A_1650] : memref<5x!tpu.dma_semaphore, #tpu.memory_space<semaphore_mem>> -> memref<1x!tpu.dma_semaphore, #tpu.memory_space<semaphore_mem>>
        %dma_start3A_1652 = tpu.memref_squeeze %dma_start3A_1651 : memref<1x!tpu.dma_semaphore, #tpu.memory_space<semaphore_mem>> -> memref<!tpu.dma_semaphore, #tpu.memory_space<semaphore_mem>>
        %dma_start3A_1653 = arith.constant 0 : i32
        %dma_start3A_1654 = tpu.memref_slice %arg5[%add3A_1649, %dma_start3A_1653] : memref<16384x4096xf32, #tpu.memory_space<hbm>> -> memref<1x4096xf32, #tpu.memory_space<hbm>>
        %dma_start3A_1655 = arith.constant 0 : i32
        %dma_start3A_1656 = tpu.memref_slice %arg9[%squeeze3A_1644, %dma_start3A_1655] : memref<128x4096xf32, #tpu.memory_space<vmem_shared>> -> memref<1x4096xf32, #tpu.memory_space<vmem_shared>>
        tpu.enqueue_dma source(%dma_start3A_1656 : memref<1x4096xf32, #tpu.memory_space<vmem_shared>>) target(%dma_start3A_1654 : memref<1x4096xf32, #tpu.memory_space<hbm>>) target_semaphore(%dma_start3A_1652 : memref<!tpu.dma_semaphore, #tpu.memory_space<semaphore_mem>>)
        %slice3A_1657 = vector.extract_strided_slice %get3A_1530 {offsets = [9], sizes = [1], strides = [1]} : vector<16xi32> to vector<1xi32>
        %squeeze3A_1658 = vector.extract %slice3A_1657[0] : i32 from vector<1xi32>
        %mul3A_1659 = arith.constant 16 : i32
        %mul3A_1660 = arith.muli %add3A_1524, %mul3A_1659 : i32
        %add3A_1661 = arith.addi %mul3A_2, %mul3A_1660 : i32
        %add3A_1662 = arith.constant 9 : i32
        %add3A_1663 = arith.addi %add3A_1661, %add3A_1662 : i32
        %dma_start3A_1664 = arith.constant 3 : i32
        %dma_start3A_1665 = tpu.memref_slice %arg10[%dma_start3A_1664] : memref<5x!tpu.dma_semaphore, #tpu.memory_space<semaphore_mem>> -> memref<1x!tpu.dma_semaphore, #tpu.memory_space<semaphore_mem>>
        %dma_start3A_1666 = tpu.memref_squeeze %dma_start3A_1665 : memref<1x!tpu.dma_semaphore, #tpu.memory_space<semaphore_mem>> -> memref<!tpu.dma_semaphore, #tpu.memory_space<semaphore_mem>>
        %dma_start3A_1667 = arith.constant 0 : i32
        %dma_start3A_1668 = tpu.memref_slice %arg5[%add3A_1663, %dma_start3A_1667] : memref<16384x4096xf32, #tpu.memory_space<hbm>> -> memref<1x4096xf32, #tpu.memory_space<hbm>>
        %dma_start3A_1669 = arith.constant 0 : i32
        %dma_start3A_1670 = tpu.memref_slice %arg9[%squeeze3A_1658, %dma_start3A_1669] : memref<128x4096xf32, #tpu.memory_space<vmem_shared>> -> memref<1x4096xf32, #tpu.memory_space<vmem_shared>>
        tpu.enqueue_dma source(%dma_start3A_1670 : memref<1x4096xf32, #tpu.memory_space<vmem_shared>>) target(%dma_start3A_1668 : memref<1x4096xf32, #tpu.memory_space<hbm>>) target_semaphore(%dma_start3A_1666 : memref<!tpu.dma_semaphore, #tpu.memory_space<semaphore_mem>>)
        %slice3A_1671 = vector.extract_strided_slice %get3A_1530 {offsets = [10], sizes = [1], strides = [1]} : vector<16xi32> to vector<1xi32>
        %squeeze3A_1672 = vector.extract %slice3A_1671[0] : i32 from vector<1xi32>
        %mul3A_1673 = arith.constant 16 : i32
        %mul3A_1674 = arith.muli %add3A_1524, %mul3A_1673 : i32
        %add3A_1675 = arith.addi %mul3A_2, %mul3A_1674 : i32
        %add3A_1676 = arith.constant 10 : i32
        %add3A_1677 = arith.addi %add3A_1675, %add3A_1676 : i32
        %dma_start3A_1678 = arith.constant 3 : i32
        %dma_start3A_1679 = tpu.memref_slice %arg10[%dma_start3A_1678] : memref<5x!tpu.dma_semaphore, #tpu.memory_space<semaphore_mem>> -> memref<1x!tpu.dma_semaphore, #tpu.memory_space<semaphore_mem>>
        %dma_start3A_1680 = tpu.memref_squeeze %dma_start3A_1679 : memref<1x!tpu.dma_semaphore, #tpu.memory_space<semaphore_mem>> -> memref<!tpu.dma_semaphore, #tpu.memory_space<semaphore_mem>>
        %dma_start3A_1681 = arith.constant 0 : i32
        %dma_start3A_1682 = tpu.memref_slice %arg5[%add3A_1677, %dma_start3A_1681] : memref<16384x4096xf32, #tpu.memory_space<hbm>> -> memref<1x4096xf32, #tpu.memory_space<hbm>>
        %dma_start3A_1683 = arith.constant 0 : i32
        %dma_start3A_1684 = tpu.memref_slice %arg9[%squeeze3A_1672, %dma_start3A_1683] : memref<128x4096xf32, #tpu.memory_space<vmem_shared>> -> memref<1x4096xf32, #tpu.memory_space<vmem_shared>>
        tpu.enqueue_dma source(%dma_start3A_1684 : memref<1x4096xf32, #tpu.memory_space<vmem_shared>>) target(%dma_start3A_1682 : memref<1x4096xf32, #tpu.memory_space<hbm>>) target_semaphore(%dma_start3A_1680 : memref<!tpu.dma_semaphore, #tpu.memory_space<semaphore_mem>>)
        %slice3A_1685 = vector.extract_strided_slice %get3A_1530 {offsets = [11], sizes = [1], strides = [1]} : vector<16xi32> to vector<1xi32>
        %squeeze3A_1686 = vector.extract %slice3A_1685[0] : i32 from vector<1xi32>
        %mul3A_1687 = arith.constant 16 : i32
        %mul3A_1688 = arith.muli %add3A_1524, %mul3A_1687 : i32
        %add3A_1689 = arith.addi %mul3A_2, %mul3A_1688 : i32
        %add3A_1690 = arith.constant 11 : i32
        %add3A_1691 = arith.addi %add3A_1689, %add3A_1690 : i32
        %dma_start3A_1692 = arith.constant 3 : i32
        %dma_start3A_1693 = tpu.memref_slice %arg10[%dma_start3A_1692] : memref<5x!tpu.dma_semaphore, #tpu.memory_space<semaphore_mem>> -> memref<1x!tpu.dma_semaphore, #tpu.memory_space<semaphore_mem>>
        %dma_start3A_1694 = tpu.memref_squeeze %dma_start3A_1693 : memref<1x!tpu.dma_semaphore, #tpu.memory_space<semaphore_mem>> -> memref<!tpu.dma_semaphore, #tpu.memory_space<semaphore_mem>>
        %dma_start3A_1695 = arith.constant 0 : i32
        %dma_start3A_1696 = tpu.memref_slice %arg5[%add3A_1691, %dma_start3A_1695] : memref<16384x4096xf32, #tpu.memory_space<hbm>> -> memref<1x4096xf32, #tpu.memory_space<hbm>>
        %dma_start3A_1697 = arith.constant 0 : i32
        %dma_start3A_1698 = tpu.memref_slice %arg9[%squeeze3A_1686, %dma_start3A_1697] : memref<128x4096xf32, #tpu.memory_space<vmem_shared>> -> memref<1x4096xf32, #tpu.memory_space<vmem_shared>>
        tpu.enqueue_dma source(%dma_start3A_1698 : memref<1x4096xf32, #tpu.memory_space<vmem_shared>>) target(%dma_start3A_1696 : memref<1x4096xf32, #tpu.memory_space<hbm>>) target_semaphore(%dma_start3A_1694 : memref<!tpu.dma_semaphore, #tpu.memory_space<semaphore_mem>>)
        %slice3A_1699 = vector.extract_strided_slice %get3A_1530 {offsets = [12], sizes = [1], strides = [1]} : vector<16xi32> to vector<1xi32>
        %squeeze3A_1700 = vector.extract %slice3A_1699[0] : i32 from vector<1xi32>
        %mul3A_1701 = arith.constant 16 : i32
        %mul3A_1702 = arith.muli %add3A_1524, %mul3A_1701 : i32
        %add3A_1703 = arith.addi %mul3A_2, %mul3A_1702 : i32
        %add3A_1704 = arith.constant 12 : i32
        %add3A_1705 = arith.addi %add3A_1703, %add3A_1704 : i32
        %dma_start3A_1706 = arith.constant 3 : i32
        %dma_start3A_1707 = tpu.memref_slice %arg10[%dma_start3A_1706] : memref<5x!tpu.dma_semaphore, #tpu.memory_space<semaphore_mem>> -> memref<1x!tpu.dma_semaphore, #tpu.memory_space<semaphore_mem>>
        %dma_start3A_1708 = tpu.memref_squeeze %dma_start3A_1707 : memref<1x!tpu.dma_semaphore, #tpu.memory_space<semaphore_mem>> -> memref<!tpu.dma_semaphore, #tpu.memory_space<semaphore_mem>>
        %dma_start3A_1709 = arith.constant 0 : i32
        %dma_start3A_1710 = tpu.memref_slice %arg5[%add3A_1705, %dma_start3A_1709] : memref<16384x4096xf32, #tpu.memory_space<hbm>> -> memref<1x4096xf32, #tpu.memory_space<hbm>>
        %dma_start3A_1711 = arith.constant 0 : i32
        %dma_start3A_1712 = tpu.memref_slice %arg9[%squeeze3A_1700, %dma_start3A_1711] : memref<128x4096xf32, #tpu.memory_space<vmem_shared>> -> memref<1x4096xf32, #tpu.memory_space<vmem_shared>>
        tpu.enqueue_dma source(%dma_start3A_1712 : memref<1x4096xf32, #tpu.memory_space<vmem_shared>>) target(%dma_start3A_1710 : memref<1x4096xf32, #tpu.memory_space<hbm>>) target_semaphore(%dma_start3A_1708 : memref<!tpu.dma_semaphore, #tpu.memory_space<semaphore_mem>>)
        %slice3A_1713 = vector.extract_strided_slice %get3A_1530 {offsets = [13], sizes = [1], strides = [1]} : vector<16xi32> to vector<1xi32>
        %squeeze3A_1714 = vector.extract %slice3A_1713[0] : i32 from vector<1xi32>
        %mul3A_1715 = arith.constant 16 : i32
        %mul3A_1716 = arith.muli %add3A_1524, %mul3A_1715 : i32
        %add3A_1717 = arith.addi %mul3A_2, %mul3A_1716 : i32
        %add3A_1718 = arith.constant 13 : i32
        %add3A_1719 = arith.addi %add3A_1717, %add3A_1718 : i32
        %dma_start3A_1720 = arith.constant 3 : i32
        %dma_start3A_1721 = tpu.memref_slice %arg10[%dma_start3A_1720] : memref<5x!tpu.dma_semaphore, #tpu.memory_space<semaphore_mem>> -> memref<1x!tpu.dma_semaphore, #tpu.memory_space<semaphore_mem>>
        %dma_start3A_1722 = tpu.memref_squeeze %dma_start3A_1721 : memref<1x!tpu.dma_semaphore, #tpu.memory_space<semaphore_mem>> -> memref<!tpu.dma_semaphore, #tpu.memory_space<semaphore_mem>>
        %dma_start3A_1723 = arith.constant 0 : i32
        %dma_start3A_1724 = tpu.memref_slice %arg5[%add3A_1719, %dma_start3A_1723] : memref<16384x4096xf32, #tpu.memory_space<hbm>> -> memref<1x4096xf32, #tpu.memory_space<hbm>>
        %dma_start3A_1725 = arith.constant 0 : i32
        %dma_start3A_1726 = tpu.memref_slice %arg9[%squeeze3A_1714, %dma_start3A_1725] : memref<128x4096xf32, #tpu.memory_space<vmem_shared>> -> memref<1x4096xf32, #tpu.memory_space<vmem_shared>>
        tpu.enqueue_dma source(%dma_start3A_1726 : memref<1x4096xf32, #tpu.memory_space<vmem_shared>>) target(%dma_start3A_1724 : memref<1x4096xf32, #tpu.memory_space<hbm>>) target_semaphore(%dma_start3A_1722 : memref<!tpu.dma_semaphore, #tpu.memory_space<semaphore_mem>>)
        %slice3A_1727 = vector.extract_strided_slice %get3A_1530 {offsets = [14], sizes = [1], strides = [1]} : vector<16xi32> to vector<1xi32>
        %squeeze3A_1728 = vector.extract %slice3A_1727[0] : i32 from vector<1xi32>
        %mul3A_1729 = arith.constant 16 : i32
        %mul3A_1730 = arith.muli %add3A_1524, %mul3A_1729 : i32
        %add3A_1731 = arith.addi %mul3A_2, %mul3A_1730 : i32
        %add3A_1732 = arith.constant 14 : i32
        %add3A_1733 = arith.addi %add3A_1731, %add3A_1732 : i32
        %dma_start3A_1734 = arith.constant 3 : i32
        %dma_start3A_1735 = tpu.memref_slice %arg10[%dma_start3A_1734] : memref<5x!tpu.dma_semaphore, #tpu.memory_space<semaphore_mem>> -> memref<1x!tpu.dma_semaphore, #tpu.memory_space<semaphore_mem>>
        %dma_start3A_1736 = tpu.memref_squeeze %dma_start3A_1735 : memref<1x!tpu.dma_semaphore, #tpu.memory_space<semaphore_mem>> -> memref<!tpu.dma_semaphore, #tpu.memory_space<semaphore_mem>>
        %dma_start3A_1737 = arith.constant 0 : i32
        %dma_start3A_1738 = tpu.memref_slice %arg5[%add3A_1733, %dma_start3A_1737] : memref<16384x4096xf32, #tpu.memory_space<hbm>> -> memref<1x4096xf32, #tpu.memory_space<hbm>>
        %dma_start3A_1739 = arith.constant 0 : i32
        %dma_start3A_1740 = tpu.memref_slice %arg9[%squeeze3A_1728, %dma_start3A_1739] : memref<128x4096xf32, #tpu.memory_space<vmem_shared>> -> memref<1x4096xf32, #tpu.memory_space<vmem_shared>>
        tpu.enqueue_dma source(%dma_start3A_1740 : memref<1x4096xf32, #tpu.memory_space<vmem_shared>>) target(%dma_start3A_1738 : memref<1x4096xf32, #tpu.memory_space<hbm>>) target_semaphore(%dma_start3A_1736 : memref<!tpu.dma_semaphore, #tpu.memory_space<semaphore_mem>>)
        %slice3A_1741 = vector.extract_strided_slice %get3A_1530 {offsets = [15], sizes = [1], strides = [1]} : vector<16xi32> to vector<1xi32>
        %squeeze3A_1742 = vector.extract %slice3A_1741[0] : i32 from vector<1xi32>
        %mul3A_1743 = arith.constant 16 : i32
        %mul3A_1744 = arith.muli %add3A_1524, %mul3A_1743 : i32
        %add3A_1745 = arith.addi %mul3A_2, %mul3A_1744 : i32
        %add3A_1746 = arith.constant 15 : i32
        %add3A_1747 = arith.addi %add3A_1745, %add3A_1746 : i32
        %dma_start3A_1748 = arith.constant 3 : i32
        %dma_start3A_1749 = tpu.memref_slice %arg10[%dma_start3A_1748] : memref<5x!tpu.dma_semaphore, #tpu.memory_space<semaphore_mem>> -> memref<1x!tpu.dma_semaphore, #tpu.memory_space<semaphore_mem>>
        %dma_start3A_1750 = tpu.memref_squeeze %dma_start3A_1749 : memref<1x!tpu.dma_semaphore, #tpu.memory_space<semaphore_mem>> -> memref<!tpu.dma_semaphore, #tpu.memory_space<semaphore_mem>>
        %dma_start3A_1751 = arith.constant 0 : i32
        %dma_start3A_1752 = tpu.memref_slice %arg5[%add3A_1747, %dma_start3A_1751] : memref<16384x4096xf32, #tpu.memory_space<hbm>> -> memref<1x4096xf32, #tpu.memory_space<hbm>>
        %dma_start3A_1753 = arith.constant 0 : i32
        %dma_start3A_1754 = tpu.memref_slice %arg9[%squeeze3A_1742, %dma_start3A_1753] : memref<128x4096xf32, #tpu.memory_space<vmem_shared>> -> memref<1x4096xf32, #tpu.memory_space<vmem_shared>>
        tpu.enqueue_dma source(%dma_start3A_1754 : memref<1x4096xf32, #tpu.memory_space<vmem_shared>>) target(%dma_start3A_1752 : memref<1x4096xf32, #tpu.memory_space<hbm>>) target_semaphore(%dma_start3A_1750 : memref<!tpu.dma_semaphore, #tpu.memory_space<semaphore_mem>>)
      } else {
      }
      %mul3A_1204 = arith.constant 5 : i32
      %mul3A_1205 = arith.muli %scan3A_1130, %mul3A_1204 : i32
      %add3A_1206 = arith.constant 4 : i32
      %add3A_1207 = arith.addi %mul3A_1205, %add3A_1206 : i32
      %dma_wait3A_1208 = arith.constant 4 : i32
      %dma_wait3A_1209 = tpu.memref_slice %arg10[%dma_wait3A_1208] : memref<5x!tpu.dma_semaphore, #tpu.memory_space<semaphore_mem>> -> memref<1x!tpu.dma_semaphore, #tpu.memory_space<semaphore_mem>>
      %dma_wait3A_1210 = tpu.memref_squeeze %dma_wait3A_1209 : memref<1x!tpu.dma_semaphore, #tpu.memory_space<semaphore_mem>> -> memref<!tpu.dma_semaphore, #tpu.memory_space<semaphore_mem>>
      %dma_wait3A_1211 = arith.constant 0 : i32
      %dma_wait3A_1212 = tpu.memref_slice %arg5[%mul3A_2, %dma_wait3A_1211] : memref<16384x4096xf32, #tpu.memory_space<hbm>> -> memref<16x4096xf32, #tpu.memory_space<hbm>>
      %dma_wait3A_1213 = arith.constant 0 : i32
      %dma_wait3A_1214 = arith.constant 0 : i32
      %dma_wait3A_1215 = tpu.memref_slice %arg9[%dma_wait3A_1213, %dma_wait3A_1214] : memref<128x4096xf32, #tpu.memory_space<vmem_shared>> -> memref<16x4096xf32, #tpu.memory_space<vmem_shared>>
      tpu.wait_dma2 semaphore(%dma_wait3A_1210 : memref<!tpu.dma_semaphore, #tpu.memory_space<semaphore_mem>>) src(%dma_wait3A_1215 : memref<16x4096xf32, #tpu.memory_space<vmem_shared>>) dst(%dma_wait3A_1212 : memref<16x4096xf32, #tpu.memory_space<hbm>>)
      %add3A_1216 = arith.constant 5 : i32
      %add3A_1217 = arith.addi %add3A_1207, %add3A_1216 : i32
      %lt3A_1218 = arith.constant 20 : i32
      %lt3A_1219 = arith.cmpi slt, %add3A_1217, %lt3A_1218 : i32
      %convert_element_type3A_1220 = arith.extui %lt3A_1219 : i1 to i32
      %cond3A_1221 = arith.constant 0 : i32
      %cond3A_1222 = arith.cmpi ne, %convert_element_type3A_1220, %cond3A_1221 : i32
      scf.if %cond3A_1222 {
        %add3A_1523 = arith.constant 5 : i32
        %add3A_1524 = arith.addi %add3A_1207, %add3A_1523 : i32
        %mul3A_1525 = arith.constant 16 : i32
        %mul3A_1526 = arith.muli %add3A_1524, %mul3A_1525 : i32
        %multiple_of3A_1527 = tpu.assume_multiple %mul3A_1526, 16 : i32
        %get3A_1528 = arith.index_cast %multiple_of3A_1527 : i32 to index
        %get3A_1529 = tpu.vector_load %arg6[%get3A_1528] {strides = array<i32>} : memref<512xi32, #tpu.memory_space<vmem>>, vector<16xi32>,
        %get3A_1530 = vector.shape_cast %get3A_1529 : vector<16xi32> to vector<16xi32>
        %slice3A_1531 = vector.extract_strided_slice %get3A_1530 {offsets = [0], sizes = [1], strides = [1]} : vector<16xi32> to vector<1xi32>
        %squeeze3A_1532 = vector.extract %slice3A_1531[0] : i32 from vector<1xi32>
        %mul3A_1533 = arith.constant 16 : i32
        %mul3A_1534 = arith.muli %add3A_1524, %mul3A_1533 : i32
        %add3A_1535 = arith.addi %mul3A_2, %mul3A_1534 : i32
        %add3A_1536 = arith.constant 0 : i32
        %add3A_1537 = arith.addi %add3A_1535, %add3A_1536 : i32
        %dma_start3A_1538 = arith.constant 4 : i32
        %dma_start3A_1539 = tpu.memref_slice %arg10[%dma_start3A_1538] : memref<5x!tpu.dma_semaphore, #tpu.memory_space<semaphore_mem>> -> memref<1x!tpu.dma_semaphore, #tpu.memory_space<semaphore_mem>>
        %dma_start3A_1540 = tpu.memref_squeeze %dma_start3A_1539 : memref<1x!tpu.dma_semaphore, #tpu.memory_space<semaphore_mem>> -> memref<!tpu.dma_semaphore, #tpu.memory_space<semaphore_mem>>
        %dma_start3A_1541 = arith.constant 0 : i32
        %dma_start3A_1542 = tpu.memref_slice %arg5[%add3A_1537, %dma_start3A_1541] : memref<16384x4096xf32, #tpu.memory_space<hbm>> -> memref<1x4096xf32, #tpu.memory_space<hbm>>
        %dma_start3A_1543 = arith.constant 0 : i32
        %dma_start3A_1544 = tpu.memref_slice %arg9[%squeeze3A_1532, %dma_start3A_1543] : memref<128x4096xf32, #tpu.memory_space<vmem_shared>> -> memref<1x4096xf32, #tpu.memory_space<vmem_shared>>
        tpu.enqueue_dma source(%dma_start3A_1544 : memref<1x4096xf32, #tpu.memory_space<vmem_shared>>) target(%dma_start3A_1542 : memref<1x4096xf32, #tpu.memory_space<hbm>>) target_semaphore(%dma_start3A_1540 : memref<!tpu.dma_semaphore, #tpu.memory_space<semaphore_mem>>)
        %slice3A_1545 = vector.extract_strided_slice %get3A_1530 {offsets = [1], sizes = [1], strides = [1]} : vector<16xi32> to vector<1xi32>
        %squeeze3A_1546 = vector.extract %slice3A_1545[0] : i32 from vector<1xi32>
        %mul3A_1547 = arith.constant 16 : i32
        %mul3A_1548 = arith.muli %add3A_1524, %mul3A_1547 : i32
        %add3A_1549 = arith.addi %mul3A_2, %mul3A_1548 : i32
        %add3A_1550 = arith.constant 1 : i32
        %add3A_1551 = arith.addi %add3A_1549, %add3A_1550 : i32
        %dma_start3A_1552 = arith.constant 4 : i32
        %dma_start3A_1553 = tpu.memref_slice %arg10[%dma_start3A_1552] : memref<5x!tpu.dma_semaphore, #tpu.memory_space<semaphore_mem>> -> memref<1x!tpu.dma_semaphore, #tpu.memory_space<semaphore_mem>>
        %dma_start3A_1554 = tpu.memref_squeeze %dma_start3A_1553 : memref<1x!tpu.dma_semaphore, #tpu.memory_space<semaphore_mem>> -> memref<!tpu.dma_semaphore, #tpu.memory_space<semaphore_mem>>
        %dma_start3A_1555 = arith.constant 0 : i32
        %dma_start3A_1556 = tpu.memref_slice %arg5[%add3A_1551, %dma_start3A_1555] : memref<16384x4096xf32, #tpu.memory_space<hbm>> -> memref<1x4096xf32, #tpu.memory_space<hbm>>
        %dma_start3A_1557 = arith.constant 0 : i32
        %dma_start3A_1558 = tpu.memref_slice %arg9[%squeeze3A_1546, %dma_start3A_1557] : memref<128x4096xf32, #tpu.memory_space<vmem_shared>> -> memref<1x4096xf32, #tpu.memory_space<vmem_shared>>
        tpu.enqueue_dma source(%dma_start3A_1558 : memref<1x4096xf32, #tpu.memory_space<vmem_shared>>) target(%dma_start3A_1556 : memref<1x4096xf32, #tpu.memory_space<hbm>>) target_semaphore(%dma_start3A_1554 : memref<!tpu.dma_semaphore, #tpu.memory_space<semaphore_mem>>)
        %slice3A_1559 = vector.extract_strided_slice %get3A_1530 {offsets = [2], sizes = [1], strides = [1]} : vector<16xi32> to vector<1xi32>
        %squeeze3A_1560 = vector.extract %slice3A_1559[0] : i32 from vector<1xi32>
        %mul3A_1561 = arith.constant 16 : i32
        %mul3A_1562 = arith.muli %add3A_1524, %mul3A_1561 : i32
        %add3A_1563 = arith.addi %mul3A_2, %mul3A_1562 : i32
        %add3A_1564 = arith.constant 2 : i32
        %add3A_1565 = arith.addi %add3A_1563, %add3A_1564 : i32
        %dma_start3A_1566 = arith.constant 4 : i32
        %dma_start3A_1567 = tpu.memref_slice %arg10[%dma_start3A_1566] : memref<5x!tpu.dma_semaphore, #tpu.memory_space<semaphore_mem>> -> memref<1x!tpu.dma_semaphore, #tpu.memory_space<semaphore_mem>>
        %dma_start3A_1568 = tpu.memref_squeeze %dma_start3A_1567 : memref<1x!tpu.dma_semaphore, #tpu.memory_space<semaphore_mem>> -> memref<!tpu.dma_semaphore, #tpu.memory_space<semaphore_mem>>
        %dma_start3A_1569 = arith.constant 0 : i32
        %dma_start3A_1570 = tpu.memref_slice %arg5[%add3A_1565, %dma_start3A_1569] : memref<16384x4096xf32, #tpu.memory_space<hbm>> -> memref<1x4096xf32, #tpu.memory_space<hbm>>
        %dma_start3A_1571 = arith.constant 0 : i32
        %dma_start3A_1572 = tpu.memref_slice %arg9[%squeeze3A_1560, %dma_start3A_1571] : memref<128x4096xf32, #tpu.memory_space<vmem_shared>> -> memref<1x4096xf32, #tpu.memory_space<vmem_shared>>
        tpu.enqueue_dma source(%dma_start3A_1572 : memref<1x4096xf32, #tpu.memory_space<vmem_shared>>) target(%dma_start3A_1570 : memref<1x4096xf32, #tpu.memory_space<hbm>>) target_semaphore(%dma_start3A_1568 : memref<!tpu.dma_semaphore, #tpu.memory_space<semaphore_mem>>)
        %slice3A_1573 = vector.extract_strided_slice %get3A_1530 {offsets = [3], sizes = [1], strides = [1]} : vector<16xi32> to vector<1xi32>
        %squeeze3A_1574 = vector.extract %slice3A_1573[0] : i32 from vector<1xi32>
        %mul3A_1575 = arith.constant 16 : i32
        %mul3A_1576 = arith.muli %add3A_1524, %mul3A_1575 : i32
        %add3A_1577 = arith.addi %mul3A_2, %mul3A_1576 : i32
        %add3A_1578 = arith.constant 3 : i32
        %add3A_1579 = arith.addi %add3A_1577, %add3A_1578 : i32
        %dma_start3A_1580 = arith.constant 4 : i32
        %dma_start3A_1581 = tpu.memref_slice %arg10[%dma_start3A_1580] : memref<5x!tpu.dma_semaphore, #tpu.memory_space<semaphore_mem>> -> memref<1x!tpu.dma_semaphore, #tpu.memory_space<semaphore_mem>>
        %dma_start3A_1582 = tpu.memref_squeeze %dma_start3A_1581 : memref<1x!tpu.dma_semaphore, #tpu.memory_space<semaphore_mem>> -> memref<!tpu.dma_semaphore, #tpu.memory_space<semaphore_mem>>
        %dma_start3A_1583 = arith.constant 0 : i32
        %dma_start3A_1584 = tpu.memref_slice %arg5[%add3A_1579, %dma_start3A_1583] : memref<16384x4096xf32, #tpu.memory_space<hbm>> -> memref<1x4096xf32, #tpu.memory_space<hbm>>
        %dma_start3A_1585 = arith.constant 0 : i32
        %dma_start3A_1586 = tpu.memref_slice %arg9[%squeeze3A_1574, %dma_start3A_1585] : memref<128x4096xf32, #tpu.memory_space<vmem_shared>> -> memref<1x4096xf32, #tpu.memory_space<vmem_shared>>
        tpu.enqueue_dma source(%dma_start3A_1586 : memref<1x4096xf32, #tpu.memory_space<vmem_shared>>) target(%dma_start3A_1584 : memref<1x4096xf32, #tpu.memory_space<hbm>>) target_semaphore(%dma_start3A_1582 : memref<!tpu.dma_semaphore, #tpu.memory_space<semaphore_mem>>)
        %slice3A_1587 = vector.extract_strided_slice %get3A_1530 {offsets = [4], sizes = [1], strides = [1]} : vector<16xi32> to vector<1xi32>
        %squeeze3A_1588 = vector.extract %slice3A_1587[0] : i32 from vector<1xi32>
        %mul3A_1589 = arith.constant 16 : i32
        %mul3A_1590 = arith.muli %add3A_1524, %mul3A_1589 : i32
        %add3A_1591 = arith.addi %mul3A_2, %mul3A_1590 : i32
        %add3A_1592 = arith.constant 4 : i32
        %add3A_1593 = arith.addi %add3A_1591, %add3A_1592 : i32
        %dma_start3A_1594 = arith.constant 4 : i32
        %dma_start3A_1595 = tpu.memref_slice %arg10[%dma_start3A_1594] : memref<5x!tpu.dma_semaphore, #tpu.memory_space<semaphore_mem>> -> memref<1x!tpu.dma_semaphore, #tpu.memory_space<semaphore_mem>>
        %dma_start3A_1596 = tpu.memref_squeeze %dma_start3A_1595 : memref<1x!tpu.dma_semaphore, #tpu.memory_space<semaphore_mem>> -> memref<!tpu.dma_semaphore, #tpu.memory_space<semaphore_mem>>
        %dma_start3A_1597 = arith.constant 0 : i32
        %dma_start3A_1598 = tpu.memref_slice %arg5[%add3A_1593, %dma_start3A_1597] : memref<16384x4096xf32, #tpu.memory_space<hbm>> -> memref<1x4096xf32, #tpu.memory_space<hbm>>
        %dma_start3A_1599 = arith.constant 0 : i32
        %dma_start3A_1600 = tpu.memref_slice %arg9[%squeeze3A_1588, %dma_start3A_1599] : memref<128x4096xf32, #tpu.memory_space<vmem_shared>> -> memref<1x4096xf32, #tpu.memory_space<vmem_shared>>
        tpu.enqueue_dma source(%dma_start3A_1600 : memref<1x4096xf32, #tpu.memory_space<vmem_shared>>) target(%dma_start3A_1598 : memref<1x4096xf32, #tpu.memory_space<hbm>>) target_semaphore(%dma_start3A_1596 : memref<!tpu.dma_semaphore, #tpu.memory_space<semaphore_mem>>)
        %slice3A_1601 = vector.extract_strided_slice %get3A_1530 {offsets = [5], sizes = [1], strides = [1]} : vector<16xi32> to vector<1xi32>
        %squeeze3A_1602 = vector.extract %slice3A_1601[0] : i32 from vector<1xi32>
        %mul3A_1603 = arith.constant 16 : i32
        %mul3A_1604 = arith.muli %add3A_1524, %mul3A_1603 : i32
        %add3A_1605 = arith.addi %mul3A_2, %mul3A_1604 : i32
        %add3A_1606 = arith.constant 5 : i32
        %add3A_1607 = arith.addi %add3A_1605, %add3A_1606 : i32
        %dma_start3A_1608 = arith.constant 4 : i32
        %dma_start3A_1609 = tpu.memref_slice %arg10[%dma_start3A_1608] : memref<5x!tpu.dma_semaphore, #tpu.memory_space<semaphore_mem>> -> memref<1x!tpu.dma_semaphore, #tpu.memory_space<semaphore_mem>>
        %dma_start3A_1610 = tpu.memref_squeeze %dma_start3A_1609 : memref<1x!tpu.dma_semaphore, #tpu.memory_space<semaphore_mem>> -> memref<!tpu.dma_semaphore, #tpu.memory_space<semaphore_mem>>
        %dma_start3A_1611 = arith.constant 0 : i32
        %dma_start3A_1612 = tpu.memref_slice %arg5[%add3A_1607, %dma_start3A_1611] : memref<16384x4096xf32, #tpu.memory_space<hbm>> -> memref<1x4096xf32, #tpu.memory_space<hbm>>
        %dma_start3A_1613 = arith.constant 0 : i32
        %dma_start3A_1614 = tpu.memref_slice %arg9[%squeeze3A_1602, %dma_start3A_1613] : memref<128x4096xf32, #tpu.memory_space<vmem_shared>> -> memref<1x4096xf32, #tpu.memory_space<vmem_shared>>
        tpu.enqueue_dma source(%dma_start3A_1614 : memref<1x4096xf32, #tpu.memory_space<vmem_shared>>) target(%dma_start3A_1612 : memref<1x4096xf32, #tpu.memory_space<hbm>>) target_semaphore(%dma_start3A_1610 : memref<!tpu.dma_semaphore, #tpu.memory_space<semaphore_mem>>)
        %slice3A_1615 = vector.extract_strided_slice %get3A_1530 {offsets = [6], sizes = [1], strides = [1]} : vector<16xi32> to vector<1xi32>
        %squeeze3A_1616 = vector.extract %slice3A_1615[0] : i32 from vector<1xi32>
        %mul3A_1617 = arith.constant 16 : i32
        %mul3A_1618 = arith.muli %add3A_1524, %mul3A_1617 : i32
        %add3A_1619 = arith.addi %mul3A_2, %mul3A_1618 : i32
        %add3A_1620 = arith.constant 6 : i32
        %add3A_1621 = arith.addi %add3A_1619, %add3A_1620 : i32
        %dma_start3A_1622 = arith.constant 4 : i32
        %dma_start3A_1623 = tpu.memref_slice %arg10[%dma_start3A_1622] : memref<5x!tpu.dma_semaphore, #tpu.memory_space<semaphore_mem>> -> memref<1x!tpu.dma_semaphore, #tpu.memory_space<semaphore_mem>>
        %dma_start3A_1624 = tpu.memref_squeeze %dma_start3A_1623 : memref<1x!tpu.dma_semaphore, #tpu.memory_space<semaphore_mem>> -> memref<!tpu.dma_semaphore, #tpu.memory_space<semaphore_mem>>
        %dma_start3A_1625 = arith.constant 0 : i32
        %dma_start3A_1626 = tpu.memref_slice %arg5[%add3A_1621, %dma_start3A_1625] : memref<16384x4096xf32, #tpu.memory_space<hbm>> -> memref<1x4096xf32, #tpu.memory_space<hbm>>
        %dma_start3A_1627 = arith.constant 0 : i32
        %dma_start3A_1628 = tpu.memref_slice %arg9[%squeeze3A_1616, %dma_start3A_1627] : memref<128x4096xf32, #tpu.memory_space<vmem_shared>> -> memref<1x4096xf32, #tpu.memory_space<vmem_shared>>
        tpu.enqueue_dma source(%dma_start3A_1628 : memref<1x4096xf32, #tpu.memory_space<vmem_shared>>) target(%dma_start3A_1626 : memref<1x4096xf32, #tpu.memory_space<hbm>>) target_semaphore(%dma_start3A_1624 : memref<!tpu.dma_semaphore, #tpu.memory_space<semaphore_mem>>)
        %slice3A_1629 = vector.extract_strided_slice %get3A_1530 {offsets = [7], sizes = [1], strides = [1]} : vector<16xi32> to vector<1xi32>
        %squeeze3A_1630 = vector.extract %slice3A_1629[0] : i32 from vector<1xi32>
        %mul3A_1631 = arith.constant 16 : i32
        %mul3A_1632 = arith.muli %add3A_1524, %mul3A_1631 : i32
        %add3A_1633 = arith.addi %mul3A_2, %mul3A_1632 : i32
        %add3A_1634 = arith.constant 7 : i32
        %add3A_1635 = arith.addi %add3A_1633, %add3A_1634 : i32
        %dma_start3A_1636 = arith.constant 4 : i32
        %dma_start3A_1637 = tpu.memref_slice %arg10[%dma_start3A_1636] : memref<5x!tpu.dma_semaphore, #tpu.memory_space<semaphore_mem>> -> memref<1x!tpu.dma_semaphore, #tpu.memory_space<semaphore_mem>>
        %dma_start3A_1638 = tpu.memref_squeeze %dma_start3A_1637 : memref<1x!tpu.dma_semaphore, #tpu.memory_space<semaphore_mem>> -> memref<!tpu.dma_semaphore, #tpu.memory_space<semaphore_mem>>
        %dma_start3A_1639 = arith.constant 0 : i32
        %dma_start3A_1640 = tpu.memref_slice %arg5[%add3A_1635, %dma_start3A_1639] : memref<16384x4096xf32, #tpu.memory_space<hbm>> -> memref<1x4096xf32, #tpu.memory_space<hbm>>
        %dma_start3A_1641 = arith.constant 0 : i32
        %dma_start3A_1642 = tpu.memref_slice %arg9[%squeeze3A_1630, %dma_start3A_1641] : memref<128x4096xf32, #tpu.memory_space<vmem_shared>> -> memref<1x4096xf32, #tpu.memory_space<vmem_shared>>
        tpu.enqueue_dma source(%dma_start3A_1642 : memref<1x4096xf32, #tpu.memory_space<vmem_shared>>) target(%dma_start3A_1640 : memref<1x4096xf32, #tpu.memory_space<hbm>>) target_semaphore(%dma_start3A_1638 : memref<!tpu.dma_semaphore, #tpu.memory_space<semaphore_mem>>)
        %slice3A_1643 = vector.extract_strided_slice %get3A_1530 {offsets = [8], sizes = [1], strides = [1]} : vector<16xi32> to vector<1xi32>
        %squeeze3A_1644 = vector.extract %slice3A_1643[0] : i32 from vector<1xi32>
        %mul3A_1645 = arith.constant 16 : i32
        %mul3A_1646 = arith.muli %add3A_1524, %mul3A_1645 : i32
        %add3A_1647 = arith.addi %mul3A_2, %mul3A_1646 : i32
        %add3A_1648 = arith.constant 8 : i32
        %add3A_1649 = arith.addi %add3A_1647, %add3A_1648 : i32
        %dma_start3A_1650 = arith.constant 4 : i32
        %dma_start3A_1651 = tpu.memref_slice %arg10[%dma_start3A_1650] : memref<5x!tpu.dma_semaphore, #tpu.memory_space<semaphore_mem>> -> memref<1x!tpu.dma_semaphore, #tpu.memory_space<semaphore_mem>>
        %dma_start3A_1652 = tpu.memref_squeeze %dma_start3A_1651 : memref<1x!tpu.dma_semaphore, #tpu.memory_space<semaphore_mem>> -> memref<!tpu.dma_semaphore, #tpu.memory_space<semaphore_mem>>
        %dma_start3A_1653 = arith.constant 0 : i32
        %dma_start3A_1654 = tpu.memref_slice %arg5[%add3A_1649, %dma_start3A_1653] : memref<16384x4096xf32, #tpu.memory_space<hbm>> -> memref<1x4096xf32, #tpu.memory_space<hbm>>
        %dma_start3A_1655 = arith.constant 0 : i32
        %dma_start3A_1656 = tpu.memref_slice %arg9[%squeeze3A_1644, %dma_start3A_1655] : memref<128x4096xf32, #tpu.memory_space<vmem_shared>> -> memref<1x4096xf32, #tpu.memory_space<vmem_shared>>
        tpu.enqueue_dma source(%dma_start3A_1656 : memref<1x4096xf32, #tpu.memory_space<vmem_shared>>) target(%dma_start3A_1654 : memref<1x4096xf32, #tpu.memory_space<hbm>>) target_semaphore(%dma_start3A_1652 : memref<!tpu.dma_semaphore, #tpu.memory_space<semaphore_mem>>)
        %slice3A_1657 = vector.extract_strided_slice %get3A_1530 {offsets = [9], sizes = [1], strides = [1]} : vector<16xi32> to vector<1xi32>
        %squeeze3A_1658 = vector.extract %slice3A_1657[0] : i32 from vector<1xi32>
        %mul3A_1659 = arith.constant 16 : i32
        %mul3A_1660 = arith.muli %add3A_1524, %mul3A_1659 : i32
        %add3A_1661 = arith.addi %mul3A_2, %mul3A_1660 : i32
        %add3A_1662 = arith.constant 9 : i32
        %add3A_1663 = arith.addi %add3A_1661, %add3A_1662 : i32
        %dma_start3A_1664 = arith.constant 4 : i32
        %dma_start3A_1665 = tpu.memref_slice %arg10[%dma_start3A_1664] : memref<5x!tpu.dma_semaphore, #tpu.memory_space<semaphore_mem>> -> memref<1x!tpu.dma_semaphore, #tpu.memory_space<semaphore_mem>>
        %dma_start3A_1666 = tpu.memref_squeeze %dma_start3A_1665 : memref<1x!tpu.dma_semaphore, #tpu.memory_space<semaphore_mem>> -> memref<!tpu.dma_semaphore, #tpu.memory_space<semaphore_mem>>
        %dma_start3A_1667 = arith.constant 0 : i32
        %dma_start3A_1668 = tpu.memref_slice %arg5[%add3A_1663, %dma_start3A_1667] : memref<16384x4096xf32, #tpu.memory_space<hbm>> -> memref<1x4096xf32, #tpu.memory_space<hbm>>
        %dma_start3A_1669 = arith.constant 0 : i32
        %dma_start3A_1670 = tpu.memref_slice %arg9[%squeeze3A_1658, %dma_start3A_1669] : memref<128x4096xf32, #tpu.memory_space<vmem_shared>> -> memref<1x4096xf32, #tpu.memory_space<vmem_shared>>
        tpu.enqueue_dma source(%dma_start3A_1670 : memref<1x4096xf32, #tpu.memory_space<vmem_shared>>) target(%dma_start3A_1668 : memref<1x4096xf32, #tpu.memory_space<hbm>>) target_semaphore(%dma_start3A_1666 : memref<!tpu.dma_semaphore, #tpu.memory_space<semaphore_mem>>)
        %slice3A_1671 = vector.extract_strided_slice %get3A_1530 {offsets = [10], sizes = [1], strides = [1]} : vector<16xi32> to vector<1xi32>
        %squeeze3A_1672 = vector.extract %slice3A_1671[0] : i32 from vector<1xi32>
        %mul3A_1673 = arith.constant 16 : i32
        %mul3A_1674 = arith.muli %add3A_1524, %mul3A_1673 : i32
        %add3A_1675 = arith.addi %mul3A_2, %mul3A_1674 : i32
        %add3A_1676 = arith.constant 10 : i32
        %add3A_1677 = arith.addi %add3A_1675, %add3A_1676 : i32
        %dma_start3A_1678 = arith.constant 4 : i32
        %dma_start3A_1679 = tpu.memref_slice %arg10[%dma_start3A_1678] : memref<5x!tpu.dma_semaphore, #tpu.memory_space<semaphore_mem>> -> memref<1x!tpu.dma_semaphore, #tpu.memory_space<semaphore_mem>>
        %dma_start3A_1680 = tpu.memref_squeeze %dma_start3A_1679 : memref<1x!tpu.dma_semaphore, #tpu.memory_space<semaphore_mem>> -> memref<!tpu.dma_semaphore, #tpu.memory_space<semaphore_mem>>
        %dma_start3A_1681 = arith.constant 0 : i32
        %dma_start3A_1682 = tpu.memref_slice %arg5[%add3A_1677, %dma_start3A_1681] : memref<16384x4096xf32, #tpu.memory_space<hbm>> -> memref<1x4096xf32, #tpu.memory_space<hbm>>
        %dma_start3A_1683 = arith.constant 0 : i32
        %dma_start3A_1684 = tpu.memref_slice %arg9[%squeeze3A_1672, %dma_start3A_1683] : memref<128x4096xf32, #tpu.memory_space<vmem_shared>> -> memref<1x4096xf32, #tpu.memory_space<vmem_shared>>
        tpu.enqueue_dma source(%dma_start3A_1684 : memref<1x4096xf32, #tpu.memory_space<vmem_shared>>) target(%dma_start3A_1682 : memref<1x4096xf32, #tpu.memory_space<hbm>>) target_semaphore(%dma_start3A_1680 : memref<!tpu.dma_semaphore, #tpu.memory_space<semaphore_mem>>)
        %slice3A_1685 = vector.extract_strided_slice %get3A_1530 {offsets = [11], sizes = [1], strides = [1]} : vector<16xi32> to vector<1xi32>
        %squeeze3A_1686 = vector.extract %slice3A_1685[0] : i32 from vector<1xi32>
        %mul3A_1687 = arith.constant 16 : i32
        %mul3A_1688 = arith.muli %add3A_1524, %mul3A_1687 : i32
        %add3A_1689 = arith.addi %mul3A_2, %mul3A_1688 : i32
        %add3A_1690 = arith.constant 11 : i32
        %add3A_1691 = arith.addi %add3A_1689, %add3A_1690 : i32
        %dma_start3A_1692 = arith.constant 4 : i32
        %dma_start3A_1693 = tpu.memref_slice %arg10[%dma_start3A_1692] : memref<5x!tpu.dma_semaphore, #tpu.memory_space<semaphore_mem>> -> memref<1x!tpu.dma_semaphore, #tpu.memory_space<semaphore_mem>>
        %dma_start3A_1694 = tpu.memref_squeeze %dma_start3A_1693 : memref<1x!tpu.dma_semaphore, #tpu.memory_space<semaphore_mem>> -> memref<!tpu.dma_semaphore, #tpu.memory_space<semaphore_mem>>
        %dma_start3A_1695 = arith.constant 0 : i32
        %dma_start3A_1696 = tpu.memref_slice %arg5[%add3A_1691, %dma_start3A_1695] : memref<16384x4096xf32, #tpu.memory_space<hbm>> -> memref<1x4096xf32, #tpu.memory_space<hbm>>
        %dma_start3A_1697 = arith.constant 0 : i32
        %dma_start3A_1698 = tpu.memref_slice %arg9[%squeeze3A_1686, %dma_start3A_1697] : memref<128x4096xf32, #tpu.memory_space<vmem_shared>> -> memref<1x4096xf32, #tpu.memory_space<vmem_shared>>
        tpu.enqueue_dma source(%dma_start3A_1698 : memref<1x4096xf32, #tpu.memory_space<vmem_shared>>) target(%dma_start3A_1696 : memref<1x4096xf32, #tpu.memory_space<hbm>>) target_semaphore(%dma_start3A_1694 : memref<!tpu.dma_semaphore, #tpu.memory_space<semaphore_mem>>)
        %slice3A_1699 = vector.extract_strided_slice %get3A_1530 {offsets = [12], sizes = [1], strides = [1]} : vector<16xi32> to vector<1xi32>
        %squeeze3A_1700 = vector.extract %slice3A_1699[0] : i32 from vector<1xi32>
        %mul3A_1701 = arith.constant 16 : i32
        %mul3A_1702 = arith.muli %add3A_1524, %mul3A_1701 : i32
        %add3A_1703 = arith.addi %mul3A_2, %mul3A_1702 : i32
        %add3A_1704 = arith.constant 12 : i32
        %add3A_1705 = arith.addi %add3A_1703, %add3A_1704 : i32
        %dma_start3A_1706 = arith.constant 4 : i32
        %dma_start3A_1707 = tpu.memref_slice %arg10[%dma_start3A_1706] : memref<5x!tpu.dma_semaphore, #tpu.memory_space<semaphore_mem>> -> memref<1x!tpu.dma_semaphore, #tpu.memory_space<semaphore_mem>>
        %dma_start3A_1708 = tpu.memref_squeeze %dma_start3A_1707 : memref<1x!tpu.dma_semaphore, #tpu.memory_space<semaphore_mem>> -> memref<!tpu.dma_semaphore, #tpu.memory_space<semaphore_mem>>
        %dma_start3A_1709 = arith.constant 0 : i32
        %dma_start3A_1710 = tpu.memref_slice %arg5[%add3A_1705, %dma_start3A_1709] : memref<16384x4096xf32, #tpu.memory_space<hbm>> -> memref<1x4096xf32, #tpu.memory_space<hbm>>
        %dma_start3A_1711 = arith.constant 0 : i32
        %dma_start3A_1712 = tpu.memref_slice %arg9[%squeeze3A_1700, %dma_start3A_1711] : memref<128x4096xf32, #tpu.memory_space<vmem_shared>> -> memref<1x4096xf32, #tpu.memory_space<vmem_shared>>
        tpu.enqueue_dma source(%dma_start3A_1712 : memref<1x4096xf32, #tpu.memory_space<vmem_shared>>) target(%dma_start3A_1710 : memref<1x4096xf32, #tpu.memory_space<hbm>>) target_semaphore(%dma_start3A_1708 : memref<!tpu.dma_semaphore, #tpu.memory_space<semaphore_mem>>)
        %slice3A_1713 = vector.extract_strided_slice %get3A_1530 {offsets = [13], sizes = [1], strides = [1]} : vector<16xi32> to vector<1xi32>
        %squeeze3A_1714 = vector.extract %slice3A_1713[0] : i32 from vector<1xi32>
        %mul3A_1715 = arith.constant 16 : i32
        %mul3A_1716 = arith.muli %add3A_1524, %mul3A_1715 : i32
        %add3A_1717 = arith.addi %mul3A_2, %mul3A_1716 : i32
        %add3A_1718 = arith.constant 13 : i32
        %add3A_1719 = arith.addi %add3A_1717, %add3A_1718 : i32
        %dma_start3A_1720 = arith.constant 4 : i32
        %dma_start3A_1721 = tpu.memref_slice %arg10[%dma_start3A_1720] : memref<5x!tpu.dma_semaphore, #tpu.memory_space<semaphore_mem>> -> memref<1x!tpu.dma_semaphore, #tpu.memory_space<semaphore_mem>>
        %dma_start3A_1722 = tpu.memref_squeeze %dma_start3A_1721 : memref<1x!tpu.dma_semaphore, #tpu.memory_space<semaphore_mem>> -> memref<!tpu.dma_semaphore, #tpu.memory_space<semaphore_mem>>
        %dma_start3A_1723 = arith.constant 0 : i32
        %dma_start3A_1724 = tpu.memref_slice %arg5[%add3A_1719, %dma_start3A_1723] : memref<16384x4096xf32, #tpu.memory_space<hbm>> -> memref<1x4096xf32, #tpu.memory_space<hbm>>
        %dma_start3A_1725 = arith.constant 0 : i32
        %dma_start3A_1726 = tpu.memref_slice %arg9[%squeeze3A_1714, %dma_start3A_1725] : memref<128x4096xf32, #tpu.memory_space<vmem_shared>> -> memref<1x4096xf32, #tpu.memory_space<vmem_shared>>
        tpu.enqueue_dma source(%dma_start3A_1726 : memref<1x4096xf32, #tpu.memory_space<vmem_shared>>) target(%dma_start3A_1724 : memref<1x4096xf32, #tpu.memory_space<hbm>>) target_semaphore(%dma_start3A_1722 : memref<!tpu.dma_semaphore, #tpu.memory_space<semaphore_mem>>)
        %slice3A_1727 = vector.extract_strided_slice %get3A_1530 {offsets = [14], sizes = [1], strides = [1]} : vector<16xi32> to vector<1xi32>
        %squeeze3A_1728 = vector.extract %slice3A_1727[0] : i32 from vector<1xi32>
        %mul3A_1729 = arith.constant 16 : i32
        %mul3A_1730 = arith.muli %add3A_1524, %mul3A_1729 : i32
        %add3A_1731 = arith.addi %mul3A_2, %mul3A_1730 : i32
        %add3A_1732 = arith.constant 14 : i32
        %add3A_1733 = arith.addi %add3A_1731, %add3A_1732 : i32
        %dma_start3A_1734 = arith.constant 4 : i32
        %dma_start3A_1735 = tpu.memref_slice %arg10[%dma_start3A_1734] : memref<5x!tpu.dma_semaphore, #tpu.memory_space<semaphore_mem>> -> memref<1x!tpu.dma_semaphore, #tpu.memory_space<semaphore_mem>>
        %dma_start3A_1736 = tpu.memref_squeeze %dma_start3A_1735 : memref<1x!tpu.dma_semaphore, #tpu.memory_space<semaphore_mem>> -> memref<!tpu.dma_semaphore, #tpu.memory_space<semaphore_mem>>
        %dma_start3A_1737 = arith.constant 0 : i32
        %dma_start3A_1738 = tpu.memref_slice %arg5[%add3A_1733, %dma_start3A_1737] : memref<16384x4096xf32, #tpu.memory_space<hbm>> -> memref<1x4096xf32, #tpu.memory_space<hbm>>
        %dma_start3A_1739 = arith.constant 0 : i32
        %dma_start3A_1740 = tpu.memref_slice %arg9[%squeeze3A_1728, %dma_start3A_1739] : memref<128x4096xf32, #tpu.memory_space<vmem_shared>> -> memref<1x4096xf32, #tpu.memory_space<vmem_shared>>
        tpu.enqueue_dma source(%dma_start3A_1740 : memref<1x4096xf32, #tpu.memory_space<vmem_shared>>) target(%dma_start3A_1738 : memref<1x4096xf32, #tpu.memory_space<hbm>>) target_semaphore(%dma_start3A_1736 : memref<!tpu.dma_semaphore, #tpu.memory_space<semaphore_mem>>)
        %slice3A_1741 = vector.extract_strided_slice %get3A_1530 {offsets = [15], sizes = [1], strides = [1]} : vector<16xi32> to vector<1xi32>
        %squeeze3A_1742 = vector.extract %slice3A_1741[0] : i32 from vector<1xi32>
        %mul3A_1743 = arith.constant 16 : i32
        %mul3A_1744 = arith.muli %add3A_1524, %mul3A_1743 : i32
        %add3A_1745 = arith.addi %mul3A_2, %mul3A_1744 : i32
        %add3A_1746 = arith.constant 15 : i32
        %add3A_1747 = arith.addi %add3A_1745, %add3A_1746 : i32
        %dma_start3A_1748 = arith.constant 4 : i32
        %dma_start3A_1749 = tpu.memref_slice %arg10[%dma_start3A_1748] : memref<5x!tpu.dma_semaphore, #tpu.memory_space<semaphore_mem>> -> memref<1x!tpu.dma_semaphore, #tpu.memory_space<semaphore_mem>>
        %dma_start3A_1750 = tpu.memref_squeeze %dma_start3A_1749 : memref<1x!tpu.dma_semaphore, #tpu.memory_space<semaphore_mem>> -> memref<!tpu.dma_semaphore, #tpu.memory_space<semaphore_mem>>
        %dma_start3A_1751 = arith.constant 0 : i32
        %dma_start3A_1752 = tpu.memref_slice %arg5[%add3A_1747, %dma_start3A_1751] : memref<16384x4096xf32, #tpu.memory_space<hbm>> -> memref<1x4096xf32, #tpu.memory_space<hbm>>
        %dma_start3A_1753 = arith.constant 0 : i32
        %dma_start3A_1754 = tpu.memref_slice %arg9[%squeeze3A_1742, %dma_start3A_1753] : memref<128x4096xf32, #tpu.memory_space<vmem_shared>> -> memref<1x4096xf32, #tpu.memory_space<vmem_shared>>
        tpu.enqueue_dma source(%dma_start3A_1754 : memref<1x4096xf32, #tpu.memory_space<vmem_shared>>) target(%dma_start3A_1752 : memref<1x4096xf32, #tpu.memory_space<hbm>>) target_semaphore(%dma_start3A_1750 : memref<!tpu.dma_semaphore, #tpu.memory_space<semaphore_mem>>)
      } else {
      }
      %mul3A_1223 = arith.constant 6 : i32
      %mul3A_1224 = arith.muli %scan3A_1130, %mul3A_1223 : i32
      %add3A_1225 = arith.constant 0 : i32
      %add3A_1226 = arith.addi %mul3A_1224, %add3A_1225 : i32
      %dma_wait3A_1227 = arith.constant 0 : i32
      %dma_wait3A_1228 = arith.constant 0 : i32
      %dma_wait3A_1229 = arith.constant 0 : i32
      %dma_wait3A_1230 = arith.constant 0 : i32
      %dma_wait3A_1231 = tpu.memref_slice %arg8[%dma_wait3A_1227, %dma_wait3A_1229, %dma_wait3A_1230] : memref<2x8x4096xf32, #tpu.memory_space<vmem>> -> memref<1x8x4096xf32, #tpu.memory_space<vmem>>
      %dma_wait3A_1232 = tpu.memref_squeeze %dma_wait3A_1231 : memref<1x8x4096xf32, #tpu.memory_space<vmem>> -> memref<8x4096xf32, #tpu.memory_space<vmem>>
      %dma_wait3A_1233 = arith.constant 0 : i32
      %dma_wait3A_1234 = arith.constant 0 : i32
      %dma_wait3A_1235 = tpu.memref_slice %arg4[%dma_wait3A_1233, %dma_wait3A_1234] : memref<128x4096xf32, #tpu.memory_space<hbm>> -> memref<8x4096xf32, #tpu.memory_space<hbm>>
      %dma_wait3A_1236 = tpu.memref_slice %arg11[%dma_wait3A_1228] : memref<2x!tpu.dma_semaphore, #tpu.memory_space<semaphore_mem>> -> memref<1x!tpu.dma_semaphore, #tpu.memory_space<semaphore_mem>>
      %dma_wait3A_1237 = tpu.memref_squeeze %dma_wait3A_1236 : memref<1x!tpu.dma_semaphore, #tpu.memory_space<semaphore_mem>> -> memref<!tpu.dma_semaphore, #tpu.memory_space<semaphore_mem>>
      %dma_wait3A_1238 = arith.constant 0 : i32
      %dma_wait3A_1239 = arith.constant 0 : i32
      %dma_wait3A_1240 = tpu.memref_slice %arg8[%dma_wait3A_1227, %dma_wait3A_1238, %dma_wait3A_1239] : memref<2x8x4096xf32, #tpu.memory_space<vmem>> -> memref<1x8x4096xf32, #tpu.memory_space<vmem>>
      %dma_wait3A_1241 = tpu.memref_squeeze %dma_wait3A_1240 : memref<1x8x4096xf32, #tpu.memory_space<vmem>> -> memref<8x4096xf32, #tpu.memory_space<vmem>>
      %dma_wait3A_1242 = arith.constant 0 : i32
      %dma_wait3A_1243 = arith.constant 0 : i32
      %dma_wait3A_1244 = tpu.memref_slice %arg4[%dma_wait3A_1242, %dma_wait3A_1243] : memref<128x4096xf32, #tpu.memory_space<hbm>> -> memref<8x4096xf32, #tpu.memory_space<hbm>>
      tpu.wait_dma2 semaphore(%dma_wait3A_1237 : memref<!tpu.dma_semaphore, #tpu.memory_space<semaphore_mem>>) src(%dma_wait3A_1244 : memref<8x4096xf32, #tpu.memory_space<hbm>>) dst(%dma_wait3A_1241 : memref<8x4096xf32, #tpu.memory_space<vmem>>)
      %add3A_1245 = arith.constant 320 : i32
      %add3A_1246 = arith.addi %mul3A_2, %add3A_1245 : i32
      %mul3A_1247 = arith.constant 8 : i32
      %mul3A_1248 = arith.muli %add3A_1226, %mul3A_1247 : i32
      %add3A_1249 = arith.addi %add3A_1246, %mul3A_1248 : i32
      %dma_start3A_1250 = arith.constant 0 : i32
      %dma_start3A_1251 = arith.constant 0 : i32
      %dma_start3A_1252 = arith.constant 0 : i32
      %dma_start3A_1253 = arith.constant 0 : i32
      %dma_start3A_1254 = tpu.memref_slice %arg8[%dma_start3A_1250, %dma_start3A_1252, %dma_start3A_1253] : memref<2x8x4096xf32, #tpu.memory_space<vmem>> -> memref<1x8x4096xf32, #tpu.memory_space<vmem>>
      %dma_start3A_1255 = tpu.memref_squeeze %dma_start3A_1254 : memref<1x8x4096xf32, #tpu.memory_space<vmem>> -> memref<8x4096xf32, #tpu.memory_space<vmem>>
      %dma_start3A_1256 = arith.constant 0 : i32
      %dma_start3A_1257 = tpu.memref_slice %arg5[%add3A_1249, %dma_start3A_1256] : memref<16384x4096xf32, #tpu.memory_space<hbm>> -> memref<8x4096xf32, #tpu.memory_space<hbm>>
      %dma_start3A_1258 = tpu.memref_slice %arg12[%dma_start3A_1251] : memref<2x!tpu.dma_semaphore, #tpu.memory_space<semaphore_mem>> -> memref<1x!tpu.dma_semaphore, #tpu.memory_space<semaphore_mem>>
      %dma_start3A_1259 = tpu.memref_squeeze %dma_start3A_1258 : memref<1x!tpu.dma_semaphore, #tpu.memory_space<semaphore_mem>> -> memref<!tpu.dma_semaphore, #tpu.memory_space<semaphore_mem>>
      %dma_start3A_1260 = arith.constant 0 : i32
      %dma_start3A_1261 = tpu.memref_slice %arg5[%add3A_1249, %dma_start3A_1260] : memref<16384x4096xf32, #tpu.memory_space<hbm>> -> memref<8x4096xf32, #tpu.memory_space<hbm>>
      %dma_start3A_1262 = arith.constant 0 : i32
      %dma_start3A_1263 = arith.constant 0 : i32
      %dma_start3A_1264 = tpu.memref_slice %arg8[%dma_start3A_1250, %dma_start3A_1262, %dma_start3A_1263] : memref<2x8x4096xf32, #tpu.memory_space<vmem>> -> memref<1x8x4096xf32, #tpu.memory_space<vmem>>
      %dma_start3A_1265 = tpu.memref_squeeze %dma_start3A_1264 : memref<1x8x4096xf32, #tpu.memory_space<vmem>> -> memref<8x4096xf32, #tpu.memory_space<vmem>>
      tpu.enqueue_dma source(%dma_start3A_1265 : memref<8x4096xf32, #tpu.memory_space<vmem>>) target(%dma_start3A_1261 : memref<8x4096xf32, #tpu.memory_space<hbm>>) target_semaphore(%dma_start3A_1259 : memref<!tpu.dma_semaphore, #tpu.memory_space<semaphore_mem>>)
      %add3A_1266 = arith.constant 2 : i32
      %add3A_1267 = arith.addi %add3A_1226, %add3A_1266 : i32
      %lt3A_1268 = arith.constant 24 : i32
      %lt3A_1269 = arith.cmpi slt, %add3A_1267, %lt3A_1268 : i32
      %convert_element_type3A_1270 = arith.extui %lt3A_1269 : i1 to i32
      %cond3A_1271 = arith.constant 0 : i32
      %cond3A_1272 = arith.cmpi ne, %convert_element_type3A_1270, %cond3A_1271 : i32
      scf.if %cond3A_1272 {
        %dma_wait3A_1523 = arith.constant 0 : i32
        %dma_wait3A_1524 = arith.constant 0 : i32
        %dma_wait3A_1525 = arith.constant 0 : i32
        %dma_wait3A_1526 = arith.constant 0 : i32
        %dma_wait3A_1527 = tpu.memref_slice %arg8[%dma_wait3A_1523, %dma_wait3A_1525, %dma_wait3A_1526] : memref<2x8x4096xf32, #tpu.memory_space<vmem>> -> memref<1x8x4096xf32, #tpu.memory_space<vmem>>
        %dma_wait3A_1528 = tpu.memref_squeeze %dma_wait3A_1527 : memref<1x8x4096xf32, #tpu.memory_space<vmem>> -> memref<8x4096xf32, #tpu.memory_space<vmem>>
        %dma_wait3A_1529 = arith.constant 0 : i32
        %dma_wait3A_1530 = tpu.memref_slice %arg5[%mul3A_2, %dma_wait3A_1529] : memref<16384x4096xf32, #tpu.memory_space<hbm>> -> memref<8x4096xf32, #tpu.memory_space<hbm>>
        %dma_wait3A_1531 = tpu.memref_slice %arg12[%dma_wait3A_1524] : memref<2x!tpu.dma_semaphore, #tpu.memory_space<semaphore_mem>> -> memref<1x!tpu.dma_semaphore, #tpu.memory_space<semaphore_mem>>
        %dma_wait3A_1532 = tpu.memref_squeeze %dma_wait3A_1531 : memref<1x!tpu.dma_semaphore, #tpu.memory_space<semaphore_mem>> -> memref<!tpu.dma_semaphore, #tpu.memory_space<semaphore_mem>>
        %dma_wait3A_1533 = arith.constant 0 : i32
        %dma_wait3A_1534 = tpu.memref_slice %arg5[%mul3A_2, %dma_wait3A_1533] : memref<16384x4096xf32, #tpu.memory_space<hbm>> -> memref<8x4096xf32, #tpu.memory_space<hbm>>
        %dma_wait3A_1535 = arith.constant 0 : i32
        %dma_wait3A_1536 = arith.constant 0 : i32
        %dma_wait3A_1537 = tpu.memref_slice %arg8[%dma_wait3A_1523, %dma_wait3A_1535, %dma_wait3A_1536] : memref<2x8x4096xf32, #tpu.memory_space<vmem>> -> memref<1x8x4096xf32, #tpu.memory_space<vmem>>
        %dma_wait3A_1538 = tpu.memref_squeeze %dma_wait3A_1537 : memref<1x8x4096xf32, #tpu.memory_space<vmem>> -> memref<8x4096xf32, #tpu.memory_space<vmem>>
        tpu.wait_dma2 semaphore(%dma_wait3A_1532 : memref<!tpu.dma_semaphore, #tpu.memory_space<semaphore_mem>>) src(%dma_wait3A_1538 : memref<8x4096xf32, #tpu.memory_space<vmem>>) dst(%dma_wait3A_1534 : memref<8x4096xf32, #tpu.memory_space<hbm>>)
        %add3A_1539 = arith.constant 2 : i32
        %add3A_1540 = arith.addi %add3A_1226, %add3A_1539 : i32
        %mul3A_1541 = arith.constant 8 : i32
        %mul3A_1542 = arith.muli %add3A_1540, %mul3A_1541 : i32
        %dma_start3A_1543 = arith.constant 0 : i32
        %dma_start3A_1544 = arith.constant 0 : i32
        %dma_start3A_1545 = arith.constant 0 : i32
        %dma_start3A_1546 = arith.constant 0 : i32
        %dma_start3A_1547 = tpu.memref_slice %arg8[%dma_start3A_1543, %dma_start3A_1545, %dma_start3A_1546] : memref<2x8x4096xf32, #tpu.memory_space<vmem>> -> memref<1x8x4096xf32, #tpu.memory_space<vmem>>
        %dma_start3A_1548 = tpu.memref_squeeze %dma_start3A_1547 : memref<1x8x4096xf32, #tpu.memory_space<vmem>> -> memref<8x4096xf32, #tpu.memory_space<vmem>>
        %dma_start3A_1549 = tpu.memref_slice %arg7[%mul3A_1542] : memref<192xi32, #tpu.memory_space<vmem>> -> memref<8xi32, #tpu.memory_space<vmem>>
        %dma_start3A_1550 = arith.constant 0 : i32
        %dma_start3A_1551 = arith.constant 0 : i32
        %dma_start3A_1552 = tpu.memref_slice %arg4[%dma_start3A_1550, %dma_start3A_1551] : memref<128x4096xf32, #tpu.memory_space<hbm>> -> memref<128x4096xf32, #tpu.memory_space<hbm>>
        %dma_start3A_1553 = tpu.memref_slice %arg11[%dma_start3A_1544] : memref<2x!tpu.dma_semaphore, #tpu.memory_space<semaphore_mem>> -> memref<1x!tpu.dma_semaphore, #tpu.memory_space<semaphore_mem>>
        %dma_start3A_1554 = tpu.memref_squeeze %dma_start3A_1553 : memref<1x!tpu.dma_semaphore, #tpu.memory_space<semaphore_mem>> -> memref<!tpu.dma_semaphore, #tpu.memory_space<semaphore_mem>>
        tpu.enqueue_indirect_dma source(%dma_start3A_1552 : memref<128x4096xf32, #tpu.memory_space<hbm>>) target(%dma_start3A_1548 : memref<8x4096xf32, #tpu.memory_space<vmem>>) offsets(%dma_start3A_1549 : memref<8xi32, #tpu.memory_space<vmem>>) semaphore(%dma_start3A_1554 : memref<!tpu.dma_semaphore, #tpu.memory_space<semaphore_mem>>)
      } else {
      }
      %mul3A_1273 = arith.constant 6 : i32
      %mul3A_1274 = arith.muli %scan3A_1130, %mul3A_1273 : i32
      %add3A_1275 = arith.constant 1 : i32
      %add3A_1276 = arith.addi %mul3A_1274, %add3A_1275 : i32
      %dma_wait3A_1277 = arith.constant 1 : i32
      %dma_wait3A_1278 = arith.constant 1 : i32
      %dma_wait3A_1279 = arith.constant 0 : i32
      %dma_wait3A_1280 = arith.constant 0 : i32
      %dma_wait3A_1281 = tpu.memref_slice %arg8[%dma_wait3A_1277, %dma_wait3A_1279, %dma_wait3A_1280] : memref<2x8x4096xf32, #tpu.memory_space<vmem>> -> memref<1x8x4096xf32, #tpu.memory_space<vmem>>
      %dma_wait3A_1282 = tpu.memref_squeeze %dma_wait3A_1281 : memref<1x8x4096xf32, #tpu.memory_space<vmem>> -> memref<8x4096xf32, #tpu.memory_space<vmem>>
      %dma_wait3A_1283 = arith.constant 0 : i32
      %dma_wait3A_1284 = arith.constant 0 : i32
      %dma_wait3A_1285 = tpu.memref_slice %arg4[%dma_wait3A_1283, %dma_wait3A_1284] : memref<128x4096xf32, #tpu.memory_space<hbm>> -> memref<8x4096xf32, #tpu.memory_space<hbm>>
      %dma_wait3A_1286 = tpu.memref_slice %arg11[%dma_wait3A_1278] : memref<2x!tpu.dma_semaphore, #tpu.memory_space<semaphore_mem>> -> memref<1x!tpu.dma_semaphore, #tpu.memory_space<semaphore_mem>>
      %dma_wait3A_1287 = tpu.memref_squeeze %dma_wait3A_1286 : memref<1x!tpu.dma_semaphore, #tpu.memory_space<semaphore_mem>> -> memref<!tpu.dma_semaphore, #tpu.memory_space<semaphore_mem>>
      %dma_wait3A_1288 = arith.constant 0 : i32
      %dma_wait3A_1289 = arith.constant 0 : i32
      %dma_wait3A_1290 = tpu.memref_slice %arg8[%dma_wait3A_1277, %dma_wait3A_1288, %dma_wait3A_1289] : memref<2x8x4096xf32, #tpu.memory_space<vmem>> -> memref<1x8x4096xf32, #tpu.memory_space<vmem>>
      %dma_wait3A_1291 = tpu.memref_squeeze %dma_wait3A_1290 : memref<1x8x4096xf32, #tpu.memory_space<vmem>> -> memref<8x4096xf32, #tpu.memory_space<vmem>>
      %dma_wait3A_1292 = arith.constant 0 : i32
      %dma_wait3A_1293 = arith.constant 0 : i32
      %dma_wait3A_1294 = tpu.memref_slice %arg4[%dma_wait3A_1292, %dma_wait3A_1293] : memref<128x4096xf32, #tpu.memory_space<hbm>> -> memref<8x4096xf32, #tpu.memory_space<hbm>>
      tpu.wait_dma2 semaphore(%dma_wait3A_1287 : memref<!tpu.dma_semaphore, #tpu.memory_space<semaphore_mem>>) src(%dma_wait3A_1294 : memref<8x4096xf32, #tpu.memory_space<hbm>>) dst(%dma_wait3A_1291 : memref<8x4096xf32, #tpu.memory_space<vmem>>)
      %add3A_1295 = arith.constant 320 : i32
      %add3A_1296 = arith.addi %mul3A_2, %add3A_1295 : i32
      %mul3A_1297 = arith.constant 8 : i32
      %mul3A_1298 = arith.muli %add3A_1276, %mul3A_1297 : i32
      %add3A_1299 = arith.addi %add3A_1296, %mul3A_1298 : i32
      %dma_start3A_1300 = arith.constant 1 : i32
      %dma_start3A_1301 = arith.constant 1 : i32
      %dma_start3A_1302 = arith.constant 0 : i32
      %dma_start3A_1303 = arith.constant 0 : i32
      %dma_start3A_1304 = tpu.memref_slice %arg8[%dma_start3A_1300, %dma_start3A_1302, %dma_start3A_1303] : memref<2x8x4096xf32, #tpu.memory_space<vmem>> -> memref<1x8x4096xf32, #tpu.memory_space<vmem>>
      %dma_start3A_1305 = tpu.memref_squeeze %dma_start3A_1304 : memref<1x8x4096xf32, #tpu.memory_space<vmem>> -> memref<8x4096xf32, #tpu.memory_space<vmem>>
      %dma_start3A_1306 = arith.constant 0 : i32
      %dma_start3A_1307 = tpu.memref_slice %arg5[%add3A_1299, %dma_start3A_1306] : memref<16384x4096xf32, #tpu.memory_space<hbm>> -> memref<8x4096xf32, #tpu.memory_space<hbm>>
      %dma_start3A_1308 = tpu.memref_slice %arg12[%dma_start3A_1301] : memref<2x!tpu.dma_semaphore, #tpu.memory_space<semaphore_mem>> -> memref<1x!tpu.dma_semaphore, #tpu.memory_space<semaphore_mem>>
      %dma_start3A_1309 = tpu.memref_squeeze %dma_start3A_1308 : memref<1x!tpu.dma_semaphore, #tpu.memory_space<semaphore_mem>> -> memref<!tpu.dma_semaphore, #tpu.memory_space<semaphore_mem>>
      %dma_start3A_1310 = arith.constant 0 : i32
      %dma_start3A_1311 = tpu.memref_slice %arg5[%add3A_1299, %dma_start3A_1310] : memref<16384x4096xf32, #tpu.memory_space<hbm>> -> memref<8x4096xf32, #tpu.memory_space<hbm>>
      %dma_start3A_1312 = arith.constant 0 : i32
      %dma_start3A_1313 = arith.constant 0 : i32
      %dma_start3A_1314 = tpu.memref_slice %arg8[%dma_start3A_1300, %dma_start3A_1312, %dma_start3A_1313] : memref<2x8x4096xf32, #tpu.memory_space<vmem>> -> memref<1x8x4096xf32, #tpu.memory_space<vmem>>
      %dma_start3A_1315 = tpu.memref_squeeze %dma_start3A_1314 : memref<1x8x4096xf32, #tpu.memory_space<vmem>> -> memref<8x4096xf32, #tpu.memory_space<vmem>>
      tpu.enqueue_dma source(%dma_start3A_1315 : memref<8x4096xf32, #tpu.memory_space<vmem>>) target(%dma_start3A_1311 : memref<8x4096xf32, #tpu.memory_space<hbm>>) target_semaphore(%dma_start3A_1309 : memref<!tpu.dma_semaphore, #tpu.memory_space<semaphore_mem>>)
      %add3A_1316 = arith.constant 2 : i32
      %add3A_1317 = arith.addi %add3A_1276, %add3A_1316 : i32
      %lt3A_1318 = arith.constant 24 : i32
      %lt3A_1319 = arith.cmpi slt, %add3A_1317, %lt3A_1318 : i32
      %convert_element_type3A_1320 = arith.extui %lt3A_1319 : i1 to i32
      %cond3A_1321 = arith.constant 0 : i32
      %cond3A_1322 = arith.cmpi ne, %convert_element_type3A_1320, %cond3A_1321 : i32
      scf.if %cond3A_1322 {
        %dma_wait3A_1523 = arith.constant 1 : i32
        %dma_wait3A_1524 = arith.constant 1 : i32
        %dma_wait3A_1525 = arith.constant 0 : i32
        %dma_wait3A_1526 = arith.constant 0 : i32
        %dma_wait3A_1527 = tpu.memref_slice %arg8[%dma_wait3A_1523, %dma_wait3A_1525, %dma_wait3A_1526] : memref<2x8x4096xf32, #tpu.memory_space<vmem>> -> memref<1x8x4096xf32, #tpu.memory_space<vmem>>
        %dma_wait3A_1528 = tpu.memref_squeeze %dma_wait3A_1527 : memref<1x8x4096xf32, #tpu.memory_space<vmem>> -> memref<8x4096xf32, #tpu.memory_space<vmem>>
        %dma_wait3A_1529 = arith.constant 0 : i32
        %dma_wait3A_1530 = tpu.memref_slice %arg5[%mul3A_2, %dma_wait3A_1529] : memref<16384x4096xf32, #tpu.memory_space<hbm>> -> memref<8x4096xf32, #tpu.memory_space<hbm>>
        %dma_wait3A_1531 = tpu.memref_slice %arg12[%dma_wait3A_1524] : memref<2x!tpu.dma_semaphore, #tpu.memory_space<semaphore_mem>> -> memref<1x!tpu.dma_semaphore, #tpu.memory_space<semaphore_mem>>
        %dma_wait3A_1532 = tpu.memref_squeeze %dma_wait3A_1531 : memref<1x!tpu.dma_semaphore, #tpu.memory_space<semaphore_mem>> -> memref<!tpu.dma_semaphore, #tpu.memory_space<semaphore_mem>>
        %dma_wait3A_1533 = arith.constant 0 : i32
        %dma_wait3A_1534 = tpu.memref_slice %arg5[%mul3A_2, %dma_wait3A_1533] : memref<16384x4096xf32, #tpu.memory_space<hbm>> -> memref<8x4096xf32, #tpu.memory_space<hbm>>
        %dma_wait3A_1535 = arith.constant 0 : i32
        %dma_wait3A_1536 = arith.constant 0 : i32
        %dma_wait3A_1537 = tpu.memref_slice %arg8[%dma_wait3A_1523, %dma_wait3A_1535, %dma_wait3A_1536] : memref<2x8x4096xf32, #tpu.memory_space<vmem>> -> memref<1x8x4096xf32, #tpu.memory_space<vmem>>
        %dma_wait3A_1538 = tpu.memref_squeeze %dma_wait3A_1537 : memref<1x8x4096xf32, #tpu.memory_space<vmem>> -> memref<8x4096xf32, #tpu.memory_space<vmem>>
        tpu.wait_dma2 semaphore(%dma_wait3A_1532 : memref<!tpu.dma_semaphore, #tpu.memory_space<semaphore_mem>>) src(%dma_wait3A_1538 : memref<8x4096xf32, #tpu.memory_space<vmem>>) dst(%dma_wait3A_1534 : memref<8x4096xf32, #tpu.memory_space<hbm>>)
        %add3A_1539 = arith.constant 2 : i32
        %add3A_1540 = arith.addi %add3A_1276, %add3A_1539 : i32
        %mul3A_1541 = arith.constant 8 : i32
        %mul3A_1542 = arith.muli %add3A_1540, %mul3A_1541 : i32
        %dma_start3A_1543 = arith.constant 1 : i32
        %dma_start3A_1544 = arith.constant 1 : i32
        %dma_start3A_1545 = arith.constant 0 : i32
        %dma_start3A_1546 = arith.constant 0 : i32
        %dma_start3A_1547 = tpu.memref_slice %arg8[%dma_start3A_1543, %dma_start3A_1545, %dma_start3A_1546] : memref<2x8x4096xf32, #tpu.memory_space<vmem>> -> memref<1x8x4096xf32, #tpu.memory_space<vmem>>
        %dma_start3A_1548 = tpu.memref_squeeze %dma_start3A_1547 : memref<1x8x4096xf32, #tpu.memory_space<vmem>> -> memref<8x4096xf32, #tpu.memory_space<vmem>>
        %dma_start3A_1549 = tpu.memref_slice %arg7[%mul3A_1542] : memref<192xi32, #tpu.memory_space<vmem>> -> memref<8xi32, #tpu.memory_space<vmem>>
        %dma_start3A_1550 = arith.constant 0 : i32
        %dma_start3A_1551 = arith.constant 0 : i32
        %dma_start3A_1552 = tpu.memref_slice %arg4[%dma_start3A_1550, %dma_start3A_1551] : memref<128x4096xf32, #tpu.memory_space<hbm>> -> memref<128x4096xf32, #tpu.memory_space<hbm>>
        %dma_start3A_1553 = tpu.memref_slice %arg11[%dma_start3A_1544] : memref<2x!tpu.dma_semaphore, #tpu.memory_space<semaphore_mem>> -> memref<1x!tpu.dma_semaphore, #tpu.memory_space<semaphore_mem>>
        %dma_start3A_1554 = tpu.memref_squeeze %dma_start3A_1553 : memref<1x!tpu.dma_semaphore, #tpu.memory_space<semaphore_mem>> -> memref<!tpu.dma_semaphore, #tpu.memory_space<semaphore_mem>>
        tpu.enqueue_indirect_dma source(%dma_start3A_1552 : memref<128x4096xf32, #tpu.memory_space<hbm>>) target(%dma_start3A_1548 : memref<8x4096xf32, #tpu.memory_space<vmem>>) offsets(%dma_start3A_1549 : memref<8xi32, #tpu.memory_space<vmem>>) semaphore(%dma_start3A_1554 : memref<!tpu.dma_semaphore, #tpu.memory_space<semaphore_mem>>)
      } else {
      }
      %mul3A_1323 = arith.constant 6 : i32
      %mul3A_1324 = arith.muli %scan3A_1130, %mul3A_1323 : i32
      %add3A_1325 = arith.constant 2 : i32
      %add3A_1326 = arith.addi %mul3A_1324, %add3A_1325 : i32
      %dma_wait3A_1327 = arith.constant 0 : i32
      %dma_wait3A_1328 = arith.constant 0 : i32
      %dma_wait3A_1329 = arith.constant 0 : i32
      %dma_wait3A_1330 = arith.constant 0 : i32
      %dma_wait3A_1331 = tpu.memref_slice %arg8[%dma_wait3A_1327, %dma_wait3A_1329, %dma_wait3A_1330] : memref<2x8x4096xf32, #tpu.memory_space<vmem>> -> memref<1x8x4096xf32, #tpu.memory_space<vmem>>
      %dma_wait3A_1332 = tpu.memref_squeeze %dma_wait3A_1331 : memref<1x8x4096xf32, #tpu.memory_space<vmem>> -> memref<8x4096xf32, #tpu.memory_space<vmem>>
      %dma_wait3A_1333 = arith.constant 0 : i32
      %dma_wait3A_1334 = arith.constant 0 : i32
      %dma_wait3A_1335 = tpu.memref_slice %arg4[%dma_wait3A_1333, %dma_wait3A_1334] : memref<128x4096xf32, #tpu.memory_space<hbm>> -> memref<8x4096xf32, #tpu.memory_space<hbm>>
      %dma_wait3A_1336 = tpu.memref_slice %arg11[%dma_wait3A_1328] : memref<2x!tpu.dma_semaphore, #tpu.memory_space<semaphore_mem>> -> memref<1x!tpu.dma_semaphore, #tpu.memory_space<semaphore_mem>>
      %dma_wait3A_1337 = tpu.memref_squeeze %dma_wait3A_1336 : memref<1x!tpu.dma_semaphore, #tpu.memory_space<semaphore_mem>> -> memref<!tpu.dma_semaphore, #tpu.memory_space<semaphore_mem>>
      %dma_wait3A_1338 = arith.constant 0 : i32
      %dma_wait3A_1339 = arith.constant 0 : i32
      %dma_wait3A_1340 = tpu.memref_slice %arg8[%dma_wait3A_1327, %dma_wait3A_1338, %dma_wait3A_1339] : memref<2x8x4096xf32, #tpu.memory_space<vmem>> -> memref<1x8x4096xf32, #tpu.memory_space<vmem>>
      %dma_wait3A_1341 = tpu.memref_squeeze %dma_wait3A_1340 : memref<1x8x4096xf32, #tpu.memory_space<vmem>> -> memref<8x4096xf32, #tpu.memory_space<vmem>>
      %dma_wait3A_1342 = arith.constant 0 : i32
      %dma_wait3A_1343 = arith.constant 0 : i32
      %dma_wait3A_1344 = tpu.memref_slice %arg4[%dma_wait3A_1342, %dma_wait3A_1343] : memref<128x4096xf32, #tpu.memory_space<hbm>> -> memref<8x4096xf32, #tpu.memory_space<hbm>>
      tpu.wait_dma2 semaphore(%dma_wait3A_1337 : memref<!tpu.dma_semaphore, #tpu.memory_space<semaphore_mem>>) src(%dma_wait3A_1344 : memref<8x4096xf32, #tpu.memory_space<hbm>>) dst(%dma_wait3A_1341 : memref<8x4096xf32, #tpu.memory_space<vmem>>)
      %add3A_1345 = arith.constant 320 : i32
      %add3A_1346 = arith.addi %mul3A_2, %add3A_1345 : i32
      %mul3A_1347 = arith.constant 8 : i32
      %mul3A_1348 = arith.muli %add3A_1326, %mul3A_1347 : i32
      %add3A_1349 = arith.addi %add3A_1346, %mul3A_1348 : i32
      %dma_start3A_1350 = arith.constant 0 : i32
      %dma_start3A_1351 = arith.constant 0 : i32
      %dma_start3A_1352 = arith.constant 0 : i32
      %dma_start3A_1353 = arith.constant 0 : i32
      %dma_start3A_1354 = tpu.memref_slice %arg8[%dma_start3A_1350, %dma_start3A_1352, %dma_start3A_1353] : memref<2x8x4096xf32, #tpu.memory_space<vmem>> -> memref<1x8x4096xf32, #tpu.memory_space<vmem>>
      %dma_start3A_1355 = tpu.memref_squeeze %dma_start3A_1354 : memref<1x8x4096xf32, #tpu.memory_space<vmem>> -> memref<8x4096xf32, #tpu.memory_space<vmem>>
      %dma_start3A_1356 = arith.constant 0 : i32
      %dma_start3A_1357 = tpu.memref_slice %arg5[%add3A_1349, %dma_start3A_1356] : memref<16384x4096xf32, #tpu.memory_space<hbm>> -> memref<8x4096xf32, #tpu.memory_space<hbm>>
      %dma_start3A_1358 = tpu.memref_slice %arg12[%dma_start3A_1351] : memref<2x!tpu.dma_semaphore, #tpu.memory_space<semaphore_mem>> -> memref<1x!tpu.dma_semaphore, #tpu.memory_space<semaphore_mem>>
      %dma_start3A_1359 = tpu.memref_squeeze %dma_start3A_1358 : memref<1x!tpu.dma_semaphore, #tpu.memory_space<semaphore_mem>> -> memref<!tpu.dma_semaphore, #tpu.memory_space<semaphore_mem>>
      %dma_start3A_1360 = arith.constant 0 : i32
      %dma_start3A_1361 = tpu.memref_slice %arg5[%add3A_1349, %dma_start3A_1360] : memref<16384x4096xf32, #tpu.memory_space<hbm>> -> memref<8x4096xf32, #tpu.memory_space<hbm>>
      %dma_start3A_1362 = arith.constant 0 : i32
      %dma_start3A_1363 = arith.constant 0 : i32
      %dma_start3A_1364 = tpu.memref_slice %arg8[%dma_start3A_1350, %dma_start3A_1362, %dma_start3A_1363] : memref<2x8x4096xf32, #tpu.memory_space<vmem>> -> memref<1x8x4096xf32, #tpu.memory_space<vmem>>
      %dma_start3A_1365 = tpu.memref_squeeze %dma_start3A_1364 : memref<1x8x4096xf32, #tpu.memory_space<vmem>> -> memref<8x4096xf32, #tpu.memory_space<vmem>>
      tpu.enqueue_dma source(%dma_start3A_1365 : memref<8x4096xf32, #tpu.memory_space<vmem>>) target(%dma_start3A_1361 : memref<8x4096xf32, #tpu.memory_space<hbm>>) target_semaphore(%dma_start3A_1359 : memref<!tpu.dma_semaphore, #tpu.memory_space<semaphore_mem>>)
      %add3A_1366 = arith.constant 2 : i32
      %add3A_1367 = arith.addi %add3A_1326, %add3A_1366 : i32
      %lt3A_1368 = arith.constant 24 : i32
      %lt3A_1369 = arith.cmpi slt, %add3A_1367, %lt3A_1368 : i32
      %convert_element_type3A_1370 = arith.extui %lt3A_1369 : i1 to i32
      %cond3A_1371 = arith.constant 0 : i32
      %cond3A_1372 = arith.cmpi ne, %convert_element_type3A_1370, %cond3A_1371 : i32
      scf.if %cond3A_1372 {
        %dma_wait3A_1523 = arith.constant 0 : i32
        %dma_wait3A_1524 = arith.constant 0 : i32
        %dma_wait3A_1525 = arith.constant 0 : i32
        %dma_wait3A_1526 = arith.constant 0 : i32
        %dma_wait3A_1527 = tpu.memref_slice %arg8[%dma_wait3A_1523, %dma_wait3A_1525, %dma_wait3A_1526] : memref<2x8x4096xf32, #tpu.memory_space<vmem>> -> memref<1x8x4096xf32, #tpu.memory_space<vmem>>
        %dma_wait3A_1528 = tpu.memref_squeeze %dma_wait3A_1527 : memref<1x8x4096xf32, #tpu.memory_space<vmem>> -> memref<8x4096xf32, #tpu.memory_space<vmem>>
        %dma_wait3A_1529 = arith.constant 0 : i32
        %dma_wait3A_1530 = tpu.memref_slice %arg5[%mul3A_2, %dma_wait3A_1529] : memref<16384x4096xf32, #tpu.memory_space<hbm>> -> memref<8x4096xf32, #tpu.memory_space<hbm>>
        %dma_wait3A_1531 = tpu.memref_slice %arg12[%dma_wait3A_1524] : memref<2x!tpu.dma_semaphore, #tpu.memory_space<semaphore_mem>> -> memref<1x!tpu.dma_semaphore, #tpu.memory_space<semaphore_mem>>
        %dma_wait3A_1532 = tpu.memref_squeeze %dma_wait3A_1531 : memref<1x!tpu.dma_semaphore, #tpu.memory_space<semaphore_mem>> -> memref<!tpu.dma_semaphore, #tpu.memory_space<semaphore_mem>>
        %dma_wait3A_1533 = arith.constant 0 : i32
        %dma_wait3A_1534 = tpu.memref_slice %arg5[%mul3A_2, %dma_wait3A_1533] : memref<16384x4096xf32, #tpu.memory_space<hbm>> -> memref<8x4096xf32, #tpu.memory_space<hbm>>
        %dma_wait3A_1535 = arith.constant 0 : i32
        %dma_wait3A_1536 = arith.constant 0 : i32
        %dma_wait3A_1537 = tpu.memref_slice %arg8[%dma_wait3A_1523, %dma_wait3A_1535, %dma_wait3A_1536] : memref<2x8x4096xf32, #tpu.memory_space<vmem>> -> memref<1x8x4096xf32, #tpu.memory_space<vmem>>
        %dma_wait3A_1538 = tpu.memref_squeeze %dma_wait3A_1537 : memref<1x8x4096xf32, #tpu.memory_space<vmem>> -> memref<8x4096xf32, #tpu.memory_space<vmem>>
        tpu.wait_dma2 semaphore(%dma_wait3A_1532 : memref<!tpu.dma_semaphore, #tpu.memory_space<semaphore_mem>>) src(%dma_wait3A_1538 : memref<8x4096xf32, #tpu.memory_space<vmem>>) dst(%dma_wait3A_1534 : memref<8x4096xf32, #tpu.memory_space<hbm>>)
        %add3A_1539 = arith.constant 2 : i32
        %add3A_1540 = arith.addi %add3A_1326, %add3A_1539 : i32
        %mul3A_1541 = arith.constant 8 : i32
        %mul3A_1542 = arith.muli %add3A_1540, %mul3A_1541 : i32
        %dma_start3A_1543 = arith.constant 0 : i32
        %dma_start3A_1544 = arith.constant 0 : i32
        %dma_start3A_1545 = arith.constant 0 : i32
        %dma_start3A_1546 = arith.constant 0 : i32
        %dma_start3A_1547 = tpu.memref_slice %arg8[%dma_start3A_1543, %dma_start3A_1545, %dma_start3A_1546] : memref<2x8x4096xf32, #tpu.memory_space<vmem>> -> memref<1x8x4096xf32, #tpu.memory_space<vmem>>
        %dma_start3A_1548 = tpu.memref_squeeze %dma_start3A_1547 : memref<1x8x4096xf32, #tpu.memory_space<vmem>> -> memref<8x4096xf32, #tpu.memory_space<vmem>>
        %dma_start3A_1549 = tpu.memref_slice %arg7[%mul3A_1542] : memref<192xi32, #tpu.memory_space<vmem>> -> memref<8xi32, #tpu.memory_space<vmem>>
        %dma_start3A_1550 = arith.constant 0 : i32
        %dma_start3A_1551 = arith.constant 0 : i32
        %dma_start3A_1552 = tpu.memref_slice %arg4[%dma_start3A_1550, %dma_start3A_1551] : memref<128x4096xf32, #tpu.memory_space<hbm>> -> memref<128x4096xf32, #tpu.memory_space<hbm>>
        %dma_start3A_1553 = tpu.memref_slice %arg11[%dma_start3A_1544] : memref<2x!tpu.dma_semaphore, #tpu.memory_space<semaphore_mem>> -> memref<1x!tpu.dma_semaphore, #tpu.memory_space<semaphore_mem>>
        %dma_start3A_1554 = tpu.memref_squeeze %dma_start3A_1553 : memref<1x!tpu.dma_semaphore, #tpu.memory_space<semaphore_mem>> -> memref<!tpu.dma_semaphore, #tpu.memory_space<semaphore_mem>>
        tpu.enqueue_indirect_dma source(%dma_start3A_1552 : memref<128x4096xf32, #tpu.memory_space<hbm>>) target(%dma_start3A_1548 : memref<8x4096xf32, #tpu.memory_space<vmem>>) offsets(%dma_start3A_1549 : memref<8xi32, #tpu.memory_space<vmem>>) semaphore(%dma_start3A_1554 : memref<!tpu.dma_semaphore, #tpu.memory_space<semaphore_mem>>)
      } else {
      }
      %mul3A_1373 = arith.constant 6 : i32
      %mul3A_1374 = arith.muli %scan3A_1130, %mul3A_1373 : i32
      %add3A_1375 = arith.constant 3 : i32
      %add3A_1376 = arith.addi %mul3A_1374, %add3A_1375 : i32
      %dma_wait3A_1377 = arith.constant 1 : i32
      %dma_wait3A_1378 = arith.constant 1 : i32
      %dma_wait3A_1379 = arith.constant 0 : i32
      %dma_wait3A_1380 = arith.constant 0 : i32
      %dma_wait3A_1381 = tpu.memref_slice %arg8[%dma_wait3A_1377, %dma_wait3A_1379, %dma_wait3A_1380] : memref<2x8x4096xf32, #tpu.memory_space<vmem>> -> memref<1x8x4096xf32, #tpu.memory_space<vmem>>
      %dma_wait3A_1382 = tpu.memref_squeeze %dma_wait3A_1381 : memref<1x8x4096xf32, #tpu.memory_space<vmem>> -> memref<8x4096xf32, #tpu.memory_space<vmem>>
      %dma_wait3A_1383 = arith.constant 0 : i32
      %dma_wait3A_1384 = arith.constant 0 : i32
      %dma_wait3A_1385 = tpu.memref_slice %arg4[%dma_wait3A_1383, %dma_wait3A_1384] : memref<128x4096xf32, #tpu.memory_space<hbm>> -> memref<8x4096xf32, #tpu.memory_space<hbm>>
      %dma_wait3A_1386 = tpu.memref_slice %arg11[%dma_wait3A_1378] : memref<2x!tpu.dma_semaphore, #tpu.memory_space<semaphore_mem>> -> memref<1x!tpu.dma_semaphore, #tpu.memory_space<semaphore_mem>>
      %dma_wait3A_1387 = tpu.memref_squeeze %dma_wait3A_1386 : memref<1x!tpu.dma_semaphore, #tpu.memory_space<semaphore_mem>> -> memref<!tpu.dma_semaphore, #tpu.memory_space<semaphore_mem>>
      %dma_wait3A_1388 = arith.constant 0 : i32
      %dma_wait3A_1389 = arith.constant 0 : i32
      %dma_wait3A_1390 = tpu.memref_slice %arg8[%dma_wait3A_1377, %dma_wait3A_1388, %dma_wait3A_1389] : memref<2x8x4096xf32, #tpu.memory_space<vmem>> -> memref<1x8x4096xf32, #tpu.memory_space<vmem>>
      %dma_wait3A_1391 = tpu.memref_squeeze %dma_wait3A_1390 : memref<1x8x4096xf32, #tpu.memory_space<vmem>> -> memref<8x4096xf32, #tpu.memory_space<vmem>>
      %dma_wait3A_1392 = arith.constant 0 : i32
      %dma_wait3A_1393 = arith.constant 0 : i32
      %dma_wait3A_1394 = tpu.memref_slice %arg4[%dma_wait3A_1392, %dma_wait3A_1393] : memref<128x4096xf32, #tpu.memory_space<hbm>> -> memref<8x4096xf32, #tpu.memory_space<hbm>>
      tpu.wait_dma2 semaphore(%dma_wait3A_1387 : memref<!tpu.dma_semaphore, #tpu.memory_space<semaphore_mem>>) src(%dma_wait3A_1394 : memref<8x4096xf32, #tpu.memory_space<hbm>>) dst(%dma_wait3A_1391 : memref<8x4096xf32, #tpu.memory_space<vmem>>)
      %add3A_1395 = arith.constant 320 : i32
      %add3A_1396 = arith.addi %mul3A_2, %add3A_1395 : i32
      %mul3A_1397 = arith.constant 8 : i32
      %mul3A_1398 = arith.muli %add3A_1376, %mul3A_1397 : i32
      %add3A_1399 = arith.addi %add3A_1396, %mul3A_1398 : i32
      %dma_start3A_1400 = arith.constant 1 : i32
      %dma_start3A_1401 = arith.constant 1 : i32
      %dma_start3A_1402 = arith.constant 0 : i32
      %dma_start3A_1403 = arith.constant 0 : i32
      %dma_start3A_1404 = tpu.memref_slice %arg8[%dma_start3A_1400, %dma_start3A_1402, %dma_start3A_1403] : memref<2x8x4096xf32, #tpu.memory_space<vmem>> -> memref<1x8x4096xf32, #tpu.memory_space<vmem>>
      %dma_start3A_1405 = tpu.memref_squeeze %dma_start3A_1404 : memref<1x8x4096xf32, #tpu.memory_space<vmem>> -> memref<8x4096xf32, #tpu.memory_space<vmem>>
      %dma_start3A_1406 = arith.constant 0 : i32
      %dma_start3A_1407 = tpu.memref_slice %arg5[%add3A_1399, %dma_start3A_1406] : memref<16384x4096xf32, #tpu.memory_space<hbm>> -> memref<8x4096xf32, #tpu.memory_space<hbm>>
      %dma_start3A_1408 = tpu.memref_slice %arg12[%dma_start3A_1401] : memref<2x!tpu.dma_semaphore, #tpu.memory_space<semaphore_mem>> -> memref<1x!tpu.dma_semaphore, #tpu.memory_space<semaphore_mem>>
      %dma_start3A_1409 = tpu.memref_squeeze %dma_start3A_1408 : memref<1x!tpu.dma_semaphore, #tpu.memory_space<semaphore_mem>> -> memref<!tpu.dma_semaphore, #tpu.memory_space<semaphore_mem>>
      %dma_start3A_1410 = arith.constant 0 : i32
      %dma_start3A_1411 = tpu.memref_slice %arg5[%add3A_1399, %dma_start3A_1410] : memref<16384x4096xf32, #tpu.memory_space<hbm>> -> memref<8x4096xf32, #tpu.memory_space<hbm>>
      %dma_start3A_1412 = arith.constant 0 : i32
      %dma_start3A_1413 = arith.constant 0 : i32
      %dma_start3A_1414 = tpu.memref_slice %arg8[%dma_start3A_1400, %dma_start3A_1412, %dma_start3A_1413] : memref<2x8x4096xf32, #tpu.memory_space<vmem>> -> memref<1x8x4096xf32, #tpu.memory_space<vmem>>
      %dma_start3A_1415 = tpu.memref_squeeze %dma_start3A_1414 : memref<1x8x4096xf32, #tpu.memory_space<vmem>> -> memref<8x4096xf32, #tpu.memory_space<vmem>>
      tpu.enqueue_dma source(%dma_start3A_1415 : memref<8x4096xf32, #tpu.memory_space<vmem>>) target(%dma_start3A_1411 : memref<8x4096xf32, #tpu.memory_space<hbm>>) target_semaphore(%dma_start3A_1409 : memref<!tpu.dma_semaphore, #tpu.memory_space<semaphore_mem>>)
      %add3A_1416 = arith.constant 2 : i32
      %add3A_1417 = arith.addi %add3A_1376, %add3A_1416 : i32
      %lt3A_1418 = arith.constant 24 : i32
      %lt3A_1419 = arith.cmpi slt, %add3A_1417, %lt3A_1418 : i32
      %convert_element_type3A_1420 = arith.extui %lt3A_1419 : i1 to i32
      %cond3A_1421 = arith.constant 0 : i32
      %cond3A_1422 = arith.cmpi ne, %convert_element_type3A_1420, %cond3A_1421 : i32
      scf.if %cond3A_1422 {
        %dma_wait3A_1523 = arith.constant 1 : i32
        %dma_wait3A_1524 = arith.constant 1 : i32
        %dma_wait3A_1525 = arith.constant 0 : i32
        %dma_wait3A_1526 = arith.constant 0 : i32
        %dma_wait3A_1527 = tpu.memref_slice %arg8[%dma_wait3A_1523, %dma_wait3A_1525, %dma_wait3A_1526] : memref<2x8x4096xf32, #tpu.memory_space<vmem>> -> memref<1x8x4096xf32, #tpu.memory_space<vmem>>
        %dma_wait3A_1528 = tpu.memref_squeeze %dma_wait3A_1527 : memref<1x8x4096xf32, #tpu.memory_space<vmem>> -> memref<8x4096xf32, #tpu.memory_space<vmem>>
        %dma_wait3A_1529 = arith.constant 0 : i32
        %dma_wait3A_1530 = tpu.memref_slice %arg5[%mul3A_2, %dma_wait3A_1529] : memref<16384x4096xf32, #tpu.memory_space<hbm>> -> memref<8x4096xf32, #tpu.memory_space<hbm>>
        %dma_wait3A_1531 = tpu.memref_slice %arg12[%dma_wait3A_1524] : memref<2x!tpu.dma_semaphore, #tpu.memory_space<semaphore_mem>> -> memref<1x!tpu.dma_semaphore, #tpu.memory_space<semaphore_mem>>
        %dma_wait3A_1532 = tpu.memref_squeeze %dma_wait3A_1531 : memref<1x!tpu.dma_semaphore, #tpu.memory_space<semaphore_mem>> -> memref<!tpu.dma_semaphore, #tpu.memory_space<semaphore_mem>>
        %dma_wait3A_1533 = arith.constant 0 : i32
        %dma_wait3A_1534 = tpu.memref_slice %arg5[%mul3A_2, %dma_wait3A_1533] : memref<16384x4096xf32, #tpu.memory_space<hbm>> -> memref<8x4096xf32, #tpu.memory_space<hbm>>
        %dma_wait3A_1535 = arith.constant 0 : i32
        %dma_wait3A_1536 = arith.constant 0 : i32
        %dma_wait3A_1537 = tpu.memref_slice %arg8[%dma_wait3A_1523, %dma_wait3A_1535, %dma_wait3A_1536] : memref<2x8x4096xf32, #tpu.memory_space<vmem>> -> memref<1x8x4096xf32, #tpu.memory_space<vmem>>
        %dma_wait3A_1538 = tpu.memref_squeeze %dma_wait3A_1537 : memref<1x8x4096xf32, #tpu.memory_space<vmem>> -> memref<8x4096xf32, #tpu.memory_space<vmem>>
        tpu.wait_dma2 semaphore(%dma_wait3A_1532 : memref<!tpu.dma_semaphore, #tpu.memory_space<semaphore_mem>>) src(%dma_wait3A_1538 : memref<8x4096xf32, #tpu.memory_space<vmem>>) dst(%dma_wait3A_1534 : memref<8x4096xf32, #tpu.memory_space<hbm>>)
        %add3A_1539 = arith.constant 2 : i32
        %add3A_1540 = arith.addi %add3A_1376, %add3A_1539 : i32
        %mul3A_1541 = arith.constant 8 : i32
        %mul3A_1542 = arith.muli %add3A_1540, %mul3A_1541 : i32
        %dma_start3A_1543 = arith.constant 1 : i32
        %dma_start3A_1544 = arith.constant 1 : i32
        %dma_start3A_1545 = arith.constant 0 : i32
        %dma_start3A_1546 = arith.constant 0 : i32
        %dma_start3A_1547 = tpu.memref_slice %arg8[%dma_start3A_1543, %dma_start3A_1545, %dma_start3A_1546] : memref<2x8x4096xf32, #tpu.memory_space<vmem>> -> memref<1x8x4096xf32, #tpu.memory_space<vmem>>
        %dma_start3A_1548 = tpu.memref_squeeze %dma_start3A_1547 : memref<1x8x4096xf32, #tpu.memory_space<vmem>> -> memref<8x4096xf32, #tpu.memory_space<vmem>>
        %dma_start3A_1549 = tpu.memref_slice %arg7[%mul3A_1542] : memref<192xi32, #tpu.memory_space<vmem>> -> memref<8xi32, #tpu.memory_space<vmem>>
        %dma_start3A_1550 = arith.constant 0 : i32
        %dma_start3A_1551 = arith.constant 0 : i32
        %dma_start3A_1552 = tpu.memref_slice %arg4[%dma_start3A_1550, %dma_start3A_1551] : memref<128x4096xf32, #tpu.memory_space<hbm>> -> memref<128x4096xf32, #tpu.memory_space<hbm>>
        %dma_start3A_1553 = tpu.memref_slice %arg11[%dma_start3A_1544] : memref<2x!tpu.dma_semaphore, #tpu.memory_space<semaphore_mem>> -> memref<1x!tpu.dma_semaphore, #tpu.memory_space<semaphore_mem>>
        %dma_start3A_1554 = tpu.memref_squeeze %dma_start3A_1553 : memref<1x!tpu.dma_semaphore, #tpu.memory_space<semaphore_mem>> -> memref<!tpu.dma_semaphore, #tpu.memory_space<semaphore_mem>>
        tpu.enqueue_indirect_dma source(%dma_start3A_1552 : memref<128x4096xf32, #tpu.memory_space<hbm>>) target(%dma_start3A_1548 : memref<8x4096xf32, #tpu.memory_space<vmem>>) offsets(%dma_start3A_1549 : memref<8xi32, #tpu.memory_space<vmem>>) semaphore(%dma_start3A_1554 : memref<!tpu.dma_semaphore, #tpu.memory_space<semaphore_mem>>)
      } else {
      }
      %mul3A_1423 = arith.constant 6 : i32
      %mul3A_1424 = arith.muli %scan3A_1130, %mul3A_1423 : i32
      %add3A_1425 = arith.constant 4 : i32
      %add3A_1426 = arith.addi %mul3A_1424, %add3A_1425 : i32
      %dma_wait3A_1427 = arith.constant 0 : i32
      %dma_wait3A_1428 = arith.constant 0 : i32
      %dma_wait3A_1429 = arith.constant 0 : i32
      %dma_wait3A_1430 = arith.constant 0 : i32
      %dma_wait3A_1431 = tpu.memref_slice %arg8[%dma_wait3A_1427, %dma_wait3A_1429, %dma_wait3A_1430] : memref<2x8x4096xf32, #tpu.memory_space<vmem>> -> memref<1x8x4096xf32, #tpu.memory_space<vmem>>
      %dma_wait3A_1432 = tpu.memref_squeeze %dma_wait3A_1431 : memref<1x8x4096xf32, #tpu.memory_space<vmem>> -> memref<8x4096xf32, #tpu.memory_space<vmem>>
      %dma_wait3A_1433 = arith.constant 0 : i32
      %dma_wait3A_1434 = arith.constant 0 : i32
      %dma_wait3A_1435 = tpu.memref_slice %arg4[%dma_wait3A_1433, %dma_wait3A_1434] : memref<128x4096xf32, #tpu.memory_space<hbm>> -> memref<8x4096xf32, #tpu.memory_space<hbm>>
      %dma_wait3A_1436 = tpu.memref_slice %arg11[%dma_wait3A_1428] : memref<2x!tpu.dma_semaphore, #tpu.memory_space<semaphore_mem>> -> memref<1x!tpu.dma_semaphore, #tpu.memory_space<semaphore_mem>>
      %dma_wait3A_1437 = tpu.memref_squeeze %dma_wait3A_1436 : memref<1x!tpu.dma_semaphore, #tpu.memory_space<semaphore_mem>> -> memref<!tpu.dma_semaphore, #tpu.memory_space<semaphore_mem>>
      %dma_wait3A_1438 = arith.constant 0 : i32
      %dma_wait3A_1439 = arith.constant 0 : i32
      %dma_wait3A_1440 = tpu.memref_slice %arg8[%dma_wait3A_1427, %dma_wait3A_1438, %dma_wait3A_1439] : memref<2x8x4096xf32, #tpu.memory_space<vmem>> -> memref<1x8x4096xf32, #tpu.memory_space<vmem>>
      %dma_wait3A_1441 = tpu.memref_squeeze %dma_wait3A_1440 : memref<1x8x4096xf32, #tpu.memory_space<vmem>> -> memref<8x4096xf32, #tpu.memory_space<vmem>>
      %dma_wait3A_1442 = arith.constant 0 : i32
      %dma_wait3A_1443 = arith.constant 0 : i32
      %dma_wait3A_1444 = tpu.memref_slice %arg4[%dma_wait3A_1442, %dma_wait3A_1443] : memref<128x4096xf32, #tpu.memory_space<hbm>> -> memref<8x4096xf32, #tpu.memory_space<hbm>>
      tpu.wait_dma2 semaphore(%dma_wait3A_1437 : memref<!tpu.dma_semaphore, #tpu.memory_space<semaphore_mem>>) src(%dma_wait3A_1444 : memref<8x4096xf32, #tpu.memory_space<hbm>>) dst(%dma_wait3A_1441 : memref<8x4096xf32, #tpu.memory_space<vmem>>)
      %add3A_1445 = arith.constant 320 : i32
      %add3A_1446 = arith.addi %mul3A_2, %add3A_1445 : i32
      %mul3A_1447 = arith.constant 8 : i32
      %mul3A_1448 = arith.muli %add3A_1426, %mul3A_1447 : i32
      %add3A_1449 = arith.addi %add3A_1446, %mul3A_1448 : i32
      %dma_start3A_1450 = arith.constant 0 : i32
      %dma_start3A_1451 = arith.constant 0 : i32
      %dma_start3A_1452 = arith.constant 0 : i32
      %dma_start3A_1453 = arith.constant 0 : i32
      %dma_start3A_1454 = tpu.memref_slice %arg8[%dma_start3A_1450, %dma_start3A_1452, %dma_start3A_1453] : memref<2x8x4096xf32, #tpu.memory_space<vmem>> -> memref<1x8x4096xf32, #tpu.memory_space<vmem>>
      %dma_start3A_1455 = tpu.memref_squeeze %dma_start3A_1454 : memref<1x8x4096xf32, #tpu.memory_space<vmem>> -> memref<8x4096xf32, #tpu.memory_space<vmem>>
      %dma_start3A_1456 = arith.constant 0 : i32
      %dma_start3A_1457 = tpu.memref_slice %arg5[%add3A_1449, %dma_start3A_1456] : memref<16384x4096xf32, #tpu.memory_space<hbm>> -> memref<8x4096xf32, #tpu.memory_space<hbm>>
      %dma_start3A_1458 = tpu.memref_slice %arg12[%dma_start3A_1451] : memref<2x!tpu.dma_semaphore, #tpu.memory_space<semaphore_mem>> -> memref<1x!tpu.dma_semaphore, #tpu.memory_space<semaphore_mem>>
      %dma_start3A_1459 = tpu.memref_squeeze %dma_start3A_1458 : memref<1x!tpu.dma_semaphore, #tpu.memory_space<semaphore_mem>> -> memref<!tpu.dma_semaphore, #tpu.memory_space<semaphore_mem>>
      %dma_start3A_1460 = arith.constant 0 : i32
      %dma_start3A_1461 = tpu.memref_slice %arg5[%add3A_1449, %dma_start3A_1460] : memref<16384x4096xf32, #tpu.memory_space<hbm>> -> memref<8x4096xf32, #tpu.memory_space<hbm>>
      %dma_start3A_1462 = arith.constant 0 : i32
      %dma_start3A_1463 = arith.constant 0 : i32
      %dma_start3A_1464 = tpu.memref_slice %arg8[%dma_start3A_1450, %dma_start3A_1462, %dma_start3A_1463] : memref<2x8x4096xf32, #tpu.memory_space<vmem>> -> memref<1x8x4096xf32, #tpu.memory_space<vmem>>
      %dma_start3A_1465 = tpu.memref_squeeze %dma_start3A_1464 : memref<1x8x4096xf32, #tpu.memory_space<vmem>> -> memref<8x4096xf32, #tpu.memory_space<vmem>>
      tpu.enqueue_dma source(%dma_start3A_1465 : memref<8x4096xf32, #tpu.memory_space<vmem>>) target(%dma_start3A_1461 : memref<8x4096xf32, #tpu.memory_space<hbm>>) target_semaphore(%dma_start3A_1459 : memref<!tpu.dma_semaphore, #tpu.memory_space<semaphore_mem>>)
      %add3A_1466 = arith.constant 2 : i32
      %add3A_1467 = arith.addi %add3A_1426, %add3A_1466 : i32
      %lt3A_1468 = arith.constant 24 : i32
      %lt3A_1469 = arith.cmpi slt, %add3A_1467, %lt3A_1468 : i32
      %convert_element_type3A_1470 = arith.extui %lt3A_1469 : i1 to i32
      %cond3A_1471 = arith.constant 0 : i32
      %cond3A_1472 = arith.cmpi ne, %convert_element_type3A_1470, %cond3A_1471 : i32
      scf.if %cond3A_1472 {
        %dma_wait3A_1523 = arith.constant 0 : i32
        %dma_wait3A_1524 = arith.constant 0 : i32
        %dma_wait3A_1525 = arith.constant 0 : i32
        %dma_wait3A_1526 = arith.constant 0 : i32
        %dma_wait3A_1527 = tpu.memref_slice %arg8[%dma_wait3A_1523, %dma_wait3A_1525, %dma_wait3A_1526] : memref<2x8x4096xf32, #tpu.memory_space<vmem>> -> memref<1x8x4096xf32, #tpu.memory_space<vmem>>
        %dma_wait3A_1528 = tpu.memref_squeeze %dma_wait3A_1527 : memref<1x8x4096xf32, #tpu.memory_space<vmem>> -> memref<8x4096xf32, #tpu.memory_space<vmem>>
        %dma_wait3A_1529 = arith.constant 0 : i32
        %dma_wait3A_1530 = tpu.memref_slice %arg5[%mul3A_2, %dma_wait3A_1529] : memref<16384x4096xf32, #tpu.memory_space<hbm>> -> memref<8x4096xf32, #tpu.memory_space<hbm>>
        %dma_wait3A_1531 = tpu.memref_slice %arg12[%dma_wait3A_1524] : memref<2x!tpu.dma_semaphore, #tpu.memory_space<semaphore_mem>> -> memref<1x!tpu.dma_semaphore, #tpu.memory_space<semaphore_mem>>
        %dma_wait3A_1532 = tpu.memref_squeeze %dma_wait3A_1531 : memref<1x!tpu.dma_semaphore, #tpu.memory_space<semaphore_mem>> -> memref<!tpu.dma_semaphore, #tpu.memory_space<semaphore_mem>>
        %dma_wait3A_1533 = arith.constant 0 : i32
        %dma_wait3A_1534 = tpu.memref_slice %arg5[%mul3A_2, %dma_wait3A_1533] : memref<16384x4096xf32, #tpu.memory_space<hbm>> -> memref<8x4096xf32, #tpu.memory_space<hbm>>
        %dma_wait3A_1535 = arith.constant 0 : i32
        %dma_wait3A_1536 = arith.constant 0 : i32
        %dma_wait3A_1537 = tpu.memref_slice %arg8[%dma_wait3A_1523, %dma_wait3A_1535, %dma_wait3A_1536] : memref<2x8x4096xf32, #tpu.memory_space<vmem>> -> memref<1x8x4096xf32, #tpu.memory_space<vmem>>
        %dma_wait3A_1538 = tpu.memref_squeeze %dma_wait3A_1537 : memref<1x8x4096xf32, #tpu.memory_space<vmem>> -> memref<8x4096xf32, #tpu.memory_space<vmem>>
        tpu.wait_dma2 semaphore(%dma_wait3A_1532 : memref<!tpu.dma_semaphore, #tpu.memory_space<semaphore_mem>>) src(%dma_wait3A_1538 : memref<8x4096xf32, #tpu.memory_space<vmem>>) dst(%dma_wait3A_1534 : memref<8x4096xf32, #tpu.memory_space<hbm>>)
        %add3A_1539 = arith.constant 2 : i32
        %add3A_1540 = arith.addi %add3A_1426, %add3A_1539 : i32
        %mul3A_1541 = arith.constant 8 : i32
        %mul3A_1542 = arith.muli %add3A_1540, %mul3A_1541 : i32
        %dma_start3A_1543 = arith.constant 0 : i32
        %dma_start3A_1544 = arith.constant 0 : i32
        %dma_start3A_1545 = arith.constant 0 : i32
        %dma_start3A_1546 = arith.constant 0 : i32
        %dma_start3A_1547 = tpu.memref_slice %arg8[%dma_start3A_1543, %dma_start3A_1545, %dma_start3A_1546] : memref<2x8x4096xf32, #tpu.memory_space<vmem>> -> memref<1x8x4096xf32, #tpu.memory_space<vmem>>
        %dma_start3A_1548 = tpu.memref_squeeze %dma_start3A_1547 : memref<1x8x4096xf32, #tpu.memory_space<vmem>> -> memref<8x4096xf32, #tpu.memory_space<vmem>>
        %dma_start3A_1549 = tpu.memref_slice %arg7[%mul3A_1542] : memref<192xi32, #tpu.memory_space<vmem>> -> memref<8xi32, #tpu.memory_space<vmem>>
        %dma_start3A_1550 = arith.constant 0 : i32
        %dma_start3A_1551 = arith.constant 0 : i32
        %dma_start3A_1552 = tpu.memref_slice %arg4[%dma_start3A_1550, %dma_start3A_1551] : memref<128x4096xf32, #tpu.memory_space<hbm>> -> memref<128x4096xf32, #tpu.memory_space<hbm>>
        %dma_start3A_1553 = tpu.memref_slice %arg11[%dma_start3A_1544] : memref<2x!tpu.dma_semaphore, #tpu.memory_space<semaphore_mem>> -> memref<1x!tpu.dma_semaphore, #tpu.memory_space<semaphore_mem>>
        %dma_start3A_1554 = tpu.memref_squeeze %dma_start3A_1553 : memref<1x!tpu.dma_semaphore, #tpu.memory_space<semaphore_mem>> -> memref<!tpu.dma_semaphore, #tpu.memory_space<semaphore_mem>>
        tpu.enqueue_indirect_dma source(%dma_start3A_1552 : memref<128x4096xf32, #tpu.memory_space<hbm>>) target(%dma_start3A_1548 : memref<8x4096xf32, #tpu.memory_space<vmem>>) offsets(%dma_start3A_1549 : memref<8xi32, #tpu.memory_space<vmem>>) semaphore(%dma_start3A_1554 : memref<!tpu.dma_semaphore, #tpu.memory_space<semaphore_mem>>)
      } else {
      }
      %mul3A_1473 = arith.constant 6 : i32
      %mul3A_1474 = arith.muli %scan3A_1130, %mul3A_1473 : i32
      %add3A_1475 = arith.constant 5 : i32
      %add3A_1476 = arith.addi %mul3A_1474, %add3A_1475 : i32
      %dma_wait3A_1477 = arith.constant 1 : i32
      %dma_wait3A_1478 = arith.constant 1 : i32
      %dma_wait3A_1479 = arith.constant 0 : i32
      %dma_wait3A_1480 = arith.constant 0 : i32
      %dma_wait3A_1481 = tpu.memref_slice %arg8[%dma_wait3A_1477, %dma_wait3A_1479, %dma_wait3A_1480] : memref<2x8x4096xf32, #tpu.memory_space<vmem>> -> memref<1x8x4096xf32, #tpu.memory_space<vmem>>
      %dma_wait3A_1482 = tpu.memref_squeeze %dma_wait3A_1481 : memref<1x8x4096xf32, #tpu.memory_space<vmem>> -> memref<8x4096xf32, #tpu.memory_space<vmem>>
      %dma_wait3A_1483 = arith.constant 0 : i32
      %dma_wait3A_1484 = arith.constant 0 : i32
      %dma_wait3A_1485 = tpu.memref_slice %arg4[%dma_wait3A_1483, %dma_wait3A_1484] : memref<128x4096xf32, #tpu.memory_space<hbm>> -> memref<8x4096xf32, #tpu.memory_space<hbm>>
      %dma_wait3A_1486 = tpu.memref_slice %arg11[%dma_wait3A_1478] : memref<2x!tpu.dma_semaphore, #tpu.memory_space<semaphore_mem>> -> memref<1x!tpu.dma_semaphore, #tpu.memory_space<semaphore_mem>>
      %dma_wait3A_1487 = tpu.memref_squeeze %dma_wait3A_1486 : memref<1x!tpu.dma_semaphore, #tpu.memory_space<semaphore_mem>> -> memref<!tpu.dma_semaphore, #tpu.memory_space<semaphore_mem>>
      %dma_wait3A_1488 = arith.constant 0 : i32
      %dma_wait3A_1489 = arith.constant 0 : i32
      %dma_wait3A_1490 = tpu.memref_slice %arg8[%dma_wait3A_1477, %dma_wait3A_1488, %dma_wait3A_1489] : memref<2x8x4096xf32, #tpu.memory_space<vmem>> -> memref<1x8x4096xf32, #tpu.memory_space<vmem>>
      %dma_wait3A_1491 = tpu.memref_squeeze %dma_wait3A_1490 : memref<1x8x4096xf32, #tpu.memory_space<vmem>> -> memref<8x4096xf32, #tpu.memory_space<vmem>>
      %dma_wait3A_1492 = arith.constant 0 : i32
      %dma_wait3A_1493 = arith.constant 0 : i32
      %dma_wait3A_1494 = tpu.memref_slice %arg4[%dma_wait3A_1492, %dma_wait3A_1493] : memref<128x4096xf32, #tpu.memory_space<hbm>> -> memref<8x4096xf32, #tpu.memory_space<hbm>>
      tpu.wait_dma2 semaphore(%dma_wait3A_1487 : memref<!tpu.dma_semaphore, #tpu.memory_space<semaphore_mem>>) src(%dma_wait3A_1494 : memref<8x4096xf32, #tpu.memory_space<hbm>>) dst(%dma_wait3A_1491 : memref<8x4096xf32, #tpu.memory_space<vmem>>)
      %add3A_1495 = arith.constant 320 : i32
      %add3A_1496 = arith.addi %mul3A_2, %add3A_1495 : i32
      %mul3A_1497 = arith.constant 8 : i32
      %mul3A_1498 = arith.muli %add3A_1476, %mul3A_1497 : i32
      %add3A_1499 = arith.addi %add3A_1496, %mul3A_1498 : i32
      %dma_start3A_1500 = arith.constant 1 : i32
      %dma_start3A_1501 = arith.constant 1 : i32
      %dma_start3A_1502 = arith.constant 0 : i32
      %dma_start3A_1503 = arith.constant 0 : i32
      %dma_start3A_1504 = tpu.memref_slice %arg8[%dma_start3A_1500, %dma_start3A_1502, %dma_start3A_1503] : memref<2x8x4096xf32, #tpu.memory_space<vmem>> -> memref<1x8x4096xf32, #tpu.memory_space<vmem>>
      %dma_start3A_1505 = tpu.memref_squeeze %dma_start3A_1504 : memref<1x8x4096xf32, #tpu.memory_space<vmem>> -> memref<8x4096xf32, #tpu.memory_space<vmem>>
      %dma_start3A_1506 = arith.constant 0 : i32
      %dma_start3A_1507 = tpu.memref_slice %arg5[%add3A_1499, %dma_start3A_1506] : memref<16384x4096xf32, #tpu.memory_space<hbm>> -> memref<8x4096xf32, #tpu.memory_space<hbm>>
      %dma_start3A_1508 = tpu.memref_slice %arg12[%dma_start3A_1501] : memref<2x!tpu.dma_semaphore, #tpu.memory_space<semaphore_mem>> -> memref<1x!tpu.dma_semaphore, #tpu.memory_space<semaphore_mem>>
      %dma_start3A_1509 = tpu.memref_squeeze %dma_start3A_1508 : memref<1x!tpu.dma_semaphore, #tpu.memory_space<semaphore_mem>> -> memref<!tpu.dma_semaphore, #tpu.memory_space<semaphore_mem>>
      %dma_start3A_1510 = arith.constant 0 : i32
      %dma_start3A_1511 = tpu.memref_slice %arg5[%add3A_1499, %dma_start3A_1510] : memref<16384x4096xf32, #tpu.memory_space<hbm>> -> memref<8x4096xf32, #tpu.memory_space<hbm>>
      %dma_start3A_1512 = arith.constant 0 : i32
      %dma_start3A_1513 = arith.constant 0 : i32
      %dma_start3A_1514 = tpu.memref_slice %arg8[%dma_start3A_1500, %dma_start3A_1512, %dma_start3A_1513] : memref<2x8x4096xf32, #tpu.memory_space<vmem>> -> memref<1x8x4096xf32, #tpu.memory_space<vmem>>
      %dma_start3A_1515 = tpu.memref_squeeze %dma_start3A_1514 : memref<1x8x4096xf32, #tpu.memory_space<vmem>> -> memref<8x4096xf32, #tpu.memory_space<vmem>>
      tpu.enqueue_dma source(%dma_start3A_1515 : memref<8x4096xf32, #tpu.memory_space<vmem>>) target(%dma_start3A_1511 : memref<8x4096xf32, #tpu.memory_space<hbm>>) target_semaphore(%dma_start3A_1509 : memref<!tpu.dma_semaphore, #tpu.memory_space<semaphore_mem>>)
      %add3A_1516 = arith.constant 2 : i32
      %add3A_1517 = arith.addi %add3A_1476, %add3A_1516 : i32
      %lt3A_1518 = arith.constant 24 : i32
      %lt3A_1519 = arith.cmpi slt, %add3A_1517, %lt3A_1518 : i32
      %convert_element_type3A_1520 = arith.extui %lt3A_1519 : i1 to i32
      %cond3A_1521 = arith.constant 0 : i32
      %cond3A_1522 = arith.cmpi ne, %convert_element_type3A_1520, %cond3A_1521 : i32
      scf.if %cond3A_1522 {
        %dma_wait3A_1523 = arith.constant 1 : i32
        %dma_wait3A_1524 = arith.constant 1 : i32
        %dma_wait3A_1525 = arith.constant 0 : i32
        %dma_wait3A_1526 = arith.constant 0 : i32
        %dma_wait3A_1527 = tpu.memref_slice %arg8[%dma_wait3A_1523, %dma_wait3A_1525, %dma_wait3A_1526] : memref<2x8x4096xf32, #tpu.memory_space<vmem>> -> memref<1x8x4096xf32, #tpu.memory_space<vmem>>
        %dma_wait3A_1528 = tpu.memref_squeeze %dma_wait3A_1527 : memref<1x8x4096xf32, #tpu.memory_space<vmem>> -> memref<8x4096xf32, #tpu.memory_space<vmem>>
        %dma_wait3A_1529 = arith.constant 0 : i32
        %dma_wait3A_1530 = tpu.memref_slice %arg5[%mul3A_2, %dma_wait3A_1529] : memref<16384x4096xf32, #tpu.memory_space<hbm>> -> memref<8x4096xf32, #tpu.memory_space<hbm>>
        %dma_wait3A_1531 = tpu.memref_slice %arg12[%dma_wait3A_1524] : memref<2x!tpu.dma_semaphore, #tpu.memory_space<semaphore_mem>> -> memref<1x!tpu.dma_semaphore, #tpu.memory_space<semaphore_mem>>
        %dma_wait3A_1532 = tpu.memref_squeeze %dma_wait3A_1531 : memref<1x!tpu.dma_semaphore, #tpu.memory_space<semaphore_mem>> -> memref<!tpu.dma_semaphore, #tpu.memory_space<semaphore_mem>>
        %dma_wait3A_1533 = arith.constant 0 : i32
        %dma_wait3A_1534 = tpu.memref_slice %arg5[%mul3A_2, %dma_wait3A_1533] : memref<16384x4096xf32, #tpu.memory_space<hbm>> -> memref<8x4096xf32, #tpu.memory_space<hbm>>
        %dma_wait3A_1535 = arith.constant 0 : i32
        %dma_wait3A_1536 = arith.constant 0 : i32
        %dma_wait3A_1537 = tpu.memref_slice %arg8[%dma_wait3A_1523, %dma_wait3A_1535, %dma_wait3A_1536] : memref<2x8x4096xf32, #tpu.memory_space<vmem>> -> memref<1x8x4096xf32, #tpu.memory_space<vmem>>
        %dma_wait3A_1538 = tpu.memref_squeeze %dma_wait3A_1537 : memref<1x8x4096xf32, #tpu.memory_space<vmem>> -> memref<8x4096xf32, #tpu.memory_space<vmem>>
        tpu.wait_dma2 semaphore(%dma_wait3A_1532 : memref<!tpu.dma_semaphore, #tpu.memory_space<semaphore_mem>>) src(%dma_wait3A_1538 : memref<8x4096xf32, #tpu.memory_space<vmem>>) dst(%dma_wait3A_1534 : memref<8x4096xf32, #tpu.memory_space<hbm>>)
        %add3A_1539 = arith.constant 2 : i32
        %add3A_1540 = arith.addi %add3A_1476, %add3A_1539 : i32
        %mul3A_1541 = arith.constant 8 : i32
        %mul3A_1542 = arith.muli %add3A_1540, %mul3A_1541 : i32
        %dma_start3A_1543 = arith.constant 1 : i32
        %dma_start3A_1544 = arith.constant 1 : i32
        %dma_start3A_1545 = arith.constant 0 : i32
        %dma_start3A_1546 = arith.constant 0 : i32
        %dma_start3A_1547 = tpu.memref_slice %arg8[%dma_start3A_1543, %dma_start3A_1545, %dma_start3A_1546] : memref<2x8x4096xf32, #tpu.memory_space<vmem>> -> memref<1x8x4096xf32, #tpu.memory_space<vmem>>
        %dma_start3A_1548 = tpu.memref_squeeze %dma_start3A_1547 : memref<1x8x4096xf32, #tpu.memory_space<vmem>> -> memref<8x4096xf32, #tpu.memory_space<vmem>>
        %dma_start3A_1549 = tpu.memref_slice %arg7[%mul3A_1542] : memref<192xi32, #tpu.memory_space<vmem>> -> memref<8xi32, #tpu.memory_space<vmem>>
        %dma_start3A_1550 = arith.constant 0 : i32
        %dma_start3A_1551 = arith.constant 0 : i32
        %dma_start3A_1552 = tpu.memref_slice %arg4[%dma_start3A_1550, %dma_start3A_1551] : memref<128x4096xf32, #tpu.memory_space<hbm>> -> memref<128x4096xf32, #tpu.memory_space<hbm>>
        %dma_start3A_1553 = tpu.memref_slice %arg11[%dma_start3A_1544] : memref<2x!tpu.dma_semaphore, #tpu.memory_space<semaphore_mem>> -> memref<1x!tpu.dma_semaphore, #tpu.memory_space<semaphore_mem>>
        %dma_start3A_1554 = tpu.memref_squeeze %dma_start3A_1553 : memref<1x!tpu.dma_semaphore, #tpu.memory_space<semaphore_mem>> -> memref<!tpu.dma_semaphore, #tpu.memory_space<semaphore_mem>>
        tpu.enqueue_indirect_dma source(%dma_start3A_1552 : memref<128x4096xf32, #tpu.memory_space<hbm>>) target(%dma_start3A_1548 : memref<8x4096xf32, #tpu.memory_space<vmem>>) offsets(%dma_start3A_1549 : memref<8xi32, #tpu.memory_space<vmem>>) semaphore(%dma_start3A_1554 : memref<!tpu.dma_semaphore, #tpu.memory_space<semaphore_mem>>)
      } else {
      }
    }
    %scan3A_1098 = arith.constant 4 : i32
    %dma_wait3A = arith.constant 0 : i32
    %dma_wait3A_1099 = arith.constant 0 : i32
    %dma_wait3A_1100 = arith.constant 0 : i32
    %dma_wait3A_1101 = arith.constant 0 : i32
    %dma_wait3A_1102 = tpu.memref_slice %arg8[%dma_wait3A, %dma_wait3A_1100, %dma_wait3A_1101] : memref<2x8x4096xf32, #tpu.memory_space<vmem>> -> memref<1x8x4096xf32, #tpu.memory_space<vmem>>
    %dma_wait3A_1103 = tpu.memref_squeeze %dma_wait3A_1102 : memref<1x8x4096xf32, #tpu.memory_space<vmem>> -> memref<8x4096xf32, #tpu.memory_space<vmem>>
    %dma_wait3A_1104 = arith.constant 0 : i32
    %dma_wait3A_1105 = tpu.memref_slice %arg5[%mul3A_2, %dma_wait3A_1104] : memref<16384x4096xf32, #tpu.memory_space<hbm>> -> memref<8x4096xf32, #tpu.memory_space<hbm>>
    %dma_wait3A_1106 = tpu.memref_slice %arg12[%dma_wait3A_1099] : memref<2x!tpu.dma_semaphore, #tpu.memory_space<semaphore_mem>> -> memref<1x!tpu.dma_semaphore, #tpu.memory_space<semaphore_mem>>
    %dma_wait3A_1107 = tpu.memref_squeeze %dma_wait3A_1106 : memref<1x!tpu.dma_semaphore, #tpu.memory_space<semaphore_mem>> -> memref<!tpu.dma_semaphore, #tpu.memory_space<semaphore_mem>>
    %dma_wait3A_1108 = arith.constant 0 : i32
    %dma_wait3A_1109 = tpu.memref_slice %arg5[%mul3A_2, %dma_wait3A_1108] : memref<16384x4096xf32, #tpu.memory_space<hbm>> -> memref<8x4096xf32, #tpu.memory_space<hbm>>
    %dma_wait3A_1110 = arith.constant 0 : i32
    %dma_wait3A_1111 = arith.constant 0 : i32
    %dma_wait3A_1112 = tpu.memref_slice %arg8[%dma_wait3A, %dma_wait3A_1110, %dma_wait3A_1111] : memref<2x8x4096xf32, #tpu.memory_space<vmem>> -> memref<1x8x4096xf32, #tpu.memory_space<vmem>>
    %dma_wait3A_1113 = tpu.memref_squeeze %dma_wait3A_1112 : memref<1x8x4096xf32, #tpu.memory_space<vmem>> -> memref<8x4096xf32, #tpu.memory_space<vmem>>
    tpu.wait_dma2 semaphore(%dma_wait3A_1107 : memref<!tpu.dma_semaphore, #tpu.memory_space<semaphore_mem>>) src(%dma_wait3A_1113 : memref<8x4096xf32, #tpu.memory_space<vmem>>) dst(%dma_wait3A_1109 : memref<8x4096xf32, #tpu.memory_space<hbm>>)
    %dma_wait3A_1114 = arith.constant 1 : i32
    %dma_wait3A_1115 = arith.constant 1 : i32
    %dma_wait3A_1116 = arith.constant 0 : i32
    %dma_wait3A_1117 = arith.constant 0 : i32
    %dma_wait3A_1118 = tpu.memref_slice %arg8[%dma_wait3A_1114, %dma_wait3A_1116, %dma_wait3A_1117] : memref<2x8x4096xf32, #tpu.memory_space<vmem>> -> memref<1x8x4096xf32, #tpu.memory_space<vmem>>
    %dma_wait3A_1119 = tpu.memref_squeeze %dma_wait3A_1118 : memref<1x8x4096xf32, #tpu.memory_space<vmem>> -> memref<8x4096xf32, #tpu.memory_space<vmem>>
    %dma_wait3A_1120 = arith.constant 0 : i32
    %dma_wait3A_1121 = tpu.memref_slice %arg5[%mul3A_2, %dma_wait3A_1120] : memref<16384x4096xf32, #tpu.memory_space<hbm>> -> memref<8x4096xf32, #tpu.memory_space<hbm>>
    %dma_wait3A_1122 = tpu.memref_slice %arg12[%dma_wait3A_1115] : memref<2x!tpu.dma_semaphore, #tpu.memory_space<semaphore_mem>> -> memref<1x!tpu.dma_semaphore, #tpu.memory_space<semaphore_mem>>
    %dma_wait3A_1123 = tpu.memref_squeeze %dma_wait3A_1122 : memref<1x!tpu.dma_semaphore, #tpu.memory_space<semaphore_mem>> -> memref<!tpu.dma_semaphore, #tpu.memory_space<semaphore_mem>>
    %dma_wait3A_1124 = arith.constant 0 : i32
    %dma_wait3A_1125 = tpu.memref_slice %arg5[%mul3A_2, %dma_wait3A_1124] : memref<16384x4096xf32, #tpu.memory_space<hbm>> -> memref<8x4096xf32, #tpu.memory_space<hbm>>
    %dma_wait3A_1126 = arith.constant 0 : i32
    %dma_wait3A_1127 = arith.constant 0 : i32
    %dma_wait3A_1128 = tpu.memref_slice %arg8[%dma_wait3A_1114, %dma_wait3A_1126, %dma_wait3A_1127] : memref<2x8x4096xf32, #tpu.memory_space<vmem>> -> memref<1x8x4096xf32, #tpu.memory_space<vmem>>
    %dma_wait3A_1129 = tpu.memref_squeeze %dma_wait3A_1128 : memref<1x8x4096xf32, #tpu.memory_space<vmem>> -> memref<8x4096xf32, #tpu.memory_space<vmem>>
    tpu.wait_dma2 semaphore(%dma_wait3A_1123 : memref<!tpu.dma_semaphore, #tpu.memory_space<semaphore_mem>>) src(%dma_wait3A_1129 : memref<8x4096xf32, #tpu.memory_space<vmem>>) dst(%dma_wait3A_1125 : memref<8x4096xf32, #tpu.memory_space<hbm>>)
    return
  }
}

</mosaic_0001>

<sc_bundles>
// kernel: kernel.3.cloned.1.call-start
scs
__scs_entry_jumppad:
0x0: {  	(pc) =	sbr.rel $0x88, $3  }
0x1: {  	(tag) =	ssettag $0x0;
	lr =	simm.s32 $0x1  }
0x2: {  	[smem:$0x3F9F] =	sst lr;
	_ =	strace $0xD0000000  }
0x3: {  	_ = 	snop  }
0x4: {  	_ = 	snop  }
0x5: {  	_ = 	snop  }
0x6: {  	_ = 	snop  }
0x7: {  	_ = 	snop  }
__scs_overlays_trampoline_lowered:
0x8: {  	[smem:$0x3FAE] =	sst s0  }
0x9: {  	[smem:$0x3FAF] =	sst s1  }
0xa: {  	[smem:$0x3FB0] =	sst s2  }
0xb: {  	[smem:$0x3FB1] =	sst s3  }
0xc: {  	[smem:$0x3FB2] =	sst s4  }
0xd: {  	[smem:$0x3FB3] =	sst s5  }
0xe: {  	[smem:$0x3FB4] =	sst s6  }
0xf: {  	[smem:$0x3FB5] =	sst s7  }
0x10: {  	[smem:$0x3FB6] =	sst s8  }
0x11: {  	[smem:$0x3FB7] =	sst s9;
	s0 =	simm.s32 @!p0 $0x0  }
0x12: {  	s1 =	sld [smem:$0x3F9D];
	s0 =	simm.s32 @p0 $0x1  }
0x13: {  	[smem:$0x3FB8] =	sst s0;
	s0 =	simm.s32 @!p1 $0x0  }
0x14: {  	s2 =	sld [smem:$0x3F9C];
	s0 =	simm.s32 @p1 $0x1  }
0x15: {  	[smem:$0x3FB9] =	sst s0;
	s0 =	simm.s32 @!p2 $0x0  }
0x16: {  	s3 =	sld [smem:$0x3FDB];
	s0 =	simm.s32 @p2 $0x1  }
0x17: {  	s4 =	simm.s32 $0x1BF5;
	[smem:$0x3FBB] =	sst s0  }
0x18: {  	s0 =	sld [smem:$0x3F9E];
	_ =	swait.ge [sflag:s4], $0x0  }
0x19: {  	s7 =	sld [smem:$0x3F9F]  }
0x1a: {  	s8 =	sadd.s32 $0xFFFFE003, lr  }
0x1b: {  	s9 =	sadd.s32 $0xFFFFFEF7, lr;
	s5 =	simm.s32 $0xFFFFFFFF;
	p2 =	slt.u32 s8, $0xFFFFF086  }
0x1c: {  	p1 =	slt.u32 s9, $0xF7A;
	s5 =	simm.s32 @!p2 $0x0  }
0x1d: {  	s5 =	simm.s32 @p1 $0x1;
	p0 =	seq.s32 s7, s2  }
0x1e: {  	s7 =	smul.u32 @!p0 $0xF7A, s2;
	p2 =	seq.s32 @!p0 s5, $0x0  }
0x1f: {  	s9 =	smul.u32 $0xF7A, s1;
	s8 =	simm.s32 @!p0 $0x1BF5;
	p2 =	por !p2, p0  }
0x20: {  	[sflag:s8] =	ssyncset.s32 @!p0 $0xFFFFF086;
	s6 =	sadd.s32 @!p0 s3, s7;
	s7 =	simm.s32 @!p0 $0x108  }
0x21: {  	s3 =	sadd.s32 s3, s9;
	s6 =	sadd.s32 @!p0 $0x88, s6;
	s7 =	simm.s32 @p2 $0x1082  }
0x22: {  	[simem:s7], [sflag:s8] =	dma.local @!p0 [hbm:s6], $0xF7A  }
0x23: {  	s9 =	sor.u32 $0xD0000000, s2;
	s6 =	simm.s32 $0x108;
	_ =	swait.ge @!p0 [sflag:s8], $0x0  }
0x24: {  	s3 =	sadd.s32 $0x88, s3;
	s6 =	simm.s32 @!p1 $0x1082;
	[sflag:s4] =	ssyncset.s32 $0xFFFFF086  }
0x25: {  	[simem:s6], [sflag:s4] =	dma.local [hbm:s3], $0xF7A  }
0x26: {  	[smem:$0x3F9F] =	sst s1;
	(tag) =	ssettag s2;
	_ =	strace s9  }
0x27: {  	s1 =	sld [smem:$0x3FAF]  }
0x28: {  	s2 =	sld [smem:$0x3FB0]  }
0x29: {  	s4 =	sld [smem:$0x3FB2]  }
0x2a: {  	p0 =	seq.s32 s5, $0x0;
	s5 =	sld [smem:$0x3FB3]  }
0x2b: {  	s6 =	sld [smem:$0x3FB4]  }
0x2c: {  	s7 =	sld [smem:$0x3FB5]  }
0x2d: {  	s3 =	simm.s32 $0x108;
	s8 =	sld [smem:$0x3FB6]  }
0x2e: {  	s3 =	simm.s32 @!p0 $0x1082;
	s9 =	sld [smem:$0x3FB7]  }
0x2f: {  	lr =	sadd.s32 s0, s3;
	s0 =	sld [smem:$0x3FAE]  }
0x30: {  	s3 =	sld [smem:$0x3FB1]  }
0x31: {  	[smem:$0x3FBA] =	sst s10  }
0x32: {  	s10 =	sld [smem:$0x3FB8];
	_ =	sdelay $0x3  }
0x33: {  	p0 =	seq.s32 s10, $0x1;
	s10 =	sld [smem:$0x3FBA];
	_ =	sdelay $0x3  }
0x34: {  	[smem:$0x3FBA] =	sst s10  }
0x35: {  	s10 =	sld [smem:$0x3FB9];
	_ =	sdelay $0x3  }
0x36: {  	p1 =	seq.s32 s10, $0x1;
	s10 =	sld [smem:$0x3FBA];
	_ =	sdelay $0x3  }
0x37: {  	[smem:$0x3FBA] =	sst s10  }
0x38: {  	s10 =	sld [smem:$0x3FBB]  }
0x39: {  	_ = 	snop;
	(pc) =	sbr.ind lr, $3  }
0x3a: {  	_ = 	snop  }
0x3b: {  	_ = 	snop  }
0x3c: {  	p2 =	seq.s32 s10, $0x1;
	s10 =	sld [smem:$0x3FBA]  }
0x3d: {  	_ =	shalt  }
0x3e: {  	_ =	shalt  }
0x3f: {  	_ =	shalt  }
0x40: {  	_ =	shalt  }
0x41: {  	_ =	shalt  }
0x42: {  	_ =	shalt  }
0x43: {  	_ =	shalt  }
0x44: {  	_ =	shalt  }
0x45: {  	_ =	shalt  }
0x46: {  	_ =	shalt  }
0x47: {  	_ =	shalt  }
0x48: {  	_ =	shalt  }
0x49: {  	_ =	shalt  }
0x4a: {  	_ =	shalt  }
0x4b: {  	_ =	shalt  }
0x4c: {  	_ =	shalt  }
0x4d: {  	_ =	shalt  }
0x4e: {  	_ =	shalt  }
0x4f: {  	_ =	shalt  }
0x50: {  	_ =	shalt  }
0x51: {  	_ =	shalt  }
0x52: {  	_ =	shalt  }
0x53: {  	_ =	shalt  }
0x54: {  	_ =	shalt  }
0x55: {  	_ =	shalt  }
0x56: {  	_ =	shalt  }
0x57: {  	_ =	shalt  }
0x58: {  	_ =	shalt  }
0x59: {  	_ =	shalt  }
0x5a: {  	_ =	shalt  }
0x5b: {  	_ =	shalt  }
0x5c: {  	_ =	shalt  }
0x5d: {  	_ =	shalt  }
0x5e: {  	_ =	shalt  }
0x5f: {  	_ =	shalt  }
0x60: {  	_ =	shalt  }
0x61: {  	_ =	shalt  }
0x62: {  	_ =	shalt  }
0x63: {  	_ =	shalt  }
0x64: {  	_ =	shalt  }
0x65: {  	_ =	shalt  }
0x66: {  	_ =	shalt  }
0x67: {  	_ =	shalt  }
0x68: {  	_ =	shalt  }
0x69: {  	_ =	shalt  }
0x6a: {  	_ =	shalt  }
0x6b: {  	_ =	shalt  }
0x6c: {  	_ =	shalt  }
0x6d: {  	_ =	shalt  }
0x6e: {  	_ =	shalt  }
0x6f: {  	_ =	shalt  }
0x70: {  	_ =	shalt  }
0x71: {  	_ =	shalt  }
0x72: {  	_ =	shalt  }
0x73: {  	_ =	shalt  }
0x74: {  	_ =	shalt  }
0x75: {  	_ =	shalt  }
0x76: {  	_ =	shalt  }
0x77: {  	_ =	shalt  }
0x78: {  	_ =	shalt  }
0x79: {  	_ =	shalt  }
0x7a: {  	_ =	shalt  }
0x7b: {  	_ =	shalt  }
0x7c: {  	_ =	shalt  }
0x7d: {  	_ =	shalt  }
0x7e: {  	_ =	shalt  }
0x7f: {  	_ =	shalt  }
0x80: {  	_ =	shalt  }
0x81: {  	_ =	shalt  }
0x82: {  	_ =	shalt  }
0x83: {  	_ =	shalt  }
0x84: {  	_ =	shalt  }
0x85: {  	_ =	shalt  }
0x86: {  	_ =	shalt  }
0x87: {  	_ =	shalt  }
.Lfunc_end0:
.L_simem_size_0:
called_computation_lowered:
.L_overlay_start_0:
0x88: {  	s2 =	sld [smem:$0x3FD9]  }
0x89: {  	s3 =	sld [smem:$0x3FFE];
	_ =	sdelay $0x1  }
0x8a: {  	s1 =	srdreg.scid  }
0x8b: {  	s0 =	sand.u32 $0x1, s1  }
0x8c: {  	s17 =	sshll.u32 s0, $0xA;
	s2 =	sadd.s32 s3, s2  }
0x8d: {  	s2 =	sadd.s32 s2, s17  }
0x8e: {  	[smem:$0x3FC6] =	sst s2  }
0x8f: {  	_ = 	snop  }
0x90: {  	s2 =	sld [smem:$0x3FC9]  }
0x91: {  	s18 =	sld [smem:$0x3FC8]  }
0x92: {  	s4 =	sld [smem:$0x3FD0];
	(tm) =	ssettm $0x1  }
0x93: {  	s5 =	sld [smem:$0x3FFB];
	_ =	sdelay $0x3  }
0x94: {  	_ =	strace s5  }
0x95: {  	s5 =	sld [smem:$0x3FFC];
	_ =	sdelay $0x3  }
0x96: {  	_ =	strace s5  }
0x97: {  	s5 =	sld [smem:$0x3FFD];
	_ =	sdelay $0x3  }
0x98: {  	_ =	strace s5  }
0x99: {  	_ =	strace $0x8FFFFFFF  }
0x9a: {  	s19 =	sld [smem:$0x3FDB];
	_ =	sdelay $0x1  }
0x9b: {  	s6 =	simm.s32 $_scs_section_size  }
0x9c: {  	s7 =	simm.s32 $_size__tile_overlayer_lowered;
	s8 =	simm.s32 $_tile_overlayer_lowered  }
0x9d: {  	s22 =	simm.s32 $0x1BFF;
	s21 =	sshll.u32 s8, $0x1;
	s5 =	sadd.s32 s6, s19  }
0x9e: {  	s9 =	simm.s32 $0x0;
	s20 =	sshll.u32 s7, $0x1;
	s7 =	sadd.s32 s21, s5  }
0x9f: {  	[timem:s9], [sflag:s22] =	dma.local [hbm:s7], s20  }
0xa0: {  	_ =	swait.ge [sflag:s22], s20  }
0xa1: {  	s6 =	ssub.s32 $0x0, s20;
	[sflag:s22] =	ssyncset.done $0x0  }
0xa2: {  	[sflag:s22] =	ssyncadd.s32 s6;
	_ =	sdelay $0x1  }
0xa3: {  	s23 =	simm.s32 $0x1B8B  }
0xa4: {  	_ =	swait.ge [sflag:s23], $0x1  }
0xa5: {  	[sflag:s23] =	ssyncset.done $0x0  }
0xa6: {  	s25 =	simm.s32 $0x1B8E;
	s24 =	sld [smem:$0x3FFE];
	[sflag:s23] =	ssyncadd.s32 $0xFFFFFFFF  }
0xa7: {  	s26 =	simm.s32 $execute0_lowered;
	[smem:$0x3FD2] =	sst s25  }
0xa8: {  	s7 =	sshll.u32 s26, $0x1;
	_ =	strace $0x80000046;
	[dreg:$0x1] =	wrdreg $0xFFFFFFFF  }
0xa9: {  	s28 =	simm.s32 $_size_execute0_lowered;
	s5 =	sadd.s32 s5, s7;
	[dreg:$0x0] =	wrdreg $0x0  }
0xaa: {  	s7 =	sshll.u32 s28, $0x1;
	[dreg:$0x2] =	wrdreg s5  }
0xab: {  	[dreg:$0x3] =	wrdreg s7  }
0xac: {  	[dreg:$0x4] =	wrdreg $0xC0  }
0xad: {  	_ =	task [dreg:s9], $0x5FFFF  }
0xae: {  	[dreg:$0x1] =	wrdreg $0xFFFFFFFF  }
0xaf: {  	[dreg:$0x0] =	wrdreg $0x60  }
0xb0: {  	[dreg:$0x2] =	wrdreg s2  }
0xb1: {  	[dreg:$0x3] =	wrdreg s24  }
0xb2: {  	[dreg:$0x4] =	wrdreg s18  }
0xb3: {  	[dreg:$0x5] =	wrdreg s4  }
0xb4: {  	[dreg:$0x6] =	wrdreg $0x103000  }
0xb5: {  	[dreg:$0x7] =	wrdreg $0x9  }
0xb6: {  	_ =	task.clear_ibuf [dreg:s9], $0x8FFFF;
	_ =	strace $0x90000046  }
0xb7: {  	s29 =	simm.s32 $0x9;
	_ =	strace $0x80000048  }
0xb8: {  	_ =	swait.ge [sflag:s29], $0x1  }
0xb9: {  	[sflag:s29] =	ssyncadd.s32 $0xFFFFFFFF  }
0xba: {  	_ =	strace $0x90000048  }
0xbb: {  	_ =	sfence  }
0xbc: {  	s30 =	sld [smem:$0x0];
	_ =	sdelay $0x2  }
0xbd: {  	s31 =	sshll.u32 s1, $0xD;
	s1 =	sshrl.u32 s1, $0x2  }
0xbe: {  	s3 =	sand.u32 $0x4000, s31;
	s1 =	sadd.s32 s1, s30  }
0xbf: {  	s0 =	sor.u32 s3, s0;
	s1 =	sshll.u32 s1, $0x11  }
0xc0: {  	s0 =	sor.u32 s1, s0  }
0xc1: {  	s0 =	sadd.s32 $0x8F2B, s0  }
0xc2: {  	[sflag:s0] =	ssyncadd.remote.s32 $0x1  }
0xc3: {  	_ =	sfence.sel $0xFFFF  }
0xc4: {  	[dreg:$0x0] =	wrdreg $0xFFFFFFFF;
	(pc) =	sbr.abs _section_cstart, $3  }
0xc5: {  	[dreg:$0x1] =	wrdreg $0xFFFFFFFF  }
0xc6: {  	_ =	task.clear_ibuf [dreg:s9], $0x2FFFF;
	_ =	strace $0x9FFFFFFF  }
0xc7: {  	(tm) =	ssettm $0x7FFFFFFF  }
tec
execute0_lowered:
.L_overlay_start_1:
0x0: {  	(tag) =	ssettag $0x1  }
0x1: {  	s0 =	rddreg [dreg:$0x0]  }
0x2: {  	s1 =	rddreg [dreg:$0x1]  }
0x3: {  	s23 =	rddreg [dreg:$0x2]  }
0x4: {  	s21 =	rddreg [dreg:$0x3];
	s2 =	srdreg.scid  }
0x5: {  	s20 =	stileid.u32;
	s4 =	rddreg [dreg:$0x4];
	s5 =	simm.s32 $0x0  }
0x6: {  	s2 =	sand.u32 $0x1, s2;
	[smem:$0x7FF] =	sst s5;
	s26 =	sadd.s32 $0x500, s23  }
0x7: {  	s10 =	sadd.s32 $0x300, s23;
	_ =	strace $0x80000047;
	[smem:$0x7AB] =	sst s26  }
0x8: {  	s3 =	sshll.u32 s20, $0x1;
	s11 =	sadd.s32 $0x400, s23;
	[smem:$0x7F2] =	sst s10  }
0x9: {  	s22 =	sshll.u32 s20, $0xC;
	s12 =	sadd.s32 $0x600, s23;
	[smem:$0x7F3] =	sst s11  }
0xa: {  	s24 =	sshll.u32 s20, $0xF;
	s15 =	sadd.s32 $0x700, s23;
	[smem:$0x7F4] =	sst s12  }
0xb: {  	s16 =	sadd.s32 $0x800, s23;
	s17 =	sadd.s32 $0x900, s23;
	[smem:$0x7F5] =	sst s15  }
0xc: {  	s18 =	sadd.s32 $0xA00, s23;
	s3 =	sor.u32 s2, s3;
	[smem:$0x7F6] =	sst s16  }
0xd: {  	s7 =	ssub.s32 $0x2, s2;
	s25 =	sadd.s32 s24, s4;
	[smem:$0x7F7] =	sst s17  }
0xe: {  	s24 =	sadd.s32 $0x200, s23;
	s4 =	sshll.u32 s20, $0x13;
	[smem:$0x7F8] =	sst s18  }
0xf: {  	s20 =	sadd.s32 $0xC00, s23;
	s26 =	sadd.s32 $0xF00, s23;
	[smem:$0x7F1] =	sst s24  }
0x10: {  	s6 =	smul.u32 $0x18, s3;
	s9 =	sshll.u32 s3, $0x6;
	[smem:$0x7FA] =	sst s20  }
0x11: {  	s8 =	sshrl.u32 s7, $0x1;
	[smem:$0x7FD] =	sst s26;
	s0 =	sadd.s32 s0, s9  }
0x12: {  	s14 =	ssub.s32 s7, s8;
	s7 =	sadd.s32 $0x100, s23;
	[dreg:$0x6] =	wrdreg s0  }
0x13: {  	s0 =	sadd.s32 s23, s22;
	[smem:$0x7F0] =	sst s7  }
0x14: {  	s1 =	sadd.s32 s6, s1;
	s6 =	smax.u32 s14, $0x1;
	[dreg:$0x8] =	wrdreg s0  }
0x15: {  	s22 =	sadd.s32 $0xD00, s23;
	[dreg:$0xb] =	wrdreg s6  }
0x16: {  	s2 =	sshll.u32 s2, $0x12;
	s19 =	sadd.s32 $0x400, s1;
	[smem:$0x7FB] =	sst s22  }
0x17: {  	s3 =	sshll.u32 s3, $0x12;
	s0 =	sshrl.u32 s25, $0x3;
	[dreg:$0x7] =	wrdreg s19  }
0x18: {  	s1 =	sor.u32 s2, s4;
	s2 =	sadd.s32 s21, s3;
	[dreg:$0xc] =	wrdreg s0  }
0x19: {  	[dreg:$0xa] =	wrdreg s2  }
0x1a: {  	s21 =	sadd.s32 $0xE00, s23;
	[dreg:$0x9] =	wrdreg s1  }
0x1b: {  	s8 =	sadd.s32 $0x10, s2;
	[smem:$0x7FC] =	sst s21  }
0x1c: {  	s9 =	sadd.s32 $0x20, s2;
	[dreg:$0xd] =	wrdreg s8  }
0x1d: {  	s13 =	sadd.s32 $0x30, s2;
	[dreg:$0xe] =	wrdreg s9  }
0x1e: {  	s14 =	sadd.s32 $0x40, s2;
	[dreg:$0xf] =	wrdreg s13  }
0x1f: {  	s19 =	sadd.s32 $0xB00, s23;
	s23 =	sadd.s32 $0x50, s2;
	[dreg:$0x10] =	wrdreg s14  }
0x20: {  	s25 =	sadd.s32 $0x60, s2;
	[dreg:$0x11] =	wrdreg s23  }
0x21: {  	s3 =	sadd.s32 $0x70, s2;
	[dreg:$0x12] =	wrdreg s25  }
0x22: {  	s4 =	sadd.s32 $0x1000, s2;
	[dreg:$0x13] =	wrdreg s3  }
0x23: {  	s6 =	sadd.s32 $0x1010, s2;
	[dreg:$0x14] =	wrdreg s4  }
0x24: {  	[dreg:$0x15] =	wrdreg s6  }
0x25: {  	s8 =	sadd.s32 $0x1020, s2;
	[smem:$0x7F9] =	sst s19  }
0x26: {  	s9 =	sadd.s32 $0x1030, s2;
	[dreg:$0x16] =	wrdreg s8  }
0x27: {  	s13 =	sadd.s32 $0x1040, s2;
	[dreg:$0x17] =	wrdreg s9  }
0x28: {  	s14 =	sadd.s32 $0x1050, s2;
	[dreg:$0x18] =	wrdreg s13  }
0x29: {  	s23 =	sadd.s32 $0x1060, s2;
	[dreg:$0x19] =	wrdreg s14  }
0x2a: {  	s25 =	sadd.s32 $0x1070, s2;
	[dreg:$0x1a] =	wrdreg s23  }
0x2b: {  	s3 =	sadd.s32 $0x2000, s2;
	[dreg:$0x1b] =	wrdreg s25  }
0x2c: {  	s4 =	sadd.s32 $0x2010, s2;
	[dreg:$0x1c] =	wrdreg s3  }
0x2d: {  	s6 =	sadd.s32 $0x2020, s2;
	[dreg:$0x1d] =	wrdreg s4  }
0x2e: {  	[dreg:$0x1e] =	wrdreg s6;
	s8 =	sadd.s32 $0x2030, s2  }
0x2f: {  	s9 =	sadd.s32 $0x2040, s2;
	[dreg:$0x1f] =	wrdreg s8  }
0x30: {  	s13 =	sadd.s32 $0x2050, s2;
	[smem:$0x7AC] =	sst s9  }
0x31: {  	s14 =	sadd.s32 $0x2060, s2;
	[smem:$0x7AD] =	sst s13  }
0x32: {  	s23 =	sadd.s32 $0x2070, s2;
	[smem:$0x7AE] =	sst s14  }
0x33: {  	s25 =	sadd.s32 $0x3000, s2;
	[smem:$0x7AF] =	sst s23  }
0x34: {  	s3 =	sadd.s32 $0x3010, s2;
	[smem:$0x7B0] =	sst s25  }
0x35: {  	s4 =	sadd.s32 $0x3020, s2;
	[smem:$0x7B1] =	sst s3  }
0x36: {  	s6 =	sadd.s32 $0x3030, s2;
	[smem:$0x7B2] =	sst s4  }
0x37: {  	[smem:$0x7B3] =	sst s6;
	s8 =	sadd.s32 $0x3040, s2  }
0x38: {  	s9 =	sadd.s32 $0x3050, s2;
	[smem:$0x7B4] =	sst s8  }
0x39: {  	s13 =	sadd.s32 $0x3060, s2;
	[smem:$0x7B5] =	sst s9  }
0x3a: {  	s14 =	sadd.s32 $0x3070, s2;
	[smem:$0x7B6] =	sst s13  }
0x3b: {  	s23 =	sadd.s32 $0x4000, s2;
	[smem:$0x7B7] =	sst s14  }
0x3c: {  	s25 =	sadd.s32 $0x4010, s2;
	[smem:$0x7B8] =	sst s23  }
0x3d: {  	s3 =	sadd.s32 $0x4020, s2;
	[smem:$0x7B9] =	sst s25  }
0x3e: {  	s4 =	sadd.s32 $0x4030, s2;
	[smem:$0x7BA] =	sst s3  }
0x3f: {  	s6 =	sadd.s32 $0x4040, s2;
	[smem:$0x7BB] =	sst s4  }
0x40: {  	[smem:$0x7BC] =	sst s6;
	s8 =	sadd.s32 $0x4050, s2  }
0x41: {  	s9 =	sadd.s32 $0x4060, s2;
	[smem:$0x7BD] =	sst s8  }
0x42: {  	s13 =	sadd.s32 $0x4070, s2;
	[smem:$0x7BE] =	sst s9  }
0x43: {  	s14 =	sadd.s32 $0x5000, s2;
	[smem:$0x7BF] =	sst s13  }
0x44: {  	s23 =	sadd.s32 $0x5010, s2;
	[smem:$0x7C0] =	sst s14  }
0x45: {  	s25 =	sadd.s32 $0x5020, s2;
	[smem:$0x7C1] =	sst s23  }
0x46: {  	s3 =	sadd.s32 $0x5030, s2;
	[smem:$0x7C2] =	sst s25  }
0x47: {  	s4 =	sadd.s32 $0x5040, s2;
	[smem:$0x7C3] =	sst s3  }
0x48: {  	s6 =	sadd.s32 $0x5050, s2;
	[smem:$0x7C4] =	sst s4  }
0x49: {  	[smem:$0x7C5] =	sst s6;
	s8 =	sadd.s32 $0x5060, s2  }
0x4a: {  	s9 =	sadd.s32 $0x5070, s2;
	[smem:$0x7C6] =	sst s8  }
0x4b: {  	s13 =	sadd.s32 $0x6000, s2;
	[smem:$0x7C7] =	sst s9  }
0x4c: {  	s14 =	sadd.s32 $0x6010, s2;
	[smem:$0x7C8] =	sst s13  }
0x4d: {  	s23 =	sadd.s32 $0x6020, s2;
	[smem:$0x7C9] =	sst s14  }
0x4e: {  	s25 =	sadd.s32 $0x6030, s2;
	[smem:$0x7CA] =	sst s23  }
0x4f: {  	s3 =	sadd.s32 $0x6040, s2;
	[smem:$0x7CB] =	sst s25  }
0x50: {  	s4 =	sadd.s32 $0x6050, s2;
	[smem:$0x7CC] =	sst s3  }
0x51: {  	s6 =	sadd.s32 $0x6060, s2;
	[smem:$0x7CD] =	sst s4  }
0x52: {  	[smem:$0x7CE] =	sst s6;
	s8 =	sadd.s32 $0x6070, s2  }
0x53: {  	s9 =	sadd.s32 $0x7000, s2;
	[smem:$0x7CF] =	sst s8  }
0x54: {  	s13 =	sadd.s32 $0x7010, s2;
	[smem:$0x7D0] =	sst s9  }
0x55: {  	s14 =	sadd.s32 $0x7020, s2;
	[smem:$0x7D1] =	sst s13  }
0x56: {  	s23 =	sadd.s32 $0x7030, s2;
	[smem:$0x7D2] =	sst s14  }
0x57: {  	s25 =	sadd.s32 $0x7040, s2;
	[smem:$0x7D3] =	sst s23  }
0x58: {  	s3 =	sadd.s32 $0x7050, s2;
	[smem:$0x7D4] =	sst s25  }
0x59: {  	s4 =	sadd.s32 $0x7060, s2;
	[smem:$0x7D5] =	sst s3  }
0x5a: {  	s6 =	sadd.s32 $0x7070, s2;
	[smem:$0x7D6] =	sst s4  }
0x5b: {  	[smem:$0x7D7] =	sst s6;
	s8 =	sadd.s32 $0x8000, s2  }
0x5c: {  	s9 =	sadd.s32 $0x8010, s2;
	[smem:$0x7D8] =	sst s8  }
0x5d: {  	s13 =	sadd.s32 $0x8020, s2;
	[smem:$0x7D9] =	sst s9  }
0x5e: {  	s14 =	sadd.s32 $0x8030, s2;
	[smem:$0x7DA] =	sst s13  }
0x5f: {  	s23 =	sadd.s32 $0x8040, s2;
	[smem:$0x7DB] =	sst s14  }
0x60: {  	s25 =	sadd.s32 $0x8050, s2;
	[smem:$0x7DC] =	sst s23  }
0x61: {  	s3 =	sadd.s32 $0x8060, s2;
	[smem:$0x7DD] =	sst s25  }
0x62: {  	s4 =	sadd.s32 $0x8070, s2;
	[smem:$0x7DE] =	sst s3  }
0x63: {  	s6 =	sadd.s32 $0x9000, s2;
	[smem:$0x7DF] =	sst s4  }
0x64: {  	[smem:$0x7E0] =	sst s6;
	s8 =	sadd.s32 $0x9010, s2  }
0x65: {  	s9 =	sadd.s32 $0x9020, s2;
	[smem:$0x7E1] =	sst s8  }
0x66: {  	s13 =	sadd.s32 $0x9030, s2;
	[smem:$0x7E2] =	sst s9  }
0x67: {  	s14 =	sadd.s32 $0x9040, s2;
	[smem:$0x7E3] =	sst s13  }
0x68: {  	s23 =	sadd.s32 $0x9050, s2;
	[smem:$0x7E4] =	sst s14  }
0x69: {  	s25 =	sadd.s32 $0x9060, s2;
	[smem:$0x7E5] =	sst s23  }
0x6a: {  	s3 =	sadd.s32 $0x9070, s2;
	[smem:$0x7E6] =	sst s25  }
0x6b: {  	s28 =	simm.s32 $0x2300;
	s4 =	sor.u32 $0x28000, s1;
	[smem:$0x7E7] =	sst s3  }
0x6c: {  	s29 =	simm.s32 $0x2B00;
	s6 =	sor.u32 $0x2A000, s1;
	[smem:$0x7E8] =	sst s4  }
0x6d: {  	s30 =	simm.s32 $0x3300;
	[smem:$0x7E9] =	sst s6;
	s8 =	sor.u32 $0x12000, s1  }
0x6e: {  	s31 =	simm.s32 $0x3B00;
	s9 =	sor.u32 $0x10000, s1;
	[smem:$0x7EA] =	sst s8  }
0x6f: {  	s13 =	sor.u32 $0x2C000, s1;
	s14 =	sor.u32 $0xE000, s1;
	[smem:$0x7EB] =	sst s9  }
.Ltmp0:
0x70: {  	s23 =	sor.u32 $0xC000, s1;
	[smem:$0x7EC] =	sst s13;
	(pc) =	sbr.rel .LBB2_1-.Ltmp0, $4  }
0x71: {  	s25 =	sor.u32 $0xA000, s1;
	s6 =	simm.s32 $0x1300;
	[smem:$0x7ED] =	sst s14  }
0x72: {  	v0 =	vlaneseq.u32;
	s4 =	simm.s32 $0x5B00;
	s1 =	simm.s32 $0x0;
	[smem:$0x7EE] =	sst s23  }
0x73: {  	v1 =	vshrl.u32 v0, $0x3;
	[smem:$0x7EF] =	sst s25;
	s9 =	simm.s32 $0xB00;
	s23 =	simm.s32 $0x1B00  }
0x74: {  	vm0 =	vmmov $0xffff;
	v0 =	vand.u32 $0x7, v0;
	v1 =	vmul.u32 $0x8, v1;
	s8 =	simm.s32 $0x6300;
	s25 =	simm.s32 $0x6B00;
	s13 =	simm.s32 $0x8300  }
.LBB2_7:
0x75: {  	_ =	swait.ge [sflag:s6], $0x8000  }
0x76: {  	[sflag:s6] =	ssyncset.done $0x0  }
0x77: {  	[sflag:s6] =	ssyncadd.s32 $0xFFFF8000  }
0x78: {  	[hbm4b:s2+s5] =	stream.linear.scatter [tilespmem:s0], [sflag:$0x9], $0x8000, $0x38;
	[tilespmem:$0x18300] =	vst v63  }
0x79: {  	_ =	swait.ge [sflag:s4], $0x8000  }
0x7a: {  	[sflag:s4] =	ssyncset.done $0x0  }
0x7b: {  	[sflag:s4] =	ssyncadd.s32 $0xFFFF8000  }
0x7c: {  	_ =	swait.ge [sflag:s7], $0x8000  }
0x7d: {  	s1 =	sld [smem:$0x7A4];
	_ =	sdelay $0x1  }
0x7e: {  	s9 =	simm.s32 $0xB00  }
0x7f: {  	s23 =	simm.s32 $0x1B00;
	s25 =	rddreg [dreg:$0xb];
	s1 =	sadd.s32 $0x1, s1  }
0x80: {  	s28 =	simm.s32 $0x2300;
	s29 =	simm.s32 $0x2B00;
	p0 =	sne.s32 s1, s25  }
.Ltmp1:
0x81: {  	s13 =	simm.s32 $0x8300;
	s30 =	simm.s32 $0x3300;
	(pc) =	sbr.rel @!p0 .LBB2_8-.Ltmp1, $4  }
0x82: {  	s31 =	simm.s32 $0x3B00;
	s8 =	simm.s32 $0x6300;
	[sflag:s7] =	ssyncset.done $0x0  }
0x83: {  	s6 =	simm.s32 $0x1300;
	s4 =	simm.s32 $0x5B00;
	[sflag:s7] =	ssyncadd.s32 $0xFFFF8000  }
0x84: {  	s7 =	smov.u32 s24;
	s24 =	smov.u32 s10;
	s10 =	smov.u32 s11  }
0x85: {  	s11 =	smov.u32 s12;
	s12 =	smov.u32 s14;
	s25 =	simm.s32 $0x6B00  }
.LBB2_1:
0x86: {  	[smem:$0x7A4] =	sst s1  }
0x87: {  	s0 =	rddreg [dreg:$0x6]  }
0x88: {  	s14 =	smov.u32 s12;
	s12 =	smov.u32 s11;
	s11 =	smov.u32 s10  }
0x89: {  	s10 =	smov.u32 s24;
	s24 =	smov.u32 s7;
	s7 =	simm.s32 $0xA  }
0x8a: {  	[tilespmem:s5], [sflag:$0xA] =	stream.linear.gather [hbm4b:s0+s5], $0x200, $0x38;
	[tilespmem:$0x18300] =	vst v63  }
0x8b: {  	_ =	swait.ge [sflag:s7], $0x200  }
0x8c: {  	[sflag:s7] =	ssyncset.done $0x0  }
0x8d: {  	s3 =	simm.s32 $0x200;
	s2 =	rddreg [dreg:$0x7];
	[sflag:s7] =	ssyncadd.s32 $0xFFFFFE00  }
0x8e: {  	[tilespmem:s3], [sflag:$0xA] =	stream.linear.gather [hbm4b:s2+s5], $0xC0, $0x38;
	[tilespmem:$0x18300] =	vst v63  }
0x8f: {  	s2 =	stileid.u32;
	_ =	swait.ge [sflag:s7], $0xC0  }
0x90: {  	s1 =	sshll.u32 s2, $0x6;
	[sflag:s7] =	ssyncset.done $0x0;
	s2 =	rddreg [dreg:$0x8]  }
0x91: {  	s0 =	sor.u32 $0x1C0A, s1;
	s3 =	rddreg [dreg:$0xc];
	[sflag:s7] =	ssyncadd.s32 $0xFFFFFF40  }
0x92: {  	[spmem:s3], [sflag:s0] =	dma.local [hbm:s2], $0x1000  }
0x93: {  	_ =	swait.ge [sflag:s7], $0x1000  }
0x94: {  	[sflag:s7] =	ssyncset.done $0x0  }
0x95: {  	[sflag:s7] =	ssyncadd.s32 $0xFFFFF000  }
0x96: {  	[bflag:$0x0] =	sbarrier.arrive $0xFFFF  }
0x97: {  	v2 =	vld.msk [tilespmem:$0x200], $0xff;
	_ =	sdelay $0x4  }
0x98: {  	v3 =	vshll.u32 v2, $0x5  }
0x99: {  	v2 =	vand.u32 $0x7, v2;
	v3 =	vand.u32 $0xFFFFFF00, v3  }
0x9a: {  	v2 =	vor.u32 v2, v3  }
0x9b: {  	v2 =	vperm.xlane v2, v0;
	_ =	sdelay $0x1  }
0x9c: {  	v2 =	vadd.s32 v1, v2;
	_ =	sdelay $0x3  }
0x9d: {  	s3 =	simm.s32 $0x300;
	s0 =	rddreg [dreg:$0x2]  }
0x9e: {  	[tilespmem:s3], [sflag:$0x6] =	stream.indirect_vreg.gather [hbm4b:s0+s5], $0x80, v2, vm0, $0xb8;
	[tilespmem:$0x18300] =	vst v63  }
0x9f: {  	_ = 	snop  }
0xa0: {  	[tilespmem:s9], [sflag:$0x6] =	stream.indirect_vreg.gather [hbm4b:s24+s5], $0x80, v2, vm0, $0xb8;
	[tilespmem:$0x18300] =	vst v63  }
0xa1: {  	_ = 	snop  }
0xa2: {  	[tilespmem:s6], [sflag:$0x6] =	stream.indirect_vreg.gather [hbm4b:s10+s5], $0x80, v2, vm0, $0xb8;
	[tilespmem:$0x18300] =	vst v63  }
0xa3: {  	_ = 	snop  }
0xa4: {  	[tilespmem:s23], [sflag:$0x6] =	stream.indirect_vreg.gather [hbm4b:s11+s5], $0x80, v2, vm0, $0xb8;
	[tilespmem:$0x18300] =	vst v63  }
0xa5: {  	s3 =	sld [smem:$0x7AB]  }
0xa6: {  	[tilespmem:s28], [sflag:$0x6] =	stream.indirect_vreg.gather [hbm4b:s12+s5], $0x80, v2, vm0, $0xb8;
	[tilespmem:$0x18300] =	vst v63  }
0xa7: {  	_ = 	snop  }
0xa8: {  	[tilespmem:s29], [sflag:$0x6] =	stream.indirect_vreg.gather [hbm4b:s3+s5], $0x80, v2, vm0, $0xb8;
	[tilespmem:$0x18300] =	vst v63  }
0xa9: {  	_ = 	snop  }
0xaa: {  	[tilespmem:s30], [sflag:$0x6] =	stream.indirect_vreg.gather [hbm4b:s14+s5], $0x80, v2, vm0, $0xb8;
	[tilespmem:$0x18300] =	vst v63  }
0xab: {  	_ = 	snop  }
0xac: {  	[tilespmem:s31], [sflag:$0x6] =	stream.indirect_vreg.gather [hbm4b:s15+s5], $0x80, v2, vm0, $0xb8;
	[tilespmem:$0x18300] =	vst v63  }
0xad: {  	s6 =	simm.s32 $0x4300  }
0xae: {  	[tilespmem:s6], [sflag:$0x6] =	stream.indirect_vreg.gather [hbm4b:s16+s5], $0x80, v2, vm0, $0xb8;
	[tilespmem:$0x18300] =	vst v63  }
0xaf: {  	s7 =	simm.s32 $0x4B00  }
0xb0: {  	[tilespmem:s7], [sflag:$0x6] =	stream.indirect_vreg.gather [hbm4b:s17+s5], $0x80, v2, vm0, $0xb8;
	[tilespmem:$0x18300] =	vst v63  }
0xb1: {  	s9 =	simm.s32 $0x5300  }
0xb2: {  	[tilespmem:s9], [sflag:$0x6] =	stream.indirect_vreg.gather [hbm4b:s18+s5], $0x80, v2, vm0, $0xb8;
	[tilespmem:$0x18300] =	vst v63  }
0xb3: {  	_ = 	snop  }
0xb4: {  	[tilespmem:s4], [sflag:$0x6] =	stream.indirect_vreg.gather [hbm4b:s19+s5], $0x80, v2, vm0, $0xb8;
	[tilespmem:$0x18300] =	vst v63  }
0xb5: {  	_ = 	snop  }
0xb6: {  	[tilespmem:s8], [sflag:$0x6] =	stream.indirect_vreg.gather [hbm4b:s20+s5], $0x80, v2, vm0, $0xb8;
	[tilespmem:$0x18300] =	vst v63  }
0xb7: {  	_ = 	snop  }
0xb8: {  	[tilespmem:s25], [sflag:$0x6] =	stream.indirect_vreg.gather [hbm4b:s22+s5], $0x80, v2, vm0, $0xb8;
	[tilespmem:$0x18300] =	vst v63  }
0xb9: {  	s23 =	simm.s32 $0x7300  }
0xba: {  	[tilespmem:s23], [sflag:$0x6] =	stream.indirect_vreg.gather [hbm4b:s21+s5], $0x80, v2, vm0, $0xb8;
	[tilespmem:$0x18300] =	vst v63  }
0xbb: {  	s25 =	simm.s32 $0x7B00  }
0xbc: {  	[tilespmem:s25], [sflag:$0x6] =	stream.indirect_vreg.gather [hbm4b:s26+s5], $0x80, v2, vm0, $0xb8;
	[tilespmem:$0x18300] =	vst v63  }
0xbd: {  	v2 =	vld.msk [tilespmem:$0x208], $0xff;
	_ =	sdelay $0x4  }
0xbe: {  	v3 =	vshll.u32 v2, $0x5  }
0xbf: {  	v2 =	vand.u32 $0x7, v2;
	v3 =	vand.u32 $0xFFFFFF00, v3  }
0xc0: {  	v2 =	vor.u32 v2, v3  }
0xc1: {  	v2 =	vperm.xlane v2, v0;
	_ =	sdelay $0x1  }
0xc2: {  	v2 =	vadd.s32 v1, v2;
	_ =	sdelay $0x4  }
0xc3: {  	[tilespmem:s13], [sflag:$0x7] =	stream.indirect_vreg.gather [hbm4b:s0+s5], $0x80, v2, vm0, $0xb8;
	[tilespmem:$0x18300] =	vst v63  }
0xc4: {  	s30 =	simm.s32 $0x8B00  }
0xc5: {  	[tilespmem:s30], [sflag:$0x7] =	stream.indirect_vreg.gather [hbm4b:s24+s5], $0x80, v2, vm0, $0xb8;
	[tilespmem:$0x18300] =	vst v63  }
0xc6: {  	s31 =	simm.s32 $0x9300  }
0xc7: {  	[tilespmem:s31], [sflag:$0x7] =	stream.indirect_vreg.gather [hbm4b:s10+s5], $0x80, v2, vm0, $0xb8;
	[tilespmem:$0x18300] =	vst v63  }
0xc8: {  	s2 =	simm.s32 $0x9B00  }
0xc9: {  	[tilespmem:s2], [sflag:$0x7] =	stream.indirect_vreg.gather [hbm4b:s11+s5], $0x80, v2, vm0, $0xb8;
	[tilespmem:$0x18300] =	vst v63  }
0xca: {  	s4 =	simm.s32 $0xA300  }
0xcb: {  	[tilespmem:s4], [sflag:$0x7] =	stream.indirect_vreg.gather [hbm4b:s12+s5], $0x80, v2, vm0, $0xb8;
	[tilespmem:$0x18300] =	vst v63  }
0xcc: {  	s6 =	simm.s32 $0xAB00  }
0xcd: {  	[tilespmem:s6], [sflag:$0x7] =	stream.indirect_vreg.gather [hbm4b:s3+s5], $0x80, v2, vm0, $0xb8;
	[tilespmem:$0x18300] =	vst v63  }
0xce: {  	s7 =	simm.s32 $0xB300  }
0xcf: {  	[tilespmem:s7], [sflag:$0x7] =	stream.indirect_vreg.gather [hbm4b:s14+s5], $0x80, v2, vm0, $0xb8;
	[tilespmem:$0x18300] =	vst v63  }
0xd0: {  	s8 =	simm.s32 $0xBB00  }
0xd1: {  	[tilespmem:s8], [sflag:$0x7] =	stream.indirect_vreg.gather [hbm4b:s15+s5], $0x80, v2, vm0, $0xb8;
	[tilespmem:$0x18300] =	vst v63  }
0xd2: {  	s9 =	simm.s32 $0xC300  }
0xd3: {  	[tilespmem:s9], [sflag:$0x7] =	stream.indirect_vreg.gather [hbm4b:s16+s5], $0x80, v2, vm0, $0xb8;
	[tilespmem:$0x18300] =	vst v63  }
0xd4: {  	s10 =	simm.s32 $0xCB00  }
0xd5: {  	[tilespmem:s10], [sflag:$0x7] =	stream.indirect_vreg.gather [hbm4b:s17+s5], $0x80, v2, vm0, $0xb8;
	[tilespmem:$0x18300] =	vst v63  }
0xd6: {  	s11 =	simm.s32 $0xD300  }
0xd7: {  	[tilespmem:s11], [sflag:$0x7] =	stream.indirect_vreg.gather [hbm4b:s18+s5], $0x80, v2, vm0, $0xb8;
	[tilespmem:$0x18300] =	vst v63  }
0xd8: {  	s12 =	simm.s32 $0xDB00  }
0xd9: {  	[tilespmem:s12], [sflag:$0x7] =	stream.indirect_vreg.gather [hbm4b:s19+s5], $0x80, v2, vm0, $0xb8;
	[tilespmem:$0x18300] =	vst v63  }
0xda: {  	s13 =	simm.s32 $0xE300  }
0xdb: {  	[tilespmem:s13], [sflag:$0x7] =	stream.indirect_vreg.gather [hbm4b:s20+s5], $0x80, v2, vm0, $0xb8;
	[tilespmem:$0x18300] =	vst v63  }
0xdc: {  	s14 =	simm.s32 $0xEB00  }
0xdd: {  	[tilespmem:s14], [sflag:$0x7] =	stream.indirect_vreg.gather [hbm4b:s22+s5], $0x80, v2, vm0, $0xb8;
	[tilespmem:$0x18300] =	vst v63  }
0xde: {  	s15 =	simm.s32 $0xF300  }
0xdf: {  	[tilespmem:s15], [sflag:$0x7] =	stream.indirect_vreg.gather [hbm4b:s21+s5], $0x80, v2, vm0, $0xb8;
	[tilespmem:$0x18300] =	vst v63  }
0xe0: {  	s16 =	simm.s32 $0xFB00  }
0xe1: {  	[tilespmem:s16], [sflag:$0x7] =	stream.indirect_vreg.gather [hbm4b:s26+s5], $0x80, v2, vm0, $0xb8;
	[tilespmem:$0x18300] =	vst v63  }
0xe2: {  	v2 =	vld [tilespmem:$0x0];
	_ =	sdelay $0x4  }
0xe3: {  	(v2sf) =	vpush v2, $0x0;
	_ =	sdelay $0xe  }
0xe4: {  	s17 =	spop (v2sf)  }
0xe5: {  	s18 =	sshll.u32 s17, $0xC  }
0xe6: {  	s4 =	rddreg [dreg:$0x4];
	s0 =	sshll.u32 s17, $0x7;
	s2 =	sand.u32 $0xFFFF8000, s18  }
0xe7: {  	s0 =	sand.u32 $0x380, s0;
	s2 =	sadd.s32 s2, s4  }
0xe8: {  	s3 =	sor.u32 $0x1C01, s1;
	s6 =	simm.s32 $0x80;
	s0 =	sadd.s32 s0, s2  }
0xe9: {  	s8 =	simm.s32 $0x1;
	s19 =	rddreg [dreg:$0xa];
	s0 =	sshrl.u32 s0, $0x3  }
0xea: {  	[hbm:s19@s6], [sflag:s3] =	dma.strided [spmem:s0@s6], $0x200, s8, $0x10   }
0xeb: {  	(v2sf) =	vpush v2, $0x1;
	_ =	sdelay $0xe  }
0xec: {  	s0 =	spop (v2sf)  }
0xed: {  	s20 =	sshll.u32 s0, $0xC  }
0xee: {  	s0 =	sshll.u32 s0, $0x7;
	s2 =	sand.u32 $0xFFFF8000, s20  }
0xef: {  	s0 =	sand.u32 $0x380, s0;
	s2 =	sadd.s32 s2, s4  }
0xf0: {  	s0 =	sadd.s32 s0, s2  }
0xf1: {  	s21 =	rddreg [dreg:$0xd];
	s0 =	sshrl.u32 s0, $0x3  }
0xf2: {  	[hbm:s21@s6], [sflag:s3] =	dma.strided [spmem:s0@s6], $0x200, s8, $0x10   }
0xf3: {  	(v2sf) =	vpush v2, $0x2;
	_ =	sdelay $0xe  }
0xf4: {  	s0 =	spop (v2sf)  }
0xf5: {  	s22 =	sshll.u32 s0, $0xC  }
0xf6: {  	s0 =	sshll.u32 s0, $0x7;
	s2 =	sand.u32 $0xFFFF8000, s22  }
0xf7: {  	s0 =	sand.u32 $0x380, s0;
	s2 =	sadd.s32 s2, s4  }
0xf8: {  	s0 =	sadd.s32 s0, s2  }
0xf9: {  	s23 =	rddreg [dreg:$0xe];
	s0 =	sshrl.u32 s0, $0x3  }
0xfa: {  	[hbm:s23@s6], [sflag:s3] =	dma.strided [spmem:s0@s6], $0x200, s8, $0x10   }
0xfb: {  	(v2sf) =	vpush v2, $0x3;
	_ =	sdelay $0xe  }
0xfc: {  	s0 =	spop (v2sf)  }
0xfd: {  	s24 =	sshll.u32 s0, $0xC  }
0xfe: {  	s0 =	sshll.u32 s0, $0x7;
	s2 =	sand.u32 $0xFFFF8000, s24  }
0xff: {  	s0 =	sand.u32 $0x380, s0;
	s2 =	sadd.s32 s2, s4  }
0x100: {  	s0 =	sadd.s32 s0, s2  }
0x101: {  	s25 =	rddreg [dreg:$0xf];
	s0 =	sshrl.u32 s0, $0x3  }
0x102: {  	[hbm:s25@s6], [sflag:s3] =	dma.strided [spmem:s0@s6], $0x200, s8, $0x10   }
0x103: {  	(v2sf) =	vpush v2, $0x4;
	_ =	sdelay $0xe  }
0x104: {  	s0 =	spop (v2sf)  }
0x105: {  	s26 =	sshll.u32 s0, $0xC  }
0x106: {  	s0 =	sshll.u32 s0, $0x7;
	s2 =	sand.u32 $0xFFFF8000, s26  }
0x107: {  	s0 =	sand.u32 $0x380, s0;
	s2 =	sadd.s32 s2, s4  }
0x108: {  	s0 =	sadd.s32 s0, s2  }
0x109: {  	s30 =	rddreg [dreg:$0x10];
	s0 =	sshrl.u32 s0, $0x3  }
0x10a: {  	[hbm:s30@s6], [sflag:s3] =	dma.strided [spmem:s0@s6], $0x200, s8, $0x10   }
0x10b: {  	(v2sf) =	vpush v2, $0x5;
	_ =	sdelay $0xe  }
0x10c: {  	s0 =	spop (v2sf)  }
0x10d: {  	s31 =	sshll.u32 s0, $0xC  }
0x10e: {  	s0 =	sshll.u32 s0, $0x7;
	s2 =	sand.u32 $0xFFFF8000, s31  }
0x10f: {  	s0 =	sand.u32 $0x380, s0;
	s2 =	sadd.s32 s2, s4  }
0x110: {  	s0 =	sadd.s32 s0, s2  }
0x111: {  	s7 =	rddreg [dreg:$0x11];
	s0 =	sshrl.u32 s0, $0x3  }
0x112: {  	[hbm:s7@s6], [sflag:s3] =	dma.strided [spmem:s0@s6], $0x200, s8, $0x10   }
0x113: {  	(v2sf) =	vpush v2, $0x6;
	_ =	sdelay $0xe  }
0x114: {  	s0 =	spop (v2sf)  }
0x115: {  	s9 =	sshll.u32 s0, $0xC  }
0x116: {  	s0 =	sshll.u32 s0, $0x7;
	s2 =	sand.u32 $0xFFFF8000, s9  }
0x117: {  	s0 =	sand.u32 $0x380, s0;
	s2 =	sadd.s32 s2, s4  }
0x118: {  	s0 =	sadd.s32 s0, s2  }
0x119: {  	s10 =	rddreg [dreg:$0x12];
	s0 =	sshrl.u32 s0, $0x3  }
0x11a: {  	[hbm:s10@s6], [sflag:s3] =	dma.strided [spmem:s0@s6], $0x200, s8, $0x10   }
0x11b: {  	(v2sf) =	vpush v2, $0x7;
	_ =	sdelay $0xe  }
0x11c: {  	s0 =	spop (v2sf)  }
0x11d: {  	s11 =	sshll.u32 s0, $0xC  }
0x11e: {  	s0 =	sshll.u32 s0, $0x7;
	s2 =	sand.u32 $0xFFFF8000, s11  }
0x11f: {  	s0 =	sand.u32 $0x380, s0;
	s2 =	sadd.s32 s2, s4  }
0x120: {  	s0 =	sadd.s32 s0, s2  }
0x121: {  	s12 =	rddreg [dreg:$0x13];
	s0 =	sshrl.u32 s0, $0x3  }
0x122: {  	[hbm:s12@s6], [sflag:s3] =	dma.strided [spmem:s0@s6], $0x200, s8, $0x10   }
0x123: {  	(v2sf) =	vpush v2, $0x8;
	_ =	sdelay $0xe  }
0x124: {  	s0 =	spop (v2sf)  }
0x125: {  	s13 =	sshll.u32 s0, $0xC  }
0x126: {  	s0 =	sshll.u32 s0, $0x7;
	s2 =	sand.u32 $0xFFFF8000, s13  }
0x127: {  	s0 =	sand.u32 $0x380, s0;
	s2 =	sadd.s32 s2, s4  }
0x128: {  	s0 =	sadd.s32 s0, s2  }
0x129: {  	s14 =	rddreg [dreg:$0x14];
	s0 =	sshrl.u32 s0, $0x3  }
0x12a: {  	[hbm:s14@s6], [sflag:s3] =	dma.strided [spmem:s0@s6], $0x200, s8, $0x10   }
0x12b: {  	(v2sf) =	vpush v2, $0x9;
	_ =	sdelay $0xe  }
0x12c: {  	s0 =	spop (v2sf)  }
0x12d: {  	s15 =	sshll.u32 s0, $0xC  }
0x12e: {  	s0 =	sshll.u32 s0, $0x7;
	s2 =	sand.u32 $0xFFFF8000, s15  }
0x12f: {  	s0 =	sand.u32 $0x380, s0;
	s2 =	sadd.s32 s2, s4  }
0x130: {  	s0 =	sadd.s32 s0, s2  }
0x131: {  	s16 =	rddreg [dreg:$0x15];
	s0 =	sshrl.u32 s0, $0x3  }
0x132: {  	[hbm:s16@s6], [sflag:s3] =	dma.strided [spmem:s0@s6], $0x200, s8, $0x10   }
0x133: {  	(v2sf) =	vpush v2, $0xA;
	_ =	sdelay $0xe  }
0x134: {  	s0 =	spop (v2sf)  }
0x135: {  	s17 =	sshll.u32 s0, $0xC  }
0x136: {  	s0 =	sshll.u32 s0, $0x7;
	s2 =	sand.u32 $0xFFFF8000, s17  }
0x137: {  	s0 =	sand.u32 $0x380, s0;
	s2 =	sadd.s32 s2, s4  }
0x138: {  	s0 =	sadd.s32 s0, s2  }
0x139: {  	s18 =	rddreg [dreg:$0x16];
	s0 =	sshrl.u32 s0, $0x3  }
0x13a: {  	[hbm:s18@s6], [sflag:s3] =	dma.strided [spmem:s0@s6], $0x200, s8, $0x10   }
0x13b: {  	(v2sf) =	vpush v2, $0xB;
	_ =	sdelay $0xe  }
0x13c: {  	s0 =	spop (v2sf)  }
0x13d: {  	s19 =	sshll.u32 s0, $0xC  }
0x13e: {  	s0 =	sshll.u32 s0, $0x7;
	s2 =	sand.u32 $0xFFFF8000, s19  }
0x13f: {  	s0 =	sand.u32 $0x380, s0;
	s2 =	sadd.s32 s2, s4  }
0x140: {  	s0 =	sadd.s32 s0, s2  }
0x141: {  	s20 =	rddreg [dreg:$0x17];
	s0 =	sshrl.u32 s0, $0x3  }
0x142: {  	[hbm:s20@s6], [sflag:s3] =	dma.strided [spmem:s0@s6], $0x200, s8, $0x10   }
0x143: {  	(v2sf) =	vpush v2, $0xC;
	_ =	sdelay $0xe  }
0x144: {  	s0 =	spop (v2sf)  }
0x145: {  	s21 =	sshll.u32 s0, $0xC  }
0x146: {  	s0 =	sshll.u32 s0, $0x7;
	s2 =	sand.u32 $0xFFFF8000, s21  }
0x147: {  	s0 =	sand.u32 $0x380, s0;
	s2 =	sadd.s32 s2, s4  }
0x148: {  	s0 =	sadd.s32 s0, s2  }
0x149: {  	s22 =	rddreg [dreg:$0x18];
	s0 =	sshrl.u32 s0, $0x3  }
0x14a: {  	[hbm:s22@s6], [sflag:s3] =	dma.strided [spmem:s0@s6], $0x200, s8, $0x10   }
0x14b: {  	(v2sf) =	vpush v2, $0xD;
	_ =	sdelay $0xe  }
0x14c: {  	s0 =	spop (v2sf)  }
0x14d: {  	s23 =	sshll.u32 s0, $0xC  }
0x14e: {  	s0 =	sshll.u32 s0, $0x7;
	s2 =	sand.u32 $0xFFFF8000, s23  }
0x14f: {  	s0 =	sand.u32 $0x380, s0;
	s2 =	sadd.s32 s2, s4  }
0x150: {  	s0 =	sadd.s32 s0, s2  }
0x151: {  	s24 =	rddreg [dreg:$0x19];
	s0 =	sshrl.u32 s0, $0x3  }
0x152: {  	[hbm:s24@s6], [sflag:s3] =	dma.strided [spmem:s0@s6], $0x200, s8, $0x10   }
0x153: {  	(v2sf) =	vpush v2, $0xE;
	_ =	sdelay $0xe  }
0x154: {  	s0 =	spop (v2sf)  }
0x155: {  	s25 =	sshll.u32 s0, $0xC  }
0x156: {  	s0 =	sshll.u32 s0, $0x7;
	s2 =	sand.u32 $0xFFFF8000, s25  }
0x157: {  	s0 =	sand.u32 $0x380, s0;
	s2 =	sadd.s32 s2, s4  }
0x158: {  	s0 =	sadd.s32 s0, s2  }
0x159: {  	s26 =	rddreg [dreg:$0x1a];
	s0 =	sshrl.u32 s0, $0x3  }
0x15a: {  	[hbm:s26@s6], [sflag:s3] =	dma.strided [spmem:s0@s6], $0x200, s8, $0x10   }
0x15b: {  	(v2sf) =	vpush v2, $0xF;
	_ =	sdelay $0xe  }
0x15c: {  	s0 =	spop (v2sf)  }
0x15d: {  	s30 =	sshll.u32 s0, $0xC  }
0x15e: {  	s0 =	sshll.u32 s0, $0x7;
	s2 =	sand.u32 $0xFFFF8000, s30  }
0x15f: {  	s0 =	sand.u32 $0x380, s0;
	s2 =	sadd.s32 s2, s4  }
0x160: {  	[smem:$0x7A5] =	sst s3;
	s0 =	sadd.s32 s0, s2  }
0x161: {  	s31 =	rddreg [dreg:$0x1b];
	s0 =	sshrl.u32 s0, $0x3  }
0x162: {  	[hbm:s31@s6], [sflag:s3] =	dma.strided [spmem:s0@s6], $0x200, s8, $0x10   }
0x163: {  	v2 =	vld [tilespmem:$0x10];
	_ =	sdelay $0x4  }
0x164: {  	(v2sf) =	vpush v2, $0x0;
	_ =	sdelay $0xe  }
0x165: {  	s0 =	spop (v2sf)  }
0x166: {  	s7 =	sshll.u32 s0, $0xC  }
0x167: {  	s0 =	sshll.u32 s0, $0x7;
	s2 =	sand.u32 $0xFFFF8000, s7  }
0x168: {  	s0 =	sand.u32 $0x380, s0;
	s2 =	sadd.s32 s2, s4  }
0x169: {  	s0 =	sadd.s32 s0, s2  }
0x16a: {  	s3 =	sor.u32 $0x1C02, s1;
	s9 =	rddreg [dreg:$0x1c];
	s0 =	sshrl.u32 s0, $0x3  }
0x16b: {  	[hbm:s9@s6], [sflag:s3] =	dma.strided [spmem:s0@s6], $0x200, s8, $0x10   }
0x16c: {  	(v2sf) =	vpush v2, $0x1;
	_ =	sdelay $0xe  }
0x16d: {  	s0 =	spop (v2sf)  }
0x16e: {  	s10 =	sshll.u32 s0, $0xC  }
0x16f: {  	s0 =	sshll.u32 s0, $0x7;
	s2 =	sand.u32 $0xFFFF8000, s10  }
0x170: {  	s0 =	sand.u32 $0x380, s0;
	s2 =	sadd.s32 s2, s4  }
0x171: {  	s0 =	sadd.s32 s0, s2  }
0x172: {  	s11 =	rddreg [dreg:$0x1d];
	s0 =	sshrl.u32 s0, $0x3  }
0x173: {  	[hbm:s11@s6], [sflag:s3] =	dma.strided [spmem:s0@s6], $0x200, s8, $0x10   }
0x174: {  	(v2sf) =	vpush v2, $0x2;
	_ =	sdelay $0xe  }
0x175: {  	s0 =	spop (v2sf)  }
0x176: {  	s12 =	sshll.u32 s0, $0xC  }
0x177: {  	s0 =	sshll.u32 s0, $0x7;
	s2 =	sand.u32 $0xFFFF8000, s12  }
0x178: {  	s0 =	sand.u32 $0x380, s0;
	s2 =	sadd.s32 s2, s4  }
0x179: {  	s0 =	sadd.s32 s0, s2  }
0x17a: {  	s13 =	rddreg [dreg:$0x1e];
	s0 =	sshrl.u32 s0, $0x3  }
0x17b: {  	[hbm:s13@s6], [sflag:s3] =	dma.strided [spmem:s0@s6], $0x200, s8, $0x10   }
0x17c: {  	(v2sf) =	vpush v2, $0x3;
	_ =	sdelay $0xe  }
0x17d: {  	s0 =	spop (v2sf)  }
0x17e: {  	s14 =	sshll.u32 s0, $0xC  }
0x17f: {  	s0 =	sshll.u32 s0, $0x7;
	s2 =	sand.u32 $0xFFFF8000, s14  }
0x180: {  	s0 =	sand.u32 $0x380, s0;
	s2 =	sadd.s32 s2, s4  }
0x181: {  	s0 =	sadd.s32 s0, s2  }
0x182: {  	s15 =	rddreg [dreg:$0x1f];
	s0 =	sshrl.u32 s0, $0x3  }
0x183: {  	[hbm:s15@s6], [sflag:s3] =	dma.strided [spmem:s0@s6], $0x200, s8, $0x10   }
0x184: {  	(v2sf) =	vpush v2, $0x4;
	_ =	sdelay $0xe  }
0x185: {  	s0 =	spop (v2sf)  }
0x186: {  	s16 =	sshll.u32 s0, $0xC  }
0x187: {  	s0 =	sshll.u32 s0, $0x7;
	s2 =	sand.u32 $0xFFFF8000, s16  }
0x188: {  	s17 =	sld [smem:$0x7AC];
	s0 =	sand.u32 $0x380, s0;
	s2 =	sadd.s32 s2, s4  }
0x189: {  	s0 =	sadd.s32 s0, s2  }
0x18a: {  	s0 =	sshrl.u32 s0, $0x3  }
0x18b: {  	[hbm:s17@s6], [sflag:s3] =	dma.strided [spmem:s0@s6], $0x200, s8, $0x10   }
0x18c: {  	(v2sf) =	vpush v2, $0x5;
	_ =	sdelay $0xe  }
0x18d: {  	s0 =	spop (v2sf)  }
0x18e: {  	s18 =	sshll.u32 s0, $0xC  }
0x18f: {  	s0 =	sshll.u32 s0, $0x7;
	s2 =	sand.u32 $0xFFFF8000, s18  }
0x190: {  	s19 =	sld [smem:$0x7AD];
	s0 =	sand.u32 $0x380, s0;
	s2 =	sadd.s32 s2, s4  }
0x191: {  	s0 =	sadd.s32 s0, s2  }
0x192: {  	s0 =	sshrl.u32 s0, $0x3  }
0x193: {  	[hbm:s19@s6], [sflag:s3] =	dma.strided [spmem:s0@s6], $0x200, s8, $0x10   }
0x194: {  	(v2sf) =	vpush v2, $0x6;
	_ =	sdelay $0xe  }
0x195: {  	s0 =	spop (v2sf)  }
0x196: {  	s20 =	sshll.u32 s0, $0xC  }
0x197: {  	s0 =	sshll.u32 s0, $0x7;
	s2 =	sand.u32 $0xFFFF8000, s20  }
0x198: {  	s21 =	sld [smem:$0x7AE];
	s0 =	sand.u32 $0x380, s0;
	s2 =	sadd.s32 s2, s4  }
0x199: {  	s0 =	sadd.s32 s0, s2  }
0x19a: {  	s0 =	sshrl.u32 s0, $0x3  }
0x19b: {  	[hbm:s21@s6], [sflag:s3] =	dma.strided [spmem:s0@s6], $0x200, s8, $0x10   }
0x19c: {  	(v2sf) =	vpush v2, $0x7;
	_ =	sdelay $0xe  }
0x19d: {  	s0 =	spop (v2sf)  }
0x19e: {  	s22 =	sshll.u32 s0, $0xC  }
0x19f: {  	s0 =	sshll.u32 s0, $0x7;
	s2 =	sand.u32 $0xFFFF8000, s22  }
0x1a0: {  	s23 =	sld [smem:$0x7AF];
	s0 =	sand.u32 $0x380, s0;
	s2 =	sadd.s32 s2, s4  }
0x1a1: {  	s0 =	sadd.s32 s0, s2  }
0x1a2: {  	s0 =	sshrl.u32 s0, $0x3  }
0x1a3: {  	[hbm:s23@s6], [sflag:s3] =	dma.strided [spmem:s0@s6], $0x200, s8, $0x10   }
0x1a4: {  	(v2sf) =	vpush v2, $0x8;
	_ =	sdelay $0xe  }
0x1a5: {  	s0 =	spop (v2sf)  }
0x1a6: {  	s24 =	sshll.u32 s0, $0xC  }
0x1a7: {  	s0 =	sshll.u32 s0, $0x7;
	s2 =	sand.u32 $0xFFFF8000, s24  }
0x1a8: {  	s25 =	sld [smem:$0x7B0];
	s0 =	sand.u32 $0x380, s0;
	s2 =	sadd.s32 s2, s4  }
0x1a9: {  	s0 =	sadd.s32 s0, s2  }
0x1aa: {  	s0 =	sshrl.u32 s0, $0x3  }
0x1ab: {  	[hbm:s25@s6], [sflag:s3] =	dma.strided [spmem:s0@s6], $0x200, s8, $0x10   }
0x1ac: {  	(v2sf) =	vpush v2, $0x9;
	_ =	sdelay $0xe  }
0x1ad: {  	s0 =	spop (v2sf)  }
0x1ae: {  	s26 =	sshll.u32 s0, $0xC  }
0x1af: {  	s0 =	sshll.u32 s0, $0x7;
	s2 =	sand.u32 $0xFFFF8000, s26  }
0x1b0: {  	s30 =	sld [smem:$0x7B1];
	s0 =	sand.u32 $0x380, s0;
	s2 =	sadd.s32 s2, s4  }
0x1b1: {  	s0 =	sadd.s32 s0, s2  }
0x1b2: {  	s0 =	sshrl.u32 s0, $0x3  }
0x1b3: {  	[hbm:s30@s6], [sflag:s3] =	dma.strided [spmem:s0@s6], $0x200, s8, $0x10   }
0x1b4: {  	(v2sf) =	vpush v2, $0xA;
	_ =	sdelay $0xe  }
0x1b5: {  	s0 =	spop (v2sf)  }
0x1b6: {  	s31 =	sshll.u32 s0, $0xC  }
0x1b7: {  	s0 =	sshll.u32 s0, $0x7;
	s2 =	sand.u32 $0xFFFF8000, s31  }
0x1b8: {  	s7 =	sld [smem:$0x7B2];
	s0 =	sand.u32 $0x380, s0;
	s2 =	sadd.s32 s2, s4  }
0x1b9: {  	s0 =	sadd.s32 s0, s2  }
0x1ba: {  	s0 =	sshrl.u32 s0, $0x3  }
0x1bb: {  	[hbm:s7@s6], [sflag:s3] =	dma.strided [spmem:s0@s6], $0x200, s8, $0x10   }
0x1bc: {  	(v2sf) =	vpush v2, $0xB;
	_ =	sdelay $0xe  }
0x1bd: {  	s0 =	spop (v2sf)  }
0x1be: {  	s9 =	sshll.u32 s0, $0xC  }
0x1bf: {  	s0 =	sshll.u32 s0, $0x7;
	s2 =	sand.u32 $0xFFFF8000, s9  }
0x1c0: {  	s10 =	sld [smem:$0x7B3];
	s0 =	sand.u32 $0x380, s0;
	s2 =	sadd.s32 s2, s4  }
0x1c1: {  	s0 =	sadd.s32 s0, s2  }
0x1c2: {  	s0 =	sshrl.u32 s0, $0x3  }
0x1c3: {  	[hbm:s10@s6], [sflag:s3] =	dma.strided [spmem:s0@s6], $0x200, s8, $0x10   }
0x1c4: {  	(v2sf) =	vpush v2, $0xC;
	_ =	sdelay $0xe  }
0x1c5: {  	s0 =	spop (v2sf)  }
0x1c6: {  	s11 =	sshll.u32 s0, $0xC  }
0x1c7: {  	s0 =	sshll.u32 s0, $0x7;
	s2 =	sand.u32 $0xFFFF8000, s11  }
0x1c8: {  	s12 =	sld [smem:$0x7B4];
	s0 =	sand.u32 $0x380, s0;
	s2 =	sadd.s32 s2, s4  }
0x1c9: {  	s0 =	sadd.s32 s0, s2  }
0x1ca: {  	s0 =	sshrl.u32 s0, $0x3  }
0x1cb: {  	[hbm:s12@s6], [sflag:s3] =	dma.strided [spmem:s0@s6], $0x200, s8, $0x10   }
0x1cc: {  	(v2sf) =	vpush v2, $0xD;
	_ =	sdelay $0xe  }
0x1cd: {  	s0 =	spop (v2sf)  }
0x1ce: {  	s13 =	sshll.u32 s0, $0xC  }
0x1cf: {  	s0 =	sshll.u32 s0, $0x7;
	s2 =	sand.u32 $0xFFFF8000, s13  }
0x1d0: {  	s14 =	sld [smem:$0x7B5];
	s0 =	sand.u32 $0x380, s0;
	s2 =	sadd.s32 s2, s4  }
0x1d1: {  	s0 =	sadd.s32 s0, s2  }
0x1d2: {  	s0 =	sshrl.u32 s0, $0x3  }
0x1d3: {  	[hbm:s14@s6], [sflag:s3] =	dma.strided [spmem:s0@s6], $0x200, s8, $0x10   }
0x1d4: {  	(v2sf) =	vpush v2, $0xE;
	_ =	sdelay $0xe  }
0x1d5: {  	s0 =	spop (v2sf)  }
0x1d6: {  	s15 =	sshll.u32 s0, $0xC  }
0x1d7: {  	s0 =	sshll.u32 s0, $0x7;
	s2 =	sand.u32 $0xFFFF8000, s15  }
0x1d8: {  	s16 =	sld [smem:$0x7B6];
	s0 =	sand.u32 $0x380, s0;
	s2 =	sadd.s32 s2, s4  }
0x1d9: {  	s0 =	sadd.s32 s0, s2  }
0x1da: {  	s0 =	sshrl.u32 s0, $0x3  }
0x1db: {  	[hbm:s16@s6], [sflag:s3] =	dma.strided [spmem:s0@s6], $0x200, s8, $0x10   }
0x1dc: {  	(v2sf) =	vpush v2, $0xF;
	_ =	sdelay $0xe  }
0x1dd: {  	s0 =	spop (v2sf)  }
0x1de: {  	s17 =	sshll.u32 s0, $0xC  }
0x1df: {  	s0 =	sshll.u32 s0, $0x7;
	s2 =	sand.u32 $0xFFFF8000, s17  }
0x1e0: {  	s18 =	sld [smem:$0x7B7];
	s0 =	sand.u32 $0x380, s0;
	s2 =	sadd.s32 s2, s4  }
0x1e1: {  	s0 =	sadd.s32 s0, s2  }
0x1e2: {  	[smem:$0x7A6] =	sst s3;
	s0 =	sshrl.u32 s0, $0x3  }
0x1e3: {  	[hbm:s18@s6], [sflag:s3] =	dma.strided [spmem:s0@s6], $0x200, s8, $0x10   }
0x1e4: {  	v2 =	vld [tilespmem:$0x20];
	_ =	sdelay $0x4  }
0x1e5: {  	(v2sf) =	vpush v2, $0x0;
	_ =	sdelay $0xe  }
0x1e6: {  	s0 =	spop (v2sf)  }
0x1e7: {  	s19 =	sshll.u32 s0, $0xC  }
0x1e8: {  	s0 =	sshll.u32 s0, $0x7;
	s2 =	sand.u32 $0xFFFF8000, s19  }
0x1e9: {  	s20 =	sld [smem:$0x7B8];
	s0 =	sand.u32 $0x380, s0;
	s2 =	sadd.s32 s2, s4  }
0x1ea: {  	s0 =	sadd.s32 s0, s2  }
0x1eb: {  	s3 =	sor.u32 $0x1C03, s1;
	s0 =	sshrl.u32 s0, $0x3  }
0x1ec: {  	[hbm:s20@s6], [sflag:s3] =	dma.strided [spmem:s0@s6], $0x200, s8, $0x10   }
0x1ed: {  	(v2sf) =	vpush v2, $0x1;
	_ =	sdelay $0xe  }
0x1ee: {  	s0 =	spop (v2sf)  }
0x1ef: {  	s21 =	sshll.u32 s0, $0xC  }
0x1f0: {  	s0 =	sshll.u32 s0, $0x7;
	s2 =	sand.u32 $0xFFFF8000, s21  }
0x1f1: {  	s22 =	sld [smem:$0x7B9];
	s0 =	sand.u32 $0x380, s0;
	s2 =	sadd.s32 s2, s4  }
0x1f2: {  	s0 =	sadd.s32 s0, s2  }
0x1f3: {  	s0 =	sshrl.u32 s0, $0x3  }
0x1f4: {  	[hbm:s22@s6], [sflag:s3] =	dma.strided [spmem:s0@s6], $0x200, s8, $0x10   }
0x1f5: {  	(v2sf) =	vpush v2, $0x2;
	_ =	sdelay $0xe  }
0x1f6: {  	s0 =	spop (v2sf)  }
0x1f7: {  	s23 =	sshll.u32 s0, $0xC  }
0x1f8: {  	s0 =	sshll.u32 s0, $0x7;
	s2 =	sand.u32 $0xFFFF8000, s23  }
0x1f9: {  	s24 =	sld [smem:$0x7BA];
	s0 =	sand.u32 $0x380, s0;
	s2 =	sadd.s32 s2, s4  }
0x1fa: {  	s0 =	sadd.s32 s0, s2  }
0x1fb: {  	s0 =	sshrl.u32 s0, $0x3  }
0x1fc: {  	[hbm:s24@s6], [sflag:s3] =	dma.strided [spmem:s0@s6], $0x200, s8, $0x10   }
0x1fd: {  	(v2sf) =	vpush v2, $0x3;
	_ =	sdelay $0xe  }
0x1fe: {  	s0 =	spop (v2sf)  }
0x1ff: {  	s25 =	sshll.u32 s0, $0xC  }
0x200: {  	s0 =	sshll.u32 s0, $0x7;
	s2 =	sand.u32 $0xFFFF8000, s25  }
0x201: {  	s26 =	sld [smem:$0x7BB];
	s0 =	sand.u32 $0x380, s0;
	s2 =	sadd.s32 s2, s4  }
0x202: {  	s0 =	sadd.s32 s0, s2  }
0x203: {  	s0 =	sshrl.u32 s0, $0x3  }
0x204: {  	[hbm:s26@s6], [sflag:s3] =	dma.strided [spmem:s0@s6], $0x200, s8, $0x10   }
0x205: {  	(v2sf) =	vpush v2, $0x4;
	_ =	sdelay $0xe  }
0x206: {  	s0 =	spop (v2sf)  }
0x207: {  	s30 =	sshll.u32 s0, $0xC  }
0x208: {  	s0 =	sshll.u32 s0, $0x7;
	s2 =	sand.u32 $0xFFFF8000, s30  }
0x209: {  	s31 =	sld [smem:$0x7BC];
	s0 =	sand.u32 $0x380, s0;
	s2 =	sadd.s32 s2, s4  }
0x20a: {  	s0 =	sadd.s32 s0, s2  }
0x20b: {  	s0 =	sshrl.u32 s0, $0x3  }
0x20c: {  	[hbm:s31@s6], [sflag:s3] =	dma.strided [spmem:s0@s6], $0x200, s8, $0x10   }
0x20d: {  	(v2sf) =	vpush v2, $0x5;
	_ =	sdelay $0xe  }
0x20e: {  	s0 =	spop (v2sf)  }
0x20f: {  	s7 =	sshll.u32 s0, $0xC  }
0x210: {  	s0 =	sshll.u32 s0, $0x7;
	s2 =	sand.u32 $0xFFFF8000, s7  }
0x211: {  	s9 =	sld [smem:$0x7BD];
	s0 =	sand.u32 $0x380, s0;
	s2 =	sadd.s32 s2, s4  }
0x212: {  	s0 =	sadd.s32 s0, s2  }
0x213: {  	s0 =	sshrl.u32 s0, $0x3  }
0x214: {  	[hbm:s9@s6], [sflag:s3] =	dma.strided [spmem:s0@s6], $0x200, s8, $0x10   }
0x215: {  	(v2sf) =	vpush v2, $0x6;
	_ =	sdelay $0xe  }
0x216: {  	s0 =	spop (v2sf)  }
0x217: {  	s10 =	sshll.u32 s0, $0xC  }
0x218: {  	s0 =	sshll.u32 s0, $0x7;
	s2 =	sand.u32 $0xFFFF8000, s10  }
0x219: {  	s11 =	sld [smem:$0x7BE];
	s0 =	sand.u32 $0x380, s0;
	s2 =	sadd.s32 s2, s4  }
0x21a: {  	s0 =	sadd.s32 s0, s2  }
0x21b: {  	s0 =	sshrl.u32 s0, $0x3  }
0x21c: {  	[hbm:s11@s6], [sflag:s3] =	dma.strided [spmem:s0@s6], $0x200, s8, $0x10   }
0x21d: {  	(v2sf) =	vpush v2, $0x7;
	_ =	sdelay $0xe  }
0x21e: {  	s0 =	spop (v2sf)  }
0x21f: {  	s12 =	sshll.u32 s0, $0xC  }
0x220: {  	s0 =	sshll.u32 s0, $0x7;
	s2 =	sand.u32 $0xFFFF8000, s12  }
0x221: {  	s13 =	sld [smem:$0x7BF];
	s0 =	sand.u32 $0x380, s0;
	s2 =	sadd.s32 s2, s4  }
0x222: {  	s0 =	sadd.s32 s0, s2  }
0x223: {  	s0 =	sshrl.u32 s0, $0x3  }
0x224: {  	[hbm:s13@s6], [sflag:s3] =	dma.strided [spmem:s0@s6], $0x200, s8, $0x10   }
0x225: {  	(v2sf) =	vpush v2, $0x8;
	_ =	sdelay $0xe  }
0x226: {  	s0 =	spop (v2sf)  }
0x227: {  	s14 =	sshll.u32 s0, $0xC  }
0x228: {  	s0 =	sshll.u32 s0, $0x7;
	s2 =	sand.u32 $0xFFFF8000, s14  }
0x229: {  	s15 =	sld [smem:$0x7C0];
	s0 =	sand.u32 $0x380, s0;
	s2 =	sadd.s32 s2, s4  }
0x22a: {  	s0 =	sadd.s32 s0, s2  }
0x22b: {  	s0 =	sshrl.u32 s0, $0x3  }
0x22c: {  	[hbm:s15@s6], [sflag:s3] =	dma.strided [spmem:s0@s6], $0x200, s8, $0x10   }
0x22d: {  	(v2sf) =	vpush v2, $0x9;
	_ =	sdelay $0xe  }
0x22e: {  	s0 =	spop (v2sf)  }
0x22f: {  	s16 =	sshll.u32 s0, $0xC  }
0x230: {  	s0 =	sshll.u32 s0, $0x7;
	s2 =	sand.u32 $0xFFFF8000, s16  }
0x231: {  	s17 =	sld [smem:$0x7C1];
	s0 =	sand.u32 $0x380, s0;
	s2 =	sadd.s32 s2, s4  }
0x232: {  	s0 =	sadd.s32 s0, s2  }
0x233: {  	s0 =	sshrl.u32 s0, $0x3  }
0x234: {  	[hbm:s17@s6], [sflag:s3] =	dma.strided [spmem:s0@s6], $0x200, s8, $0x10   }
0x235: {  	(v2sf) =	vpush v2, $0xA;
	_ =	sdelay $0xe  }
0x236: {  	s0 =	spop (v2sf)  }
0x237: {  	s18 =	sshll.u32 s0, $0xC  }
0x238: {  	s0 =	sshll.u32 s0, $0x7;
	s2 =	sand.u32 $0xFFFF8000, s18  }
0x239: {  	s19 =	sld [smem:$0x7C2];
	s0 =	sand.u32 $0x380, s0;
	s2 =	sadd.s32 s2, s4  }
0x23a: {  	s0 =	sadd.s32 s0, s2  }
0x23b: {  	s0 =	sshrl.u32 s0, $0x3  }
0x23c: {  	[hbm:s19@s6], [sflag:s3] =	dma.strided [spmem:s0@s6], $0x200, s8, $0x10   }
0x23d: {  	(v2sf) =	vpush v2, $0xB;
	_ =	sdelay $0xe  }
0x23e: {  	s0 =	spop (v2sf)  }
0x23f: {  	s20 =	sshll.u32 s0, $0xC  }
0x240: {  	s0 =	sshll.u32 s0, $0x7;
	s2 =	sand.u32 $0xFFFF8000, s20  }
0x241: {  	s21 =	sld [smem:$0x7C3];
	s0 =	sand.u32 $0x380, s0;
	s2 =	sadd.s32 s2, s4  }
0x242: {  	s0 =	sadd.s32 s0, s2  }
0x243: {  	s0 =	sshrl.u32 s0, $0x3  }
0x244: {  	[hbm:s21@s6], [sflag:s3] =	dma.strided [spmem:s0@s6], $0x200, s8, $0x10   }
0x245: {  	(v2sf) =	vpush v2, $0xC;
	_ =	sdelay $0xe  }
0x246: {  	s0 =	spop (v2sf)  }
0x247: {  	s22 =	sshll.u32 s0, $0xC  }
0x248: {  	s0 =	sshll.u32 s0, $0x7;
	s2 =	sand.u32 $0xFFFF8000, s22  }
0x249: {  	s23 =	sld [smem:$0x7C4];
	s0 =	sand.u32 $0x380, s0;
	s2 =	sadd.s32 s2, s4  }
0x24a: {  	s0 =	sadd.s32 s0, s2  }
0x24b: {  	s0 =	sshrl.u32 s0, $0x3  }
0x24c: {  	[hbm:s23@s6], [sflag:s3] =	dma.strided [spmem:s0@s6], $0x200, s8, $0x10   }
0x24d: {  	(v2sf) =	vpush v2, $0xD;
	_ =	sdelay $0xe  }
0x24e: {  	s0 =	spop (v2sf)  }
0x24f: {  	s24 =	sshll.u32 s0, $0xC  }
0x250: {  	s0 =	sshll.u32 s0, $0x7;
	s2 =	sand.u32 $0xFFFF8000, s24  }
0x251: {  	s25 =	sld [smem:$0x7C5];
	s0 =	sand.u32 $0x380, s0;
	s2 =	sadd.s32 s2, s4  }
0x252: {  	s0 =	sadd.s32 s0, s2  }
0x253: {  	s0 =	sshrl.u32 s0, $0x3  }
0x254: {  	[hbm:s25@s6], [sflag:s3] =	dma.strided [spmem:s0@s6], $0x200, s8, $0x10   }
0x255: {  	(v2sf) =	vpush v2, $0xE;
	_ =	sdelay $0xe  }
0x256: {  	s0 =	spop (v2sf)  }
0x257: {  	s26 =	sshll.u32 s0, $0xC  }
0x258: {  	s0 =	sshll.u32 s0, $0x7;
	s2 =	sand.u32 $0xFFFF8000, s26  }
0x259: {  	s30 =	sld [smem:$0x7C6];
	s0 =	sand.u32 $0x380, s0;
	s2 =	sadd.s32 s2, s4  }
0x25a: {  	s0 =	sadd.s32 s0, s2  }
0x25b: {  	s0 =	sshrl.u32 s0, $0x3  }
0x25c: {  	[hbm:s30@s6], [sflag:s3] =	dma.strided [spmem:s0@s6], $0x200, s8, $0x10   }
0x25d: {  	(v2sf) =	vpush v2, $0xF;
	_ =	sdelay $0xe  }
0x25e: {  	s0 =	spop (v2sf)  }
0x25f: {  	s31 =	sshll.u32 s0, $0xC  }
0x260: {  	s0 =	sshll.u32 s0, $0x7;
	s2 =	sand.u32 $0xFFFF8000, s31  }
0x261: {  	s7 =	sld [smem:$0x7C7];
	s0 =	sand.u32 $0x380, s0;
	s2 =	sadd.s32 s2, s4  }
0x262: {  	s0 =	sadd.s32 s0, s2  }
0x263: {  	[smem:$0x7A7] =	sst s3;
	s0 =	sshrl.u32 s0, $0x3  }
0x264: {  	[hbm:s7@s6], [sflag:s3] =	dma.strided [spmem:s0@s6], $0x200, s8, $0x10   }
0x265: {  	v2 =	vld [tilespmem:$0x30];
	_ =	sdelay $0x4  }
0x266: {  	(v2sf) =	vpush v2, $0x0;
	_ =	sdelay $0xe  }
0x267: {  	s0 =	spop (v2sf)  }
0x268: {  	s9 =	sshll.u32 s0, $0xC  }
0x269: {  	s0 =	sshll.u32 s0, $0x7;
	s2 =	sand.u32 $0xFFFF8000, s9  }
0x26a: {  	s3 =	sld [smem:$0x7C8];
	s0 =	sand.u32 $0x380, s0;
	s2 =	sadd.s32 s2, s4  }
0x26b: {  	s2 =	sadd.s32 s0, s2  }
0x26c: {  	s0 =	sor.u32 $0x1C04, s1;
	s2 =	sshrl.u32 s2, $0x3  }
0x26d: {  	[hbm:s3@s6], [sflag:s0] =	dma.strided [spmem:s2@s6], $0x200, s8, $0x10   }
0x26e: {  	(v2sf) =	vpush v2, $0x1;
	_ =	sdelay $0xe  }
0x26f: {  	s2 =	spop (v2sf)  }
0x270: {  	s10 =	sshll.u32 s2, $0xC  }
0x271: {  	s2 =	sshll.u32 s2, $0x7;
	s3 =	sand.u32 $0xFFFF8000, s10  }
0x272: {  	s11 =	sld [smem:$0x7C9];
	s2 =	sand.u32 $0x380, s2;
	s3 =	sadd.s32 s3, s4  }
0x273: {  	s2 =	sadd.s32 s2, s3  }
0x274: {  	s2 =	sshrl.u32 s2, $0x3  }
0x275: {  	[hbm:s11@s6], [sflag:s0] =	dma.strided [spmem:s2@s6], $0x200, s8, $0x10   }
0x276: {  	(v2sf) =	vpush v2, $0x2;
	_ =	sdelay $0xe  }
0x277: {  	s2 =	spop (v2sf)  }
0x278: {  	s12 =	sshll.u32 s2, $0xC  }
0x279: {  	s2 =	sshll.u32 s2, $0x7;
	s3 =	sand.u32 $0xFFFF8000, s12  }
0x27a: {  	s13 =	sld [smem:$0x7CA];
	s2 =	sand.u32 $0x380, s2;
	s3 =	sadd.s32 s3, s4  }
0x27b: {  	s2 =	sadd.s32 s2, s3  }
0x27c: {  	s2 =	sshrl.u32 s2, $0x3  }
0x27d: {  	[hbm:s13@s6], [sflag:s0] =	dma.strided [spmem:s2@s6], $0x200, s8, $0x10   }
0x27e: {  	(v2sf) =	vpush v2, $0x3;
	_ =	sdelay $0xe  }
0x27f: {  	s2 =	spop (v2sf)  }
0x280: {  	s14 =	sshll.u32 s2, $0xC  }
0x281: {  	s2 =	sshll.u32 s2, $0x7;
	s3 =	sand.u32 $0xFFFF8000, s14  }
0x282: {  	s15 =	sld [smem:$0x7CB];
	s2 =	sand.u32 $0x380, s2;
	s3 =	sadd.s32 s3, s4  }
0x283: {  	s2 =	sadd.s32 s2, s3  }
0x284: {  	s2 =	sshrl.u32 s2, $0x3  }
0x285: {  	[hbm:s15@s6], [sflag:s0] =	dma.strided [spmem:s2@s6], $0x200, s8, $0x10   }
0x286: {  	(v2sf) =	vpush v2, $0x4;
	_ =	sdelay $0xe  }
0x287: {  	s2 =	spop (v2sf)  }
0x288: {  	s16 =	sshll.u32 s2, $0xC  }
0x289: {  	s2 =	sshll.u32 s2, $0x7;
	s3 =	sand.u32 $0xFFFF8000, s16  }
0x28a: {  	s17 =	sld [smem:$0x7CC];
	s2 =	sand.u32 $0x380, s2;
	s3 =	sadd.s32 s3, s4  }
0x28b: {  	s2 =	sadd.s32 s2, s3  }
0x28c: {  	s2 =	sshrl.u32 s2, $0x3  }
0x28d: {  	[hbm:s17@s6], [sflag:s0] =	dma.strided [spmem:s2@s6], $0x200, s8, $0x10   }
0x28e: {  	(v2sf) =	vpush v2, $0x5;
	_ =	sdelay $0xe  }
0x28f: {  	s2 =	spop (v2sf)  }
0x290: {  	s18 =	sshll.u32 s2, $0xC  }
0x291: {  	s2 =	sshll.u32 s2, $0x7;
	s3 =	sand.u32 $0xFFFF8000, s18  }
0x292: {  	s19 =	sld [smem:$0x7CD];
	s2 =	sand.u32 $0x380, s2;
	s3 =	sadd.s32 s3, s4  }
0x293: {  	s2 =	sadd.s32 s2, s3  }
0x294: {  	s2 =	sshrl.u32 s2, $0x3  }
0x295: {  	[hbm:s19@s6], [sflag:s0] =	dma.strided [spmem:s2@s6], $0x200, s8, $0x10   }
0x296: {  	(v2sf) =	vpush v2, $0x6;
	_ =	sdelay $0xe  }
0x297: {  	s2 =	spop (v2sf)  }
0x298: {  	s20 =	sshll.u32 s2, $0xC  }
0x299: {  	s2 =	sshll.u32 s2, $0x7;
	s3 =	sand.u32 $0xFFFF8000, s20  }
0x29a: {  	s21 =	sld [smem:$0x7CE];
	s2 =	sand.u32 $0x380, s2;
	s3 =	sadd.s32 s3, s4  }
0x29b: {  	s2 =	sadd.s32 s2, s3  }
0x29c: {  	s2 =	sshrl.u32 s2, $0x3  }
0x29d: {  	[hbm:s21@s6], [sflag:s0] =	dma.strided [spmem:s2@s6], $0x200, s8, $0x10   }
0x29e: {  	(v2sf) =	vpush v2, $0x7;
	_ =	sdelay $0xe  }
0x29f: {  	s2 =	spop (v2sf)  }
0x2a0: {  	s22 =	sshll.u32 s2, $0xC  }
0x2a1: {  	s2 =	sshll.u32 s2, $0x7;
	s3 =	sand.u32 $0xFFFF8000, s22  }
0x2a2: {  	s23 =	sld [smem:$0x7CF];
	s2 =	sand.u32 $0x380, s2;
	s3 =	sadd.s32 s3, s4  }
0x2a3: {  	s2 =	sadd.s32 s2, s3  }
0x2a4: {  	s2 =	sshrl.u32 s2, $0x3  }
0x2a5: {  	[hbm:s23@s6], [sflag:s0] =	dma.strided [spmem:s2@s6], $0x200, s8, $0x10   }
0x2a6: {  	(v2sf) =	vpush v2, $0x8;
	_ =	sdelay $0xe  }
0x2a7: {  	s2 =	spop (v2sf)  }
0x2a8: {  	s24 =	sshll.u32 s2, $0xC  }
0x2a9: {  	s2 =	sshll.u32 s2, $0x7;
	s3 =	sand.u32 $0xFFFF8000, s24  }
0x2aa: {  	s25 =	sld [smem:$0x7D0];
	s2 =	sand.u32 $0x380, s2;
	s3 =	sadd.s32 s3, s4  }
0x2ab: {  	s2 =	sadd.s32 s2, s3  }
0x2ac: {  	s2 =	sshrl.u32 s2, $0x3  }
0x2ad: {  	[hbm:s25@s6], [sflag:s0] =	dma.strided [spmem:s2@s6], $0x200, s8, $0x10   }
0x2ae: {  	(v2sf) =	vpush v2, $0x9;
	_ =	sdelay $0xe  }
0x2af: {  	s2 =	spop (v2sf)  }
0x2b0: {  	s26 =	sshll.u32 s2, $0xC  }
0x2b1: {  	s2 =	sshll.u32 s2, $0x7;
	s3 =	sand.u32 $0xFFFF8000, s26  }
0x2b2: {  	s30 =	sld [smem:$0x7D1];
	s2 =	sand.u32 $0x380, s2;
	s3 =	sadd.s32 s3, s4  }
0x2b3: {  	s2 =	sadd.s32 s2, s3  }
0x2b4: {  	s2 =	sshrl.u32 s2, $0x3  }
0x2b5: {  	[hbm:s30@s6], [sflag:s0] =	dma.strided [spmem:s2@s6], $0x200, s8, $0x10   }
0x2b6: {  	(v2sf) =	vpush v2, $0xA;
	_ =	sdelay $0xe  }
0x2b7: {  	s2 =	spop (v2sf)  }
0x2b8: {  	s31 =	sshll.u32 s2, $0xC  }
0x2b9: {  	s2 =	sshll.u32 s2, $0x7;
	s3 =	sand.u32 $0xFFFF8000, s31  }
0x2ba: {  	s7 =	sld [smem:$0x7D2];
	s2 =	sand.u32 $0x380, s2;
	s3 =	sadd.s32 s3, s4  }
0x2bb: {  	s2 =	sadd.s32 s2, s3  }
0x2bc: {  	s2 =	sshrl.u32 s2, $0x3  }
0x2bd: {  	[hbm:s7@s6], [sflag:s0] =	dma.strided [spmem:s2@s6], $0x200, s8, $0x10   }
0x2be: {  	(v2sf) =	vpush v2, $0xB;
	_ =	sdelay $0xe  }
0x2bf: {  	s2 =	spop (v2sf)  }
0x2c0: {  	s9 =	sshll.u32 s2, $0xC  }
0x2c1: {  	s2 =	sshll.u32 s2, $0x7;
	s3 =	sand.u32 $0xFFFF8000, s9  }
0x2c2: {  	s10 =	sld [smem:$0x7D3];
	s2 =	sand.u32 $0x380, s2;
	s3 =	sadd.s32 s3, s4  }
0x2c3: {  	s2 =	sadd.s32 s2, s3  }
0x2c4: {  	s2 =	sshrl.u32 s2, $0x3  }
0x2c5: {  	[hbm:s10@s6], [sflag:s0] =	dma.strided [spmem:s2@s6], $0x200, s8, $0x10   }
0x2c6: {  	(v2sf) =	vpush v2, $0xC;
	_ =	sdelay $0xe  }
0x2c7: {  	s2 =	spop (v2sf)  }
0x2c8: {  	s11 =	sshll.u32 s2, $0xC  }
0x2c9: {  	s2 =	sshll.u32 s2, $0x7;
	s3 =	sand.u32 $0xFFFF8000, s11  }
0x2ca: {  	s12 =	sld [smem:$0x7D4];
	s2 =	sand.u32 $0x380, s2;
	s3 =	sadd.s32 s3, s4  }
0x2cb: {  	s2 =	sadd.s32 s2, s3  }
0x2cc: {  	s2 =	sshrl.u32 s2, $0x3  }
0x2cd: {  	[hbm:s12@s6], [sflag:s0] =	dma.strided [spmem:s2@s6], $0x200, s8, $0x10   }
0x2ce: {  	(v2sf) =	vpush v2, $0xD;
	_ =	sdelay $0xe  }
0x2cf: {  	s2 =	spop (v2sf)  }
0x2d0: {  	s13 =	sshll.u32 s2, $0xC  }
0x2d1: {  	s2 =	sshll.u32 s2, $0x7;
	s3 =	sand.u32 $0xFFFF8000, s13  }
0x2d2: {  	s14 =	sld [smem:$0x7D5];
	s2 =	sand.u32 $0x380, s2;
	s3 =	sadd.s32 s3, s4  }
0x2d3: {  	s2 =	sadd.s32 s2, s3  }
0x2d4: {  	s2 =	sshrl.u32 s2, $0x3  }
0x2d5: {  	[hbm:s14@s6], [sflag:s0] =	dma.strided [spmem:s2@s6], $0x200, s8, $0x10   }
0x2d6: {  	(v2sf) =	vpush v2, $0xE;
	_ =	sdelay $0xe  }
0x2d7: {  	s2 =	spop (v2sf)  }
0x2d8: {  	s15 =	sshll.u32 s2, $0xC  }
0x2d9: {  	s2 =	sshll.u32 s2, $0x7;
	s3 =	sand.u32 $0xFFFF8000, s15  }
0x2da: {  	s16 =	sld [smem:$0x7D6];
	s2 =	sand.u32 $0x380, s2;
	s3 =	sadd.s32 s3, s4  }
0x2db: {  	s2 =	sadd.s32 s2, s3  }
0x2dc: {  	s2 =	sshrl.u32 s2, $0x3  }
0x2dd: {  	[hbm:s16@s6], [sflag:s0] =	dma.strided [spmem:s2@s6], $0x200, s8, $0x10   }
0x2de: {  	(v2sf) =	vpush v2, $0xF;
	_ =	sdelay $0xe  }
0x2df: {  	s2 =	spop (v2sf)  }
0x2e0: {  	s17 =	sshll.u32 s2, $0xC  }
0x2e1: {  	s2 =	sshll.u32 s2, $0x7;
	s3 =	sand.u32 $0xFFFF8000, s17  }
0x2e2: {  	s18 =	sld [smem:$0x7D7];
	s2 =	sand.u32 $0x380, s2;
	s3 =	sadd.s32 s3, s4  }
0x2e3: {  	s2 =	sadd.s32 s2, s3  }
0x2e4: {  	[smem:$0x7A8] =	sst s0;
	s2 =	sshrl.u32 s2, $0x3  }
0x2e5: {  	[hbm:s18@s6], [sflag:s0] =	dma.strided [spmem:s2@s6], $0x200, s8, $0x10   }
0x2e6: {  	v2 =	vld [tilespmem:$0x40];
	_ =	sdelay $0x4  }
0x2e7: {  	(v2sf) =	vpush v2, $0x0;
	_ =	sdelay $0xe  }
0x2e8: {  	s2 =	spop (v2sf)  }
0x2e9: {  	s19 =	sshll.u32 s2, $0xC  }
0x2ea: {  	s2 =	sshll.u32 s2, $0x7;
	s3 =	sand.u32 $0xFFFF8000, s19  }
0x2eb: {  	s20 =	sld [smem:$0x7D8];
	s2 =	sand.u32 $0x380, s2;
	s3 =	sadd.s32 s3, s4  }
0x2ec: {  	s2 =	sadd.s32 s2, s3  }
0x2ed: {  	s0 =	sor.u32 $0x1C05, s1;
	s2 =	sshrl.u32 s2, $0x3  }
0x2ee: {  	[hbm:s20@s6], [sflag:s0] =	dma.strided [spmem:s2@s6], $0x200, s8, $0x10   }
0x2ef: {  	(v2sf) =	vpush v2, $0x1;
	_ =	sdelay $0xe  }
0x2f0: {  	s2 =	spop (v2sf)  }
0x2f1: {  	s21 =	sshll.u32 s2, $0xC  }
0x2f2: {  	s2 =	sshll.u32 s2, $0x7;
	s3 =	sand.u32 $0xFFFF8000, s21  }
0x2f3: {  	s22 =	sld [smem:$0x7D9];
	s2 =	sand.u32 $0x380, s2;
	s3 =	sadd.s32 s3, s4  }
0x2f4: {  	s2 =	sadd.s32 s2, s3  }
0x2f5: {  	s2 =	sshrl.u32 s2, $0x3  }
0x2f6: {  	[hbm:s22@s6], [sflag:s0] =	dma.strided [spmem:s2@s6], $0x200, s8, $0x10   }
0x2f7: {  	(v2sf) =	vpush v2, $0x2;
	_ =	sdelay $0xe  }
0x2f8: {  	s2 =	spop (v2sf)  }
0x2f9: {  	s23 =	sshll.u32 s2, $0xC  }
0x2fa: {  	s2 =	sshll.u32 s2, $0x7;
	s3 =	sand.u32 $0xFFFF8000, s23  }
0x2fb: {  	s24 =	sld [smem:$0x7DA];
	s2 =	sand.u32 $0x380, s2;
	s3 =	sadd.s32 s3, s4  }
0x2fc: {  	s2 =	sadd.s32 s2, s3  }
0x2fd: {  	s2 =	sshrl.u32 s2, $0x3  }
0x2fe: {  	[hbm:s24@s6], [sflag:s0] =	dma.strided [spmem:s2@s6], $0x200, s8, $0x10   }
0x2ff: {  	(v2sf) =	vpush v2, $0x3;
	_ =	sdelay $0xe  }
0x300: {  	s2 =	spop (v2sf)  }
0x301: {  	s25 =	sshll.u32 s2, $0xC  }
0x302: {  	s2 =	sshll.u32 s2, $0x7;
	s3 =	sand.u32 $0xFFFF8000, s25  }
0x303: {  	s26 =	sld [smem:$0x7DB];
	s2 =	sand.u32 $0x380, s2;
	s3 =	sadd.s32 s3, s4  }
0x304: {  	s2 =	sadd.s32 s2, s3  }
0x305: {  	s2 =	sshrl.u32 s2, $0x3  }
0x306: {  	[hbm:s26@s6], [sflag:s0] =	dma.strided [spmem:s2@s6], $0x200, s8, $0x10   }
0x307: {  	(v2sf) =	vpush v2, $0x4;
	_ =	sdelay $0xe  }
0x308: {  	s2 =	spop (v2sf)  }
0x309: {  	s30 =	sshll.u32 s2, $0xC  }
0x30a: {  	s2 =	sshll.u32 s2, $0x7;
	s3 =	sand.u32 $0xFFFF8000, s30  }
0x30b: {  	s31 =	sld [smem:$0x7DC];
	s2 =	sand.u32 $0x380, s2;
	s3 =	sadd.s32 s3, s4  }
0x30c: {  	s2 =	sadd.s32 s2, s3  }
0x30d: {  	s2 =	sshrl.u32 s2, $0x3  }
0x30e: {  	[hbm:s31@s6], [sflag:s0] =	dma.strided [spmem:s2@s6], $0x200, s8, $0x10   }
0x30f: {  	(v2sf) =	vpush v2, $0x5;
	_ =	sdelay $0xe  }
0x310: {  	s2 =	spop (v2sf)  }
0x311: {  	s1 =	sshll.u32 s2, $0xC  }
0x312: {  	s2 =	sshll.u32 s2, $0x7;
	s3 =	sand.u32 $0xFFFF8000, s1  }
0x313: {  	s7 =	sld [smem:$0x7DD];
	s2 =	sand.u32 $0x380, s2;
	s3 =	sadd.s32 s3, s4  }
0x314: {  	s2 =	sadd.s32 s2, s3  }
0x315: {  	s2 =	sshrl.u32 s2, $0x3  }
0x316: {  	[hbm:s7@s6], [sflag:s0] =	dma.strided [spmem:s2@s6], $0x200, s8, $0x10   }
0x317: {  	(v2sf) =	vpush v2, $0x6;
	_ =	sdelay $0xe  }
0x318: {  	s2 =	spop (v2sf)  }
0x319: {  	s9 =	sshll.u32 s2, $0xC  }
0x31a: {  	s2 =	sshll.u32 s2, $0x7;
	s3 =	sand.u32 $0xFFFF8000, s9  }
0x31b: {  	s10 =	sld [smem:$0x7DE];
	s2 =	sand.u32 $0x380, s2;
	s3 =	sadd.s32 s3, s4  }
0x31c: {  	s2 =	sadd.s32 s2, s3  }
0x31d: {  	s2 =	sshrl.u32 s2, $0x3  }
0x31e: {  	[hbm:s10@s6], [sflag:s0] =	dma.strided [spmem:s2@s6], $0x200, s8, $0x10   }
0x31f: {  	(v2sf) =	vpush v2, $0x7;
	_ =	sdelay $0xe  }
0x320: {  	s2 =	spop (v2sf)  }
0x321: {  	s11 =	sshll.u32 s2, $0xC  }
0x322: {  	s2 =	sshll.u32 s2, $0x7;
	s3 =	sand.u32 $0xFFFF8000, s11  }
0x323: {  	s12 =	sld [smem:$0x7DF];
	s2 =	sand.u32 $0x380, s2;
	s3 =	sadd.s32 s3, s4  }
0x324: {  	s2 =	sadd.s32 s2, s3  }
0x325: {  	s2 =	sshrl.u32 s2, $0x3  }
0x326: {  	[hbm:s12@s6], [sflag:s0] =	dma.strided [spmem:s2@s6], $0x200, s8, $0x10   }
0x327: {  	(v2sf) =	vpush v2, $0x8;
	_ =	sdelay $0xe  }
0x328: {  	s2 =	spop (v2sf)  }
0x329: {  	s13 =	sshll.u32 s2, $0xC  }
0x32a: {  	s2 =	sshll.u32 s2, $0x7;
	s3 =	sand.u32 $0xFFFF8000, s13  }
0x32b: {  	s14 =	sld [smem:$0x7E0];
	s2 =	sand.u32 $0x380, s2;
	s3 =	sadd.s32 s3, s4  }
0x32c: {  	s2 =	sadd.s32 s2, s3  }
0x32d: {  	s2 =	sshrl.u32 s2, $0x3  }
0x32e: {  	[hbm:s14@s6], [sflag:s0] =	dma.strided [spmem:s2@s6], $0x200, s8, $0x10   }
0x32f: {  	(v2sf) =	vpush v2, $0x9;
	_ =	sdelay $0xe  }
0x330: {  	s2 =	spop (v2sf)  }
0x331: {  	s15 =	sshll.u32 s2, $0xC  }
0x332: {  	s2 =	sshll.u32 s2, $0x7;
	s3 =	sand.u32 $0xFFFF8000, s15  }
0x333: {  	s16 =	sld [smem:$0x7E1];
	s2 =	sand.u32 $0x380, s2;
	s3 =	sadd.s32 s3, s4  }
0x334: {  	s2 =	sadd.s32 s2, s3  }
0x335: {  	s2 =	sshrl.u32 s2, $0x3  }
0x336: {  	[hbm:s16@s6], [sflag:s0] =	dma.strided [spmem:s2@s6], $0x200, s8, $0x10   }
0x337: {  	(v2sf) =	vpush v2, $0xA;
	_ =	sdelay $0xe  }
0x338: {  	s2 =	spop (v2sf)  }
0x339: {  	s17 =	sshll.u32 s2, $0xC  }
0x33a: {  	s2 =	sshll.u32 s2, $0x7;
	s3 =	sand.u32 $0xFFFF8000, s17  }
0x33b: {  	s18 =	sld [smem:$0x7E2];
	s2 =	sand.u32 $0x380, s2;
	s3 =	sadd.s32 s3, s4  }
0x33c: {  	s2 =	sadd.s32 s2, s3  }
0x33d: {  	s2 =	sshrl.u32 s2, $0x3  }
0x33e: {  	[hbm:s18@s6], [sflag:s0] =	dma.strided [spmem:s2@s6], $0x200, s8, $0x10   }
0x33f: {  	(v2sf) =	vpush v2, $0xB;
	_ =	sdelay $0xe  }
0x340: {  	s2 =	spop (v2sf)  }
0x341: {  	s19 =	sshll.u32 s2, $0xC  }
0x342: {  	s2 =	sshll.u32 s2, $0x7;
	s3 =	sand.u32 $0xFFFF8000, s19  }
0x343: {  	s20 =	sld [smem:$0x7E3];
	s2 =	sand.u32 $0x380, s2;
	s3 =	sadd.s32 s3, s4  }
0x344: {  	s2 =	sadd.s32 s2, s3  }
0x345: {  	s2 =	sshrl.u32 s2, $0x3  }
0x346: {  	[hbm:s20@s6], [sflag:s0] =	dma.strided [spmem:s2@s6], $0x200, s8, $0x10   }
0x347: {  	(v2sf) =	vpush v2, $0xC;
	_ =	sdelay $0xe  }
0x348: {  	s2 =	spop (v2sf)  }
0x349: {  	s21 =	sshll.u32 s2, $0xC  }
0x34a: {  	s2 =	sshll.u32 s2, $0x7;
	s3 =	sand.u32 $0xFFFF8000, s21  }
0x34b: {  	s22 =	sld [smem:$0x7E4];
	s2 =	sand.u32 $0x380, s2;
	s3 =	sadd.s32 s3, s4  }
0x34c: {  	s2 =	sadd.s32 s2, s3  }
0x34d: {  	s2 =	sshrl.u32 s2, $0x3  }
0x34e: {  	[hbm:s22@s6], [sflag:s0] =	dma.strided [spmem:s2@s6], $0x200, s8, $0x10   }
0x34f: {  	(v2sf) =	vpush v2, $0xD;
	_ =	sdelay $0xe  }
0x350: {  	s2 =	spop (v2sf)  }
0x351: {  	s23 =	sshll.u32 s2, $0xC  }
0x352: {  	s2 =	sshll.u32 s2, $0x7;
	s3 =	sand.u32 $0xFFFF8000, s23  }
0x353: {  	s24 =	sld [smem:$0x7E5];
	s2 =	sand.u32 $0x380, s2;
	s3 =	sadd.s32 s3, s4  }
0x354: {  	s2 =	sadd.s32 s2, s3  }
0x355: {  	s2 =	sshrl.u32 s2, $0x3  }
0x356: {  	[hbm:s24@s6], [sflag:s0] =	dma.strided [spmem:s2@s6], $0x200, s8, $0x10   }
0x357: {  	(v2sf) =	vpush v2, $0xE;
	_ =	sdelay $0xe  }
0x358: {  	s2 =	spop (v2sf)  }
0x359: {  	s25 =	sshll.u32 s2, $0xC  }
0x35a: {  	s2 =	sshll.u32 s2, $0x7;
	s3 =	sand.u32 $0xFFFF8000, s25  }
0x35b: {  	s26 =	sld [smem:$0x7E6];
	s2 =	sand.u32 $0x380, s2;
	s3 =	sadd.s32 s3, s4  }
0x35c: {  	s2 =	sadd.s32 s2, s3  }
0x35d: {  	s2 =	sshrl.u32 s2, $0x3  }
0x35e: {  	[hbm:s26@s6], [sflag:s0] =	dma.strided [spmem:s2@s6], $0x200, s8, $0x10   }
0x35f: {  	(v2sf) =	vpush v2, $0xF;
	_ =	sdelay $0xe  }
0x360: {  	s2 =	spop (v2sf)  }
0x361: {  	s30 =	sshll.u32 s2, $0xC  }
0x362: {  	s2 =	sshll.u32 s2, $0x7;
	s3 =	sand.u32 $0xFFFF8000, s30  }
0x363: {  	s31 =	sld [smem:$0x7E7];
	s2 =	sand.u32 $0x380, s2;
	s3 =	sadd.s32 s3, s4  }
0x364: {  	s2 =	sadd.s32 s2, s3  }
0x365: {  	[smem:$0x7A9] =	sst s0;
	s2 =	sshrl.u32 s2, $0x3  }
0x366: {  	[hbm:s31@s6], [sflag:s0] =	dma.strided [spmem:s2@s6], $0x200, s8, $0x10   }
0x367: {  	s10 =	rddreg [dreg:$0x9]  }
0x368: {  	s1 =	sld [smem:$0x7EF]  }
0x369: {  	s11 =	sld [smem:$0x7EE]  }
0x36a: {  	s12 =	sld [smem:$0x7ED]  }
0x36b: {  	s0 =	sld [smem:$0x7EC]  }
0x36c: {  	s13 =	sld [smem:$0x7EB]  }
0x36d: {  	s25 =	sld [smem:$0x7E8]  }
0x36e: {  	s14 =	sld [smem:$0x7EA]  }
0x36f: {  	s29 =	simm.s32 $0x0;
	s28 =	sld [smem:$0x7E9]  }
0x370: {  	s9 =	simm.s32 $0x220;
	s4 =	simm.s32 $0x300;
	[smem:$0x7AA] =	sst s0  }
.LBB2_2:
0x371: {  	[smem:$0x79D] =	sst s25  }
0x372: {  	[smem:$0x79C] =	sst s28  }
0x373: {  	_ =	swait.ge [sflag:s8], $0x2000  }
0x374: {  	p0 =	sne.s32 s29, $0x3C0;
	[smem:$0x79E] =	sst s1  }
.Ltmp2:
0x375: {  	[smem:$0x79F] =	sst s11;
	(pc) =	sbr.rel @p0 .LBB2_4-.Ltmp2, $4  }
0x376: {  	[smem:$0x7A0] =	sst s12  }
0x377: {  	[smem:$0x7A1] =	sst s13  }
0x378: {  	[sflag:s8] =	ssyncset.done $0x0;
	[smem:$0x7A2] =	sst s14  }
0x379: {  	[smem:$0x7A3] =	sst s29;
	[sflag:s8] =	ssyncadd.s32 $0xFFFFE000  }
0x37a: {  	s0 =	simm.s32 $0x2  }
0x37b: {  	_ =	swait.ge [sflag:s0], $0x2000  }
0x37c: {  	[sflag:s0] =	ssyncset.done $0x0  }
0x37d: {  	s29 =	simm.s32 $0x3;
	[sflag:s0] =	ssyncadd.s32 $0xFFFFE000  }
0x37e: {  	_ =	swait.ge [sflag:s29], $0x2000  }
0x37f: {  	[sflag:s29] =	ssyncset.done $0x0  }
0x380: {  	s30 =	simm.s32 $0x4;
	[sflag:s29] =	ssyncadd.s32 $0xFFFFE000  }
0x381: {  	_ =	swait.ge [sflag:s30], $0x2000  }
.Ltmp3:
0x382: {  	[sflag:s30] =	ssyncset.done $0x0;
	(pc) =	sbr.rel .LBB2_5-.Ltmp3, $4  }
0x383: {  	s31 =	simm.s32 $0x5;
	[sflag:s30] =	ssyncadd.s32 $0xFFFFE000  }
0x384: {  	_ =	swait.ge [sflag:s31], $0x2000  }
0x385: {  	[sflag:s31] =	ssyncset.done $0x0  }
0x386: {  	[sflag:s31] =	ssyncadd.s32 $0xFFFFE000  }
.LBB2_4:
0x387: {  	s23 =	sshra.s32 s29, $0x2  }
0x388: {  	v2 =	vld [tilespmem:s23+$0x50];
	_ =	sdelay $0x4  }
0x389: {  	(v2sf) =	vpush v2, $0x0;
	_ =	sdelay $0xe  }
0x38a: {  	s2 =	spop (v2sf)  }
0x38b: {  	s3 =	sshll.u32 s2, $0xC  }
0x38c: {  	s0 =	rddreg [dreg:$0x4];
	s2 =	sshll.u32 s2, $0x7;
	s3 =	sand.u32 $0xFFFF8000, s3  }
0x38d: {  	s4 =	sld [smem:$0x7A5];
	s2 =	sand.u32 $0x380, s2;
	s3 =	sadd.s32 s3, s0  }
0x38e: {  	s7 =	rddreg [dreg:$0x3];
	s3 =	sadd.s32 s2, s3  }
0x38f: {  	s2 =	sadd.s32 s1, s7;
	s1 =	simm.s32 $0x80;
	s3 =	sshrl.u32 s3, $0x3  }
0x390: {  	[hbm:s2@s1], [sflag:s4] =	dma.strided [spmem:s3@s1], $0x200, s8, $0x10   }
0x391: {  	(v2sf) =	vpush v2, $0x1;
	_ =	sdelay $0xe  }
0x392: {  	s3 =	spop (v2sf)  }
0x393: {  	s6 =	sshll.u32 s3, $0xC  }
0x394: {  	s3 =	sshll.u32 s3, $0x7;
	s6 =	sand.u32 $0xFFFF8000, s6  }
0x395: {  	s3 =	sand.u32 $0x380, s3;
	s6 =	sadd.s32 s6, s0  }
0x396: {  	s3 =	sadd.s32 s3, s6  }
0x397: {  	s30 =	sadd.s32 $0x10, s2;
	s3 =	sshrl.u32 s3, $0x3  }
0x398: {  	[hbm:s30@s1], [sflag:s4] =	dma.strided [spmem:s3@s1], $0x200, s8, $0x10   }
0x399: {  	(v2sf) =	vpush v2, $0x2;
	_ =	sdelay $0xe  }
0x39a: {  	s3 =	spop (v2sf)  }
0x39b: {  	s31 =	sshll.u32 s3, $0xC  }
0x39c: {  	s3 =	sshll.u32 s3, $0x7;
	s6 =	sand.u32 $0xFFFF8000, s31  }
0x39d: {  	s3 =	sand.u32 $0x380, s3;
	s6 =	sadd.s32 s6, s0  }
0x39e: {  	s3 =	sadd.s32 s3, s6  }
0x39f: {  	s15 =	sadd.s32 $0x20, s2;
	s3 =	sshrl.u32 s3, $0x3  }
0x3a0: {  	[hbm:s15@s1], [sflag:s4] =	dma.strided [spmem:s3@s1], $0x200, s8, $0x10   }
0x3a1: {  	(v2sf) =	vpush v2, $0x3;
	_ =	sdelay $0xe  }
0x3a2: {  	s3 =	spop (v2sf)  }
0x3a3: {  	s16 =	sshll.u32 s3, $0xC  }
0x3a4: {  	s3 =	sshll.u32 s3, $0x7;
	s6 =	sand.u32 $0xFFFF8000, s16  }
0x3a5: {  	s3 =	sand.u32 $0x380, s3;
	s6 =	sadd.s32 s6, s0  }
0x3a6: {  	s3 =	sadd.s32 s3, s6  }
0x3a7: {  	s17 =	sadd.s32 $0x30, s2;
	s3 =	sshrl.u32 s3, $0x3  }
0x3a8: {  	[hbm:s17@s1], [sflag:s4] =	dma.strided [spmem:s3@s1], $0x200, s8, $0x10   }
0x3a9: {  	(v2sf) =	vpush v2, $0x4;
	_ =	sdelay $0xe  }
0x3aa: {  	s3 =	spop (v2sf)  }
0x3ab: {  	s18 =	sshll.u32 s3, $0xC  }
0x3ac: {  	s3 =	sshll.u32 s3, $0x7;
	s6 =	sand.u32 $0xFFFF8000, s18  }
0x3ad: {  	s3 =	sand.u32 $0x380, s3;
	s6 =	sadd.s32 s6, s0  }
0x3ae: {  	s3 =	sadd.s32 s3, s6  }
0x3af: {  	s19 =	sadd.s32 $0x40, s2;
	s3 =	sshrl.u32 s3, $0x3  }
0x3b0: {  	[hbm:s19@s1], [sflag:s4] =	dma.strided [spmem:s3@s1], $0x200, s8, $0x10   }
0x3b1: {  	(v2sf) =	vpush v2, $0x5;
	_ =	sdelay $0xe  }
0x3b2: {  	s3 =	spop (v2sf)  }
0x3b3: {  	s20 =	sshll.u32 s3, $0xC  }
0x3b4: {  	s3 =	sshll.u32 s3, $0x7;
	s6 =	sand.u32 $0xFFFF8000, s20  }
0x3b5: {  	s3 =	sand.u32 $0x380, s3;
	s6 =	sadd.s32 s6, s0  }
0x3b6: {  	s3 =	sadd.s32 s3, s6  }
0x3b7: {  	s21 =	sadd.s32 $0x50, s2;
	s3 =	sshrl.u32 s3, $0x3  }
0x3b8: {  	[hbm:s21@s1], [sflag:s4] =	dma.strided [spmem:s3@s1], $0x200, s8, $0x10   }
0x3b9: {  	(v2sf) =	vpush v2, $0x6;
	_ =	sdelay $0xe  }
0x3ba: {  	s3 =	spop (v2sf)  }
0x3bb: {  	s22 =	sshll.u32 s3, $0xC  }
0x3bc: {  	s3 =	sshll.u32 s3, $0x7;
	s6 =	sand.u32 $0xFFFF8000, s22  }
0x3bd: {  	s3 =	sand.u32 $0x380, s3;
	s6 =	sadd.s32 s6, s0  }
0x3be: {  	s3 =	sadd.s32 s3, s6  }
0x3bf: {  	s24 =	sadd.s32 $0x60, s2;
	s3 =	sshrl.u32 s3, $0x3  }
0x3c0: {  	[hbm:s24@s1], [sflag:s4] =	dma.strided [spmem:s3@s1], $0x200, s8, $0x10   }
0x3c1: {  	(v2sf) =	vpush v2, $0x7;
	_ =	sdelay $0xe  }
0x3c2: {  	s3 =	spop (v2sf)  }
0x3c3: {  	s25 =	sshll.u32 s3, $0xC  }
0x3c4: {  	s3 =	sshll.u32 s3, $0x7;
	s6 =	sand.u32 $0xFFFF8000, s25  }
0x3c5: {  	s3 =	sand.u32 $0x380, s3;
	s6 =	sadd.s32 s6, s0  }
0x3c6: {  	s3 =	sadd.s32 s3, s6  }
0x3c7: {  	s26 =	sadd.s32 $0x70, s2;
	s3 =	sshrl.u32 s3, $0x3  }
0x3c8: {  	[hbm:s26@s1], [sflag:s4] =	dma.strided [spmem:s3@s1], $0x200, s8, $0x10   }
0x3c9: {  	(v2sf) =	vpush v2, $0x8;
	_ =	sdelay $0xe  }
0x3ca: {  	s3 =	spop (v2sf)  }
0x3cb: {  	s28 =	sshll.u32 s3, $0xC  }
0x3cc: {  	s3 =	sshll.u32 s3, $0x7;
	s6 =	sand.u32 $0xFFFF8000, s28  }
0x3cd: {  	s3 =	sand.u32 $0x380, s3;
	s6 =	sadd.s32 s6, s0  }
0x3ce: {  	s3 =	sadd.s32 s3, s6  }
0x3cf: {  	s29 =	sadd.s32 $0x1000, s2;
	s3 =	sshrl.u32 s3, $0x3  }
0x3d0: {  	[hbm:s29@s1], [sflag:s4] =	dma.strided [spmem:s3@s1], $0x200, s8, $0x10   }
0x3d1: {  	(v2sf) =	vpush v2, $0x9;
	_ =	sdelay $0xe  }
0x3d2: {  	s3 =	spop (v2sf)  }
0x3d3: {  	s30 =	sshll.u32 s3, $0xC  }
0x3d4: {  	s3 =	sshll.u32 s3, $0x7;
	s6 =	sand.u32 $0xFFFF8000, s30  }
0x3d5: {  	s3 =	sand.u32 $0x380, s3;
	s6 =	sadd.s32 s6, s0  }
0x3d6: {  	s3 =	sadd.s32 s3, s6  }
0x3d7: {  	s31 =	sadd.s32 $0x1010, s2;
	s3 =	sshrl.u32 s3, $0x3  }
0x3d8: {  	[hbm:s31@s1], [sflag:s4] =	dma.strided [spmem:s3@s1], $0x200, s8, $0x10   }
0x3d9: {  	(v2sf) =	vpush v2, $0xA;
	_ =	sdelay $0xe  }
0x3da: {  	s3 =	spop (v2sf)  }
0x3db: {  	s15 =	sshll.u32 s3, $0xC  }
0x3dc: {  	s3 =	sshll.u32 s3, $0x7;
	s6 =	sand.u32 $0xFFFF8000, s15  }
0x3dd: {  	s3 =	sand.u32 $0x380, s3;
	s6 =	sadd.s32 s6, s0  }
0x3de: {  	s3 =	sadd.s32 s3, s6  }
0x3df: {  	s16 =	sadd.s32 $0x1020, s2;
	s3 =	sshrl.u32 s3, $0x3  }
0x3e0: {  	[hbm:s16@s1], [sflag:s4] =	dma.strided [spmem:s3@s1], $0x200, s8, $0x10   }
0x3e1: {  	(v2sf) =	vpush v2, $0xB;
	_ =	sdelay $0xe  }
0x3e2: {  	s3 =	spop (v2sf)  }
0x3e3: {  	s17 =	sshll.u32 s3, $0xC  }
0x3e4: {  	s3 =	sshll.u32 s3, $0x7;
	s6 =	sand.u32 $0xFFFF8000, s17  }
0x3e5: {  	s3 =	sand.u32 $0x380, s3;
	s6 =	sadd.s32 s6, s0  }
0x3e6: {  	s3 =	sadd.s32 s3, s6  }
0x3e7: {  	s18 =	sadd.s32 $0x1030, s2;
	s3 =	sshrl.u32 s3, $0x3  }
0x3e8: {  	[hbm:s18@s1], [sflag:s4] =	dma.strided [spmem:s3@s1], $0x200, s8, $0x10   }
0x3e9: {  	(v2sf) =	vpush v2, $0xC;
	_ =	sdelay $0xe  }
0x3ea: {  	s3 =	spop (v2sf)  }
0x3eb: {  	s19 =	sshll.u32 s3, $0xC  }
0x3ec: {  	s3 =	sshll.u32 s3, $0x7;
	s6 =	sand.u32 $0xFFFF8000, s19  }
0x3ed: {  	s3 =	sand.u32 $0x380, s3;
	s6 =	sadd.s32 s6, s0  }
0x3ee: {  	s3 =	sadd.s32 s3, s6  }
0x3ef: {  	s20 =	sadd.s32 $0x1040, s2;
	s3 =	sshrl.u32 s3, $0x3  }
0x3f0: {  	[hbm:s20@s1], [sflag:s4] =	dma.strided [spmem:s3@s1], $0x200, s8, $0x10   }
0x3f1: {  	(v2sf) =	vpush v2, $0xD;
	_ =	sdelay $0xe  }
0x3f2: {  	s3 =	spop (v2sf)  }
0x3f3: {  	s21 =	sshll.u32 s3, $0xC  }
0x3f4: {  	s3 =	sshll.u32 s3, $0x7;
	s6 =	sand.u32 $0xFFFF8000, s21  }
0x3f5: {  	s3 =	sand.u32 $0x380, s3;
	s6 =	sadd.s32 s6, s0  }
0x3f6: {  	s3 =	sadd.s32 s3, s6  }
0x3f7: {  	s22 =	sadd.s32 $0x1050, s2;
	s3 =	sshrl.u32 s3, $0x3  }
0x3f8: {  	[hbm:s22@s1], [sflag:s4] =	dma.strided [spmem:s3@s1], $0x200, s8, $0x10   }
0x3f9: {  	(v2sf) =	vpush v2, $0xE;
	_ =	sdelay $0xe  }
0x3fa: {  	s3 =	spop (v2sf)  }
0x3fb: {  	s24 =	sshll.u32 s3, $0xC  }
0x3fc: {  	s3 =	sshll.u32 s3, $0x7;
	s6 =	sand.u32 $0xFFFF8000, s24  }
0x3fd: {  	s3 =	sand.u32 $0x380, s3;
	s6 =	sadd.s32 s6, s0  }
0x3fe: {  	s3 =	sadd.s32 s3, s6  }
0x3ff: {  	s25 =	sadd.s32 $0x1060, s2;
	s3 =	sshrl.u32 s3, $0x3  }
0x400: {  	[hbm:s25@s1], [sflag:s4] =	dma.strided [spmem:s3@s1], $0x200, s8, $0x10   }
0x401: {  	(v2sf) =	vpush v2, $0xF;
	_ =	sdelay $0xe  }
0x402: {  	s3 =	spop (v2sf)  }
0x403: {  	s26 =	sshll.u32 s3, $0xC  }
0x404: {  	s3 =	sshll.u32 s3, $0x7;
	s6 =	sand.u32 $0xFFFF8000, s26  }
0x405: {  	s3 =	sand.u32 $0x380, s3;
	s6 =	sadd.s32 s6, s0  }
0x406: {  	s3 =	sadd.s32 s3, s6  }
0x407: {  	s2 =	sadd.s32 $0x1070, s2;
	s28 =	simm.s32 $0x2;
	s3 =	sshrl.u32 s3, $0x3  }
0x408: {  	[hbm:s2@s1], [sflag:s4] =	dma.strided [spmem:s3@s1], $0x200, s8, $0x10   }
0x409: {  	_ =	swait.ge [sflag:s28], $0x2000  }
0x40a: {  	[sflag:s28] =	ssyncset.done $0x0  }
0x40b: {  	[sflag:s28] =	ssyncadd.s32 $0xFFFFE000  }
0x40c: {  	v2 =	vld [tilespmem:s23+$0x60];
	_ =	sdelay $0x4  }
0x40d: {  	(v2sf) =	vpush v2, $0x0;
	_ =	sdelay $0xe  }
0x40e: {  	s29 =	spop (v2sf)  }
0x40f: {  	s30 =	sshll.u32 s29, $0xC  }
0x410: {  	s2 =	sshll.u32 s29, $0x7;
	s3 =	sand.u32 $0xFFFF8000, s30  }
0x411: {  	s4 =	sld [smem:$0x7A6];
	s2 =	sand.u32 $0x380, s2;
	s3 =	sadd.s32 s3, s0  }
0x412: {  	s3 =	sadd.s32 s2, s3  }
0x413: {  	s2 =	sadd.s32 s11, s7;
	s3 =	sshrl.u32 s3, $0x3  }
0x414: {  	[hbm:s2@s1], [sflag:s4] =	dma.strided [spmem:s3@s1], $0x200, s8, $0x10   }
0x415: {  	(v2sf) =	vpush v2, $0x1;
	_ =	sdelay $0xe  }
0x416: {  	s3 =	spop (v2sf)  }
0x417: {  	s31 =	sshll.u32 s3, $0xC  }
0x418: {  	s3 =	sshll.u32 s3, $0x7;
	s6 =	sand.u32 $0xFFFF8000, s31  }
0x419: {  	s3 =	sand.u32 $0x380, s3;
	s6 =	sadd.s32 s6, s0  }
0x41a: {  	s3 =	sadd.s32 s3, s6  }
0x41b: {  	s11 =	sadd.s32 $0x10, s2;
	s3 =	sshrl.u32 s3, $0x3  }
0x41c: {  	[hbm:s11@s1], [sflag:s4] =	dma.strided [spmem:s3@s1], $0x200, s8, $0x10   }
0x41d: {  	(v2sf) =	vpush v2, $0x2;
	_ =	sdelay $0xe  }
0x41e: {  	s3 =	spop (v2sf)  }
0x41f: {  	s15 =	sshll.u32 s3, $0xC  }
0x420: {  	s3 =	sshll.u32 s3, $0x7;
	s6 =	sand.u32 $0xFFFF8000, s15  }
0x421: {  	s3 =	sand.u32 $0x380, s3;
	s6 =	sadd.s32 s6, s0  }
0x422: {  	s3 =	sadd.s32 s3, s6  }
0x423: {  	s16 =	sadd.s32 $0x20, s2;
	s3 =	sshrl.u32 s3, $0x3  }
0x424: {  	[hbm:s16@s1], [sflag:s4] =	dma.strided [spmem:s3@s1], $0x200, s8, $0x10   }
0x425: {  	(v2sf) =	vpush v2, $0x3;
	_ =	sdelay $0xe  }
0x426: {  	s3 =	spop (v2sf)  }
0x427: {  	s17 =	sshll.u32 s3, $0xC  }
0x428: {  	s3 =	sshll.u32 s3, $0x7;
	s6 =	sand.u32 $0xFFFF8000, s17  }
0x429: {  	s3 =	sand.u32 $0x380, s3;
	s6 =	sadd.s32 s6, s0  }
0x42a: {  	s3 =	sadd.s32 s3, s6  }
0x42b: {  	s18 =	sadd.s32 $0x30, s2;
	s3 =	sshrl.u32 s3, $0x3  }
0x42c: {  	[hbm:s18@s1], [sflag:s4] =	dma.strided [spmem:s3@s1], $0x200, s8, $0x10   }
0x42d: {  	(v2sf) =	vpush v2, $0x4;
	_ =	sdelay $0xe  }
0x42e: {  	s3 =	spop (v2sf)  }
0x42f: {  	s19 =	sshll.u32 s3, $0xC  }
0x430: {  	s3 =	sshll.u32 s3, $0x7;
	s6 =	sand.u32 $0xFFFF8000, s19  }
0x431: {  	s3 =	sand.u32 $0x380, s3;
	s6 =	sadd.s32 s6, s0  }
0x432: {  	s3 =	sadd.s32 s3, s6  }
0x433: {  	s20 =	sadd.s32 $0x40, s2;
	s3 =	sshrl.u32 s3, $0x3  }
0x434: {  	[hbm:s20@s1], [sflag:s4] =	dma.strided [spmem:s3@s1], $0x200, s8, $0x10   }
0x435: {  	(v2sf) =	vpush v2, $0x5;
	_ =	sdelay $0xe  }
0x436: {  	s3 =	spop (v2sf)  }
0x437: {  	s21 =	sshll.u32 s3, $0xC  }
0x438: {  	s3 =	sshll.u32 s3, $0x7;
	s6 =	sand.u32 $0xFFFF8000, s21  }
0x439: {  	s3 =	sand.u32 $0x380, s3;
	s6 =	sadd.s32 s6, s0  }
0x43a: {  	s3 =	sadd.s32 s3, s6  }
0x43b: {  	s22 =	sadd.s32 $0x50, s2;
	s3 =	sshrl.u32 s3, $0x3  }
0x43c: {  	[hbm:s22@s1], [sflag:s4] =	dma.strided [spmem:s3@s1], $0x200, s8, $0x10   }
0x43d: {  	(v2sf) =	vpush v2, $0x6;
	_ =	sdelay $0xe  }
0x43e: {  	s3 =	spop (v2sf)  }
0x43f: {  	s24 =	sshll.u32 s3, $0xC  }
0x440: {  	s3 =	sshll.u32 s3, $0x7;
	s6 =	sand.u32 $0xFFFF8000, s24  }
0x441: {  	s3 =	sand.u32 $0x380, s3;
	s6 =	sadd.s32 s6, s0  }
0x442: {  	s3 =	sadd.s32 s3, s6  }
0x443: {  	s25 =	sadd.s32 $0x60, s2;
	s3 =	sshrl.u32 s3, $0x3  }
0x444: {  	[hbm:s25@s1], [sflag:s4] =	dma.strided [spmem:s3@s1], $0x200, s8, $0x10   }
0x445: {  	(v2sf) =	vpush v2, $0x7;
	_ =	sdelay $0xe  }
0x446: {  	s3 =	spop (v2sf)  }
0x447: {  	s26 =	sshll.u32 s3, $0xC  }
0x448: {  	s3 =	sshll.u32 s3, $0x7;
	s6 =	sand.u32 $0xFFFF8000, s26  }
0x449: {  	s3 =	sand.u32 $0x380, s3;
	s6 =	sadd.s32 s6, s0  }
0x44a: {  	s3 =	sadd.s32 s3, s6  }
0x44b: {  	s28 =	sadd.s32 $0x70, s2;
	s3 =	sshrl.u32 s3, $0x3  }
0x44c: {  	[hbm:s28@s1], [sflag:s4] =	dma.strided [spmem:s3@s1], $0x200, s8, $0x10   }
0x44d: {  	(v2sf) =	vpush v2, $0x8;
	_ =	sdelay $0xe  }
0x44e: {  	s3 =	spop (v2sf)  }
0x44f: {  	s29 =	sshll.u32 s3, $0xC  }
0x450: {  	s3 =	sshll.u32 s3, $0x7;
	s6 =	sand.u32 $0xFFFF8000, s29  }
0x451: {  	s3 =	sand.u32 $0x380, s3;
	s6 =	sadd.s32 s6, s0  }
0x452: {  	s3 =	sadd.s32 s3, s6  }
0x453: {  	s30 =	sadd.s32 $0x1000, s2;
	s3 =	sshrl.u32 s3, $0x3  }
0x454: {  	[hbm:s30@s1], [sflag:s4] =	dma.strided [spmem:s3@s1], $0x200, s8, $0x10   }
0x455: {  	(v2sf) =	vpush v2, $0x9;
	_ =	sdelay $0xe  }
0x456: {  	s3 =	spop (v2sf)  }
0x457: {  	s31 =	sshll.u32 s3, $0xC  }
0x458: {  	s3 =	sshll.u32 s3, $0x7;
	s6 =	sand.u32 $0xFFFF8000, s31  }
0x459: {  	s3 =	sand.u32 $0x380, s3;
	s6 =	sadd.s32 s6, s0  }
0x45a: {  	s3 =	sadd.s32 s3, s6  }
0x45b: {  	s11 =	sadd.s32 $0x1010, s2;
	s3 =	sshrl.u32 s3, $0x3  }
0x45c: {  	[hbm:s11@s1], [sflag:s4] =	dma.strided [spmem:s3@s1], $0x200, s8, $0x10   }
0x45d: {  	(v2sf) =	vpush v2, $0xA;
	_ =	sdelay $0xe  }
0x45e: {  	s3 =	spop (v2sf)  }
0x45f: {  	s15 =	sshll.u32 s3, $0xC  }
0x460: {  	s3 =	sshll.u32 s3, $0x7;
	s6 =	sand.u32 $0xFFFF8000, s15  }
0x461: {  	s3 =	sand.u32 $0x380, s3;
	s6 =	sadd.s32 s6, s0  }
0x462: {  	s3 =	sadd.s32 s3, s6  }
0x463: {  	s16 =	sadd.s32 $0x1020, s2;
	s3 =	sshrl.u32 s3, $0x3  }
0x464: {  	[hbm:s16@s1], [sflag:s4] =	dma.strided [spmem:s3@s1], $0x200, s8, $0x10   }
0x465: {  	(v2sf) =	vpush v2, $0xB;
	_ =	sdelay $0xe  }
0x466: {  	s3 =	spop (v2sf)  }
0x467: {  	s17 =	sshll.u32 s3, $0xC  }
0x468: {  	s3 =	sshll.u32 s3, $0x7;
	s6 =	sand.u32 $0xFFFF8000, s17  }
0x469: {  	s3 =	sand.u32 $0x380, s3;
	s6 =	sadd.s32 s6, s0  }
0x46a: {  	s3 =	sadd.s32 s3, s6  }
0x46b: {  	s18 =	sadd.s32 $0x1030, s2;
	s3 =	sshrl.u32 s3, $0x3  }
0x46c: {  	[hbm:s18@s1], [sflag:s4] =	dma.strided [spmem:s3@s1], $0x200, s8, $0x10   }
0x46d: {  	(v2sf) =	vpush v2, $0xC;
	_ =	sdelay $0xe  }
0x46e: {  	s3 =	spop (v2sf)  }
0x46f: {  	s19 =	sshll.u32 s3, $0xC  }
0x470: {  	s3 =	sshll.u32 s3, $0x7;
	s6 =	sand.u32 $0xFFFF8000, s19  }
0x471: {  	s3 =	sand.u32 $0x380, s3;
	s6 =	sadd.s32 s6, s0  }
0x472: {  	s3 =	sadd.s32 s3, s6  }
0x473: {  	s20 =	sadd.s32 $0x1040, s2;
	s3 =	sshrl.u32 s3, $0x3  }
0x474: {  	[hbm:s20@s1], [sflag:s4] =	dma.strided [spmem:s3@s1], $0x200, s8, $0x10   }
0x475: {  	(v2sf) =	vpush v2, $0xD;
	_ =	sdelay $0xe  }
0x476: {  	s3 =	spop (v2sf)  }
0x477: {  	s21 =	sshll.u32 s3, $0xC  }
0x478: {  	s3 =	sshll.u32 s3, $0x7;
	s6 =	sand.u32 $0xFFFF8000, s21  }
0x479: {  	s3 =	sand.u32 $0x380, s3;
	s6 =	sadd.s32 s6, s0  }
0x47a: {  	s3 =	sadd.s32 s3, s6  }
0x47b: {  	s22 =	sadd.s32 $0x1050, s2;
	s3 =	sshrl.u32 s3, $0x3  }
0x47c: {  	[hbm:s22@s1], [sflag:s4] =	dma.strided [spmem:s3@s1], $0x200, s8, $0x10   }
0x47d: {  	(v2sf) =	vpush v2, $0xE;
	_ =	sdelay $0xe  }
0x47e: {  	s3 =	spop (v2sf)  }
0x47f: {  	s24 =	sshll.u32 s3, $0xC  }
0x480: {  	s3 =	sshll.u32 s3, $0x7;
	s6 =	sand.u32 $0xFFFF8000, s24  }
0x481: {  	s3 =	sand.u32 $0x380, s3;
	s6 =	sadd.s32 s6, s0  }
0x482: {  	s3 =	sadd.s32 s3, s6  }
0x483: {  	s25 =	sadd.s32 $0x1060, s2;
	s3 =	sshrl.u32 s3, $0x3  }
0x484: {  	[hbm:s25@s1], [sflag:s4] =	dma.strided [spmem:s3@s1], $0x200, s8, $0x10   }
0x485: {  	(v2sf) =	vpush v2, $0xF;
	_ =	sdelay $0xe  }
0x486: {  	s3 =	spop (v2sf)  }
0x487: {  	s26 =	sshll.u32 s3, $0xC  }
0x488: {  	s3 =	sshll.u32 s3, $0x7;
	s6 =	sand.u32 $0xFFFF8000, s26  }
0x489: {  	s3 =	sand.u32 $0x380, s3;
	s6 =	sadd.s32 s6, s0  }
0x48a: {  	s3 =	sadd.s32 s3, s6  }
0x48b: {  	s2 =	sadd.s32 $0x1070, s2;
	s28 =	simm.s32 $0x3;
	s3 =	sshrl.u32 s3, $0x3  }
0x48c: {  	[hbm:s2@s1], [sflag:s4] =	dma.strided [spmem:s3@s1], $0x200, s8, $0x10   }
0x48d: {  	_ =	swait.ge [sflag:s28], $0x2000  }
0x48e: {  	[sflag:s28] =	ssyncset.done $0x0  }
0x48f: {  	[sflag:s28] =	ssyncadd.s32 $0xFFFFE000  }
0x490: {  	v2 =	vld [tilespmem:s23+$0x70];
	_ =	sdelay $0x4  }
0x491: {  	(v2sf) =	vpush v2, $0x0;
	_ =	sdelay $0xe  }
0x492: {  	s29 =	spop (v2sf)  }
0x493: {  	s30 =	sshll.u32 s29, $0xC  }
0x494: {  	s2 =	sshll.u32 s29, $0x7;
	s3 =	sand.u32 $0xFFFF8000, s30  }
0x495: {  	s4 =	sld [smem:$0x7A7];
	s2 =	sand.u32 $0x380, s2;
	s3 =	sadd.s32 s3, s0  }
0x496: {  	s3 =	sadd.s32 s2, s3  }
0x497: {  	s2 =	sadd.s32 s12, s7;
	s3 =	sshrl.u32 s3, $0x3  }
0x498: {  	[hbm:s2@s1], [sflag:s4] =	dma.strided [spmem:s3@s1], $0x200, s8, $0x10   }
0x499: {  	(v2sf) =	vpush v2, $0x1;
	_ =	sdelay $0xe  }
0x49a: {  	s3 =	spop (v2sf)  }
0x49b: {  	s31 =	sshll.u32 s3, $0xC  }
0x49c: {  	s3 =	sshll.u32 s3, $0x7;
	s6 =	sand.u32 $0xFFFF8000, s31  }
0x49d: {  	s3 =	sand.u32 $0x380, s3;
	s6 =	sadd.s32 s6, s0  }
0x49e: {  	s3 =	sadd.s32 s3, s6  }
0x49f: {  	s11 =	sadd.s32 $0x10, s2;
	s3 =	sshrl.u32 s3, $0x3  }
0x4a0: {  	[hbm:s11@s1], [sflag:s4] =	dma.strided [spmem:s3@s1], $0x200, s8, $0x10   }
0x4a1: {  	(v2sf) =	vpush v2, $0x2;
	_ =	sdelay $0xe  }
0x4a2: {  	s3 =	spop (v2sf)  }
0x4a3: {  	s12 =	sshll.u32 s3, $0xC  }
0x4a4: {  	s3 =	sshll.u32 s3, $0x7;
	s6 =	sand.u32 $0xFFFF8000, s12  }
0x4a5: {  	s3 =	sand.u32 $0x380, s3;
	s6 =	sadd.s32 s6, s0  }
0x4a6: {  	s3 =	sadd.s32 s3, s6  }
0x4a7: {  	s15 =	sadd.s32 $0x20, s2;
	s3 =	sshrl.u32 s3, $0x3  }
0x4a8: {  	[hbm:s15@s1], [sflag:s4] =	dma.strided [spmem:s3@s1], $0x200, s8, $0x10   }
0x4a9: {  	(v2sf) =	vpush v2, $0x3;
	_ =	sdelay $0xe  }
0x4aa: {  	s3 =	spop (v2sf)  }
0x4ab: {  	s16 =	sshll.u32 s3, $0xC  }
0x4ac: {  	s3 =	sshll.u32 s3, $0x7;
	s6 =	sand.u32 $0xFFFF8000, s16  }
0x4ad: {  	s3 =	sand.u32 $0x380, s3;
	s6 =	sadd.s32 s6, s0  }
0x4ae: {  	s3 =	sadd.s32 s3, s6  }
0x4af: {  	s17 =	sadd.s32 $0x30, s2;
	s3 =	sshrl.u32 s3, $0x3  }
0x4b0: {  	[hbm:s17@s1], [sflag:s4] =	dma.strided [spmem:s3@s1], $0x200, s8, $0x10   }
0x4b1: {  	(v2sf) =	vpush v2, $0x4;
	_ =	sdelay $0xe  }
0x4b2: {  	s3 =	spop (v2sf)  }
0x4b3: {  	s18 =	sshll.u32 s3, $0xC  }
0x4b4: {  	s3 =	sshll.u32 s3, $0x7;
	s6 =	sand.u32 $0xFFFF8000, s18  }
0x4b5: {  	s3 =	sand.u32 $0x380, s3;
	s6 =	sadd.s32 s6, s0  }
0x4b6: {  	s3 =	sadd.s32 s3, s6  }
0x4b7: {  	s19 =	sadd.s32 $0x40, s2;
	s3 =	sshrl.u32 s3, $0x3  }
0x4b8: {  	[hbm:s19@s1], [sflag:s4] =	dma.strided [spmem:s3@s1], $0x200, s8, $0x10   }
0x4b9: {  	(v2sf) =	vpush v2, $0x5;
	_ =	sdelay $0xe  }
0x4ba: {  	s3 =	spop (v2sf)  }
0x4bb: {  	s20 =	sshll.u32 s3, $0xC  }
0x4bc: {  	s3 =	sshll.u32 s3, $0x7;
	s6 =	sand.u32 $0xFFFF8000, s20  }
0x4bd: {  	s3 =	sand.u32 $0x380, s3;
	s6 =	sadd.s32 s6, s0  }
0x4be: {  	s3 =	sadd.s32 s3, s6  }
0x4bf: {  	s21 =	sadd.s32 $0x50, s2;
	s3 =	sshrl.u32 s3, $0x3  }
0x4c0: {  	[hbm:s21@s1], [sflag:s4] =	dma.strided [spmem:s3@s1], $0x200, s8, $0x10   }
0x4c1: {  	(v2sf) =	vpush v2, $0x6;
	_ =	sdelay $0xe  }
0x4c2: {  	s3 =	spop (v2sf)  }
0x4c3: {  	s22 =	sshll.u32 s3, $0xC  }
0x4c4: {  	s3 =	sshll.u32 s3, $0x7;
	s6 =	sand.u32 $0xFFFF8000, s22  }
0x4c5: {  	s3 =	sand.u32 $0x380, s3;
	s6 =	sadd.s32 s6, s0  }
0x4c6: {  	s3 =	sadd.s32 s3, s6  }
0x4c7: {  	s24 =	sadd.s32 $0x60, s2;
	s3 =	sshrl.u32 s3, $0x3  }
0x4c8: {  	[hbm:s24@s1], [sflag:s4] =	dma.strided [spmem:s3@s1], $0x200, s8, $0x10   }
0x4c9: {  	(v2sf) =	vpush v2, $0x7;
	_ =	sdelay $0xe  }
0x4ca: {  	s3 =	spop (v2sf)  }
0x4cb: {  	s25 =	sshll.u32 s3, $0xC  }
0x4cc: {  	s3 =	sshll.u32 s3, $0x7;
	s6 =	sand.u32 $0xFFFF8000, s25  }
0x4cd: {  	s3 =	sand.u32 $0x380, s3;
	s6 =	sadd.s32 s6, s0  }
0x4ce: {  	s3 =	sadd.s32 s3, s6  }
0x4cf: {  	s26 =	sadd.s32 $0x70, s2;
	s3 =	sshrl.u32 s3, $0x3  }
0x4d0: {  	[hbm:s26@s1], [sflag:s4] =	dma.strided [spmem:s3@s1], $0x200, s8, $0x10   }
0x4d1: {  	(v2sf) =	vpush v2, $0x8;
	_ =	sdelay $0xe  }
0x4d2: {  	s3 =	spop (v2sf)  }
0x4d3: {  	s28 =	sshll.u32 s3, $0xC  }
0x4d4: {  	s3 =	sshll.u32 s3, $0x7;
	s6 =	sand.u32 $0xFFFF8000, s28  }
0x4d5: {  	s3 =	sand.u32 $0x380, s3;
	s6 =	sadd.s32 s6, s0  }
0x4d6: {  	s3 =	sadd.s32 s3, s6  }
0x4d7: {  	s29 =	sadd.s32 $0x1000, s2;
	s3 =	sshrl.u32 s3, $0x3  }
0x4d8: {  	[hbm:s29@s1], [sflag:s4] =	dma.strided [spmem:s3@s1], $0x200, s8, $0x10   }
0x4d9: {  	(v2sf) =	vpush v2, $0x9;
	_ =	sdelay $0xe  }
0x4da: {  	s3 =	spop (v2sf)  }
0x4db: {  	s30 =	sshll.u32 s3, $0xC  }
0x4dc: {  	s3 =	sshll.u32 s3, $0x7;
	s6 =	sand.u32 $0xFFFF8000, s30  }
0x4dd: {  	s3 =	sand.u32 $0x380, s3;
	s6 =	sadd.s32 s6, s0  }
0x4de: {  	s3 =	sadd.s32 s3, s6  }
0x4df: {  	s31 =	sadd.s32 $0x1010, s2;
	s3 =	sshrl.u32 s3, $0x3  }
0x4e0: {  	[hbm:s31@s1], [sflag:s4] =	dma.strided [spmem:s3@s1], $0x200, s8, $0x10   }
0x4e1: {  	(v2sf) =	vpush v2, $0xA;
	_ =	sdelay $0xe  }
0x4e2: {  	s3 =	spop (v2sf)  }
0x4e3: {  	s11 =	sshll.u32 s3, $0xC  }
0x4e4: {  	s3 =	sshll.u32 s3, $0x7;
	s6 =	sand.u32 $0xFFFF8000, s11  }
0x4e5: {  	s3 =	sand.u32 $0x380, s3;
	s6 =	sadd.s32 s6, s0  }
0x4e6: {  	s3 =	sadd.s32 s3, s6  }
0x4e7: {  	s12 =	sadd.s32 $0x1020, s2;
	s3 =	sshrl.u32 s3, $0x3  }
0x4e8: {  	[hbm:s12@s1], [sflag:s4] =	dma.strided [spmem:s3@s1], $0x200, s8, $0x10   }
0x4e9: {  	(v2sf) =	vpush v2, $0xB;
	_ =	sdelay $0xe  }
0x4ea: {  	s3 =	spop (v2sf)  }
0x4eb: {  	s15 =	sshll.u32 s3, $0xC  }
0x4ec: {  	s3 =	sshll.u32 s3, $0x7;
	s6 =	sand.u32 $0xFFFF8000, s15  }
0x4ed: {  	s3 =	sand.u32 $0x380, s3;
	s6 =	sadd.s32 s6, s0  }
0x4ee: {  	s3 =	sadd.s32 s3, s6  }
0x4ef: {  	s16 =	sadd.s32 $0x1030, s2;
	s3 =	sshrl.u32 s3, $0x3  }
0x4f0: {  	[hbm:s16@s1], [sflag:s4] =	dma.strided [spmem:s3@s1], $0x200, s8, $0x10   }
0x4f1: {  	(v2sf) =	vpush v2, $0xC;
	_ =	sdelay $0xe  }
0x4f2: {  	s3 =	spop (v2sf)  }
0x4f3: {  	s17 =	sshll.u32 s3, $0xC  }
0x4f4: {  	s3 =	sshll.u32 s3, $0x7;
	s6 =	sand.u32 $0xFFFF8000, s17  }
0x4f5: {  	s3 =	sand.u32 $0x380, s3;
	s6 =	sadd.s32 s6, s0  }
0x4f6: {  	s3 =	sadd.s32 s3, s6  }
0x4f7: {  	s18 =	sadd.s32 $0x1040, s2;
	s3 =	sshrl.u32 s3, $0x3  }
0x4f8: {  	[hbm:s18@s1], [sflag:s4] =	dma.strided [spmem:s3@s1], $0x200, s8, $0x10   }
0x4f9: {  	(v2sf) =	vpush v2, $0xD;
	_ =	sdelay $0xe  }
0x4fa: {  	s3 =	spop (v2sf)  }
0x4fb: {  	s19 =	sshll.u32 s3, $0xC  }
0x4fc: {  	s3 =	sshll.u32 s3, $0x7;
	s6 =	sand.u32 $0xFFFF8000, s19  }
0x4fd: {  	s3 =	sand.u32 $0x380, s3;
	s6 =	sadd.s32 s6, s0  }
0x4fe: {  	s3 =	sadd.s32 s3, s6  }
0x4ff: {  	s20 =	sadd.s32 $0x1050, s2;
	s3 =	sshrl.u32 s3, $0x3  }
0x500: {  	[hbm:s20@s1], [sflag:s4] =	dma.strided [spmem:s3@s1], $0x200, s8, $0x10   }
0x501: {  	(v2sf) =	vpush v2, $0xE;
	_ =	sdelay $0xe  }
0x502: {  	s3 =	spop (v2sf)  }
0x503: {  	s21 =	sshll.u32 s3, $0xC  }
0x504: {  	s3 =	sshll.u32 s3, $0x7;
	s6 =	sand.u32 $0xFFFF8000, s21  }
0x505: {  	s3 =	sand.u32 $0x380, s3;
	s6 =	sadd.s32 s6, s0  }
0x506: {  	s3 =	sadd.s32 s3, s6  }
0x507: {  	s22 =	sadd.s32 $0x1060, s2;
	s3 =	sshrl.u32 s3, $0x3  }
0x508: {  	[hbm:s22@s1], [sflag:s4] =	dma.strided [spmem:s3@s1], $0x200, s8, $0x10   }
0x509: {  	(v2sf) =	vpush v2, $0xF;
	_ =	sdelay $0xe  }
0x50a: {  	s3 =	spop (v2sf)  }
0x50b: {  	s24 =	sshll.u32 s3, $0xC  }
0x50c: {  	s3 =	sshll.u32 s3, $0x7;
	s6 =	sand.u32 $0xFFFF8000, s24  }
0x50d: {  	s3 =	sand.u32 $0x380, s3;
	s6 =	sadd.s32 s6, s0  }
0x50e: {  	s3 =	sadd.s32 s3, s6  }
0x50f: {  	s2 =	sadd.s32 $0x1070, s2;
	s25 =	simm.s32 $0x4;
	s3 =	sshrl.u32 s3, $0x3  }
0x510: {  	[hbm:s2@s1], [sflag:s4] =	dma.strided [spmem:s3@s1], $0x200, s8, $0x10   }
0x511: {  	_ =	swait.ge [sflag:s25], $0x2000  }
0x512: {  	[sflag:s25] =	ssyncset.done $0x0  }
0x513: {  	[sflag:s25] =	ssyncadd.s32 $0xFFFFE000  }
0x514: {  	v2 =	vld [tilespmem:s23+$0x80];
	_ =	sdelay $0x4  }
0x515: {  	(v2sf) =	vpush v2, $0x0;
	_ =	sdelay $0xe  }
0x516: {  	s26 =	spop (v2sf)  }
0x517: {  	s28 =	sshll.u32 s26, $0xC  }
0x518: {  	s2 =	sshll.u32 s26, $0x7;
	s3 =	sand.u32 $0xFFFF8000, s28  }
0x519: {  	s4 =	sld [smem:$0x7A8];
	s2 =	sand.u32 $0x380, s2;
	s3 =	sadd.s32 s3, s0  }
0x51a: {  	s3 =	sadd.s32 s2, s3  }
0x51b: {  	s2 =	sadd.s32 s13, s7;
	s3 =	sshrl.u32 s3, $0x3  }
0x51c: {  	[hbm:s2@s1], [sflag:s4] =	dma.strided [spmem:s3@s1], $0x200, s8, $0x10   }
0x51d: {  	(v2sf) =	vpush v2, $0x1;
	_ =	sdelay $0xe  }
0x51e: {  	s3 =	spop (v2sf)  }
0x51f: {  	s29 =	sshll.u32 s3, $0xC  }
0x520: {  	s3 =	sshll.u32 s3, $0x7;
	s6 =	sand.u32 $0xFFFF8000, s29  }
0x521: {  	s3 =	sand.u32 $0x380, s3;
	s6 =	sadd.s32 s6, s0  }
0x522: {  	s3 =	sadd.s32 s3, s6  }
0x523: {  	s30 =	sadd.s32 $0x10, s2;
	s3 =	sshrl.u32 s3, $0x3  }
0x524: {  	[hbm:s30@s1], [sflag:s4] =	dma.strided [spmem:s3@s1], $0x200, s8, $0x10   }
0x525: {  	(v2sf) =	vpush v2, $0x2;
	_ =	sdelay $0xe  }
0x526: {  	s3 =	spop (v2sf)  }
0x527: {  	s31 =	sshll.u32 s3, $0xC  }
0x528: {  	s3 =	sshll.u32 s3, $0x7;
	s6 =	sand.u32 $0xFFFF8000, s31  }
0x529: {  	s3 =	sand.u32 $0x380, s3;
	s6 =	sadd.s32 s6, s0  }
0x52a: {  	s3 =	sadd.s32 s3, s6  }
0x52b: {  	s11 =	sadd.s32 $0x20, s2;
	s3 =	sshrl.u32 s3, $0x3  }
0x52c: {  	[hbm:s11@s1], [sflag:s4] =	dma.strided [spmem:s3@s1], $0x200, s8, $0x10   }
0x52d: {  	(v2sf) =	vpush v2, $0x3;
	_ =	sdelay $0xe  }
0x52e: {  	s3 =	spop (v2sf)  }
0x52f: {  	s12 =	sshll.u32 s3, $0xC  }
0x530: {  	s3 =	sshll.u32 s3, $0x7;
	s6 =	sand.u32 $0xFFFF8000, s12  }
0x531: {  	s3 =	sand.u32 $0x380, s3;
	s6 =	sadd.s32 s6, s0  }
0x532: {  	s3 =	sadd.s32 s3, s6  }
0x533: {  	s13 =	sadd.s32 $0x30, s2;
	s3 =	sshrl.u32 s3, $0x3  }
0x534: {  	[hbm:s13@s1], [sflag:s4] =	dma.strided [spmem:s3@s1], $0x200, s8, $0x10   }
0x535: {  	(v2sf) =	vpush v2, $0x4;
	_ =	sdelay $0xe  }
0x536: {  	s3 =	spop (v2sf)  }
0x537: {  	s15 =	sshll.u32 s3, $0xC  }
0x538: {  	s3 =	sshll.u32 s3, $0x7;
	s6 =	sand.u32 $0xFFFF8000, s15  }
0x539: {  	s3 =	sand.u32 $0x380, s3;
	s6 =	sadd.s32 s6, s0  }
0x53a: {  	s3 =	sadd.s32 s3, s6  }
0x53b: {  	s16 =	sadd.s32 $0x40, s2;
	s3 =	sshrl.u32 s3, $0x3  }
0x53c: {  	[hbm:s16@s1], [sflag:s4] =	dma.strided [spmem:s3@s1], $0x200, s8, $0x10   }
0x53d: {  	(v2sf) =	vpush v2, $0x5;
	_ =	sdelay $0xe  }
0x53e: {  	s3 =	spop (v2sf)  }
0x53f: {  	s17 =	sshll.u32 s3, $0xC  }
0x540: {  	s3 =	sshll.u32 s3, $0x7;
	s6 =	sand.u32 $0xFFFF8000, s17  }
0x541: {  	s3 =	sand.u32 $0x380, s3;
	s6 =	sadd.s32 s6, s0  }
0x542: {  	s3 =	sadd.s32 s3, s6  }
0x543: {  	s18 =	sadd.s32 $0x50, s2;
	s3 =	sshrl.u32 s3, $0x3  }
0x544: {  	[hbm:s18@s1], [sflag:s4] =	dma.strided [spmem:s3@s1], $0x200, s8, $0x10   }
0x545: {  	(v2sf) =	vpush v2, $0x6;
	_ =	sdelay $0xe  }
0x546: {  	s3 =	spop (v2sf)  }
0x547: {  	s19 =	sshll.u32 s3, $0xC  }
0x548: {  	s3 =	sshll.u32 s3, $0x7;
	s6 =	sand.u32 $0xFFFF8000, s19  }
0x549: {  	s3 =	sand.u32 $0x380, s3;
	s6 =	sadd.s32 s6, s0  }
0x54a: {  	s3 =	sadd.s32 s3, s6  }
0x54b: {  	s20 =	sadd.s32 $0x60, s2;
	s3 =	sshrl.u32 s3, $0x3  }
0x54c: {  	[hbm:s20@s1], [sflag:s4] =	dma.strided [spmem:s3@s1], $0x200, s8, $0x10   }
0x54d: {  	(v2sf) =	vpush v2, $0x7;
	_ =	sdelay $0xe  }
0x54e: {  	s3 =	spop (v2sf)  }
0x54f: {  	s21 =	sshll.u32 s3, $0xC  }
0x550: {  	s3 =	sshll.u32 s3, $0x7;
	s6 =	sand.u32 $0xFFFF8000, s21  }
0x551: {  	s3 =	sand.u32 $0x380, s3;
	s6 =	sadd.s32 s6, s0  }
0x552: {  	s3 =	sadd.s32 s3, s6  }
0x553: {  	s22 =	sadd.s32 $0x70, s2;
	s3 =	sshrl.u32 s3, $0x3  }
0x554: {  	[hbm:s22@s1], [sflag:s4] =	dma.strided [spmem:s3@s1], $0x200, s8, $0x10   }
0x555: {  	(v2sf) =	vpush v2, $0x8;
	_ =	sdelay $0xe  }
0x556: {  	s3 =	spop (v2sf)  }
0x557: {  	s24 =	sshll.u32 s3, $0xC  }
0x558: {  	s3 =	sshll.u32 s3, $0x7;
	s6 =	sand.u32 $0xFFFF8000, s24  }
0x559: {  	s3 =	sand.u32 $0x380, s3;
	s6 =	sadd.s32 s6, s0  }
0x55a: {  	s3 =	sadd.s32 s3, s6  }
0x55b: {  	s25 =	sadd.s32 $0x1000, s2;
	s3 =	sshrl.u32 s3, $0x3  }
0x55c: {  	[hbm:s25@s1], [sflag:s4] =	dma.strided [spmem:s3@s1], $0x200, s8, $0x10   }
0x55d: {  	(v2sf) =	vpush v2, $0x9;
	_ =	sdelay $0xe  }
0x55e: {  	s3 =	spop (v2sf)  }
0x55f: {  	s26 =	sshll.u32 s3, $0xC  }
0x560: {  	s3 =	sshll.u32 s3, $0x7;
	s6 =	sand.u32 $0xFFFF8000, s26  }
0x561: {  	s3 =	sand.u32 $0x380, s3;
	s6 =	sadd.s32 s6, s0  }
0x562: {  	s3 =	sadd.s32 s3, s6  }
0x563: {  	s28 =	sadd.s32 $0x1010, s2;
	s3 =	sshrl.u32 s3, $0x3  }
0x564: {  	[hbm:s28@s1], [sflag:s4] =	dma.strided [spmem:s3@s1], $0x200, s8, $0x10   }
0x565: {  	(v2sf) =	vpush v2, $0xA;
	_ =	sdelay $0xe  }
0x566: {  	s3 =	spop (v2sf)  }
0x567: {  	s29 =	sshll.u32 s3, $0xC  }
0x568: {  	s3 =	sshll.u32 s3, $0x7;
	s6 =	sand.u32 $0xFFFF8000, s29  }
0x569: {  	s3 =	sand.u32 $0x380, s3;
	s6 =	sadd.s32 s6, s0  }
0x56a: {  	s3 =	sadd.s32 s3, s6  }
0x56b: {  	s30 =	sadd.s32 $0x1020, s2;
	s3 =	sshrl.u32 s3, $0x3  }
0x56c: {  	[hbm:s30@s1], [sflag:s4] =	dma.strided [spmem:s3@s1], $0x200, s8, $0x10   }
0x56d: {  	(v2sf) =	vpush v2, $0xB;
	_ =	sdelay $0xe  }
0x56e: {  	s3 =	spop (v2sf)  }
0x56f: {  	s31 =	sshll.u32 s3, $0xC  }
0x570: {  	s3 =	sshll.u32 s3, $0x7;
	s6 =	sand.u32 $0xFFFF8000, s31  }
0x571: {  	s3 =	sand.u32 $0x380, s3;
	s6 =	sadd.s32 s6, s0  }
0x572: {  	s3 =	sadd.s32 s3, s6  }
0x573: {  	s11 =	sadd.s32 $0x1030, s2;
	s3 =	sshrl.u32 s3, $0x3  }
0x574: {  	[hbm:s11@s1], [sflag:s4] =	dma.strided [spmem:s3@s1], $0x200, s8, $0x10   }
0x575: {  	(v2sf) =	vpush v2, $0xC;
	_ =	sdelay $0xe  }
0x576: {  	s3 =	spop (v2sf)  }
0x577: {  	s12 =	sshll.u32 s3, $0xC  }
0x578: {  	s3 =	sshll.u32 s3, $0x7;
	s6 =	sand.u32 $0xFFFF8000, s12  }
0x579: {  	s3 =	sand.u32 $0x380, s3;
	s6 =	sadd.s32 s6, s0  }
0x57a: {  	s3 =	sadd.s32 s3, s6  }
0x57b: {  	s13 =	sadd.s32 $0x1040, s2;
	s3 =	sshrl.u32 s3, $0x3  }
0x57c: {  	[hbm:s13@s1], [sflag:s4] =	dma.strided [spmem:s3@s1], $0x200, s8, $0x10   }
0x57d: {  	(v2sf) =	vpush v2, $0xD;
	_ =	sdelay $0xe  }
0x57e: {  	s3 =	spop (v2sf)  }
0x57f: {  	s15 =	sshll.u32 s3, $0xC  }
0x580: {  	s3 =	sshll.u32 s3, $0x7;
	s6 =	sand.u32 $0xFFFF8000, s15  }
0x581: {  	s3 =	sand.u32 $0x380, s3;
	s6 =	sadd.s32 s6, s0  }
0x582: {  	s3 =	sadd.s32 s3, s6  }
0x583: {  	s16 =	sadd.s32 $0x1050, s2;
	s3 =	sshrl.u32 s3, $0x3  }
0x584: {  	[hbm:s16@s1], [sflag:s4] =	dma.strided [spmem:s3@s1], $0x200, s8, $0x10   }
0x585: {  	(v2sf) =	vpush v2, $0xE;
	_ =	sdelay $0xe  }
0x586: {  	s3 =	spop (v2sf)  }
0x587: {  	s17 =	sshll.u32 s3, $0xC  }
0x588: {  	s3 =	sshll.u32 s3, $0x7;
	s6 =	sand.u32 $0xFFFF8000, s17  }
0x589: {  	s3 =	sand.u32 $0x380, s3;
	s6 =	sadd.s32 s6, s0  }
0x58a: {  	s3 =	sadd.s32 s3, s6  }
0x58b: {  	s18 =	sadd.s32 $0x1060, s2;
	s3 =	sshrl.u32 s3, $0x3  }
0x58c: {  	[hbm:s18@s1], [sflag:s4] =	dma.strided [spmem:s3@s1], $0x200, s8, $0x10   }
0x58d: {  	(v2sf) =	vpush v2, $0xF;
	_ =	sdelay $0xe  }
0x58e: {  	s3 =	spop (v2sf)  }
0x58f: {  	s19 =	sshll.u32 s3, $0xC  }
0x590: {  	s3 =	sshll.u32 s3, $0x7;
	s6 =	sand.u32 $0xFFFF8000, s19  }
0x591: {  	s3 =	sand.u32 $0x380, s3;
	s6 =	sadd.s32 s6, s0  }
0x592: {  	s3 =	sadd.s32 s3, s6  }
0x593: {  	s2 =	sadd.s32 $0x1070, s2;
	s20 =	simm.s32 $0x5;
	s3 =	sshrl.u32 s3, $0x3  }
0x594: {  	[hbm:s2@s1], [sflag:s4] =	dma.strided [spmem:s3@s1], $0x200, s8, $0x10   }
0x595: {  	_ =	swait.ge [sflag:s20], $0x2000  }
0x596: {  	[sflag:s20] =	ssyncset.done $0x0  }
0x597: {  	[sflag:s20] =	ssyncadd.s32 $0xFFFFE000  }
0x598: {  	v2 =	vld [tilespmem:s23+$0x90];
	_ =	sdelay $0x4  }
0x599: {  	(v2sf) =	vpush v2, $0x0;
	_ =	sdelay $0xe  }
0x59a: {  	s21 =	spop (v2sf)  }
0x59b: {  	s22 =	sshll.u32 s21, $0xC  }
0x59c: {  	s2 =	sshll.u32 s21, $0x7;
	s3 =	sand.u32 $0xFFFF8000, s22  }
0x59d: {  	s4 =	sld [smem:$0x7A9];
	s2 =	sand.u32 $0x380, s2;
	s3 =	sadd.s32 s3, s0  }
0x59e: {  	s3 =	sadd.s32 s2, s3  }
0x59f: {  	s2 =	sadd.s32 s14, s7;
	s3 =	sshrl.u32 s3, $0x3  }
0x5a0: {  	[hbm:s2@s1], [sflag:s4] =	dma.strided [spmem:s3@s1], $0x200, s8, $0x10   }
0x5a1: {  	(v2sf) =	vpush v2, $0x1;
	_ =	sdelay $0xe  }
0x5a2: {  	s3 =	spop (v2sf)  }
0x5a3: {  	s23 =	sshll.u32 s3, $0xC  }
0x5a4: {  	s3 =	sshll.u32 s3, $0x7;
	s6 =	sand.u32 $0xFFFF8000, s23  }
0x5a5: {  	s3 =	sand.u32 $0x380, s3;
	s6 =	sadd.s32 s6, s0  }
0x5a6: {  	s3 =	sadd.s32 s3, s6  }
0x5a7: {  	s24 =	sadd.s32 $0x10, s2;
	s3 =	sshrl.u32 s3, $0x3  }
0x5a8: {  	[hbm:s24@s1], [sflag:s4] =	dma.strided [spmem:s3@s1], $0x200, s8, $0x10   }
0x5a9: {  	(v2sf) =	vpush v2, $0x2;
	_ =	sdelay $0xe  }
0x5aa: {  	s3 =	spop (v2sf)  }
0x5ab: {  	s25 =	sshll.u32 s3, $0xC  }
0x5ac: {  	s3 =	sshll.u32 s3, $0x7;
	s6 =	sand.u32 $0xFFFF8000, s25  }
0x5ad: {  	s3 =	sand.u32 $0x380, s3;
	s6 =	sadd.s32 s6, s0  }
0x5ae: {  	s3 =	sadd.s32 s3, s6  }
0x5af: {  	s26 =	sadd.s32 $0x20, s2;
	s3 =	sshrl.u32 s3, $0x3  }
0x5b0: {  	[hbm:s26@s1], [sflag:s4] =	dma.strided [spmem:s3@s1], $0x200, s8, $0x10   }
0x5b1: {  	(v2sf) =	vpush v2, $0x3;
	_ =	sdelay $0xe  }
0x5b2: {  	s3 =	spop (v2sf)  }
0x5b3: {  	s28 =	sshll.u32 s3, $0xC  }
0x5b4: {  	s3 =	sshll.u32 s3, $0x7;
	s6 =	sand.u32 $0xFFFF8000, s28  }
0x5b5: {  	s3 =	sand.u32 $0x380, s3;
	s6 =	sadd.s32 s6, s0  }
0x5b6: {  	s3 =	sadd.s32 s3, s6  }
0x5b7: {  	s29 =	sadd.s32 $0x30, s2;
	s3 =	sshrl.u32 s3, $0x3  }
0x5b8: {  	[hbm:s29@s1], [sflag:s4] =	dma.strided [spmem:s3@s1], $0x200, s8, $0x10   }
0x5b9: {  	(v2sf) =	vpush v2, $0x4;
	_ =	sdelay $0xe  }
0x5ba: {  	s3 =	spop (v2sf)  }
0x5bb: {  	s30 =	sshll.u32 s3, $0xC  }
0x5bc: {  	s3 =	sshll.u32 s3, $0x7;
	s6 =	sand.u32 $0xFFFF8000, s30  }
0x5bd: {  	s3 =	sand.u32 $0x380, s3;
	s6 =	sadd.s32 s6, s0  }
0x5be: {  	s3 =	sadd.s32 s3, s6  }
0x5bf: {  	s31 =	sadd.s32 $0x40, s2;
	s3 =	sshrl.u32 s3, $0x3  }
0x5c0: {  	[hbm:s31@s1], [sflag:s4] =	dma.strided [spmem:s3@s1], $0x200, s8, $0x10   }
0x5c1: {  	(v2sf) =	vpush v2, $0x5;
	_ =	sdelay $0xe  }
0x5c2: {  	s3 =	spop (v2sf)  }
0x5c3: {  	s7 =	sshll.u32 s3, $0xC  }
0x5c4: {  	s3 =	sshll.u32 s3, $0x7;
	s6 =	sand.u32 $0xFFFF8000, s7  }
0x5c5: {  	s3 =	sand.u32 $0x380, s3;
	s6 =	sadd.s32 s6, s0  }
0x5c6: {  	s3 =	sadd.s32 s3, s6  }
0x5c7: {  	s11 =	sadd.s32 $0x50, s2;
	s3 =	sshrl.u32 s3, $0x3  }
0x5c8: {  	[hbm:s11@s1], [sflag:s4] =	dma.strided [spmem:s3@s1], $0x200, s8, $0x10   }
0x5c9: {  	(v2sf) =	vpush v2, $0x6;
	_ =	sdelay $0xe  }
0x5ca: {  	s3 =	spop (v2sf)  }
0x5cb: {  	s12 =	sshll.u32 s3, $0xC  }
0x5cc: {  	s3 =	sshll.u32 s3, $0x7;
	s6 =	sand.u32 $0xFFFF8000, s12  }
0x5cd: {  	s3 =	sand.u32 $0x380, s3;
	s6 =	sadd.s32 s6, s0  }
0x5ce: {  	s3 =	sadd.s32 s3, s6  }
0x5cf: {  	s13 =	sadd.s32 $0x60, s2;
	s3 =	sshrl.u32 s3, $0x3  }
0x5d0: {  	[hbm:s13@s1], [sflag:s4] =	dma.strided [spmem:s3@s1], $0x200, s8, $0x10   }
0x5d1: {  	(v2sf) =	vpush v2, $0x7;
	_ =	sdelay $0xe  }
0x5d2: {  	s3 =	spop (v2sf)  }
0x5d3: {  	s14 =	sshll.u32 s3, $0xC  }
0x5d4: {  	s3 =	sshll.u32 s3, $0x7;
	s6 =	sand.u32 $0xFFFF8000, s14  }
0x5d5: {  	s3 =	sand.u32 $0x380, s3;
	s6 =	sadd.s32 s6, s0  }
0x5d6: {  	s3 =	sadd.s32 s3, s6  }
0x5d7: {  	s15 =	sadd.s32 $0x70, s2;
	s3 =	sshrl.u32 s3, $0x3  }
0x5d8: {  	[hbm:s15@s1], [sflag:s4] =	dma.strided [spmem:s3@s1], $0x200, s8, $0x10   }
0x5d9: {  	(v2sf) =	vpush v2, $0x8;
	_ =	sdelay $0xe  }
0x5da: {  	s3 =	spop (v2sf)  }
0x5db: {  	s16 =	sshll.u32 s3, $0xC  }
0x5dc: {  	s3 =	sshll.u32 s3, $0x7;
	s6 =	sand.u32 $0xFFFF8000, s16  }
0x5dd: {  	s3 =	sand.u32 $0x380, s3;
	s6 =	sadd.s32 s6, s0  }
0x5de: {  	s3 =	sadd.s32 s3, s6  }
0x5df: {  	s17 =	sadd.s32 $0x1000, s2;
	s3 =	sshrl.u32 s3, $0x3  }
0x5e0: {  	[hbm:s17@s1], [sflag:s4] =	dma.strided [spmem:s3@s1], $0x200, s8, $0x10   }
0x5e1: {  	(v2sf) =	vpush v2, $0x9;
	_ =	sdelay $0xe  }
0x5e2: {  	s3 =	spop (v2sf)  }
0x5e3: {  	s18 =	sshll.u32 s3, $0xC  }
0x5e4: {  	s3 =	sshll.u32 s3, $0x7;
	s6 =	sand.u32 $0xFFFF8000, s18  }
0x5e5: {  	s3 =	sand.u32 $0x380, s3;
	s6 =	sadd.s32 s6, s0  }
0x5e6: {  	s3 =	sadd.s32 s3, s6  }
0x5e7: {  	s19 =	sadd.s32 $0x1010, s2;
	s3 =	sshrl.u32 s3, $0x3  }
0x5e8: {  	[hbm:s19@s1], [sflag:s4] =	dma.strided [spmem:s3@s1], $0x200, s8, $0x10   }
0x5e9: {  	(v2sf) =	vpush v2, $0xA;
	_ =	sdelay $0xe  }
0x5ea: {  	s3 =	spop (v2sf)  }
0x5eb: {  	s20 =	sshll.u32 s3, $0xC  }
0x5ec: {  	s3 =	sshll.u32 s3, $0x7;
	s6 =	sand.u32 $0xFFFF8000, s20  }
0x5ed: {  	s3 =	sand.u32 $0x380, s3;
	s6 =	sadd.s32 s6, s0  }
0x5ee: {  	s3 =	sadd.s32 s3, s6  }
0x5ef: {  	s21 =	sadd.s32 $0x1020, s2;
	s3 =	sshrl.u32 s3, $0x3  }
0x5f0: {  	[hbm:s21@s1], [sflag:s4] =	dma.strided [spmem:s3@s1], $0x200, s8, $0x10   }
0x5f1: {  	(v2sf) =	vpush v2, $0xB;
	_ =	sdelay $0xe  }
0x5f2: {  	s3 =	spop (v2sf)  }
0x5f3: {  	s22 =	sshll.u32 s3, $0xC  }
0x5f4: {  	s3 =	sshll.u32 s3, $0x7;
	s6 =	sand.u32 $0xFFFF8000, s22  }
0x5f5: {  	s3 =	sand.u32 $0x380, s3;
	s6 =	sadd.s32 s6, s0  }
0x5f6: {  	s3 =	sadd.s32 s3, s6  }
0x5f7: {  	s23 =	sadd.s32 $0x1030, s2;
	s3 =	sshrl.u32 s3, $0x3  }
0x5f8: {  	[hbm:s23@s1], [sflag:s4] =	dma.strided [spmem:s3@s1], $0x200, s8, $0x10   }
0x5f9: {  	(v2sf) =	vpush v2, $0xC;
	_ =	sdelay $0xe  }
0x5fa: {  	s3 =	spop (v2sf)  }
0x5fb: {  	s24 =	sshll.u32 s3, $0xC  }
0x5fc: {  	s3 =	sshll.u32 s3, $0x7;
	s6 =	sand.u32 $0xFFFF8000, s24  }
0x5fd: {  	s3 =	sand.u32 $0x380, s3;
	s6 =	sadd.s32 s6, s0  }
0x5fe: {  	s3 =	sadd.s32 s3, s6  }
0x5ff: {  	s25 =	sadd.s32 $0x1040, s2;
	s3 =	sshrl.u32 s3, $0x3  }
0x600: {  	[hbm:s25@s1], [sflag:s4] =	dma.strided [spmem:s3@s1], $0x200, s8, $0x10   }
0x601: {  	(v2sf) =	vpush v2, $0xD;
	_ =	sdelay $0xe  }
0x602: {  	s3 =	spop (v2sf)  }
0x603: {  	s26 =	sshll.u32 s3, $0xC  }
0x604: {  	s3 =	sshll.u32 s3, $0x7;
	s6 =	sand.u32 $0xFFFF8000, s26  }
0x605: {  	s3 =	sand.u32 $0x380, s3;
	s6 =	sadd.s32 s6, s0  }
0x606: {  	s3 =	sadd.s32 s3, s6  }
0x607: {  	s28 =	sadd.s32 $0x1050, s2;
	s3 =	sshrl.u32 s3, $0x3  }
0x608: {  	[hbm:s28@s1], [sflag:s4] =	dma.strided [spmem:s3@s1], $0x200, s8, $0x10   }
0x609: {  	(v2sf) =	vpush v2, $0xE;
	_ =	sdelay $0xe  }
0x60a: {  	s3 =	spop (v2sf)  }
0x60b: {  	s29 =	sshll.u32 s3, $0xC  }
0x60c: {  	s3 =	sshll.u32 s3, $0x7;
	s6 =	sand.u32 $0xFFFF8000, s29  }
0x60d: {  	s3 =	sand.u32 $0x380, s3;
	s6 =	sadd.s32 s6, s0  }
0x60e: {  	s3 =	sadd.s32 s3, s6  }
0x60f: {  	s30 =	sadd.s32 $0x1060, s2;
	s3 =	sshrl.u32 s3, $0x3  }
0x610: {  	[hbm:s30@s1], [sflag:s4] =	dma.strided [spmem:s3@s1], $0x200, s8, $0x10   }
0x611: {  	(v2sf) =	vpush v2, $0xF;
	_ =	sdelay $0xe  }
0x612: {  	s3 =	spop (v2sf)  }
0x613: {  	s31 =	sshll.u32 s3, $0xC  }
0x614: {  	s3 =	sshll.u32 s3, $0x7;
	s6 =	sand.u32 $0xFFFF8000, s31  }
0x615: {  	s3 =	sand.u32 $0x380, s3;
	s6 =	sadd.s32 s6, s0  }
0x616: {  	s3 =	sadd.s32 s3, s6  }
0x617: {  	s2 =	sadd.s32 $0x1070, s2;
	s3 =	sshrl.u32 s3, $0x3  }
0x618: {  	[hbm:s2@s1], [sflag:s4] =	dma.strided [spmem:s3@s1], $0x200, s8, $0x10   }
0x619: {  	s4 =	simm.s32 $0x300  }
.LBB2_5:
0x61a: {  	s1 =	simm.s32 $0x6  }
0x61b: {  	_ =	swait.ge [sflag:s1], $0x8000  }
0x61c: {  	[sflag:s1] =	ssyncset.done $0x0  }
0x61d: {  	s29 =	rddreg [dreg:$0x3]  }
0x61e: {  	s2 =	sadd.s32 s10, s29  }
0x61f: {  	[sflag:s1] =	ssyncadd.s32 $0xFFFF8000;
	s3 =	sadd.s32 $0x28000, s2  }
0x620: {  	[hbm4b:s3+s5] =	stream.linear.scatter [tilespmem:s4], [sflag:$0x8], $0x8000, $0x38;
	[tilespmem:$0x18300] =	vst v63  }
0x621: {  	s4 =	simm.s32 $0x8  }
0x622: {  	_ =	swait.ge [sflag:s4], $0x8000  }
0x623: {  	[sflag:s4] =	ssyncset.done $0x0  }
0x624: {  	[sflag:s4] =	ssyncadd.s32 $0xFFFF8000  }
0x625: {  	v2 =	vld.msk [tilespmem:s9+$0xFFFFFFF0], $0xff;
	_ =	sdelay $0x4  }
0x626: {  	v3 =	vshll.u32 v2, $0x5  }
0x627: {  	v2 =	vand.u32 $0x7, v2;
	v3 =	vand.u32 $0xFFFFFF00, v3  }
0x628: {  	v2 =	vor.u32 v2, v3  }
0x629: {  	v2 =	vperm.xlane v2, v0;
	_ =	sdelay $0x1  }
0x62a: {  	v2 =	vadd.s32 v1, v2;
	_ =	sdelay $0x2  }
0x62b: {  	s24 =	sld [smem:$0x7F0]  }
0x62c: {  	s8 =	simm.s32 $0x300;
	s30 =	rddreg [dreg:$0x2]  }
0x62d: {  	[tilespmem:s8], [sflag:$0x6] =	stream.indirect_vreg.gather [hbm4b:s30+s5], $0x80, v2, vm0, $0xb8;
	[tilespmem:$0x18300] =	vst v63  }
0x62e: {  	s31 =	simm.s32 $0xB00;
	s23 =	smov.u32 s10;
	s10 =	sld [smem:$0x7F1]  }
0x62f: {  	[tilespmem:s31], [sflag:$0x6] =	stream.indirect_vreg.gather [hbm4b:s24+s5], $0x80, v2, vm0, $0xb8;
	[tilespmem:$0x18300] =	vst v63  }
0x630: {  	s25 =	simm.s32 $0x1300;
	s11 =	sld [smem:$0x7F2]  }
0x631: {  	[tilespmem:s25], [sflag:$0x6] =	stream.indirect_vreg.gather [hbm4b:s10+s5], $0x80, v2, vm0, $0xb8;
	[tilespmem:$0x18300] =	vst v63  }
0x632: {  	s3 =	simm.s32 $0x1B00;
	s12 =	sld [smem:$0x7F3]  }
0x633: {  	[tilespmem:s3], [sflag:$0x6] =	stream.indirect_vreg.gather [hbm4b:s11+s5], $0x80, v2, vm0, $0xb8;
	[tilespmem:$0x18300] =	vst v63  }
0x634: {  	s0 =	simm.s32 $0x2300;
	s13 =	sld [smem:$0x7AB]  }
0x635: {  	[tilespmem:s0], [sflag:$0x6] =	stream.indirect_vreg.gather [hbm4b:s12+s5], $0x80, v2, vm0, $0xb8;
	[tilespmem:$0x18300] =	vst v63  }
0x636: {  	s15 =	simm.s32 $0x2B00;
	s14 =	sld [smem:$0x7F4]  }
0x637: {  	[tilespmem:s15], [sflag:$0x6] =	stream.indirect_vreg.gather [hbm4b:s13+s5], $0x80, v2, vm0, $0xb8;
	[tilespmem:$0x18300] =	vst v63  }
0x638: {  	s16 =	simm.s32 $0x3300;
	s15 =	sld [smem:$0x7F5]  }
0x639: {  	[tilespmem:s16], [sflag:$0x6] =	stream.indirect_vreg.gather [hbm4b:s14+s5], $0x80, v2, vm0, $0xb8;
	[tilespmem:$0x18300] =	vst v63  }
0x63a: {  	s17 =	simm.s32 $0x3B00;
	s16 =	sld [smem:$0x7F6]  }
0x63b: {  	[tilespmem:s17], [sflag:$0x6] =	stream.indirect_vreg.gather [hbm4b:s15+s5], $0x80, v2, vm0, $0xb8;
	[tilespmem:$0x18300] =	vst v63  }
0x63c: {  	s18 =	simm.s32 $0x4300;
	s17 =	sld [smem:$0x7F7]  }
0x63d: {  	[tilespmem:s18], [sflag:$0x6] =	stream.indirect_vreg.gather [hbm4b:s16+s5], $0x80, v2, vm0, $0xb8;
	[tilespmem:$0x18300] =	vst v63  }
0x63e: {  	s19 =	simm.s32 $0x4B00;
	s18 =	sld [smem:$0x7F8]  }
0x63f: {  	[tilespmem:s19], [sflag:$0x6] =	stream.indirect_vreg.gather [hbm4b:s17+s5], $0x80, v2, vm0, $0xb8;
	[tilespmem:$0x18300] =	vst v63  }
0x640: {  	s20 =	simm.s32 $0x5300;
	s19 =	sld [smem:$0x7F9]  }
0x641: {  	[tilespmem:s20], [sflag:$0x6] =	stream.indirect_vreg.gather [hbm4b:s18+s5], $0x80, v2, vm0, $0xb8;
	[tilespmem:$0x18300] =	vst v63  }
0x642: {  	s21 =	simm.s32 $0x5B00;
	s20 =	sld [smem:$0x7FA]  }
0x643: {  	[tilespmem:s21], [sflag:$0x6] =	stream.indirect_vreg.gather [hbm4b:s19+s5], $0x80, v2, vm0, $0xb8;
	[tilespmem:$0x18300] =	vst v63  }
0x644: {  	s22 =	simm.s32 $0x6300  }
0x645: {  	[tilespmem:s22], [sflag:$0x6] =	stream.indirect_vreg.gather [hbm4b:s20+s5], $0x80, v2, vm0, $0xb8;
	[tilespmem:$0x18300] =	vst v63  }
0x646: {  	s22 =	sld [smem:$0x7FB];
	_ =	sdelay $0x1  }
0x647: {  	s26 =	simm.s32 $0x6B00;
	s21 =	sld [smem:$0x7FC]  }
0x648: {  	[tilespmem:s26], [sflag:$0x6] =	stream.indirect_vreg.gather [hbm4b:s22+s5], $0x80, v2, vm0, $0xb8;
	[tilespmem:$0x18300] =	vst v63  }
0x649: {  	s6 =	simm.s32 $0x7300;
	s26 =	sld [smem:$0x7FD]  }
0x64a: {  	[tilespmem:s6], [sflag:$0x6] =	stream.indirect_vreg.gather [hbm4b:s21+s5], $0x80, v2, vm0, $0xb8;
	[tilespmem:$0x18300] =	vst v63  }
0x64b: {  	s7 =	simm.s32 $0x7B00;
	s6 =	simm.s32 $0x7  }
0x64c: {  	[tilespmem:s7], [sflag:$0x6] =	stream.indirect_vreg.gather [hbm4b:s26+s5], $0x80, v2, vm0, $0xb8;
	[tilespmem:$0x18300] =	vst v63  }
0x64d: {  	_ =	swait.ge [sflag:s6], $0x8000  }
0x64e: {  	s2 =	sadd.s32 $0x29000, s2;
	[sflag:s6] =	ssyncset.done $0x0  }
0x64f: {  	s0 =	simm.s32 $0x8300;
	s7 =	simm.s32 $0x9;
	[sflag:s6] =	ssyncadd.s32 $0xFFFF8000  }
0x650: {  	[hbm4b:s2+s5] =	stream.linear.scatter [tilespmem:s0], [sflag:$0x9], $0x8000, $0x38;
	[tilespmem:$0x18300] =	vst v63  }
0x651: {  	_ =	swait.ge [sflag:s7], $0x8000  }
0x652: {  	[sflag:s7] =	ssyncset.done $0x0  }
0x653: {  	[sflag:s7] =	ssyncadd.s32 $0xFFFF8000  }
0x654: {  	v2 =	vld.msk [tilespmem:s9+$0xFFFFFFF8], $0xff;
	_ =	sdelay $0x4  }
0x655: {  	v3 =	vshll.u32 v2, $0x5  }
0x656: {  	v2 =	vand.u32 $0x7, v2;
	v3 =	vand.u32 $0xFFFFFF00, v3  }
0x657: {  	v2 =	vor.u32 v2, v3  }
0x658: {  	v2 =	vperm.xlane v2, v0;
	_ =	sdelay $0x1  }
0x659: {  	v2 =	vadd.s32 v1, v2;
	_ =	sdelay $0x4  }
0x65a: {  	[tilespmem:s0], [sflag:$0x7] =	stream.indirect_vreg.gather [hbm4b:s30+s5], $0x80, v2, vm0, $0xb8;
	[tilespmem:$0x18300] =	vst v63  }
0x65b: {  	s2 =	simm.s32 $0x8B00  }
0x65c: {  	[tilespmem:s2], [sflag:$0x7] =	stream.indirect_vreg.gather [hbm4b:s24+s5], $0x80, v2, vm0, $0xb8;
	[tilespmem:$0x18300] =	vst v63  }
0x65d: {  	s2 =	simm.s32 $0x9300  }
0x65e: {  	[tilespmem:s2], [sflag:$0x7] =	stream.indirect_vreg.gather [hbm4b:s10+s5], $0x80, v2, vm0, $0xb8;
	[tilespmem:$0x18300] =	vst v63  }
0x65f: {  	s2 =	simm.s32 $0x9B00  }
0x660: {  	[tilespmem:s2], [sflag:$0x7] =	stream.indirect_vreg.gather [hbm4b:s11+s5], $0x80, v2, vm0, $0xb8;
	[tilespmem:$0x18300] =	vst v63  }
0x661: {  	s2 =	simm.s32 $0xA300  }
0x662: {  	[tilespmem:s2], [sflag:$0x7] =	stream.indirect_vreg.gather [hbm4b:s12+s5], $0x80, v2, vm0, $0xb8;
	[tilespmem:$0x18300] =	vst v63  }
0x663: {  	s2 =	simm.s32 $0xAB00  }
0x664: {  	[tilespmem:s2], [sflag:$0x7] =	stream.indirect_vreg.gather [hbm4b:s13+s5], $0x80, v2, vm0, $0xb8;
	[tilespmem:$0x18300] =	vst v63  }
0x665: {  	s2 =	simm.s32 $0xB300  }
0x666: {  	[tilespmem:s2], [sflag:$0x7] =	stream.indirect_vreg.gather [hbm4b:s14+s5], $0x80, v2, vm0, $0xb8;
	[tilespmem:$0x18300] =	vst v63  }
0x667: {  	s2 =	simm.s32 $0xBB00  }
0x668: {  	[tilespmem:s2], [sflag:$0x7] =	stream.indirect_vreg.gather [hbm4b:s15+s5], $0x80, v2, vm0, $0xb8;
	[tilespmem:$0x18300] =	vst v63  }
0x669: {  	s2 =	simm.s32 $0xC300  }
0x66a: {  	[tilespmem:s2], [sflag:$0x7] =	stream.indirect_vreg.gather [hbm4b:s16+s5], $0x80, v2, vm0, $0xb8;
	[tilespmem:$0x18300] =	vst v63  }
0x66b: {  	s2 =	simm.s32 $0xCB00  }
0x66c: {  	[tilespmem:s2], [sflag:$0x7] =	stream.indirect_vreg.gather [hbm4b:s17+s5], $0x80, v2, vm0, $0xb8;
	[tilespmem:$0x18300] =	vst v63  }
0x66d: {  	s2 =	simm.s32 $0xD300  }
0x66e: {  	[tilespmem:s2], [sflag:$0x7] =	stream.indirect_vreg.gather [hbm4b:s18+s5], $0x80, v2, vm0, $0xb8;
	[tilespmem:$0x18300] =	vst v63  }
0x66f: {  	s2 =	simm.s32 $0xDB00  }
0x670: {  	[tilespmem:s2], [sflag:$0x7] =	stream.indirect_vreg.gather [hbm4b:s19+s5], $0x80, v2, vm0, $0xb8;
	[tilespmem:$0x18300] =	vst v63  }
0x671: {  	s2 =	simm.s32 $0xE300  }
0x672: {  	[tilespmem:s2], [sflag:$0x7] =	stream.indirect_vreg.gather [hbm4b:s20+s5], $0x80, v2, vm0, $0xb8;
	[tilespmem:$0x18300] =	vst v63  }
0x673: {  	s2 =	simm.s32 $0xEB00  }
0x674: {  	[tilespmem:s2], [sflag:$0x7] =	stream.indirect_vreg.gather [hbm4b:s22+s5], $0x80, v2, vm0, $0xb8;
	[tilespmem:$0x18300] =	vst v63  }
0x675: {  	s2 =	simm.s32 $0xF300  }
0x676: {  	[tilespmem:s2], [sflag:$0x7] =	stream.indirect_vreg.gather [hbm4b:s21+s5], $0x80, v2, vm0, $0xb8;
	[tilespmem:$0x18300] =	vst v63  }
0x677: {  	s2 =	simm.s32 $0xFB00  }
0x678: {  	[tilespmem:s2], [sflag:$0x7] =	stream.indirect_vreg.gather [hbm4b:s26+s5], $0x80, v2, vm0, $0xb8;
	[tilespmem:$0x18300] =	vst v63  }
0x679: {  	_ =	swait.ge [sflag:s1], $0x8000  }
0x67a: {  	s28 =	sld [smem:$0x79C];
	_ =	sdelay $0x1  }
0x67b: {  	[sflag:s1] =	ssyncset.done $0x0  }
0x67c: {  	[sflag:s1] =	ssyncadd.s32 $0xFFFF8000;
	s2 =	sadd.s32 s28, s29  }
0x67d: {  	[hbm4b:s2+s5] =	stream.linear.scatter [tilespmem:s8], [sflag:$0x8], $0x8000, $0x38;
	[tilespmem:$0x18300] =	vst v63  }
0x67e: {  	_ =	swait.ge [sflag:s4], $0x8000  }
0x67f: {  	[sflag:s4] =	ssyncset.done $0x0  }
0x680: {  	[sflag:s4] =	ssyncadd.s32 $0xFFFF8000  }
0x681: {  	v2 =	vld.msk [tilespmem:s9+$0x0], $0xff;
	_ =	sdelay $0x4  }
0x682: {  	v3 =	vshll.u32 v2, $0x5  }
0x683: {  	v2 =	vand.u32 $0x7, v2;
	v3 =	vand.u32 $0xFFFFFF00, v3  }
0x684: {  	v2 =	vor.u32 v2, v3  }
0x685: {  	v2 =	vperm.xlane v2, v0;
	_ =	sdelay $0x1  }
0x686: {  	v2 =	vadd.s32 v1, v2;
	_ =	sdelay $0x4  }
0x687: {  	[tilespmem:s8], [sflag:$0x6] =	stream.indirect_vreg.gather [hbm4b:s30+s5], $0x80, v2, vm0, $0xb8;
	[tilespmem:$0x18300] =	vst v63  }
0x688: {  	_ = 	snop  }
0x689: {  	[tilespmem:s31], [sflag:$0x6] =	stream.indirect_vreg.gather [hbm4b:s24+s5], $0x80, v2, vm0, $0xb8;
	[tilespmem:$0x18300] =	vst v63  }
0x68a: {  	_ = 	snop  }
0x68b: {  	[tilespmem:s25], [sflag:$0x6] =	stream.indirect_vreg.gather [hbm4b:s10+s5], $0x80, v2, vm0, $0xb8;
	[tilespmem:$0x18300] =	vst v63  }
0x68c: {  	_ = 	snop  }
0x68d: {  	[tilespmem:s3], [sflag:$0x6] =	stream.indirect_vreg.gather [hbm4b:s11+s5], $0x80, v2, vm0, $0xb8;
	[tilespmem:$0x18300] =	vst v63  }
0x68e: {  	s3 =	simm.s32 $0x2300  }
0x68f: {  	[tilespmem:s3], [sflag:$0x6] =	stream.indirect_vreg.gather [hbm4b:s12+s5], $0x80, v2, vm0, $0xb8;
	[tilespmem:$0x18300] =	vst v63  }
0x690: {  	s25 =	simm.s32 $0x2B00  }
0x691: {  	[tilespmem:s25], [sflag:$0x6] =	stream.indirect_vreg.gather [hbm4b:s13+s5], $0x80, v2, vm0, $0xb8;
	[tilespmem:$0x18300] =	vst v63  }
0x692: {  	s3 =	simm.s32 $0x3300  }
0x693: {  	[tilespmem:s3], [sflag:$0x6] =	stream.indirect_vreg.gather [hbm4b:s14+s5], $0x80, v2, vm0, $0xb8;
	[tilespmem:$0x18300] =	vst v63  }
0x694: {  	s25 =	simm.s32 $0x3B00  }
0x695: {  	[tilespmem:s25], [sflag:$0x6] =	stream.indirect_vreg.gather [hbm4b:s15+s5], $0x80, v2, vm0, $0xb8;
	[tilespmem:$0x18300] =	vst v63  }
0x696: {  	s3 =	simm.s32 $0x4300  }
0x697: {  	[tilespmem:s3], [sflag:$0x6] =	stream.indirect_vreg.gather [hbm4b:s16+s5], $0x80, v2, vm0, $0xb8;
	[tilespmem:$0x18300] =	vst v63  }
0x698: {  	s25 =	simm.s32 $0x4B00  }
0x699: {  	[tilespmem:s25], [sflag:$0x6] =	stream.indirect_vreg.gather [hbm4b:s17+s5], $0x80, v2, vm0, $0xb8;
	[tilespmem:$0x18300] =	vst v63  }
0x69a: {  	s3 =	simm.s32 $0x5300  }
0x69b: {  	[tilespmem:s3], [sflag:$0x6] =	stream.indirect_vreg.gather [hbm4b:s18+s5], $0x80, v2, vm0, $0xb8;
	[tilespmem:$0x18300] =	vst v63  }
0x69c: {  	s25 =	simm.s32 $0x5B00  }
0x69d: {  	[tilespmem:s25], [sflag:$0x6] =	stream.indirect_vreg.gather [hbm4b:s19+s5], $0x80, v2, vm0, $0xb8;
	[tilespmem:$0x18300] =	vst v63  }
0x69e: {  	s3 =	simm.s32 $0x6300  }
0x69f: {  	[tilespmem:s3], [sflag:$0x6] =	stream.indirect_vreg.gather [hbm4b:s20+s5], $0x80, v2, vm0, $0xb8;
	[tilespmem:$0x18300] =	vst v63  }
0x6a0: {  	s25 =	simm.s32 $0x6B00  }
0x6a1: {  	[tilespmem:s25], [sflag:$0x6] =	stream.indirect_vreg.gather [hbm4b:s22+s5], $0x80, v2, vm0, $0xb8;
	[tilespmem:$0x18300] =	vst v63  }
0x6a2: {  	s3 =	simm.s32 $0x7300  }
0x6a3: {  	[tilespmem:s3], [sflag:$0x6] =	stream.indirect_vreg.gather [hbm4b:s21+s5], $0x80, v2, vm0, $0xb8;
	[tilespmem:$0x18300] =	vst v63  }
0x6a4: {  	s25 =	simm.s32 $0x7B00  }
0x6a5: {  	[tilespmem:s25], [sflag:$0x6] =	stream.indirect_vreg.gather [hbm4b:s26+s5], $0x80, v2, vm0, $0xb8;
	[tilespmem:$0x18300] =	vst v63  }
0x6a6: {  	_ =	swait.ge [sflag:s6], $0x8000  }
0x6a7: {  	s25 =	sld [smem:$0x79D];
	_ =	sdelay $0x2  }
0x6a8: {  	[sflag:s6] =	ssyncset.done $0x0;
	s2 =	sadd.s32 s25, s29  }
0x6a9: {  	[sflag:s6] =	ssyncadd.s32 $0xFFFF8000;
	s3 =	sadd.s32 $0x3000, s2  }
0x6aa: {  	[hbm4b:s3+s5] =	stream.linear.scatter [tilespmem:s0], [sflag:$0x9], $0x8000, $0x38;
	[tilespmem:$0x18300] =	vst v63  }
0x6ab: {  	_ =	swait.ge [sflag:s7], $0x8000  }
0x6ac: {  	[sflag:s7] =	ssyncset.done $0x0  }
0x6ad: {  	[sflag:s7] =	ssyncadd.s32 $0xFFFF8000  }
0x6ae: {  	v2 =	vld.msk [tilespmem:s9+$0x8], $0xff;
	_ =	sdelay $0x4  }
0x6af: {  	v3 =	vshll.u32 v2, $0x5  }
0x6b0: {  	v2 =	vand.u32 $0x7, v2;
	v3 =	vand.u32 $0xFFFFFF00, v3  }
0x6b1: {  	v2 =	vor.u32 v2, v3  }
0x6b2: {  	v2 =	vperm.xlane v2, v0;
	_ =	sdelay $0x1  }
0x6b3: {  	v2 =	vadd.s32 v1, v2;
	_ =	sdelay $0x4  }
0x6b4: {  	[tilespmem:s0], [sflag:$0x7] =	stream.indirect_vreg.gather [hbm4b:s30+s5], $0x80, v2, vm0, $0xb8;
	[tilespmem:$0x18300] =	vst v63  }
0x6b5: {  	s30 =	simm.s32 $0x8B00  }
0x6b6: {  	[tilespmem:s30], [sflag:$0x7] =	stream.indirect_vreg.gather [hbm4b:s24+s5], $0x80, v2, vm0, $0xb8;
	[tilespmem:$0x18300] =	vst v63  }
0x6b7: {  	s3 =	simm.s32 $0x9300  }
0x6b8: {  	[tilespmem:s3], [sflag:$0x7] =	stream.indirect_vreg.gather [hbm4b:s10+s5], $0x80, v2, vm0, $0xb8;
	[tilespmem:$0x18300] =	vst v63  }
0x6b9: {  	s3 =	simm.s32 $0x9B00  }
0x6ba: {  	[tilespmem:s3], [sflag:$0x7] =	stream.indirect_vreg.gather [hbm4b:s11+s5], $0x80, v2, vm0, $0xb8;
	[tilespmem:$0x18300] =	vst v63  }
0x6bb: {  	s3 =	simm.s32 $0xA300  }
0x6bc: {  	[tilespmem:s3], [sflag:$0x7] =	stream.indirect_vreg.gather [hbm4b:s12+s5], $0x80, v2, vm0, $0xb8;
	[tilespmem:$0x18300] =	vst v63  }
0x6bd: {  	s3 =	simm.s32 $0xAB00  }
0x6be: {  	[tilespmem:s3], [sflag:$0x7] =	stream.indirect_vreg.gather [hbm4b:s13+s5], $0x80, v2, vm0, $0xb8;
	[tilespmem:$0x18300] =	vst v63  }
0x6bf: {  	s3 =	simm.s32 $0xB300  }
0x6c0: {  	[tilespmem:s3], [sflag:$0x7] =	stream.indirect_vreg.gather [hbm4b:s14+s5], $0x80, v2, vm0, $0xb8;
	[tilespmem:$0x18300] =	vst v63  }
0x6c1: {  	s3 =	simm.s32 $0xBB00  }
0x6c2: {  	[tilespmem:s3], [sflag:$0x7] =	stream.indirect_vreg.gather [hbm4b:s15+s5], $0x80, v2, vm0, $0xb8;
	[tilespmem:$0x18300] =	vst v63  }
0x6c3: {  	s3 =	simm.s32 $0xC300  }
0x6c4: {  	[tilespmem:s3], [sflag:$0x7] =	stream.indirect_vreg.gather [hbm4b:s16+s5], $0x80, v2, vm0, $0xb8;
	[tilespmem:$0x18300] =	vst v63  }
0x6c5: {  	s3 =	simm.s32 $0xCB00  }
0x6c6: {  	[tilespmem:s3], [sflag:$0x7] =	stream.indirect_vreg.gather [hbm4b:s17+s5], $0x80, v2, vm0, $0xb8;
	[tilespmem:$0x18300] =	vst v63  }
0x6c7: {  	s3 =	simm.s32 $0xD300  }
0x6c8: {  	[tilespmem:s3], [sflag:$0x7] =	stream.indirect_vreg.gather [hbm4b:s18+s5], $0x80, v2, vm0, $0xb8;
	[tilespmem:$0x18300] =	vst v63  }
0x6c9: {  	s3 =	simm.s32 $0xDB00  }
0x6ca: {  	[tilespmem:s3], [sflag:$0x7] =	stream.indirect_vreg.gather [hbm4b:s19+s5], $0x80, v2, vm0, $0xb8;
	[tilespmem:$0x18300] =	vst v63  }
0x6cb: {  	s3 =	simm.s32 $0xE300  }
0x6cc: {  	[tilespmem:s3], [sflag:$0x7] =	stream.indirect_vreg.gather [hbm4b:s20+s5], $0x80, v2, vm0, $0xb8;
	[tilespmem:$0x18300] =	vst v63  }
0x6cd: {  	s3 =	simm.s32 $0xEB00  }
0x6ce: {  	[tilespmem:s3], [sflag:$0x7] =	stream.indirect_vreg.gather [hbm4b:s22+s5], $0x80, v2, vm0, $0xb8;
	[tilespmem:$0x18300] =	vst v63  }
0x6cf: {  	s3 =	simm.s32 $0xF300  }
0x6d0: {  	[tilespmem:s3], [sflag:$0x7] =	stream.indirect_vreg.gather [hbm4b:s21+s5], $0x80, v2, vm0, $0xb8;
	[tilespmem:$0x18300] =	vst v63  }
0x6d1: {  	s3 =	simm.s32 $0xFB00  }
0x6d2: {  	[tilespmem:s3], [sflag:$0x7] =	stream.indirect_vreg.gather [hbm4b:s26+s5], $0x80, v2, vm0, $0xb8;
	[tilespmem:$0x18300] =	vst v63  }
0x6d3: {  	_ =	swait.ge [sflag:s1], $0x8000  }
0x6d4: {  	[sflag:s1] =	ssyncset.done $0x0  }
0x6d5: {  	[sflag:s1] =	ssyncadd.s32 $0xFFFF8000;
	s1 =	sld [smem:$0x7AA];
	_ =	sdelay $0x2  }
0x6d6: {  	s3 =	sadd.s32 s1, s29;
	s29 =	sld [smem:$0x7A3];
	_ =	sdelay $0x2  }
0x6d7: {  	p0 =	seq.s32 s29, $0x3C0  }
.Ltmp4:
0x6d8: {  	_ = 	snop;
	(pc) =	sbr.rel @p0 .LBB2_7-.Ltmp4, $3  }
0x6d9: {  	_ =	sdelay $0x1  }
0x6da: {  	s31 =	simm.s32 $0x9300;
	s2 =	sadd.s32 $0x5000, s2;
	s0 =	simm.s32 $0x8300  }
0x6db: {  	[hbm4b:s3+s5] =	stream.linear.scatter [tilespmem:s8], [sflag:$0x8], $0x8000, $0x38;
	[tilespmem:$0x18300] =	vst v63  }
0x6dc: {  	_ =	swait.ge [sflag:s4], $0x8000  }
0x6dd: {  	[sflag:s4] =	ssyncset.done $0x0  }
0x6de: {  	[sflag:s4] =	ssyncadd.s32 $0xFFFF8000  }
0x6df: {  	v2 =	vld.msk [tilespmem:s9+$0x10], $0xff;
	_ =	sdelay $0x4  }
0x6e0: {  	v3 =	vshll.u32 v2, $0x5  }
0x6e1: {  	v2 =	vand.u32 $0x7, v2;
	v3 =	vand.u32 $0xFFFFFF00, v3  }
0x6e2: {  	v2 =	vor.u32 v2, v3  }
0x6e3: {  	v2 =	vperm.xlane v2, v0;
	_ =	sdelay $0x1  }
0x6e4: {  	v2 =	vadd.s32 v1, v2;
	_ =	sdelay $0x3  }
0x6e5: {  	s3 =	rddreg [dreg:$0x2]  }
0x6e6: {  	[tilespmem:s8], [sflag:$0x6] =	stream.indirect_vreg.gather [hbm4b:s3+s5], $0x80, v2, vm0, $0xb8;
	[tilespmem:$0x18300] =	vst v63  }
0x6e7: {  	s8 =	simm.s32 $0xB00  }
0x6e8: {  	[tilespmem:s8], [sflag:$0x6] =	stream.indirect_vreg.gather [hbm4b:s24+s5], $0x80, v2, vm0, $0xb8;
	[tilespmem:$0x18300] =	vst v63  }
0x6e9: {  	s8 =	simm.s32 $0x1300  }
0x6ea: {  	[tilespmem:s8], [sflag:$0x6] =	stream.indirect_vreg.gather [hbm4b:s10+s5], $0x80, v2, vm0, $0xb8;
	[tilespmem:$0x18300] =	vst v63  }
0x6eb: {  	s8 =	simm.s32 $0x1B00  }
0x6ec: {  	[tilespmem:s8], [sflag:$0x6] =	stream.indirect_vreg.gather [hbm4b:s11+s5], $0x80, v2, vm0, $0xb8;
	[tilespmem:$0x18300] =	vst v63  }
0x6ed: {  	s8 =	simm.s32 $0x2300  }
0x6ee: {  	[tilespmem:s8], [sflag:$0x6] =	stream.indirect_vreg.gather [hbm4b:s12+s5], $0x80, v2, vm0, $0xb8;
	[tilespmem:$0x18300] =	vst v63  }
0x6ef: {  	s8 =	simm.s32 $0x2B00  }
0x6f0: {  	[tilespmem:s8], [sflag:$0x6] =	stream.indirect_vreg.gather [hbm4b:s13+s5], $0x80, v2, vm0, $0xb8;
	[tilespmem:$0x18300] =	vst v63  }
0x6f1: {  	s8 =	simm.s32 $0x3300  }
0x6f2: {  	[tilespmem:s8], [sflag:$0x6] =	stream.indirect_vreg.gather [hbm4b:s14+s5], $0x80, v2, vm0, $0xb8;
	[tilespmem:$0x18300] =	vst v63  }
0x6f3: {  	s8 =	simm.s32 $0x3B00  }
0x6f4: {  	[tilespmem:s8], [sflag:$0x6] =	stream.indirect_vreg.gather [hbm4b:s15+s5], $0x80, v2, vm0, $0xb8;
	[tilespmem:$0x18300] =	vst v63  }
0x6f5: {  	s8 =	simm.s32 $0x4300  }
0x6f6: {  	[tilespmem:s8], [sflag:$0x6] =	stream.indirect_vreg.gather [hbm4b:s16+s5], $0x80, v2, vm0, $0xb8;
	[tilespmem:$0x18300] =	vst v63  }
0x6f7: {  	s8 =	simm.s32 $0x4B00  }
0x6f8: {  	[tilespmem:s8], [sflag:$0x6] =	stream.indirect_vreg.gather [hbm4b:s17+s5], $0x80, v2, vm0, $0xb8;
	[tilespmem:$0x18300] =	vst v63  }
0x6f9: {  	s8 =	simm.s32 $0x5300  }
0x6fa: {  	[tilespmem:s8], [sflag:$0x6] =	stream.indirect_vreg.gather [hbm4b:s18+s5], $0x80, v2, vm0, $0xb8;
	[tilespmem:$0x18300] =	vst v63  }
0x6fb: {  	s8 =	simm.s32 $0x5B00  }
0x6fc: {  	[tilespmem:s8], [sflag:$0x6] =	stream.indirect_vreg.gather [hbm4b:s19+s5], $0x80, v2, vm0, $0xb8;
	[tilespmem:$0x18300] =	vst v63  }
0x6fd: {  	s8 =	simm.s32 $0x6300  }
0x6fe: {  	[tilespmem:s8], [sflag:$0x6] =	stream.indirect_vreg.gather [hbm4b:s20+s5], $0x80, v2, vm0, $0xb8;
	[tilespmem:$0x18300] =	vst v63  }
0x6ff: {  	s8 =	simm.s32 $0x6B00  }
0x700: {  	[tilespmem:s8], [sflag:$0x6] =	stream.indirect_vreg.gather [hbm4b:s22+s5], $0x80, v2, vm0, $0xb8;
	[tilespmem:$0x18300] =	vst v63  }
0x701: {  	s8 =	simm.s32 $0x7300  }
0x702: {  	[tilespmem:s8], [sflag:$0x6] =	stream.indirect_vreg.gather [hbm4b:s21+s5], $0x80, v2, vm0, $0xb8;
	[tilespmem:$0x18300] =	vst v63  }
0x703: {  	s8 =	simm.s32 $0x7B00  }
0x704: {  	[tilespmem:s8], [sflag:$0x6] =	stream.indirect_vreg.gather [hbm4b:s26+s5], $0x80, v2, vm0, $0xb8;
	[tilespmem:$0x18300] =	vst v63  }
0x705: {  	_ =	swait.ge [sflag:s6], $0x8000  }
0x706: {  	[sflag:s6] =	ssyncset.done $0x0  }
0x707: {  	[sflag:s6] =	ssyncadd.s32 $0xFFFF8000  }
0x708: {  	[hbm4b:s2+s5] =	stream.linear.scatter [tilespmem:s0], [sflag:$0x9], $0x8000, $0x38;
	[tilespmem:$0x18300] =	vst v63  }
0x709: {  	_ =	swait.ge [sflag:s7], $0x8000  }
0x70a: {  	[sflag:s7] =	ssyncset.done $0x0  }
0x70b: {  	[sflag:s7] =	ssyncadd.s32 $0xFFFF8000  }
0x70c: {  	v2 =	vld.msk [tilespmem:s9+$0x18], $0xff;
	_ =	sdelay $0x4  }
0x70d: {  	v3 =	vshll.u32 v2, $0x5  }
0x70e: {  	v2 =	vand.u32 $0x7, v2;
	v3 =	vand.u32 $0xFFFFFF00, v3  }
0x70f: {  	v2 =	vor.u32 v2, v3  }
0x710: {  	v2 =	vperm.xlane v2, v0;
	_ =	sdelay $0x1  }
0x711: {  	v2 =	vadd.s32 v1, v2;
	_ =	sdelay $0x4  }
0x712: {  	[tilespmem:s0], [sflag:$0x7] =	stream.indirect_vreg.gather [hbm4b:s3+s5], $0x80, v2, vm0, $0xb8;
	[tilespmem:$0x18300] =	vst v63  }
0x713: {  	_ = 	snop  }
0x714: {  	[tilespmem:s30], [sflag:$0x7] =	stream.indirect_vreg.gather [hbm4b:s24+s5], $0x80, v2, vm0, $0xb8;
	[tilespmem:$0x18300] =	vst v63  }
0x715: {  	_ = 	snop  }
0x716: {  	[tilespmem:s31], [sflag:$0x7] =	stream.indirect_vreg.gather [hbm4b:s10+s5], $0x80, v2, vm0, $0xb8;
	[tilespmem:$0x18300] =	vst v63  }
0x717: {  	s8 =	simm.s32 $0x9B00  }
0x718: {  	[tilespmem:s8], [sflag:$0x7] =	stream.indirect_vreg.gather [hbm4b:s11+s5], $0x80, v2, vm0, $0xb8;
	[tilespmem:$0x18300] =	vst v63  }
0x719: {  	s10 =	simm.s32 $0xA300  }
0x71a: {  	[tilespmem:s10], [sflag:$0x7] =	stream.indirect_vreg.gather [hbm4b:s12+s5], $0x80, v2, vm0, $0xb8;
	[tilespmem:$0x18300] =	vst v63  }
0x71b: {  	s11 =	simm.s32 $0xAB00  }
0x71c: {  	[tilespmem:s11], [sflag:$0x7] =	stream.indirect_vreg.gather [hbm4b:s13+s5], $0x80, v2, vm0, $0xb8;
	[tilespmem:$0x18300] =	vst v63  }
0x71d: {  	s12 =	simm.s32 $0xB300  }
0x71e: {  	[tilespmem:s12], [sflag:$0x7] =	stream.indirect_vreg.gather [hbm4b:s14+s5], $0x80, v2, vm0, $0xb8;
	[tilespmem:$0x18300] =	vst v63  }
0x71f: {  	s13 =	simm.s32 $0xBB00  }
0x720: {  	[tilespmem:s13], [sflag:$0x7] =	stream.indirect_vreg.gather [hbm4b:s15+s5], $0x80, v2, vm0, $0xb8;
	[tilespmem:$0x18300] =	vst v63  }
0x721: {  	s14 =	simm.s32 $0xC300  }
0x722: {  	[tilespmem:s14], [sflag:$0x7] =	stream.indirect_vreg.gather [hbm4b:s16+s5], $0x80, v2, vm0, $0xb8;
	[tilespmem:$0x18300] =	vst v63  }
0x723: {  	s15 =	simm.s32 $0xCB00  }
0x724: {  	[tilespmem:s15], [sflag:$0x7] =	stream.indirect_vreg.gather [hbm4b:s17+s5], $0x80, v2, vm0, $0xb8;
	[tilespmem:$0x18300] =	vst v63  }
0x725: {  	s16 =	simm.s32 $0xD300  }
0x726: {  	[tilespmem:s16], [sflag:$0x7] =	stream.indirect_vreg.gather [hbm4b:s18+s5], $0x80, v2, vm0, $0xb8;
	[tilespmem:$0x18300] =	vst v63  }
0x727: {  	s17 =	simm.s32 $0xDB00  }
0x728: {  	[tilespmem:s17], [sflag:$0x7] =	stream.indirect_vreg.gather [hbm4b:s19+s5], $0x80, v2, vm0, $0xb8;
	[tilespmem:$0x18300] =	vst v63  }
0x729: {  	s18 =	simm.s32 $0xE300  }
0x72a: {  	[tilespmem:s18], [sflag:$0x7] =	stream.indirect_vreg.gather [hbm4b:s20+s5], $0x80, v2, vm0, $0xb8;
	[tilespmem:$0x18300] =	vst v63  }
0x72b: {  	s24 =	sld [smem:$0x7A1];
	s19 =	simm.s32 $0xEB00  }
0x72c: {  	[tilespmem:s19], [sflag:$0x7] =	stream.indirect_vreg.gather [hbm4b:s22+s5], $0x80, v2, vm0, $0xb8;
	[tilespmem:$0x18300] =	vst v63  }
0x72d: {  	s29 =	sadd.s32 $0x140, s29;
	s30 =	sld [smem:$0x79F];
	s20 =	simm.s32 $0xF300  }
0x72e: {  	[tilespmem:s20], [sflag:$0x7] =	stream.indirect_vreg.gather [hbm4b:s21+s5], $0x80, v2, vm0, $0xb8;
	[tilespmem:$0x18300] =	vst v63  }
0x72f: {  	s28 =	sadd.s32 $0x6000, s28;
	s31 =	sld [smem:$0x79E];
	s21 =	simm.s32 $0xFB00  }
0x730: {  	[tilespmem:s21], [sflag:$0x7] =	stream.indirect_vreg.gather [hbm4b:s26+s5], $0x80, v2, vm0, $0xb8;
	[tilespmem:$0x18300] =	vst v63  }
.Ltmp5:
0x731: {  	s25 =	sadd.s32 $0x6000, s25;
	s22 =	sld [smem:$0x7A2];
	(pc) =	sbr.rel .LBB2_2-.Ltmp5, $4  }
0x732: {  	s1 =	sadd.s32 $0x6000, s1;
	s4 =	simm.s32 $0x300;
	s26 =	sld [smem:$0x7A0]  }
0x733: {  	[smem:$0x7AA] =	sst s1;
	s9 =	sadd.s32 $0x30, s9;
	s8 =	simm.s32 $0x1  }
0x734: {  	s1 =	sadd.s32 $0xA000, s31;
	s10 =	sadd.s32 $0x6000, s23;
	s11 =	sadd.s32 $0xA000, s30  }
0x735: {  	s13 =	sadd.s32 $0xA000, s24;
	s14 =	sadd.s32 $0xA000, s22;
	s12 =	sadd.s32 $0xA000, s26  }
.LBB2_8:
0x736: {  	_ =	sfence.sel $0x180000  }
0x737: {  	[bflag:$0x0] =	sbarrier.arrive $0xFFFF  }
0x738: {  	_ =	strace $0x90000047  }
0x739: {  	s0 =	stileid.u32;
	[bflag:$0x2] =	sbarrier.arrive $0xFFFF  }
0x73a: {  	p0 =	sne.s32 s0, $0x0;
	s0 =	rddreg [dreg:$0x5]  }
0x73b: {  	s0 =	sadd.s32 @!p0 $0x100000, s0  }
0x73c: {  	[sflag:s0] =	ssyncadd.tile.s32 @!p0 $0x1;
	_ =	shalt  }
.Lfunc_end2:
_tile_overlayer_lowered:
.L_overlay_start_2:
0x73d: {  	(tag) =	ssettag $0x2  }
0x73e: {  	s0 =	rddreg [dreg:$0x0];
	s2 =	stileid.u32  }
0x73f: {  	s1 =	rddreg [dreg:$0x1];
	p0 =	sne.s32 s2, $0x0  }
0x740: {  	s3 =	rddreg [dreg:$0x2];
	[bflag:$0x3] =	sbarrier.arrive $0xFFFF;
	s2 =	simm.s32 @!p0 $0x1C0A  }
0x741: {  	[timem:s3], [sflag:s2] =	dma.local @!p0 [hbm:s0], s1  }
0x742: {  	s0 =	simm.s32 @!p0 $0xA  }
0x743: {  	_ =	swait.ge @!p0 [sflag:s0], s1  }
0x744: {  	s1 =	ssub.s32 @!p0 $0x0, s1;
	[sflag:s0] =	ssyncset.done @!p0 $0x0  }
0x745: {  	[sflag:s0] =	ssyncadd.s32 @!p0 s1  }
0x746: {  	[bflag:$0x3] =	sbarrier.arrive $0xFFFF  }
0x747: {  	_ =	shalt  }

</sc_bundles>
